<compile_context>
chip_gen: v7x
topology: tpu7x:2x2x1
jax: 0.10.2.dev20260603
libtpu: 0.0.44.dev20260713+nightly
codegen_flags: <defaults>
</compile_context>

<pallas_src>
import jax
import jax.numpy as jnp
from jax import lax
from jax.experimental import pallas as pl
from jax.experimental.pallas import tpu as pltpu
from jax.experimental.pallas import tpu_sc as plsc

HW = ((64, 64), (32, 32), (16, 16), (8, 8), (4, 4))
B = 8
M = 50
UNROLL = 5
BIG = 99999999.0

NW = 32
LANES = 16
PW = 1376
LVL_PX = (1024, 256, 64, 16, 16)
LVL_OFF = (0, 1024, 1280, 1344, 1360)


def _sqrt16(x):
    xi = lax.bitcast_convert_type(x, jnp.int32)
    yi = jnp.int32(0x5F3759DF) - (xi >> 1)
    y = lax.bitcast_convert_type(yi, jnp.float32)
    hx = x * 0.5
    for _ in range(4):
        y = y * (1.5 - hx * y * y)
    return x * y


def _sc_body(bbx_h, cls_h,
             k0_h, k1_h, k2_h, k3_h, k4_h,
             r0_h, r1_h, r2_h, r3_h, r4_h,
             n0_h, n1_h, n2_h, n3_h, n4_h,
             bbxv, clsv, x0v, y0v, x1v, y1v, sxv, syv, arv,
             ksv, nsv, rg0, rg1, rg2, rg3, rg4):
    wid = lax.axis_index("s") * 2 + lax.axis_index("c")
    pltpu.sync_copy(bbx_h, bbxv)
    pltpu.sync_copy(cls_h, clsv)

    iota = lax.iota(jnp.int32, LANES)
    iota4 = iota * 4
    iotaf = iota.astype(jnp.float32)

    def planar(v, c):
        idx = iota4 + v * 64
        gx0 = plsc.load_gather(bbxv, (idx,))
        gy0 = plsc.load_gather(bbxv, (idx + 1,))
        gx1 = plsc.load_gather(bbxv, (idx + 2,))
        gy1 = plsc.load_gather(bbxv, (idx + 3,))
        sl = pl.ds(v * LANES, LANES)
        x0v[sl] = gx0
        y0v[sl] = gy0
        x1v[sl] = gx1
        y1v[sl] = gy1
        sxv[sl] = gx0 + gx1
        syv[sl] = gy0 + gy1
        arv[sl] = (gx1 - gx0) * (gy1 - gy0)
        return 0

    lax.fori_loop(0, B * M // LANES, planar, 0)

    def chunk_body(i, soff, bb, px, py, wlo, whi, rad2, reg_store):
        s = soff + i * LANES
        x2 = px + px
        y2 = py + py

        def box_group(it, carry):
            best_a, best_mi, mi = carry
            for _ in range(UNROLL):
                bx0 = plsc.load_gather(x0v, (mi,))
                by0 = plsc.load_gather(y0v, (mi,))
                bx1 = plsc.load_gather(x1v, (mi,))
                by1 = plsc.load_gather(y1v, (mi,))
                bsx = plsc.load_gather(sxv, (mi,))
                bsy = plsc.load_gather(syv, (mi,))
                area = plsc.load_gather(arv, (mi,))
                l = px - bx0
                t = py - by0
                r = bx1 - px
                b2 = by1 - py
                dmin = jnp.minimum(jnp.minimum(l, t), jnp.minimum(r, b2))
                dmax = jnp.maximum(jnp.maximum(l, t), jnp.maximum(r, b2))
                dc = jnp.maximum(jnp.abs(x2 - bsx), jnp.abs(y2 - bsy))
                pos = (dmin > 0.0) & (dc < rad2)
                if whi is not None:
                    pos = pos & (dmax <= whi)
                if wlo is not None:
                    pos = pos & (dmax >= wlo)
                better = pos & (area < best_a)
                best_a = jnp.where(better, area, best_a)
                best_mi = jnp.where(better, mi, best_mi)
                mi = mi + 1
            return best_a, best_mi, mi

        init = (jnp.full((LANES,), BIG, jnp.float32), bb, bb)
        best_a, gi, _ = lax.fori_loop(0, M // UNROLL, box_group, init)
        anyp = best_a < BIG
        gx0 = plsc.load_gather(x0v, (gi,))
        gy0 = plsc.load_gather(y0v, (gi,))
        gx1 = plsc.load_gather(x1v, (gi,))
        gy1 = plsc.load_gather(y1v, (gi,))
        gcls = plsc.load_gather(clsv, (gi,))
        l = px - gx0
        t = py - gy0
        r = gx1 - px
        b2 = gy1 - py
        lrmin = jnp.minimum(l, r)
        lrmax = jnp.maximum(l, r)
        tbmin = jnp.minimum(t, b2)
        tbmax = jnp.maximum(t, b2)
        ratio = jnp.maximum(lrmin * tbmin / (lrmax * tbmax + 1e-10), 0.0)
        cnt = _sqrt16(ratio + 1e-12)
        neg1 = jnp.full((LANES,), -1.0, jnp.float32)
        reg_store(i, jnp.where(anyp, l, neg1), jnp.where(anyp, t, neg1),
                  jnp.where(anyp, r, neg1), jnp.where(anyp, b2, neg1))
        nsv[pl.ds(s, LANES)] = jnp.where(anyp, cnt, neg1)
        ksv[pl.ds(s, LANES)] = jnp.where(
            anyp, gcls, jnp.zeros((LANES,), jnp.int32))
        return 0

    def tiled_store(rgbuf):
        def store(i, lv, tv, rv, bv):
            off = (i >> 3) * 512 + (i & 7) * LANES
            rgbuf[pl.ds(off, LANES)] = lv
            rgbuf[pl.ds(off + 128, LANES)] = tv
            rgbuf[pl.ds(off + 256, LANES)] = rv
            rgbuf[pl.ds(off + 384, LANES)] = bv
        return store

    def plane_store(rgbuf, plane):
        def store(i, lv, tv, rv, bv):
            off = i * LANES
            rgbuf[pl.ds(off, LANES)] = lv
            rgbuf[pl.ds(off + plane, LANES)] = tv
            rgbuf[pl.ds(off + 2 * plane, LANES)] = rv
            rgbuf[pl.ds(off + 3 * plane, LANES)] = bv
        return store

    bb_main = jnp.full((LANES,), (wid >> 2) * M, jnp.int32)

    def fxy(row_scalar, xbase_scalar, xstep):
        px = iotaf * float(xstep) + xbase_scalar.astype(jnp.float32)
        py = jnp.full((LANES,), row_scalar, jnp.int32).astype(jnp.float32)
        return px, py

    def l0(i, c):
        px, py = fxy((wid & 3) * 128 + (i >> 2) * 8 + 4, (i & 3) * 128 + 4, 8)
        return chunk_body(i, LVL_OFF[0], bb_main, px, py,
                          None, 64.0, 24.0, tiled_store(rg0))

    def l1(i, c):
        px, py = fxy((wid & 3) * 128 + (i >> 1) * 16 + 8, (i & 1) * 256 + 8,
                     16)
        return chunk_body(i, LVL_OFF[1], bb_main, px, py,
                          64.0, 128.0, 48.0, tiled_store(rg1))

    def l2(i, c):
        px, py = fxy((wid & 3) * 128 + i * 32 + 16, i * 0 + 16, 32)
        return chunk_body(i, LVL_OFF[2], bb_main, px, py,
                          128.0, 256.0, 96.0, plane_store(rg2, 128))

    def l3(i, c):
        px = ((iota & 7) * 64 + 32).astype(jnp.float32)
        py = ((iota >> 3) * 64 + ((wid & 3) * 128 + 32)).astype(jnp.float32)
        return chunk_body(i, LVL_OFF[3], bb_main, px, py,
                          256.0, 512.0, 192.0, plane_store(rg3, LANES))

    lax.fori_loop(0, 64, l0, 0)
    lax.fori_loop(0, 16, l1, 0)
    lax.fori_loop(0, 4, l2, 0)
    lax.fori_loop(0, 1, l3, 0)

    @pl.when(wid < 8)
    def _l4():
        def l4(i, c):
            px = ((iota & 3) * 128 + 64).astype(jnp.float32)
            py = ((iota >> 2) * 128 + 64).astype(jnp.float32)
            return chunk_body(i, LVL_OFF[4],
                              jnp.full((LANES,), wid * M, jnp.int32),
                              px, py, 512.0, None, 384.0,
                              plane_store(rg4, LANES))
        lax.fori_loop(0, 1, l4, 0)

    b = wid >> 2
    w4 = wid & 3
    for li, (k_h, n_h) in enumerate(((k0_h, n0_h), (k1_h, n1_h),
                                     (k2_h, n2_h), (k3_h, n3_h))):
        npx, soff = LVL_PX[li], LVL_OFF[li]
        pltpu.sync_copy(ksv.at[pl.ds(soff, npx)],
                        k_h.at[pl.ds(wid * npx, npx)])
        pltpu.sync_copy(nsv.at[pl.ds(soff, npx)],
                        n_h.at[pl.ds(wid * npx, npx)])
    pltpu.sync_copy(rg0, r0_h.at[pl.ds(wid * 4096, 4096)])
    pltpu.sync_copy(rg1, r1_h.at[pl.ds(wid * 1024, 1024)])
    t2 = w4 >> 1
    l2o = (w4 & 1) * 64
    for c in range(4):
        pltpu.sync_copy(rg2.at[pl.ds(c * 128, 64)],
                        r2_h.at[pl.ds(b * 1024 + t2 * 512 + c * 128 + l2o, 64)])
        pltpu.sync_copy(rg3.at[pl.ds(c * LANES, LANES)],
                        r3_h.at[pl.ds(b * 512 + c * 128 + w4 * LANES, LANES)])

    @pl.when(wid < 8)
    def _l4out():
        npx, soff = LVL_PX[4], LVL_OFF[4]
        pltpu.sync_copy(ksv.at[pl.ds(soff, npx)],
                        k4_h.at[pl.ds(wid * npx, npx)])
        pltpu.sync_copy(nsv.at[pl.ds(soff, npx)],
                        n4_h.at[pl.ds(wid * npx, npx)])
        for c in range(4):
            pltpu.sync_copy(rg4.at[pl.ds(c * LANES, LANES)],
                            r4_h.at[pl.ds(wid * 512 + c * 128, LANES)])


@jax.jit
def _targets(bbox_gt, cls_gt):
    bbx = bbox_gt.reshape(-1)
    cls = cls_gt.astype(jnp.int32).reshape(-1)

    mesh = plsc.VectorSubcoreMesh(core_axis_name="c", subcore_axis_name="s")
    f32 = jnp.float32
    i32 = jnp.int32
    reg_words = (B * 4096 * 4, B * 1024 * 4, B * 256 * 4, B * 512, B * 512)
    out_type = (
        tuple(jax.ShapeDtypeStruct((B * h * w,), i32) for h, w in HW)
        + tuple(jax.ShapeDtypeStruct((n,), f32) for n in reg_words)
        + tuple(jax.ShapeDtypeStruct((B * h * w,), f32) for h, w in HW)
    )
    scratch = [
        pltpu.VMEM((B * M * 4,), f32),
        pltpu.VMEM((B * M,), i32),
        pltpu.VMEM((B * M,), f32),
        pltpu.VMEM((B * M,), f32),
        pltpu.VMEM((B * M,), f32),
        pltpu.VMEM((B * M,), f32),
        pltpu.VMEM((B * M,), f32),
        pltpu.VMEM((B * M,), f32),
        pltpu.VMEM((B * M,), f32),
        pltpu.VMEM((PW,), i32),
        pltpu.VMEM((PW,), f32),
        pltpu.VMEM((4096,), f32),
        pltpu.VMEM((1024,), f32),
        pltpu.VMEM((512,), f32),
        pltpu.VMEM((64,), f32),
        pltpu.VMEM((64,), f32),
    ]
    run = pl.kernel(_sc_body, out_type=out_type, mesh=mesh,
                    scratch_types=scratch,
                    compiler_params=pltpu.CompilerParams(
                        needs_layout_passes=False))
    outs = run(bbx, cls)
    ks, rs, ns = outs[0:5], outs[5:10], outs[10:15]
    cls_target = tuple(k.reshape(B, h * w, 1) for k, (h, w) in zip(ks, HW))
    cnt_target = tuple(n.reshape(B, h * w, 1) for n, (h, w) in zip(ns, HW))
    reg_target = []
    for li, (h, w) in enumerate(HW):
        hw = h * w
        nt = max(hw // 128, 1)
        r = rs[li].reshape(B, nt, 4, 128).transpose(0, 1, 3, 2)
        r = r.reshape(B, nt * 128, 4)
        if hw < 128:
            r = lax.slice(r, (0, 0, 0), (B, hw, 4))
        reg_target.append(r)
    return cls_target, tuple(reg_target), cnt_target


def kernel(cls_head_0, cls_head_1, cls_head_2, cls_head_3, cls_head_4,
           reg_head_0, reg_head_1, reg_head_2, reg_head_3, reg_head_4,
           cnt_head_0, cnt_head_1, cnt_head_2, cnt_head_3, cnt_head_4,
           bbox_gt, cls_gt):
    del cls_head_0, cls_head_1, cls_head_2, cls_head_3, cls_head_4
    del reg_head_0, reg_head_1, reg_head_2, reg_head_3, reg_head_4
    del cnt_head_0, cnt_head_1, cnt_head_2, cnt_head_3, cnt_head_4
    return _targets(bbox_gt, cls_gt)

# --- scband reference (transcript-rebuilt; emitter-appended) ---
"""Pipeline reference for scband-targets-build-76201309766275 (READ-ONLY COPY).

The authoritative reference and input builder live on the scoring server;
editing this copy changes nothing except your own understanding.
"""

import jax, jax.numpy as jnp
import numpy as np

STRIDES = [8, 16, 32, 64, 128]
WINDOW = [[-1, 64], [64, 128], [128, 256], [256, 512], [512, 99999999]]
SAMPLE_RATIO = 1.5
HW = [(64, 64), (32, 32), (16, 16), (8, 8), (4, 4)]
B = 8
M = 50
NUM_CLASSES = 80


def setup_inputs(seed: int = 0) -> dict:
    key = jax.random.key(seed)
    ks = jax.random.split(key, 20)
    inp = {}
    for i, (h, w) in enumerate(HW):
        inp[f"cls_head_{i}"] = jax.random.normal(ks[i], (B, NUM_CLASSES, h, w), dtype=jnp.float32)
        inp[f"reg_head_{i}"] = jax.random.normal(ks[5 + i], (B, 4, h, w), dtype=jnp.float32)
        inp[f"cnt_head_{i}"] = jax.random.normal(ks[10 + i], (B, 1, h, w), dtype=jnp.float32)
    # realistic GT boxes inside a 512x512 image: (x0, y0, x1, y1)
    xy0 = jax.random.uniform(ks[15], (B, M, 2), dtype=jnp.float32) * 380.0
    wh = jax.random.uniform(ks[16], (B, M, 2), dtype=jnp.float32) * 120.0 + 8.0
    inp["bbox_gt"] = jnp.concatenate([xy0, xy0 + wh], axis=-1).astype(jnp.float32)
    inp["cls_gt"] = jax.random.randint(ks[17], (B, M), 0, NUM_CLASSES)
    return inp


def _coord_map(h, w, stride):
    # femap2ori: map feature-map pixel centers back to input-image coordinates
    xs = (jnp.arange(w, dtype=jnp.float32) * stride + stride // 2)
    ys = (jnp.arange(h, dtype=jnp.float32) * stride + stride // 2)
    xx, yy = jnp.meshgrid(xs, ys)  # (h, w), row-major matches permute(0,2,3,1).reshape
    return jnp.stack([xx.reshape(-1), yy.reshape(-1)], axis=-1)  # (h*w, 2)


def _targets_build_layer(h, w, bbox_gt, cls_gt, stride, window, sample_ratio):
    coords = _coord_map(h, w, stride)
    x = coords[None, :, None, 0]  # (1, hw, 1)
    y = coords[None, :, None, 1]
    x0 = bbox_gt[:, None, :, 0]
    y0 = bbox_gt[:, None, :, 1]
    x1 = bbox_gt[:, None, :, 2]
    y1 = bbox_gt[:, None, :, 3]
    l = x - x0
    t = y - y0
    r = x1 - x
    b = y1 - y
    dist_bound = jnp.stack([l, t, r, b], axis=-1)  # (B, hw, m, 4)
    cx = (x0 + x1) * 0.5
    cy = (y0 + y1) * 0.5
    dist_center = jnp.stack([x - cx, y - cy, cx - x, cy - y], axis=-1)
    radius = stride * sample_ratio
    dist_bound_min = jnp.min(dist_bound, axis=-1)
    dist_bound_max = jnp.max(dist_bound, axis=-1)
    dist_center_max = jnp.max(dist_center, axis=-1)
    pos_mask = (dist_bound_min > 0) & (dist_bound_max <= window[1]) & (dist_bound_max >= window[0]) & (dist_center_max < radius)
    areas = (l + r) * (t + b)  # (B, hw, m)
    areas = jnp.where(pos_mask, areas, 99999999.0)
    amin_ind = jnp.argmin(areas, axis=-1)  # (B, hw)
    # cls target: gt class of the min-area positive box per location
    cls_b = jnp.broadcast_to(cls_gt[:, None, :], areas.shape)
    cls_t = jnp.take_along_axis(cls_b, amin_ind[:, :, None], axis=2)  # (B, hw, 1)
    # reg target: (l,t,r,b) of the min-area box
    idx = jnp.broadcast_to(amin_ind[:, :, None, None], (dist_bound.shape[0], dist_bound.shape[1], 1, 4))
    reg_t = jnp.take_along_axis(dist_bound, idx, axis=2)[:, :, 0, :]  # (B, hw, 4)
    # centerness
    rl = reg_t[..., 0]
    rt = reg_t[..., 1]
    rr = reg_t[..., 2]
    rb = reg_t[..., 3]
    lr_min = jnp.minimum(rl, rr)
    lr_max = jnp.maximum(rl, rr)
    tb_min = jnp.minimum(rt, rb)
    tb_max = jnp.maximum(rt, rb)
    ratio = jnp.clip(lr_min * tb_min / (lr_max * tb_max + 1e-10), 0.0, None)
    cnt_t = jnp.sqrt(ratio + 1e-12)[..., None]  # (B, hw, 1)
    pos_any = jnp.sum(pos_mask.astype(jnp.int32), axis=-1) >= 1  # (B, hw)
    cls_t = jnp.where(pos_any[..., None], cls_t, 0)
    reg_t = jnp.where(pos_any[..., None], reg_t, -1.0)
    cnt_t = jnp.where(pos_any[..., None], cnt_t, -1.0)
    return cls_t, reg_t, cnt_t


def reference(cls_head_0, cls_head_1, cls_head_2, cls_head_3, cls_head_4,
              reg_head_0, reg_head_1, reg_head_2, reg_head_3, reg_head_4,
              cnt_head_0, cnt_head_1, cnt_head_2, cnt_head_3, cnt_head_4,
              bbox_gt, cls_gt):
    cls_heads = (cls_head_0, cls_head_1, cls_head_2, cls_head_3, cls_head_4)
    reg_heads = (reg_head_0, reg_head_1, reg_head_2, reg_head_3, reg_head_4)
    cnt_heads = (cnt_head_0, cnt_head_1, cnt_head_2, cnt_head_3, cnt_head_4)
    cls_target, reg_target, cnt_target = [], [], []
    for i, (h, w) in enumerate(HW):
        # h, w come from cls_head_i spatial dims (values of the heads are unused by target building)
        ch = cls_heads[i]
        rh = reg_heads[i]
        nh = cnt_heads[i]
        h, w = ch.shape[2], ch.shape[3]
        assert rh.shape[2:] == (h, w) and nh.shape[2:] == (h, w)
        c, r, n = _targets_build_layer(h, w, bbox_gt, cls_gt, STRIDES[i], WINDOW[i], SAMPLE_RATIO)
        cls_target.append(c)
        reg_target.append(r)
        cnt_target.append(n)
    return (tuple(cls_target), tuple(reg_target), tuple(cnt_target))

if __name__ == "__main__":
    import jax
    _d = setup_inputs()
    print(jax.jit(kernel)(*tuple(_d.values())))

</pallas_src>

<mosaic_0001>
#map = affine_map<(d0, d1) -> (0)>
module attributes {stable_mosaic.version = 14 : i64} {
  func.func @_sc_body(%arg0: i32, %arg1: i32, %arg2: memref<1600xf32, #tpu.memory_space<hbm>>, %arg3: memref<400xi32, #tpu.memory_space<hbm>>, %arg4: memref<32768xi32, #tpu.memory_space<hbm>>, %arg5: memref<8192xi32, #tpu.memory_space<hbm>>, %arg6: memref<2048xi32, #tpu.memory_space<hbm>>, %arg7: memref<512xi32, #tpu.memory_space<hbm>>, %arg8: memref<128xi32, #tpu.memory_space<hbm>>, %arg9: memref<131072xf32, #tpu.memory_space<hbm>>, %arg10: memref<32768xf32, #tpu.memory_space<hbm>>, %arg11: memref<8192xf32, #tpu.memory_space<hbm>>, %arg12: memref<4096xf32, #tpu.memory_space<hbm>>, %arg13: memref<4096xf32, #tpu.memory_space<hbm>>, %arg14: memref<32768xf32, #tpu.memory_space<hbm>>, %arg15: memref<8192xf32, #tpu.memory_space<hbm>>, %arg16: memref<2048xf32, #tpu.memory_space<hbm>>, %arg17: memref<512xf32, #tpu.memory_space<hbm>>, %arg18: memref<128xf32, #tpu.memory_space<hbm>>, %arg19: memref<1600xf32, #tpu.memory_space<vmem>>, %arg20: memref<400xi32, #tpu.memory_space<vmem>>, %arg21: memref<400xf32, #tpu.memory_space<vmem>>, %arg22: memref<400xf32, #tpu.memory_space<vmem>>, %arg23: memref<400xf32, #tpu.memory_space<vmem>>, %arg24: memref<400xf32, #tpu.memory_space<vmem>>, %arg25: memref<400xf32, #tpu.memory_space<vmem>>, %arg26: memref<400xf32, #tpu.memory_space<vmem>>, %arg27: memref<400xf32, #tpu.memory_space<vmem>>, %arg28: memref<1376xi32, #tpu.memory_space<vmem>>, %arg29: memref<1376xf32, #tpu.memory_space<vmem>>, %arg30: memref<4096xf32, #tpu.memory_space<vmem>>, %arg31: memref<1024xf32, #tpu.memory_space<vmem>>, %arg32: memref<512xf32, #tpu.memory_space<vmem>>, %arg33: memref<64xf32, #tpu.memory_space<vmem>>, %arg34: memref<64xf32, #tpu.memory_space<vmem>>) attributes {dimension_semantics = [#tpu.dimension_semantics<core_parallel>, #tpu.dimension_semantics<subcore_parallel>], iteration_bounds = array<i64: 2, 16>, scalar_prefetch = 0 : i64, scratch_operands = 16 : i64, tpu.core_type = #tpu.core_type<sc_vector_subcore>, window_params = [{transform_indices = #map}, {transform_indices = #map}, {transform_indices = #map}, {transform_indices = #map}, {transform_indices = #map}, {transform_indices = #map}, {transform_indices = #map}, {transform_indices = #map}, {transform_indices = #map}, {transform_indices = #map}, {transform_indices = #map}, {transform_indices = #map}, {transform_indices = #map}, {transform_indices = #map}, {transform_indices = #map}, {transform_indices = #map}, {transform_indices = #map}]} {
    %mul3A = arith.constant 2 : i32
    %mul3A_0 = arith.muli %arg1, %mul3A : i32
    %add3A = arith.addi %mul3A_0, %arg0 : i32
    "tpu.region"() ({
      %run_scoped3A = tpu.sem_alloc : memref<!tpu.dma_semaphore, #tpu.memory_space<semaphore_mem>>
      tpu.enqueue_dma source(%arg2 : memref<1600xf32, #tpu.memory_space<hbm>>) target(%arg19 : memref<1600xf32, #tpu.memory_space<vmem>>) target_semaphore(%run_scoped3A : memref<!tpu.dma_semaphore, #tpu.memory_space<semaphore_mem>>)
      tpu.wait_dma2 semaphore(%run_scoped3A : memref<!tpu.dma_semaphore, #tpu.memory_space<semaphore_mem>>) src(%arg2 : memref<1600xf32, #tpu.memory_space<hbm>>) dst(%arg19 : memref<1600xf32, #tpu.memory_space<vmem>>)
      tpu.yield
    }) : () -> ()
    "tpu.region"() ({
      %run_scoped3A = tpu.sem_alloc : memref<!tpu.dma_semaphore, #tpu.memory_space<semaphore_mem>>
      tpu.enqueue_dma source(%arg3 : memref<400xi32, #tpu.memory_space<hbm>>) target(%arg20 : memref<400xi32, #tpu.memory_space<vmem>>) target_semaphore(%run_scoped3A : memref<!tpu.dma_semaphore, #tpu.memory_space<semaphore_mem>>)
      tpu.wait_dma2 semaphore(%run_scoped3A : memref<!tpu.dma_semaphore, #tpu.memory_space<semaphore_mem>>) src(%arg3 : memref<400xi32, #tpu.memory_space<hbm>>) dst(%arg20 : memref<400xi32, #tpu.memory_space<vmem>>)
      tpu.yield
    }) : () -> ()
    %iota3A = tpu.iota {dimensions = array<i32: 0>} : vector<16xi32>
    %mul3A_1 = arith.constant 4 : i32
    %mul3A_2 = vector.broadcast %mul3A_1 : i32 to vector<16xi32>
    %mul3A_3 = arith.muli %iota3A, %mul3A_2 : vector<16xi32>
    %convert_element_type3A = arith.sitofp %iota3A : vector<16xi32> to vector<16xf32>
    %scan3A = arith.constant 0 : i32
    %scan3A_4 = arith.constant 0 : i32
    %scan3A_5 = arith.constant 25 : i32
    %scan3A_6 = arith.addi %scan3A_4, %scan3A_5 : i32
    %scan3A_7 = arith.constant 1 : i32
    %scan3A_8 = scf.for %scan3A_260 = %scan3A_4 to %scan3A_6 step %scan3A_7 iter_args(%scan3A_261 = %scan3A) -> (i32)  : i32 {
      %mul3A_262 = arith.constant 64 : i32
      %mul3A_263 = arith.muli %scan3A_260, %mul3A_262 : i32
      %add3A_264 = vector.broadcast %mul3A_263 : i32 to vector<16xi32>
      %add3A_265 = arith.addi %mul3A_3, %add3A_264 : vector<16xi32>
      %gather3A_266 = tpu.vector_load_idx %arg19[%add3A_265] : memref<1600xf32, #tpu.memory_space<vmem>>[vector<16xi32>], vector<16xf32>,
      %add3A_267 = arith.constant 1 : i32
      %add3A_268 = vector.broadcast %add3A_267 : i32 to vector<16xi32>
      %add3A_269 = arith.addi %add3A_265, %add3A_268 : vector<16xi32>
      %gather3A_270 = tpu.vector_load_idx %arg19[%add3A_269] : memref<1600xf32, #tpu.memory_space<vmem>>[vector<16xi32>], vector<16xf32>,
      %add3A_271 = arith.constant 2 : i32
      %add3A_272 = vector.broadcast %add3A_271 : i32 to vector<16xi32>
      %add3A_273 = arith.addi %add3A_265, %add3A_272 : vector<16xi32>
      %gather3A_274 = tpu.vector_load_idx %arg19[%add3A_273] : memref<1600xf32, #tpu.memory_space<vmem>>[vector<16xi32>], vector<16xf32>,
      %add3A_275 = arith.constant 3 : i32
      %add3A_276 = vector.broadcast %add3A_275 : i32 to vector<16xi32>
      %add3A_277 = arith.addi %add3A_265, %add3A_276 : vector<16xi32>
      %gather3A_278 = tpu.vector_load_idx %arg19[%add3A_277] : memref<1600xf32, #tpu.memory_space<vmem>>[vector<16xi32>], vector<16xf32>,
      %mul3A_279 = arith.constant 16 : i32
      %mul3A_280 = arith.muli %scan3A_260, %mul3A_279 : i32
      %swap3A_281 = arith.index_cast %mul3A_280 : i32 to index
      %swap3A_282 = tpu.vector_load %arg21[%swap3A_281] {strides = array<i32>} : memref<400xf32, #tpu.memory_space<vmem>>, vector<16xf32>,
      tpu.vector_store %arg21[%swap3A_281], %gather3A_266 {strides = array<i32>} : memref<400xf32, #tpu.memory_space<vmem>>, vector<16xf32>,
      %swap3A_283 = arith.index_cast %mul3A_280 : i32 to index
      %swap3A_284 = tpu.vector_load %arg22[%swap3A_283] {strides = array<i32>} : memref<400xf32, #tpu.memory_space<vmem>>, vector<16xf32>,
      tpu.vector_store %arg22[%swap3A_283], %gather3A_270 {strides = array<i32>} : memref<400xf32, #tpu.memory_space<vmem>>, vector<16xf32>,
      %swap3A_285 = arith.index_cast %mul3A_280 : i32 to index
      %swap3A_286 = tpu.vector_load %arg23[%swap3A_285] {strides = array<i32>} : memref<400xf32, #tpu.memory_space<vmem>>, vector<16xf32>,
      tpu.vector_store %arg23[%swap3A_285], %gather3A_274 {strides = array<i32>} : memref<400xf32, #tpu.memory_space<vmem>>, vector<16xf32>,
      %swap3A_287 = arith.index_cast %mul3A_280 : i32 to index
      %swap3A_288 = tpu.vector_load %arg24[%swap3A_287] {strides = array<i32>} : memref<400xf32, #tpu.memory_space<vmem>>, vector<16xf32>,
      tpu.vector_store %arg24[%swap3A_287], %gather3A_278 {strides = array<i32>} : memref<400xf32, #tpu.memory_space<vmem>>, vector<16xf32>,
      %add3A_289 = arith.addf %gather3A_266, %gather3A_274 : vector<16xf32>
      %swap3A_290 = arith.index_cast %mul3A_280 : i32 to index
      %swap3A_291 = tpu.vector_load %arg25[%swap3A_290] {strides = array<i32>} : memref<400xf32, #tpu.memory_space<vmem>>, vector<16xf32>,
      tpu.vector_store %arg25[%swap3A_290], %add3A_289 {strides = array<i32>} : memref<400xf32, #tpu.memory_space<vmem>>, vector<16xf32>,
      %add3A_292 = arith.addf %gather3A_270, %gather3A_278 : vector<16xf32>
      %swap3A_293 = arith.index_cast %mul3A_280 : i32 to index
      %swap3A_294 = tpu.vector_load %arg26[%swap3A_293] {strides = array<i32>} : memref<400xf32, #tpu.memory_space<vmem>>, vector<16xf32>,
      tpu.vector_store %arg26[%swap3A_293], %add3A_292 {strides = array<i32>} : memref<400xf32, #tpu.memory_space<vmem>>, vector<16xf32>,
      %sub3A_295 = arith.subf %gather3A_274, %gather3A_266 : vector<16xf32>
      %sub3A_296 = arith.subf %gather3A_278, %gather3A_270 : vector<16xf32>
      %mul3A_297 = arith.mulf %sub3A_295, %sub3A_296 : vector<16xf32>
      %swap3A_298 = arith.index_cast %mul3A_280 : i32 to index
      %swap3A_299 = tpu.vector_load %arg27[%swap3A_298] {strides = array<i32>} : memref<400xf32, #tpu.memory_space<vmem>>, vector<16xf32>,
      tpu.vector_store %arg27[%swap3A_298], %mul3A_297 {strides = array<i32>} : memref<400xf32, #tpu.memory_space<vmem>>, vector<16xf32>,
      %scan3A_300 = arith.constant 0 : i32
      scf.yield %scan3A_300 : i32
    }
    %scan3A_9 = arith.constant 25 : i32
    %shift_right_arithmetic3A = arith.constant 2 : i32
    %shift_right_arithmetic3A_10 = arith.shrsi %add3A, %shift_right_arithmetic3A : i32
    %mul3A_11 = arith.constant 50 : i32
    %mul3A_12 = arith.muli %shift_right_arithmetic3A_10, %mul3A_11 : i32
    %broadcast_in_dim3A = vector.broadcast %mul3A_12 : i32 to vector<16xi32>
    %scan3A_13 = arith.constant 0 : i32
    %scan3A_14 = arith.constant 0 : i32
    %scan3A_15 = arith.constant 64 : i32
    %scan3A_16 = arith.addi %scan3A_14, %scan3A_15 : i32
    %scan3A_17 = arith.constant 1 : i32
    %scan3A_18 = scf.for %scan3A_260 = %scan3A_14 to %scan3A_16 step %scan3A_17 iter_args(%scan3A_261 = %scan3A_13) -> (i32)  : i32 {
      %and3A_262 = arith.constant 3 : i32
      %and3A_263 = arith.andi %add3A, %and3A_262 : i32
      %mul3A_264 = arith.constant 128 : i32
      %mul3A_265 = arith.muli %and3A_263, %mul3A_264 : i32
      %shift_right_arithmetic3A_266 = arith.constant 2 : i32
      %shift_right_arithmetic3A_267 = arith.shrsi %scan3A_260, %shift_right_arithmetic3A_266 : i32
      %mul3A_268 = arith.constant 8 : i32
      %mul3A_269 = arith.muli %shift_right_arithmetic3A_267, %mul3A_268 : i32
      %add3A_270 = arith.addi %mul3A_265, %mul3A_269 : i32
      %add3A_271 = arith.constant 4 : i32
      %add3A_272 = arith.addi %add3A_270, %add3A_271 : i32
      %and3A_273 = arith.constant 3 : i32
      %and3A_274 = arith.andi %scan3A_260, %and3A_273 : i32
      %mul3A_275 = arith.constant 128 : i32
      %mul3A_276 = arith.muli %and3A_274, %mul3A_275 : i32
      %add3A_277 = arith.constant 4 : i32
      %add3A_278 = arith.addi %mul3A_276, %add3A_277 : i32
      %mul3A_279 = arith.constant 8.000000e+00 : f32
      %mul3A_280 = vector.broadcast %mul3A_279 : f32 to vector<16xf32>
      %mul3A_281 = arith.mulf %convert_element_type3A, %mul3A_280 : vector<16xf32>
      %convert_element_type3A_282 = arith.sitofp %add3A_278 : i32 to f32
      %add3A_283 = vector.broadcast %convert_element_type3A_282 : f32 to vector<16xf32>
      %add3A_284 = arith.addf %mul3A_281, %add3A_283 : vector<16xf32>
      %broadcast_in_dim3A_285 = vector.broadcast %add3A_272 : i32 to vector<16xi32>
      %convert_element_type3A_286 = arith.sitofp %broadcast_in_dim3A_285 : vector<16xi32> to vector<16xf32>
      %mul3A_287 = arith.constant 16 : i32
      %mul3A_288 = arith.muli %scan3A_260, %mul3A_287 : i32
      %add3A_289 = arith.constant 0 : i32
      %add3A_290 = arith.addi %add3A_289, %mul3A_288 : i32
      %add3A_291 = arith.addf %add3A_284, %add3A_284 : vector<16xf32>
      %add3A_292 = arith.addf %convert_element_type3A_286, %convert_element_type3A_286 : vector<16xf32>
      %broadcast_in_dim3A_293 = arith.constant 1.000000e+08 : f32
      %broadcast_in_dim3A_294 = vector.broadcast %broadcast_in_dim3A_293 : f32 to vector<16xf32>
      %scan3A_295 = arith.constant 0 : i32
      %scan3A_296 = arith.constant 10 : i32
      %scan3A_297 = arith.addi %scan3A_295, %scan3A_296 : i32
      %scan3A_298 = arith.constant 1 : i32
      %scan3A_299:3 = scf.for %scan3A_403 = %scan3A_295 to %scan3A_297 step %scan3A_298 iter_args(%scan3A_404 = %broadcast_in_dim3A_294, %scan3A_405 = %broadcast_in_dim3A, %scan3A_406 = %broadcast_in_dim3A) -> (vector<16xf32>, vector<16xi32>, vector<16xi32>)  : i32 {
        %gather3A_407 = tpu.vector_load_idx %arg21[%scan3A_406] : memref<400xf32, #tpu.memory_space<vmem>>[vector<16xi32>], vector<16xf32>,
        %gather3A_408 = tpu.vector_load_idx %arg22[%scan3A_406] : memref<400xf32, #tpu.memory_space<vmem>>[vector<16xi32>], vector<16xf32>,
        %gather3A_409 = tpu.vector_load_idx %arg23[%scan3A_406] : memref<400xf32, #tpu.memory_space<vmem>>[vector<16xi32>], vector<16xf32>,
        %gather3A_410 = tpu.vector_load_idx %arg24[%scan3A_406] : memref<400xf32, #tpu.memory_space<vmem>>[vector<16xi32>], vector<16xf32>,
        %gather3A_411 = tpu.vector_load_idx %arg25[%scan3A_406] : memref<400xf32, #tpu.memory_space<vmem>>[vector<16xi32>], vector<16xf32>,
        %gather3A_412 = tpu.vector_load_idx %arg26[%scan3A_406] : memref<400xf32, #tpu.memory_space<vmem>>[vector<16xi32>], vector<16xf32>,
        %gather3A_413 = tpu.vector_load_idx %arg27[%scan3A_406] : memref<400xf32, #tpu.memory_space<vmem>>[vector<16xi32>], vector<16xf32>,
        %sub3A_414 = arith.subf %add3A_284, %gather3A_407 : vector<16xf32>
        %sub3A_415 = arith.subf %convert_element_type3A_286, %gather3A_408 : vector<16xf32>
        %sub3A_416 = arith.subf %gather3A_409, %add3A_284 : vector<16xf32>
        %sub3A_417 = arith.subf %gather3A_410, %convert_element_type3A_286 : vector<16xf32>
        %min3A_418 = arith.minimumf %sub3A_414, %sub3A_415 : vector<16xf32>
        %min3A_419 = arith.minimumf %sub3A_416, %sub3A_417 : vector<16xf32>
        %min3A_420 = arith.minimumf %min3A_418, %min3A_419 : vector<16xf32>
        %max3A_421 = arith.maximumf %sub3A_414, %sub3A_415 : vector<16xf32>
        %max3A_422 = arith.maximumf %sub3A_416, %sub3A_417 : vector<16xf32>
        %max3A_423 = arith.maximumf %max3A_421, %max3A_422 : vector<16xf32>
        %sub3A_424 = arith.subf %add3A_291, %gather3A_411 : vector<16xf32>
        %abs3A = math.absf %sub3A_424 : vector<16xf32>
        %sub3A_425 = arith.subf %add3A_292, %gather3A_412 : vector<16xf32>
        %abs3A_426 = math.absf %sub3A_425 : vector<16xf32>
        %max3A_427 = arith.maximumf %abs3A, %abs3A_426 : vector<16xf32>
        %gt3A = arith.constant 0.000000e+00 : f32
        %gt3A_428 = vector.broadcast %gt3A : f32 to vector<16xf32>
        %gt3A_429 = arith.cmpf ogt, %min3A_420, %gt3A_428 : vector<16xf32>
        %lt3A_430 = arith.constant 2.400000e+01 : f32
        %lt3A_431 = vector.broadcast %lt3A_430 : f32 to vector<16xf32>
        %lt3A_432 = arith.cmpf olt, %max3A_427, %lt3A_431 : vector<16xf32>
        %and3A_433 = arith.andi %gt3A_429, %lt3A_432 : vector<16xi1>
        %le3A = arith.constant 6.400000e+01 : f32
        %le3A_434 = vector.broadcast %le3A : f32 to vector<16xf32>
        %le3A_435 = arith.cmpf ole, %max3A_423, %le3A_434 : vector<16xf32>
        %and3A_436 = arith.andi %and3A_433, %le3A_435 : vector<16xi1>
        %lt3A_437 = arith.cmpf olt, %gather3A_413, %scan3A_404 : vector<16xf32>
        %and3A_438 = arith.andi %and3A_436, %lt3A_437 : vector<16xi1>
        %select_n3A_439 = arith.select %and3A_438, %gather3A_413, %scan3A_404 : vector<16xi1>, vector<16xf32>
        %select_n3A_440 = arith.select %and3A_438, %scan3A_406, %scan3A_405 : vector<16xi1>, vector<16xi32>
        %add3A_441 = arith.constant 1 : i32
        %add3A_442 = vector.broadcast %add3A_441 : i32 to vector<16xi32>
        %add3A_443 = arith.addi %scan3A_406, %add3A_442 : vector<16xi32>
        %gather3A_444 = tpu.vector_load_idx %arg21[%add3A_443] : memref<400xf32, #tpu.memory_space<vmem>>[vector<16xi32>], vector<16xf32>,
        %gather3A_445 = tpu.vector_load_idx %arg22[%add3A_443] : memref<400xf32, #tpu.memory_space<vmem>>[vector<16xi32>], vector<16xf32>,
        %gather3A_446 = tpu.vector_load_idx %arg23[%add3A_443] : memref<400xf32, #tpu.memory_space<vmem>>[vector<16xi32>], vector<16xf32>,
        %gather3A_447 = tpu.vector_load_idx %arg24[%add3A_443] : memref<400xf32, #tpu.memory_space<vmem>>[vector<16xi32>], vector<16xf32>,
        %gather3A_448 = tpu.vector_load_idx %arg25[%add3A_443] : memref<400xf32, #tpu.memory_space<vmem>>[vector<16xi32>], vector<16xf32>,
        %gather3A_449 = tpu.vector_load_idx %arg26[%add3A_443] : memref<400xf32, #tpu.memory_space<vmem>>[vector<16xi32>], vector<16xf32>,
        %gather3A_450 = tpu.vector_load_idx %arg27[%add3A_443] : memref<400xf32, #tpu.memory_space<vmem>>[vector<16xi32>], vector<16xf32>,
        %sub3A_451 = arith.subf %add3A_284, %gather3A_444 : vector<16xf32>
        %sub3A_452 = arith.subf %convert_element_type3A_286, %gather3A_445 : vector<16xf32>
        %sub3A_453 = arith.subf %gather3A_446, %add3A_284 : vector<16xf32>
        %sub3A_454 = arith.subf %gather3A_447, %convert_element_type3A_286 : vector<16xf32>
        %min3A_455 = arith.minimumf %sub3A_451, %sub3A_452 : vector<16xf32>
        %min3A_456 = arith.minimumf %sub3A_453, %sub3A_454 : vector<16xf32>
        %min3A_457 = arith.minimumf %min3A_455, %min3A_456 : vector<16xf32>
        %max3A_458 = arith.maximumf %sub3A_451, %sub3A_452 : vector<16xf32>
        %max3A_459 = arith.maximumf %sub3A_453, %sub3A_454 : vector<16xf32>
        %max3A_460 = arith.maximumf %max3A_458, %max3A_459 : vector<16xf32>
        %sub3A_461 = arith.subf %add3A_291, %gather3A_448 : vector<16xf32>
        %abs3A_462 = math.absf %sub3A_461 : vector<16xf32>
        %sub3A_463 = arith.subf %add3A_292, %gather3A_449 : vector<16xf32>
        %abs3A_464 = math.absf %sub3A_463 : vector<16xf32>
        %max3A_465 = arith.maximumf %abs3A_462, %abs3A_464 : vector<16xf32>
        %gt3A_466 = arith.constant 0.000000e+00 : f32
        %gt3A_467 = vector.broadcast %gt3A_466 : f32 to vector<16xf32>
        %gt3A_468 = arith.cmpf ogt, %min3A_457, %gt3A_467 : vector<16xf32>
        %lt3A_469 = arith.constant 2.400000e+01 : f32
        %lt3A_470 = vector.broadcast %lt3A_469 : f32 to vector<16xf32>
        %lt3A_471 = arith.cmpf olt, %max3A_465, %lt3A_470 : vector<16xf32>
        %and3A_472 = arith.andi %gt3A_468, %lt3A_471 : vector<16xi1>
        %le3A_473 = arith.constant 6.400000e+01 : f32
        %le3A_474 = vector.broadcast %le3A_473 : f32 to vector<16xf32>
        %le3A_475 = arith.cmpf ole, %max3A_460, %le3A_474 : vector<16xf32>
        %and3A_476 = arith.andi %and3A_472, %le3A_475 : vector<16xi1>
        %lt3A_477 = arith.cmpf olt, %gather3A_450, %select_n3A_439 : vector<16xf32>
        %and3A_478 = arith.andi %and3A_476, %lt3A_477 : vector<16xi1>
        %select_n3A_479 = arith.select %and3A_478, %gather3A_450, %select_n3A_439 : vector<16xi1>, vector<16xf32>
        %select_n3A_480 = arith.select %and3A_478, %add3A_443, %select_n3A_440 : vector<16xi1>, vector<16xi32>
        %add3A_481 = arith.constant 1 : i32
        %add3A_482 = vector.broadcast %add3A_481 : i32 to vector<16xi32>
        %add3A_483 = arith.addi %add3A_443, %add3A_482 : vector<16xi32>
        %gather3A_484 = tpu.vector_load_idx %arg21[%add3A_483] : memref<400xf32, #tpu.memory_space<vmem>>[vector<16xi32>], vector<16xf32>,
        %gather3A_485 = tpu.vector_load_idx %arg22[%add3A_483] : memref<400xf32, #tpu.memory_space<vmem>>[vector<16xi32>], vector<16xf32>,
        %gather3A_486 = tpu.vector_load_idx %arg23[%add3A_483] : memref<400xf32, #tpu.memory_space<vmem>>[vector<16xi32>], vector<16xf32>,
        %gather3A_487 = tpu.vector_load_idx %arg24[%add3A_483] : memref<400xf32, #tpu.memory_space<vmem>>[vector<16xi32>], vector<16xf32>,
        %gather3A_488 = tpu.vector_load_idx %arg25[%add3A_483] : memref<400xf32, #tpu.memory_space<vmem>>[vector<16xi32>], vector<16xf32>,
        %gather3A_489 = tpu.vector_load_idx %arg26[%add3A_483] : memref<400xf32, #tpu.memory_space<vmem>>[vector<16xi32>], vector<16xf32>,
        %gather3A_490 = tpu.vector_load_idx %arg27[%add3A_483] : memref<400xf32, #tpu.memory_space<vmem>>[vector<16xi32>], vector<16xf32>,
        %sub3A_491 = arith.subf %add3A_284, %gather3A_484 : vector<16xf32>
        %sub3A_492 = arith.subf %convert_element_type3A_286, %gather3A_485 : vector<16xf32>
        %sub3A_493 = arith.subf %gather3A_486, %add3A_284 : vector<16xf32>
        %sub3A_494 = arith.subf %gather3A_487, %convert_element_type3A_286 : vector<16xf32>
        %min3A_495 = arith.minimumf %sub3A_491, %sub3A_492 : vector<16xf32>
        %min3A_496 = arith.minimumf %sub3A_493, %sub3A_494 : vector<16xf32>
        %min3A_497 = arith.minimumf %min3A_495, %min3A_496 : vector<16xf32>
        %max3A_498 = arith.maximumf %sub3A_491, %sub3A_492 : vector<16xf32>
        %max3A_499 = arith.maximumf %sub3A_493, %sub3A_494 : vector<16xf32>
        %max3A_500 = arith.maximumf %max3A_498, %max3A_499 : vector<16xf32>
        %sub3A_501 = arith.subf %add3A_291, %gather3A_488 : vector<16xf32>
        %abs3A_502 = math.absf %sub3A_501 : vector<16xf32>
        %sub3A_503 = arith.subf %add3A_292, %gather3A_489 : vector<16xf32>
        %abs3A_504 = math.absf %sub3A_503 : vector<16xf32>
        %max3A_505 = arith.maximumf %abs3A_502, %abs3A_504 : vector<16xf32>
        %gt3A_506 = arith.constant 0.000000e+00 : f32
        %gt3A_507 = vector.broadcast %gt3A_506 : f32 to vector<16xf32>
        %gt3A_508 = arith.cmpf ogt, %min3A_497, %gt3A_507 : vector<16xf32>
        %lt3A_509 = arith.constant 2.400000e+01 : f32
        %lt3A_510 = vector.broadcast %lt3A_509 : f32 to vector<16xf32>
        %lt3A_511 = arith.cmpf olt, %max3A_505, %lt3A_510 : vector<16xf32>
        %and3A_512 = arith.andi %gt3A_508, %lt3A_511 : vector<16xi1>
        %le3A_513 = arith.constant 6.400000e+01 : f32
        %le3A_514 = vector.broadcast %le3A_513 : f32 to vector<16xf32>
        %le3A_515 = arith.cmpf ole, %max3A_500, %le3A_514 : vector<16xf32>
        %and3A_516 = arith.andi %and3A_512, %le3A_515 : vector<16xi1>
        %lt3A_517 = arith.cmpf olt, %gather3A_490, %select_n3A_479 : vector<16xf32>
        %and3A_518 = arith.andi %and3A_516, %lt3A_517 : vector<16xi1>
        %select_n3A_519 = arith.select %and3A_518, %gather3A_490, %select_n3A_479 : vector<16xi1>, vector<16xf32>
        %select_n3A_520 = arith.select %and3A_518, %add3A_483, %select_n3A_480 : vector<16xi1>, vector<16xi32>
        %add3A_521 = arith.constant 1 : i32
        %add3A_522 = vector.broadcast %add3A_521 : i32 to vector<16xi32>
        %add3A_523 = arith.addi %add3A_483, %add3A_522 : vector<16xi32>
        %gather3A_524 = tpu.vector_load_idx %arg21[%add3A_523] : memref<400xf32, #tpu.memory_space<vmem>>[vector<16xi32>], vector<16xf32>,
        %gather3A_525 = tpu.vector_load_idx %arg22[%add3A_523] : memref<400xf32, #tpu.memory_space<vmem>>[vector<16xi32>], vector<16xf32>,
        %gather3A_526 = tpu.vector_load_idx %arg23[%add3A_523] : memref<400xf32, #tpu.memory_space<vmem>>[vector<16xi32>], vector<16xf32>,
        %gather3A_527 = tpu.vector_load_idx %arg24[%add3A_523] : memref<400xf32, #tpu.memory_space<vmem>>[vector<16xi32>], vector<16xf32>,
        %gather3A_528 = tpu.vector_load_idx %arg25[%add3A_523] : memref<400xf32, #tpu.memory_space<vmem>>[vector<16xi32>], vector<16xf32>,
        %gather3A_529 = tpu.vector_load_idx %arg26[%add3A_523] : memref<400xf32, #tpu.memory_space<vmem>>[vector<16xi32>], vector<16xf32>,
        %gather3A_530 = tpu.vector_load_idx %arg27[%add3A_523] : memref<400xf32, #tpu.memory_space<vmem>>[vector<16xi32>], vector<16xf32>,
        %sub3A_531 = arith.subf %add3A_284, %gather3A_524 : vector<16xf32>
        %sub3A_532 = arith.subf %convert_element_type3A_286, %gather3A_525 : vector<16xf32>
        %sub3A_533 = arith.subf %gather3A_526, %add3A_284 : vector<16xf32>
        %sub3A_534 = arith.subf %gather3A_527, %convert_element_type3A_286 : vector<16xf32>
        %min3A_535 = arith.minimumf %sub3A_531, %sub3A_532 : vector<16xf32>
        %min3A_536 = arith.minimumf %sub3A_533, %sub3A_534 : vector<16xf32>
        %min3A_537 = arith.minimumf %min3A_535, %min3A_536 : vector<16xf32>
        %max3A_538 = arith.maximumf %sub3A_531, %sub3A_532 : vector<16xf32>
        %max3A_539 = arith.maximumf %sub3A_533, %sub3A_534 : vector<16xf32>
        %max3A_540 = arith.maximumf %max3A_538, %max3A_539 : vector<16xf32>
        %sub3A_541 = arith.subf %add3A_291, %gather3A_528 : vector<16xf32>
        %abs3A_542 = math.absf %sub3A_541 : vector<16xf32>
        %sub3A_543 = arith.subf %add3A_292, %gather3A_529 : vector<16xf32>
        %abs3A_544 = math.absf %sub3A_543 : vector<16xf32>
        %max3A_545 = arith.maximumf %abs3A_542, %abs3A_544 : vector<16xf32>
        %gt3A_546 = arith.constant 0.000000e+00 : f32
        %gt3A_547 = vector.broadcast %gt3A_546 : f32 to vector<16xf32>
        %gt3A_548 = arith.cmpf ogt, %min3A_537, %gt3A_547 : vector<16xf32>
        %lt3A_549 = arith.constant 2.400000e+01 : f32
        %lt3A_550 = vector.broadcast %lt3A_549 : f32 to vector<16xf32>
        %lt3A_551 = arith.cmpf olt, %max3A_545, %lt3A_550 : vector<16xf32>
        %and3A_552 = arith.andi %gt3A_548, %lt3A_551 : vector<16xi1>
        %le3A_553 = arith.constant 6.400000e+01 : f32
        %le3A_554 = vector.broadcast %le3A_553 : f32 to vector<16xf32>
        %le3A_555 = arith.cmpf ole, %max3A_540, %le3A_554 : vector<16xf32>
        %and3A_556 = arith.andi %and3A_552, %le3A_555 : vector<16xi1>
        %lt3A_557 = arith.cmpf olt, %gather3A_530, %select_n3A_519 : vector<16xf32>
        %and3A_558 = arith.andi %and3A_556, %lt3A_557 : vector<16xi1>
        %select_n3A_559 = arith.select %and3A_558, %gather3A_530, %select_n3A_519 : vector<16xi1>, vector<16xf32>
        %select_n3A_560 = arith.select %and3A_558, %add3A_523, %select_n3A_520 : vector<16xi1>, vector<16xi32>
        %add3A_561 = arith.constant 1 : i32
        %add3A_562 = vector.broadcast %add3A_561 : i32 to vector<16xi32>
        %add3A_563 = arith.addi %add3A_523, %add3A_562 : vector<16xi32>
        %gather3A_564 = tpu.vector_load_idx %arg21[%add3A_563] : memref<400xf32, #tpu.memory_space<vmem>>[vector<16xi32>], vector<16xf32>,
        %gather3A_565 = tpu.vector_load_idx %arg22[%add3A_563] : memref<400xf32, #tpu.memory_space<vmem>>[vector<16xi32>], vector<16xf32>,
        %gather3A_566 = tpu.vector_load_idx %arg23[%add3A_563] : memref<400xf32, #tpu.memory_space<vmem>>[vector<16xi32>], vector<16xf32>,
        %gather3A_567 = tpu.vector_load_idx %arg24[%add3A_563] : memref<400xf32, #tpu.memory_space<vmem>>[vector<16xi32>], vector<16xf32>,
        %gather3A_568 = tpu.vector_load_idx %arg25[%add3A_563] : memref<400xf32, #tpu.memory_space<vmem>>[vector<16xi32>], vector<16xf32>,
        %gather3A_569 = tpu.vector_load_idx %arg26[%add3A_563] : memref<400xf32, #tpu.memory_space<vmem>>[vector<16xi32>], vector<16xf32>,
        %gather3A_570 = tpu.vector_load_idx %arg27[%add3A_563] : memref<400xf32, #tpu.memory_space<vmem>>[vector<16xi32>], vector<16xf32>,
        %sub3A_571 = arith.subf %add3A_284, %gather3A_564 : vector<16xf32>
        %sub3A_572 = arith.subf %convert_element_type3A_286, %gather3A_565 : vector<16xf32>
        %sub3A_573 = arith.subf %gather3A_566, %add3A_284 : vector<16xf32>
        %sub3A_574 = arith.subf %gather3A_567, %convert_element_type3A_286 : vector<16xf32>
        %min3A_575 = arith.minimumf %sub3A_571, %sub3A_572 : vector<16xf32>
        %min3A_576 = arith.minimumf %sub3A_573, %sub3A_574 : vector<16xf32>
        %min3A_577 = arith.minimumf %min3A_575, %min3A_576 : vector<16xf32>
        %max3A_578 = arith.maximumf %sub3A_571, %sub3A_572 : vector<16xf32>
        %max3A_579 = arith.maximumf %sub3A_573, %sub3A_574 : vector<16xf32>
        %max3A_580 = arith.maximumf %max3A_578, %max3A_579 : vector<16xf32>
        %sub3A_581 = arith.subf %add3A_291, %gather3A_568 : vector<16xf32>
        %abs3A_582 = math.absf %sub3A_581 : vector<16xf32>
        %sub3A_583 = arith.subf %add3A_292, %gather3A_569 : vector<16xf32>
        %abs3A_584 = math.absf %sub3A_583 : vector<16xf32>
        %max3A_585 = arith.maximumf %abs3A_582, %abs3A_584 : vector<16xf32>
        %gt3A_586 = arith.constant 0.000000e+00 : f32
        %gt3A_587 = vector.broadcast %gt3A_586 : f32 to vector<16xf32>
        %gt3A_588 = arith.cmpf ogt, %min3A_577, %gt3A_587 : vector<16xf32>
        %lt3A_589 = arith.constant 2.400000e+01 : f32
        %lt3A_590 = vector.broadcast %lt3A_589 : f32 to vector<16xf32>
        %lt3A_591 = arith.cmpf olt, %max3A_585, %lt3A_590 : vector<16xf32>
        %and3A_592 = arith.andi %gt3A_588, %lt3A_591 : vector<16xi1>
        %le3A_593 = arith.constant 6.400000e+01 : f32
        %le3A_594 = vector.broadcast %le3A_593 : f32 to vector<16xf32>
        %le3A_595 = arith.cmpf ole, %max3A_580, %le3A_594 : vector<16xf32>
        %and3A_596 = arith.andi %and3A_592, %le3A_595 : vector<16xi1>
        %lt3A_597 = arith.cmpf olt, %gather3A_570, %select_n3A_559 : vector<16xf32>
        %and3A_598 = arith.andi %and3A_596, %lt3A_597 : vector<16xi1>
        %select_n3A_599 = arith.select %and3A_598, %gather3A_570, %select_n3A_559 : vector<16xi1>, vector<16xf32>
        %select_n3A_600 = arith.select %and3A_598, %add3A_563, %select_n3A_560 : vector<16xi1>, vector<16xi32>
        %add3A_601 = arith.constant 1 : i32
        %add3A_602 = vector.broadcast %add3A_601 : i32 to vector<16xi32>
        %add3A_603 = arith.addi %add3A_563, %add3A_602 : vector<16xi32>
        scf.yield %select_n3A_599, %select_n3A_600, %add3A_603 : vector<16xf32>, vector<16xi32>, vector<16xi32>
      }
      %scan3A_300 = arith.constant 10 : i32
      %lt3A_301 = arith.constant 1.000000e+08 : f32
      %lt3A_302 = vector.broadcast %lt3A_301 : f32 to vector<16xf32>
      %lt3A_303 = arith.cmpf olt, %scan3A_299#0, %lt3A_302 : vector<16xf32>
      %gather3A_304 = tpu.vector_load_idx %arg21[%scan3A_299#1] : memref<400xf32, #tpu.memory_space<vmem>>[vector<16xi32>], vector<16xf32>,
      %gather3A_305 = tpu.vector_load_idx %arg22[%scan3A_299#1] : memref<400xf32, #tpu.memory_space<vmem>>[vector<16xi32>], vector<16xf32>,
      %gather3A_306 = tpu.vector_load_idx %arg23[%scan3A_299#1] : memref<400xf32, #tpu.memory_space<vmem>>[vector<16xi32>], vector<16xf32>,
      %gather3A_307 = tpu.vector_load_idx %arg24[%scan3A_299#1] : memref<400xf32, #tpu.memory_space<vmem>>[vector<16xi32>], vector<16xf32>,
      %gather3A_308 = tpu.vector_load_idx %arg20[%scan3A_299#1] : memref<400xi32, #tpu.memory_space<vmem>>[vector<16xi32>], vector<16xi32>,
      %sub3A_309 = arith.subf %add3A_284, %gather3A_304 : vector<16xf32>
      %sub3A_310 = arith.subf %convert_element_type3A_286, %gather3A_305 : vector<16xf32>
      %sub3A_311 = arith.subf %gather3A_306, %add3A_284 : vector<16xf32>
      %sub3A_312 = arith.subf %gather3A_307, %convert_element_type3A_286 : vector<16xf32>
      %min3A_313 = arith.minimumf %sub3A_309, %sub3A_311 : vector<16xf32>
      %max3A_314 = arith.maximumf %sub3A_309, %sub3A_311 : vector<16xf32>
      %min3A_315 = arith.minimumf %sub3A_310, %sub3A_312 : vector<16xf32>
      %max3A_316 = arith.maximumf %sub3A_310, %sub3A_312 : vector<16xf32>
      %mul3A_317 = arith.mulf %min3A_313, %min3A_315 : vector<16xf32>
      %mul3A_318 = arith.mulf %max3A_314, %max3A_316 : vector<16xf32>
      %add3A_319 = arith.constant 1.000000e-10 : f32
      %add3A_320 = vector.broadcast %add3A_319 : f32 to vector<16xf32>
      %add3A_321 = arith.addf %mul3A_318, %add3A_320 : vector<16xf32>
      %div3A_322 = arith.divf %mul3A_317, %add3A_321 : vector<16xf32>
      %max3A_323 = arith.constant 0.000000e+00 : f32
      %max3A_324 = vector.broadcast %max3A_323 : f32 to vector<16xf32>
      %max3A_325 = arith.maximumf %div3A_322, %max3A_324 : vector<16xf32>
      %add3A_326 = arith.constant 9.99999996E-13 : f32
      %add3A_327 = vector.broadcast %add3A_326 : f32 to vector<16xf32>
      %add3A_328 = arith.addf %max3A_325, %add3A_327 : vector<16xf32>
      %bitcast_convert_type3A_329 = tpu.bitcast %add3A_328 : vector<16xf32> -> vector<16xi32>
      %shift_right_arithmetic3A_330 = arith.constant 1 : i32
      %shift_right_arithmetic3A_331 = vector.broadcast %shift_right_arithmetic3A_330 : i32 to vector<16xi32>
      %shift_right_arithmetic3A_332 = arith.shrsi %bitcast_convert_type3A_329, %shift_right_arithmetic3A_331 : vector<16xi32>
      %sub3A_333 = arith.constant 1597463007 : i32
      %sub3A_334 = vector.broadcast %sub3A_333 : i32 to vector<16xi32>
      %sub3A_335 = arith.subi %sub3A_334, %shift_right_arithmetic3A_332 : vector<16xi32>
      %bitcast_convert_type3A_336 = tpu.bitcast %sub3A_335 : vector<16xi32> -> vector<16xf32>
      %mul3A_337 = arith.constant 5.000000e-01 : f32
      %mul3A_338 = vector.broadcast %mul3A_337 : f32 to vector<16xf32>
      %mul3A_339 = arith.mulf %add3A_328, %mul3A_338 : vector<16xf32>
      %mul3A_340 = arith.mulf %mul3A_339, %bitcast_convert_type3A_336 : vector<16xf32>
      %mul3A_341 = arith.mulf %mul3A_340, %bitcast_convert_type3A_336 : vector<16xf32>
      %sub3A_342 = arith.constant 1.500000e+00 : f32
      %sub3A_343 = vector.broadcast %sub3A_342 : f32 to vector<16xf32>
      %sub3A_344 = arith.subf %sub3A_343, %mul3A_341 : vector<16xf32>
      %mul3A_345 = arith.mulf %bitcast_convert_type3A_336, %sub3A_344 : vector<16xf32>
      %mul3A_346 = arith.mulf %mul3A_339, %mul3A_345 : vector<16xf32>
      %mul3A_347 = arith.mulf %mul3A_346, %mul3A_345 : vector<16xf32>
      %sub3A_348 = arith.constant 1.500000e+00 : f32
      %sub3A_349 = vector.broadcast %sub3A_348 : f32 to vector<16xf32>
      %sub3A_350 = arith.subf %sub3A_349, %mul3A_347 : vector<16xf32>
      %mul3A_351 = arith.mulf %mul3A_345, %sub3A_350 : vector<16xf32>
      %mul3A_352 = arith.mulf %mul3A_339, %mul3A_351 : vector<16xf32>
      %mul3A_353 = arith.mulf %mul3A_352, %mul3A_351 : vector<16xf32>
      %sub3A_354 = arith.constant 1.500000e+00 : f32
      %sub3A_355 = vector.broadcast %sub3A_354 : f32 to vector<16xf32>
      %sub3A_356 = arith.subf %sub3A_355, %mul3A_353 : vector<16xf32>
      %mul3A_357 = arith.mulf %mul3A_351, %sub3A_356 : vector<16xf32>
      %mul3A_358 = arith.mulf %mul3A_339, %mul3A_357 : vector<16xf32>
      %mul3A_359 = arith.mulf %mul3A_358, %mul3A_357 : vector<16xf32>
      %sub3A_360 = arith.constant 1.500000e+00 : f32
      %sub3A_361 = vector.broadcast %sub3A_360 : f32 to vector<16xf32>
      %sub3A_362 = arith.subf %sub3A_361, %mul3A_359 : vector<16xf32>
      %mul3A_363 = arith.mulf %mul3A_357, %sub3A_362 : vector<16xf32>
      %mul3A_364 = arith.mulf %add3A_328, %mul3A_363 : vector<16xf32>
      %broadcast_in_dim3A_365 = arith.constant -1.000000e+00 : f32
      %broadcast_in_dim3A_366 = vector.broadcast %broadcast_in_dim3A_365 : f32 to vector<16xf32>
      %select_n3A_367 = arith.select %lt3A_303, %sub3A_309, %broadcast_in_dim3A_366 : vector<16xi1>, vector<16xf32>
      %select_n3A_368 = arith.select %lt3A_303, %sub3A_310, %broadcast_in_dim3A_366 : vector<16xi1>, vector<16xf32>
      %select_n3A_369 = arith.select %lt3A_303, %sub3A_311, %broadcast_in_dim3A_366 : vector<16xi1>, vector<16xf32>
      %select_n3A_370 = arith.select %lt3A_303, %sub3A_312, %broadcast_in_dim3A_366 : vector<16xi1>, vector<16xf32>
      %shift_right_arithmetic3A_371 = arith.constant 3 : i32
      %shift_right_arithmetic3A_372 = arith.shrsi %scan3A_260, %shift_right_arithmetic3A_371 : i32
      %mul3A_373 = arith.constant 512 : i32
      %mul3A_374 = arith.muli %shift_right_arithmetic3A_372, %mul3A_373 : i32
      %and3A_375 = arith.constant 7 : i32
      %and3A_376 = arith.andi %scan3A_260, %and3A_375 : i32
      %mul3A_377 = arith.constant 16 : i32
      %mul3A_378 = arith.muli %and3A_376, %mul3A_377 : i32
      %add3A_379 = arith.addi %mul3A_374, %mul3A_378 : i32
      %swap3A_380 = arith.index_cast %add3A_379 : i32 to index
      %swap3A_381 = tpu.vector_load %arg30[%swap3A_380] {strides = array<i32>} : memref<4096xf32, #tpu.memory_space<vmem>>, vector<16xf32>,
      tpu.vector_store %arg30[%swap3A_380], %select_n3A_367 {strides = array<i32>} : memref<4096xf32, #tpu.memory_space<vmem>>, vector<16xf32>,
      %add3A_382 = arith.constant 128 : i32
      %add3A_383 = arith.addi %add3A_379, %add3A_382 : i32
      %swap3A_384 = arith.index_cast %add3A_383 : i32 to index
      %swap3A_385 = tpu.vector_load %arg30[%swap3A_384] {strides = array<i32>} : memref<4096xf32, #tpu.memory_space<vmem>>, vector<16xf32>,
      tpu.vector_store %arg30[%swap3A_384], %select_n3A_368 {strides = array<i32>} : memref<4096xf32, #tpu.memory_space<vmem>>, vector<16xf32>,
      %add3A_386 = arith.constant 256 : i32
      %add3A_387 = arith.addi %add3A_379, %add3A_386 : i32
      %swap3A_388 = arith.index_cast %add3A_387 : i32 to index
      %swap3A_389 = tpu.vector_load %arg30[%swap3A_388] {strides = array<i32>} : memref<4096xf32, #tpu.memory_space<vmem>>, vector<16xf32>,
      tpu.vector_store %arg30[%swap3A_388], %select_n3A_369 {strides = array<i32>} : memref<4096xf32, #tpu.memory_space<vmem>>, vector<16xf32>,
      %add3A_390 = arith.constant 384 : i32
      %add3A_391 = arith.addi %add3A_379, %add3A_390 : i32
      %swap3A_392 = arith.index_cast %add3A_391 : i32 to index
      %swap3A_393 = tpu.vector_load %arg30[%swap3A_392] {strides = array<i32>} : memref<4096xf32, #tpu.memory_space<vmem>>, vector<16xf32>,
      tpu.vector_store %arg30[%swap3A_392], %select_n3A_370 {strides = array<i32>} : memref<4096xf32, #tpu.memory_space<vmem>>, vector<16xf32>,
      %select_n3A_394 = arith.select %lt3A_303, %mul3A_364, %broadcast_in_dim3A_366 : vector<16xi1>, vector<16xf32>
      %swap3A_395 = arith.index_cast %add3A_290 : i32 to index
      %swap3A_396 = tpu.vector_load %arg29[%swap3A_395] {strides = array<i32>} : memref<1376xf32, #tpu.memory_space<vmem>>, vector<16xf32>,
      tpu.vector_store %arg29[%swap3A_395], %select_n3A_394 {strides = array<i32>} : memref<1376xf32, #tpu.memory_space<vmem>>, vector<16xf32>,
      %broadcast_in_dim3A_397 = arith.constant 0 : i32
      %broadcast_in_dim3A_398 = vector.broadcast %broadcast_in_dim3A_397 : i32 to vector<16xi32>
      %select_n3A_399 = arith.select %lt3A_303, %gather3A_308, %broadcast_in_dim3A_398 : vector<16xi1>, vector<16xi32>
      %swap3A_400 = arith.index_cast %add3A_290 : i32 to index
      %swap3A_401 = tpu.vector_load %arg28[%swap3A_400] {strides = array<i32>} : memref<1376xi32, #tpu.memory_space<vmem>>, vector<16xi32>,
      tpu.vector_store %arg28[%swap3A_400], %select_n3A_399 {strides = array<i32>} : memref<1376xi32, #tpu.memory_space<vmem>>, vector<16xi32>,
      %scan3A_402 = arith.constant 0 : i32
      scf.yield %scan3A_402 : i32
    }
    %scan3A_19 = arith.constant 64 : i32
    %scan3A_20 = arith.constant 0 : i32
    %scan3A_21 = arith.constant 0 : i32
    %scan3A_22 = arith.constant 16 : i32
    %scan3A_23 = arith.addi %scan3A_21, %scan3A_22 : i32
    %scan3A_24 = arith.constant 1 : i32
    %scan3A_25 = scf.for %scan3A_260 = %scan3A_21 to %scan3A_23 step %scan3A_24 iter_args(%scan3A_261 = %scan3A_20) -> (i32)  : i32 {
      %and3A_262 = arith.constant 3 : i32
      %and3A_263 = arith.andi %add3A, %and3A_262 : i32
      %mul3A_264 = arith.constant 128 : i32
      %mul3A_265 = arith.muli %and3A_263, %mul3A_264 : i32
      %shift_right_arithmetic3A_266 = arith.constant 1 : i32
      %shift_right_arithmetic3A_267 = arith.shrsi %scan3A_260, %shift_right_arithmetic3A_266 : i32
      %mul3A_268 = arith.constant 16 : i32
      %mul3A_269 = arith.muli %shift_right_arithmetic3A_267, %mul3A_268 : i32
      %add3A_270 = arith.addi %mul3A_265, %mul3A_269 : i32
      %add3A_271 = arith.constant 8 : i32
      %add3A_272 = arith.addi %add3A_270, %add3A_271 : i32
      %and3A_273 = arith.constant 1 : i32
      %and3A_274 = arith.andi %scan3A_260, %and3A_273 : i32
      %mul3A_275 = arith.constant 256 : i32
      %mul3A_276 = arith.muli %and3A_274, %mul3A_275 : i32
      %add3A_277 = arith.constant 8 : i32
      %add3A_278 = arith.addi %mul3A_276, %add3A_277 : i32
      %mul3A_279 = arith.constant 1.600000e+01 : f32
      %mul3A_280 = vector.broadcast %mul3A_279 : f32 to vector<16xf32>
      %mul3A_281 = arith.mulf %convert_element_type3A, %mul3A_280 : vector<16xf32>
      %convert_element_type3A_282 = arith.sitofp %add3A_278 : i32 to f32
      %add3A_283 = vector.broadcast %convert_element_type3A_282 : f32 to vector<16xf32>
      %add3A_284 = arith.addf %mul3A_281, %add3A_283 : vector<16xf32>
      %broadcast_in_dim3A_285 = vector.broadcast %add3A_272 : i32 to vector<16xi32>
      %convert_element_type3A_286 = arith.sitofp %broadcast_in_dim3A_285 : vector<16xi32> to vector<16xf32>
      %mul3A_287 = arith.constant 16 : i32
      %mul3A_288 = arith.muli %scan3A_260, %mul3A_287 : i32
      %add3A_289 = arith.constant 1024 : i32
      %add3A_290 = arith.addi %add3A_289, %mul3A_288 : i32
      %add3A_291 = arith.addf %add3A_284, %add3A_284 : vector<16xf32>
      %add3A_292 = arith.addf %convert_element_type3A_286, %convert_element_type3A_286 : vector<16xf32>
      %broadcast_in_dim3A_293 = arith.constant 1.000000e+08 : f32
      %broadcast_in_dim3A_294 = vector.broadcast %broadcast_in_dim3A_293 : f32 to vector<16xf32>
      %scan3A_295 = arith.constant 0 : i32
      %scan3A_296 = arith.constant 10 : i32
      %scan3A_297 = arith.addi %scan3A_295, %scan3A_296 : i32
      %scan3A_298 = arith.constant 1 : i32
      %scan3A_299:3 = scf.for %scan3A_403 = %scan3A_295 to %scan3A_297 step %scan3A_298 iter_args(%scan3A_404 = %broadcast_in_dim3A_294, %scan3A_405 = %broadcast_in_dim3A, %scan3A_406 = %broadcast_in_dim3A) -> (vector<16xf32>, vector<16xi32>, vector<16xi32>)  : i32 {
        %gather3A_407 = tpu.vector_load_idx %arg21[%scan3A_406] : memref<400xf32, #tpu.memory_space<vmem>>[vector<16xi32>], vector<16xf32>,
        %gather3A_408 = tpu.vector_load_idx %arg22[%scan3A_406] : memref<400xf32, #tpu.memory_space<vmem>>[vector<16xi32>], vector<16xf32>,
        %gather3A_409 = tpu.vector_load_idx %arg23[%scan3A_406] : memref<400xf32, #tpu.memory_space<vmem>>[vector<16xi32>], vector<16xf32>,
        %gather3A_410 = tpu.vector_load_idx %arg24[%scan3A_406] : memref<400xf32, #tpu.memory_space<vmem>>[vector<16xi32>], vector<16xf32>,
        %gather3A_411 = tpu.vector_load_idx %arg25[%scan3A_406] : memref<400xf32, #tpu.memory_space<vmem>>[vector<16xi32>], vector<16xf32>,
        %gather3A_412 = tpu.vector_load_idx %arg26[%scan3A_406] : memref<400xf32, #tpu.memory_space<vmem>>[vector<16xi32>], vector<16xf32>,
        %gather3A_413 = tpu.vector_load_idx %arg27[%scan3A_406] : memref<400xf32, #tpu.memory_space<vmem>>[vector<16xi32>], vector<16xf32>,
        %sub3A_414 = arith.subf %add3A_284, %gather3A_407 : vector<16xf32>
        %sub3A_415 = arith.subf %convert_element_type3A_286, %gather3A_408 : vector<16xf32>
        %sub3A_416 = arith.subf %gather3A_409, %add3A_284 : vector<16xf32>
        %sub3A_417 = arith.subf %gather3A_410, %convert_element_type3A_286 : vector<16xf32>
        %min3A_418 = arith.minimumf %sub3A_414, %sub3A_415 : vector<16xf32>
        %min3A_419 = arith.minimumf %sub3A_416, %sub3A_417 : vector<16xf32>
        %min3A_420 = arith.minimumf %min3A_418, %min3A_419 : vector<16xf32>
        %max3A_421 = arith.maximumf %sub3A_414, %sub3A_415 : vector<16xf32>
        %max3A_422 = arith.maximumf %sub3A_416, %sub3A_417 : vector<16xf32>
        %max3A_423 = arith.maximumf %max3A_421, %max3A_422 : vector<16xf32>
        %sub3A_424 = arith.subf %add3A_291, %gather3A_411 : vector<16xf32>
        %abs3A = math.absf %sub3A_424 : vector<16xf32>
        %sub3A_425 = arith.subf %add3A_292, %gather3A_412 : vector<16xf32>
        %abs3A_426 = math.absf %sub3A_425 : vector<16xf32>
        %max3A_427 = arith.maximumf %abs3A, %abs3A_426 : vector<16xf32>
        %gt3A = arith.constant 0.000000e+00 : f32
        %gt3A_428 = vector.broadcast %gt3A : f32 to vector<16xf32>
        %gt3A_429 = arith.cmpf ogt, %min3A_420, %gt3A_428 : vector<16xf32>
        %lt3A_430 = arith.constant 4.800000e+01 : f32
        %lt3A_431 = vector.broadcast %lt3A_430 : f32 to vector<16xf32>
        %lt3A_432 = arith.cmpf olt, %max3A_427, %lt3A_431 : vector<16xf32>
        %and3A_433 = arith.andi %gt3A_429, %lt3A_432 : vector<16xi1>
        %le3A = arith.constant 1.280000e+02 : f32
        %le3A_434 = vector.broadcast %le3A : f32 to vector<16xf32>
        %le3A_435 = arith.cmpf ole, %max3A_423, %le3A_434 : vector<16xf32>
        %and3A_436 = arith.andi %and3A_433, %le3A_435 : vector<16xi1>
        %ge3A = arith.constant 6.400000e+01 : f32
        %ge3A_437 = vector.broadcast %ge3A : f32 to vector<16xf32>
        %ge3A_438 = arith.cmpf oge, %max3A_423, %ge3A_437 : vector<16xf32>
        %and3A_439 = arith.andi %and3A_436, %ge3A_438 : vector<16xi1>
        %lt3A_440 = arith.cmpf olt, %gather3A_413, %scan3A_404 : vector<16xf32>
        %and3A_441 = arith.andi %and3A_439, %lt3A_440 : vector<16xi1>
        %select_n3A_442 = arith.select %and3A_441, %gather3A_413, %scan3A_404 : vector<16xi1>, vector<16xf32>
        %select_n3A_443 = arith.select %and3A_441, %scan3A_406, %scan3A_405 : vector<16xi1>, vector<16xi32>
        %add3A_444 = arith.constant 1 : i32
        %add3A_445 = vector.broadcast %add3A_444 : i32 to vector<16xi32>
        %add3A_446 = arith.addi %scan3A_406, %add3A_445 : vector<16xi32>
        %gather3A_447 = tpu.vector_load_idx %arg21[%add3A_446] : memref<400xf32, #tpu.memory_space<vmem>>[vector<16xi32>], vector<16xf32>,
        %gather3A_448 = tpu.vector_load_idx %arg22[%add3A_446] : memref<400xf32, #tpu.memory_space<vmem>>[vector<16xi32>], vector<16xf32>,
        %gather3A_449 = tpu.vector_load_idx %arg23[%add3A_446] : memref<400xf32, #tpu.memory_space<vmem>>[vector<16xi32>], vector<16xf32>,
        %gather3A_450 = tpu.vector_load_idx %arg24[%add3A_446] : memref<400xf32, #tpu.memory_space<vmem>>[vector<16xi32>], vector<16xf32>,
        %gather3A_451 = tpu.vector_load_idx %arg25[%add3A_446] : memref<400xf32, #tpu.memory_space<vmem>>[vector<16xi32>], vector<16xf32>,
        %gather3A_452 = tpu.vector_load_idx %arg26[%add3A_446] : memref<400xf32, #tpu.memory_space<vmem>>[vector<16xi32>], vector<16xf32>,
        %gather3A_453 = tpu.vector_load_idx %arg27[%add3A_446] : memref<400xf32, #tpu.memory_space<vmem>>[vector<16xi32>], vector<16xf32>,
        %sub3A_454 = arith.subf %add3A_284, %gather3A_447 : vector<16xf32>
        %sub3A_455 = arith.subf %convert_element_type3A_286, %gather3A_448 : vector<16xf32>
        %sub3A_456 = arith.subf %gather3A_449, %add3A_284 : vector<16xf32>
        %sub3A_457 = arith.subf %gather3A_450, %convert_element_type3A_286 : vector<16xf32>
        %min3A_458 = arith.minimumf %sub3A_454, %sub3A_455 : vector<16xf32>
        %min3A_459 = arith.minimumf %sub3A_456, %sub3A_457 : vector<16xf32>
        %min3A_460 = arith.minimumf %min3A_458, %min3A_459 : vector<16xf32>
        %max3A_461 = arith.maximumf %sub3A_454, %sub3A_455 : vector<16xf32>
        %max3A_462 = arith.maximumf %sub3A_456, %sub3A_457 : vector<16xf32>
        %max3A_463 = arith.maximumf %max3A_461, %max3A_462 : vector<16xf32>
        %sub3A_464 = arith.subf %add3A_291, %gather3A_451 : vector<16xf32>
        %abs3A_465 = math.absf %sub3A_464 : vector<16xf32>
        %sub3A_466 = arith.subf %add3A_292, %gather3A_452 : vector<16xf32>
        %abs3A_467 = math.absf %sub3A_466 : vector<16xf32>
        %max3A_468 = arith.maximumf %abs3A_465, %abs3A_467 : vector<16xf32>
        %gt3A_469 = arith.constant 0.000000e+00 : f32
        %gt3A_470 = vector.broadcast %gt3A_469 : f32 to vector<16xf32>
        %gt3A_471 = arith.cmpf ogt, %min3A_460, %gt3A_470 : vector<16xf32>
        %lt3A_472 = arith.constant 4.800000e+01 : f32
        %lt3A_473 = vector.broadcast %lt3A_472 : f32 to vector<16xf32>
        %lt3A_474 = arith.cmpf olt, %max3A_468, %lt3A_473 : vector<16xf32>
        %and3A_475 = arith.andi %gt3A_471, %lt3A_474 : vector<16xi1>
        %le3A_476 = arith.constant 1.280000e+02 : f32
        %le3A_477 = vector.broadcast %le3A_476 : f32 to vector<16xf32>
        %le3A_478 = arith.cmpf ole, %max3A_463, %le3A_477 : vector<16xf32>
        %and3A_479 = arith.andi %and3A_475, %le3A_478 : vector<16xi1>
        %ge3A_480 = arith.constant 6.400000e+01 : f32
        %ge3A_481 = vector.broadcast %ge3A_480 : f32 to vector<16xf32>
        %ge3A_482 = arith.cmpf oge, %max3A_463, %ge3A_481 : vector<16xf32>
        %and3A_483 = arith.andi %and3A_479, %ge3A_482 : vector<16xi1>
        %lt3A_484 = arith.cmpf olt, %gather3A_453, %select_n3A_442 : vector<16xf32>
        %and3A_485 = arith.andi %and3A_483, %lt3A_484 : vector<16xi1>
        %select_n3A_486 = arith.select %and3A_485, %gather3A_453, %select_n3A_442 : vector<16xi1>, vector<16xf32>
        %select_n3A_487 = arith.select %and3A_485, %add3A_446, %select_n3A_443 : vector<16xi1>, vector<16xi32>
        %add3A_488 = arith.constant 1 : i32
        %add3A_489 = vector.broadcast %add3A_488 : i32 to vector<16xi32>
        %add3A_490 = arith.addi %add3A_446, %add3A_489 : vector<16xi32>
        %gather3A_491 = tpu.vector_load_idx %arg21[%add3A_490] : memref<400xf32, #tpu.memory_space<vmem>>[vector<16xi32>], vector<16xf32>,
        %gather3A_492 = tpu.vector_load_idx %arg22[%add3A_490] : memref<400xf32, #tpu.memory_space<vmem>>[vector<16xi32>], vector<16xf32>,
        %gather3A_493 = tpu.vector_load_idx %arg23[%add3A_490] : memref<400xf32, #tpu.memory_space<vmem>>[vector<16xi32>], vector<16xf32>,
        %gather3A_494 = tpu.vector_load_idx %arg24[%add3A_490] : memref<400xf32, #tpu.memory_space<vmem>>[vector<16xi32>], vector<16xf32>,
        %gather3A_495 = tpu.vector_load_idx %arg25[%add3A_490] : memref<400xf32, #tpu.memory_space<vmem>>[vector<16xi32>], vector<16xf32>,
        %gather3A_496 = tpu.vector_load_idx %arg26[%add3A_490] : memref<400xf32, #tpu.memory_space<vmem>>[vector<16xi32>], vector<16xf32>,
        %gather3A_497 = tpu.vector_load_idx %arg27[%add3A_490] : memref<400xf32, #tpu.memory_space<vmem>>[vector<16xi32>], vector<16xf32>,
        %sub3A_498 = arith.subf %add3A_284, %gather3A_491 : vector<16xf32>
        %sub3A_499 = arith.subf %convert_element_type3A_286, %gather3A_492 : vector<16xf32>
        %sub3A_500 = arith.subf %gather3A_493, %add3A_284 : vector<16xf32>
        %sub3A_501 = arith.subf %gather3A_494, %convert_element_type3A_286 : vector<16xf32>
        %min3A_502 = arith.minimumf %sub3A_498, %sub3A_499 : vector<16xf32>
        %min3A_503 = arith.minimumf %sub3A_500, %sub3A_501 : vector<16xf32>
        %min3A_504 = arith.minimumf %min3A_502, %min3A_503 : vector<16xf32>
        %max3A_505 = arith.maximumf %sub3A_498, %sub3A_499 : vector<16xf32>
        %max3A_506 = arith.maximumf %sub3A_500, %sub3A_501 : vector<16xf32>
        %max3A_507 = arith.maximumf %max3A_505, %max3A_506 : vector<16xf32>
        %sub3A_508 = arith.subf %add3A_291, %gather3A_495 : vector<16xf32>
        %abs3A_509 = math.absf %sub3A_508 : vector<16xf32>
        %sub3A_510 = arith.subf %add3A_292, %gather3A_496 : vector<16xf32>
        %abs3A_511 = math.absf %sub3A_510 : vector<16xf32>
        %max3A_512 = arith.maximumf %abs3A_509, %abs3A_511 : vector<16xf32>
        %gt3A_513 = arith.constant 0.000000e+00 : f32
        %gt3A_514 = vector.broadcast %gt3A_513 : f32 to vector<16xf32>
        %gt3A_515 = arith.cmpf ogt, %min3A_504, %gt3A_514 : vector<16xf32>
        %lt3A_516 = arith.constant 4.800000e+01 : f32
        %lt3A_517 = vector.broadcast %lt3A_516 : f32 to vector<16xf32>
        %lt3A_518 = arith.cmpf olt, %max3A_512, %lt3A_517 : vector<16xf32>
        %and3A_519 = arith.andi %gt3A_515, %lt3A_518 : vector<16xi1>
        %le3A_520 = arith.constant 1.280000e+02 : f32
        %le3A_521 = vector.broadcast %le3A_520 : f32 to vector<16xf32>
        %le3A_522 = arith.cmpf ole, %max3A_507, %le3A_521 : vector<16xf32>
        %and3A_523 = arith.andi %and3A_519, %le3A_522 : vector<16xi1>
        %ge3A_524 = arith.constant 6.400000e+01 : f32
        %ge3A_525 = vector.broadcast %ge3A_524 : f32 to vector<16xf32>
        %ge3A_526 = arith.cmpf oge, %max3A_507, %ge3A_525 : vector<16xf32>
        %and3A_527 = arith.andi %and3A_523, %ge3A_526 : vector<16xi1>
        %lt3A_528 = arith.cmpf olt, %gather3A_497, %select_n3A_486 : vector<16xf32>
        %and3A_529 = arith.andi %and3A_527, %lt3A_528 : vector<16xi1>
        %select_n3A_530 = arith.select %and3A_529, %gather3A_497, %select_n3A_486 : vector<16xi1>, vector<16xf32>
        %select_n3A_531 = arith.select %and3A_529, %add3A_490, %select_n3A_487 : vector<16xi1>, vector<16xi32>
        %add3A_532 = arith.constant 1 : i32
        %add3A_533 = vector.broadcast %add3A_532 : i32 to vector<16xi32>
        %add3A_534 = arith.addi %add3A_490, %add3A_533 : vector<16xi32>
        %gather3A_535 = tpu.vector_load_idx %arg21[%add3A_534] : memref<400xf32, #tpu.memory_space<vmem>>[vector<16xi32>], vector<16xf32>,
        %gather3A_536 = tpu.vector_load_idx %arg22[%add3A_534] : memref<400xf32, #tpu.memory_space<vmem>>[vector<16xi32>], vector<16xf32>,
        %gather3A_537 = tpu.vector_load_idx %arg23[%add3A_534] : memref<400xf32, #tpu.memory_space<vmem>>[vector<16xi32>], vector<16xf32>,
        %gather3A_538 = tpu.vector_load_idx %arg24[%add3A_534] : memref<400xf32, #tpu.memory_space<vmem>>[vector<16xi32>], vector<16xf32>,
        %gather3A_539 = tpu.vector_load_idx %arg25[%add3A_534] : memref<400xf32, #tpu.memory_space<vmem>>[vector<16xi32>], vector<16xf32>,
        %gather3A_540 = tpu.vector_load_idx %arg26[%add3A_534] : memref<400xf32, #tpu.memory_space<vmem>>[vector<16xi32>], vector<16xf32>,
        %gather3A_541 = tpu.vector_load_idx %arg27[%add3A_534] : memref<400xf32, #tpu.memory_space<vmem>>[vector<16xi32>], vector<16xf32>,
        %sub3A_542 = arith.subf %add3A_284, %gather3A_535 : vector<16xf32>
        %sub3A_543 = arith.subf %convert_element_type3A_286, %gather3A_536 : vector<16xf32>
        %sub3A_544 = arith.subf %gather3A_537, %add3A_284 : vector<16xf32>
        %sub3A_545 = arith.subf %gather3A_538, %convert_element_type3A_286 : vector<16xf32>
        %min3A_546 = arith.minimumf %sub3A_542, %sub3A_543 : vector<16xf32>
        %min3A_547 = arith.minimumf %sub3A_544, %sub3A_545 : vector<16xf32>
        %min3A_548 = arith.minimumf %min3A_546, %min3A_547 : vector<16xf32>
        %max3A_549 = arith.maximumf %sub3A_542, %sub3A_543 : vector<16xf32>
        %max3A_550 = arith.maximumf %sub3A_544, %sub3A_545 : vector<16xf32>
        %max3A_551 = arith.maximumf %max3A_549, %max3A_550 : vector<16xf32>
        %sub3A_552 = arith.subf %add3A_291, %gather3A_539 : vector<16xf32>
        %abs3A_553 = math.absf %sub3A_552 : vector<16xf32>
        %sub3A_554 = arith.subf %add3A_292, %gather3A_540 : vector<16xf32>
        %abs3A_555 = math.absf %sub3A_554 : vector<16xf32>
        %max3A_556 = arith.maximumf %abs3A_553, %abs3A_555 : vector<16xf32>
        %gt3A_557 = arith.constant 0.000000e+00 : f32
        %gt3A_558 = vector.broadcast %gt3A_557 : f32 to vector<16xf32>
        %gt3A_559 = arith.cmpf ogt, %min3A_548, %gt3A_558 : vector<16xf32>
        %lt3A_560 = arith.constant 4.800000e+01 : f32
        %lt3A_561 = vector.broadcast %lt3A_560 : f32 to vector<16xf32>
        %lt3A_562 = arith.cmpf olt, %max3A_556, %lt3A_561 : vector<16xf32>
        %and3A_563 = arith.andi %gt3A_559, %lt3A_562 : vector<16xi1>
        %le3A_564 = arith.constant 1.280000e+02 : f32
        %le3A_565 = vector.broadcast %le3A_564 : f32 to vector<16xf32>
        %le3A_566 = arith.cmpf ole, %max3A_551, %le3A_565 : vector<16xf32>
        %and3A_567 = arith.andi %and3A_563, %le3A_566 : vector<16xi1>
        %ge3A_568 = arith.constant 6.400000e+01 : f32
        %ge3A_569 = vector.broadcast %ge3A_568 : f32 to vector<16xf32>
        %ge3A_570 = arith.cmpf oge, %max3A_551, %ge3A_569 : vector<16xf32>
        %and3A_571 = arith.andi %and3A_567, %ge3A_570 : vector<16xi1>
        %lt3A_572 = arith.cmpf olt, %gather3A_541, %select_n3A_530 : vector<16xf32>
        %and3A_573 = arith.andi %and3A_571, %lt3A_572 : vector<16xi1>
        %select_n3A_574 = arith.select %and3A_573, %gather3A_541, %select_n3A_530 : vector<16xi1>, vector<16xf32>
        %select_n3A_575 = arith.select %and3A_573, %add3A_534, %select_n3A_531 : vector<16xi1>, vector<16xi32>
        %add3A_576 = arith.constant 1 : i32
        %add3A_577 = vector.broadcast %add3A_576 : i32 to vector<16xi32>
        %add3A_578 = arith.addi %add3A_534, %add3A_577 : vector<16xi32>
        %gather3A_579 = tpu.vector_load_idx %arg21[%add3A_578] : memref<400xf32, #tpu.memory_space<vmem>>[vector<16xi32>], vector<16xf32>,
        %gather3A_580 = tpu.vector_load_idx %arg22[%add3A_578] : memref<400xf32, #tpu.memory_space<vmem>>[vector<16xi32>], vector<16xf32>,
        %gather3A_581 = tpu.vector_load_idx %arg23[%add3A_578] : memref<400xf32, #tpu.memory_space<vmem>>[vector<16xi32>], vector<16xf32>,
        %gather3A_582 = tpu.vector_load_idx %arg24[%add3A_578] : memref<400xf32, #tpu.memory_space<vmem>>[vector<16xi32>], vector<16xf32>,
        %gather3A_583 = tpu.vector_load_idx %arg25[%add3A_578] : memref<400xf32, #tpu.memory_space<vmem>>[vector<16xi32>], vector<16xf32>,
        %gather3A_584 = tpu.vector_load_idx %arg26[%add3A_578] : memref<400xf32, #tpu.memory_space<vmem>>[vector<16xi32>], vector<16xf32>,
        %gather3A_585 = tpu.vector_load_idx %arg27[%add3A_578] : memref<400xf32, #tpu.memory_space<vmem>>[vector<16xi32>], vector<16xf32>,
        %sub3A_586 = arith.subf %add3A_284, %gather3A_579 : vector<16xf32>
        %sub3A_587 = arith.subf %convert_element_type3A_286, %gather3A_580 : vector<16xf32>
        %sub3A_588 = arith.subf %gather3A_581, %add3A_284 : vector<16xf32>
        %sub3A_589 = arith.subf %gather3A_582, %convert_element_type3A_286 : vector<16xf32>
        %min3A_590 = arith.minimumf %sub3A_586, %sub3A_587 : vector<16xf32>
        %min3A_591 = arith.minimumf %sub3A_588, %sub3A_589 : vector<16xf32>
        %min3A_592 = arith.minimumf %min3A_590, %min3A_591 : vector<16xf32>
        %max3A_593 = arith.maximumf %sub3A_586, %sub3A_587 : vector<16xf32>
        %max3A_594 = arith.maximumf %sub3A_588, %sub3A_589 : vector<16xf32>
        %max3A_595 = arith.maximumf %max3A_593, %max3A_594 : vector<16xf32>
        %sub3A_596 = arith.subf %add3A_291, %gather3A_583 : vector<16xf32>
        %abs3A_597 = math.absf %sub3A_596 : vector<16xf32>
        %sub3A_598 = arith.subf %add3A_292, %gather3A_584 : vector<16xf32>
        %abs3A_599 = math.absf %sub3A_598 : vector<16xf32>
        %max3A_600 = arith.maximumf %abs3A_597, %abs3A_599 : vector<16xf32>
        %gt3A_601 = arith.constant 0.000000e+00 : f32
        %gt3A_602 = vector.broadcast %gt3A_601 : f32 to vector<16xf32>
        %gt3A_603 = arith.cmpf ogt, %min3A_592, %gt3A_602 : vector<16xf32>
        %lt3A_604 = arith.constant 4.800000e+01 : f32
        %lt3A_605 = vector.broadcast %lt3A_604 : f32 to vector<16xf32>
        %lt3A_606 = arith.cmpf olt, %max3A_600, %lt3A_605 : vector<16xf32>
        %and3A_607 = arith.andi %gt3A_603, %lt3A_606 : vector<16xi1>
        %le3A_608 = arith.constant 1.280000e+02 : f32
        %le3A_609 = vector.broadcast %le3A_608 : f32 to vector<16xf32>
        %le3A_610 = arith.cmpf ole, %max3A_595, %le3A_609 : vector<16xf32>
        %and3A_611 = arith.andi %and3A_607, %le3A_610 : vector<16xi1>
        %ge3A_612 = arith.constant 6.400000e+01 : f32
        %ge3A_613 = vector.broadcast %ge3A_612 : f32 to vector<16xf32>
        %ge3A_614 = arith.cmpf oge, %max3A_595, %ge3A_613 : vector<16xf32>
        %and3A_615 = arith.andi %and3A_611, %ge3A_614 : vector<16xi1>
        %lt3A_616 = arith.cmpf olt, %gather3A_585, %select_n3A_574 : vector<16xf32>
        %and3A_617 = arith.andi %and3A_615, %lt3A_616 : vector<16xi1>
        %select_n3A_618 = arith.select %and3A_617, %gather3A_585, %select_n3A_574 : vector<16xi1>, vector<16xf32>
        %select_n3A_619 = arith.select %and3A_617, %add3A_578, %select_n3A_575 : vector<16xi1>, vector<16xi32>
        %add3A_620 = arith.constant 1 : i32
        %add3A_621 = vector.broadcast %add3A_620 : i32 to vector<16xi32>
        %add3A_622 = arith.addi %add3A_578, %add3A_621 : vector<16xi32>
        scf.yield %select_n3A_618, %select_n3A_619, %add3A_622 : vector<16xf32>, vector<16xi32>, vector<16xi32>
      }
      %scan3A_300 = arith.constant 10 : i32
      %lt3A_301 = arith.constant 1.000000e+08 : f32
      %lt3A_302 = vector.broadcast %lt3A_301 : f32 to vector<16xf32>
      %lt3A_303 = arith.cmpf olt, %scan3A_299#0, %lt3A_302 : vector<16xf32>
      %gather3A_304 = tpu.vector_load_idx %arg21[%scan3A_299#1] : memref<400xf32, #tpu.memory_space<vmem>>[vector<16xi32>], vector<16xf32>,
      %gather3A_305 = tpu.vector_load_idx %arg22[%scan3A_299#1] : memref<400xf32, #tpu.memory_space<vmem>>[vector<16xi32>], vector<16xf32>,
      %gather3A_306 = tpu.vector_load_idx %arg23[%scan3A_299#1] : memref<400xf32, #tpu.memory_space<vmem>>[vector<16xi32>], vector<16xf32>,
      %gather3A_307 = tpu.vector_load_idx %arg24[%scan3A_299#1] : memref<400xf32, #tpu.memory_space<vmem>>[vector<16xi32>], vector<16xf32>,
      %gather3A_308 = tpu.vector_load_idx %arg20[%scan3A_299#1] : memref<400xi32, #tpu.memory_space<vmem>>[vector<16xi32>], vector<16xi32>,
      %sub3A_309 = arith.subf %add3A_284, %gather3A_304 : vector<16xf32>
      %sub3A_310 = arith.subf %convert_element_type3A_286, %gather3A_305 : vector<16xf32>
      %sub3A_311 = arith.subf %gather3A_306, %add3A_284 : vector<16xf32>
      %sub3A_312 = arith.subf %gather3A_307, %convert_element_type3A_286 : vector<16xf32>
      %min3A_313 = arith.minimumf %sub3A_309, %sub3A_311 : vector<16xf32>
      %max3A_314 = arith.maximumf %sub3A_309, %sub3A_311 : vector<16xf32>
      %min3A_315 = arith.minimumf %sub3A_310, %sub3A_312 : vector<16xf32>
      %max3A_316 = arith.maximumf %sub3A_310, %sub3A_312 : vector<16xf32>
      %mul3A_317 = arith.mulf %min3A_313, %min3A_315 : vector<16xf32>
      %mul3A_318 = arith.mulf %max3A_314, %max3A_316 : vector<16xf32>
      %add3A_319 = arith.constant 1.000000e-10 : f32
      %add3A_320 = vector.broadcast %add3A_319 : f32 to vector<16xf32>
      %add3A_321 = arith.addf %mul3A_318, %add3A_320 : vector<16xf32>
      %div3A_322 = arith.divf %mul3A_317, %add3A_321 : vector<16xf32>
      %max3A_323 = arith.constant 0.000000e+00 : f32
      %max3A_324 = vector.broadcast %max3A_323 : f32 to vector<16xf32>
      %max3A_325 = arith.maximumf %div3A_322, %max3A_324 : vector<16xf32>
      %add3A_326 = arith.constant 9.99999996E-13 : f32
      %add3A_327 = vector.broadcast %add3A_326 : f32 to vector<16xf32>
      %add3A_328 = arith.addf %max3A_325, %add3A_327 : vector<16xf32>
      %bitcast_convert_type3A_329 = tpu.bitcast %add3A_328 : vector<16xf32> -> vector<16xi32>
      %shift_right_arithmetic3A_330 = arith.constant 1 : i32
      %shift_right_arithmetic3A_331 = vector.broadcast %shift_right_arithmetic3A_330 : i32 to vector<16xi32>
      %shift_right_arithmetic3A_332 = arith.shrsi %bitcast_convert_type3A_329, %shift_right_arithmetic3A_331 : vector<16xi32>
      %sub3A_333 = arith.constant 1597463007 : i32
      %sub3A_334 = vector.broadcast %sub3A_333 : i32 to vector<16xi32>
      %sub3A_335 = arith.subi %sub3A_334, %shift_right_arithmetic3A_332 : vector<16xi32>
      %bitcast_convert_type3A_336 = tpu.bitcast %sub3A_335 : vector<16xi32> -> vector<16xf32>
      %mul3A_337 = arith.constant 5.000000e-01 : f32
      %mul3A_338 = vector.broadcast %mul3A_337 : f32 to vector<16xf32>
      %mul3A_339 = arith.mulf %add3A_328, %mul3A_338 : vector<16xf32>
      %mul3A_340 = arith.mulf %mul3A_339, %bitcast_convert_type3A_336 : vector<16xf32>
      %mul3A_341 = arith.mulf %mul3A_340, %bitcast_convert_type3A_336 : vector<16xf32>
      %sub3A_342 = arith.constant 1.500000e+00 : f32
      %sub3A_343 = vector.broadcast %sub3A_342 : f32 to vector<16xf32>
      %sub3A_344 = arith.subf %sub3A_343, %mul3A_341 : vector<16xf32>
      %mul3A_345 = arith.mulf %bitcast_convert_type3A_336, %sub3A_344 : vector<16xf32>
      %mul3A_346 = arith.mulf %mul3A_339, %mul3A_345 : vector<16xf32>
      %mul3A_347 = arith.mulf %mul3A_346, %mul3A_345 : vector<16xf32>
      %sub3A_348 = arith.constant 1.500000e+00 : f32
      %sub3A_349 = vector.broadcast %sub3A_348 : f32 to vector<16xf32>
      %sub3A_350 = arith.subf %sub3A_349, %mul3A_347 : vector<16xf32>
      %mul3A_351 = arith.mulf %mul3A_345, %sub3A_350 : vector<16xf32>
      %mul3A_352 = arith.mulf %mul3A_339, %mul3A_351 : vector<16xf32>
      %mul3A_353 = arith.mulf %mul3A_352, %mul3A_351 : vector<16xf32>
      %sub3A_354 = arith.constant 1.500000e+00 : f32
      %sub3A_355 = vector.broadcast %sub3A_354 : f32 to vector<16xf32>
      %sub3A_356 = arith.subf %sub3A_355, %mul3A_353 : vector<16xf32>
      %mul3A_357 = arith.mulf %mul3A_351, %sub3A_356 : vector<16xf32>
      %mul3A_358 = arith.mulf %mul3A_339, %mul3A_357 : vector<16xf32>
      %mul3A_359 = arith.mulf %mul3A_358, %mul3A_357 : vector<16xf32>
      %sub3A_360 = arith.constant 1.500000e+00 : f32
      %sub3A_361 = vector.broadcast %sub3A_360 : f32 to vector<16xf32>
      %sub3A_362 = arith.subf %sub3A_361, %mul3A_359 : vector<16xf32>
      %mul3A_363 = arith.mulf %mul3A_357, %sub3A_362 : vector<16xf32>
      %mul3A_364 = arith.mulf %add3A_328, %mul3A_363 : vector<16xf32>
      %broadcast_in_dim3A_365 = arith.constant -1.000000e+00 : f32
      %broadcast_in_dim3A_366 = vector.broadcast %broadcast_in_dim3A_365 : f32 to vector<16xf32>
      %select_n3A_367 = arith.select %lt3A_303, %sub3A_309, %broadcast_in_dim3A_366 : vector<16xi1>, vector<16xf32>
      %select_n3A_368 = arith.select %lt3A_303, %sub3A_310, %broadcast_in_dim3A_366 : vector<16xi1>, vector<16xf32>
      %select_n3A_369 = arith.select %lt3A_303, %sub3A_311, %broadcast_in_dim3A_366 : vector<16xi1>, vector<16xf32>
      %select_n3A_370 = arith.select %lt3A_303, %sub3A_312, %broadcast_in_dim3A_366 : vector<16xi1>, vector<16xf32>
      %shift_right_arithmetic3A_371 = arith.constant 3 : i32
      %shift_right_arithmetic3A_372 = arith.shrsi %scan3A_260, %shift_right_arithmetic3A_371 : i32
      %mul3A_373 = arith.constant 512 : i32
      %mul3A_374 = arith.muli %shift_right_arithmetic3A_372, %mul3A_373 : i32
      %and3A_375 = arith.constant 7 : i32
      %and3A_376 = arith.andi %scan3A_260, %and3A_375 : i32
      %mul3A_377 = arith.constant 16 : i32
      %mul3A_378 = arith.muli %and3A_376, %mul3A_377 : i32
      %add3A_379 = arith.addi %mul3A_374, %mul3A_378 : i32
      %swap3A_380 = arith.index_cast %add3A_379 : i32 to index
      %swap3A_381 = tpu.vector_load %arg31[%swap3A_380] {strides = array<i32>} : memref<1024xf32, #tpu.memory_space<vmem>>, vector<16xf32>,
      tpu.vector_store %arg31[%swap3A_380], %select_n3A_367 {strides = array<i32>} : memref<1024xf32, #tpu.memory_space<vmem>>, vector<16xf32>,
      %add3A_382 = arith.constant 128 : i32
      %add3A_383 = arith.addi %add3A_379, %add3A_382 : i32
      %swap3A_384 = arith.index_cast %add3A_383 : i32 to index
      %swap3A_385 = tpu.vector_load %arg31[%swap3A_384] {strides = array<i32>} : memref<1024xf32, #tpu.memory_space<vmem>>, vector<16xf32>,
      tpu.vector_store %arg31[%swap3A_384], %select_n3A_368 {strides = array<i32>} : memref<1024xf32, #tpu.memory_space<vmem>>, vector<16xf32>,
      %add3A_386 = arith.constant 256 : i32
      %add3A_387 = arith.addi %add3A_379, %add3A_386 : i32
      %swap3A_388 = arith.index_cast %add3A_387 : i32 to index
      %swap3A_389 = tpu.vector_load %arg31[%swap3A_388] {strides = array<i32>} : memref<1024xf32, #tpu.memory_space<vmem>>, vector<16xf32>,
      tpu.vector_store %arg31[%swap3A_388], %select_n3A_369 {strides = array<i32>} : memref<1024xf32, #tpu.memory_space<vmem>>, vector<16xf32>,
      %add3A_390 = arith.constant 384 : i32
      %add3A_391 = arith.addi %add3A_379, %add3A_390 : i32
      %swap3A_392 = arith.index_cast %add3A_391 : i32 to index
      %swap3A_393 = tpu.vector_load %arg31[%swap3A_392] {strides = array<i32>} : memref<1024xf32, #tpu.memory_space<vmem>>, vector<16xf32>,
      tpu.vector_store %arg31[%swap3A_392], %select_n3A_370 {strides = array<i32>} : memref<1024xf32, #tpu.memory_space<vmem>>, vector<16xf32>,
      %select_n3A_394 = arith.select %lt3A_303, %mul3A_364, %broadcast_in_dim3A_366 : vector<16xi1>, vector<16xf32>
      %swap3A_395 = arith.index_cast %add3A_290 : i32 to index
      %swap3A_396 = tpu.vector_load %arg29[%swap3A_395] {strides = array<i32>} : memref<1376xf32, #tpu.memory_space<vmem>>, vector<16xf32>,
      tpu.vector_store %arg29[%swap3A_395], %select_n3A_394 {strides = array<i32>} : memref<1376xf32, #tpu.memory_space<vmem>>, vector<16xf32>,
      %broadcast_in_dim3A_397 = arith.constant 0 : i32
      %broadcast_in_dim3A_398 = vector.broadcast %broadcast_in_dim3A_397 : i32 to vector<16xi32>
      %select_n3A_399 = arith.select %lt3A_303, %gather3A_308, %broadcast_in_dim3A_398 : vector<16xi1>, vector<16xi32>
      %swap3A_400 = arith.index_cast %add3A_290 : i32 to index
      %swap3A_401 = tpu.vector_load %arg28[%swap3A_400] {strides = array<i32>} : memref<1376xi32, #tpu.memory_space<vmem>>, vector<16xi32>,
      tpu.vector_store %arg28[%swap3A_400], %select_n3A_399 {strides = array<i32>} : memref<1376xi32, #tpu.memory_space<vmem>>, vector<16xi32>,
      %scan3A_402 = arith.constant 0 : i32
      scf.yield %scan3A_402 : i32
    }
    %scan3A_26 = arith.constant 16 : i32
    %scan3A_27 = arith.constant 0 : i32
    %scan3A_28 = arith.constant 0 : i32
    %scan3A_29 = arith.constant 4 : i32
    %scan3A_30 = arith.addi %scan3A_28, %scan3A_29 : i32
    %scan3A_31 = arith.constant 1 : i32
    %scan3A_32 = scf.for %scan3A_260 = %scan3A_28 to %scan3A_30 step %scan3A_31 iter_args(%scan3A_261 = %scan3A_27) -> (i32)  : i32 {
      %and3A_262 = arith.constant 3 : i32
      %and3A_263 = arith.andi %add3A, %and3A_262 : i32
      %mul3A_264 = arith.constant 128 : i32
      %mul3A_265 = arith.muli %and3A_263, %mul3A_264 : i32
      %mul3A_266 = arith.constant 32 : i32
      %mul3A_267 = arith.muli %scan3A_260, %mul3A_266 : i32
      %add3A_268 = arith.addi %mul3A_265, %mul3A_267 : i32
      %add3A_269 = arith.constant 16 : i32
      %add3A_270 = arith.addi %add3A_268, %add3A_269 : i32
      %mul3A_271 = arith.constant 0 : i32
      %mul3A_272 = arith.muli %scan3A_260, %mul3A_271 : i32
      %add3A_273 = arith.constant 16 : i32
      %add3A_274 = arith.addi %mul3A_272, %add3A_273 : i32
      %mul3A_275 = arith.constant 3.200000e+01 : f32
      %mul3A_276 = vector.broadcast %mul3A_275 : f32 to vector<16xf32>
      %mul3A_277 = arith.mulf %convert_element_type3A, %mul3A_276 : vector<16xf32>
      %convert_element_type3A_278 = arith.sitofp %add3A_274 : i32 to f32
      %add3A_279 = vector.broadcast %convert_element_type3A_278 : f32 to vector<16xf32>
      %add3A_280 = arith.addf %mul3A_277, %add3A_279 : vector<16xf32>
      %broadcast_in_dim3A_281 = vector.broadcast %add3A_270 : i32 to vector<16xi32>
      %convert_element_type3A_282 = arith.sitofp %broadcast_in_dim3A_281 : vector<16xi32> to vector<16xf32>
      %mul3A_283 = arith.constant 16 : i32
      %mul3A_284 = arith.muli %scan3A_260, %mul3A_283 : i32
      %add3A_285 = arith.constant 1280 : i32
      %add3A_286 = arith.addi %add3A_285, %mul3A_284 : i32
      %add3A_287 = arith.addf %add3A_280, %add3A_280 : vector<16xf32>
      %add3A_288 = arith.addf %convert_element_type3A_282, %convert_element_type3A_282 : vector<16xf32>
      %broadcast_in_dim3A_289 = arith.constant 1.000000e+08 : f32
      %broadcast_in_dim3A_290 = vector.broadcast %broadcast_in_dim3A_289 : f32 to vector<16xf32>
      %scan3A_291 = arith.constant 0 : i32
      %scan3A_292 = arith.constant 10 : i32
      %scan3A_293 = arith.addi %scan3A_291, %scan3A_292 : i32
      %scan3A_294 = arith.constant 1 : i32
      %scan3A_295:3 = scf.for %scan3A_392 = %scan3A_291 to %scan3A_293 step %scan3A_294 iter_args(%scan3A_393 = %broadcast_in_dim3A_290, %scan3A_394 = %broadcast_in_dim3A, %scan3A_395 = %broadcast_in_dim3A) -> (vector<16xf32>, vector<16xi32>, vector<16xi32>)  : i32 {
        %gather3A_396 = tpu.vector_load_idx %arg21[%scan3A_395] : memref<400xf32, #tpu.memory_space<vmem>>[vector<16xi32>], vector<16xf32>,
        %gather3A_397 = tpu.vector_load_idx %arg22[%scan3A_395] : memref<400xf32, #tpu.memory_space<vmem>>[vector<16xi32>], vector<16xf32>,
        %gather3A_398 = tpu.vector_load_idx %arg23[%scan3A_395] : memref<400xf32, #tpu.memory_space<vmem>>[vector<16xi32>], vector<16xf32>,
        %gather3A_399 = tpu.vector_load_idx %arg24[%scan3A_395] : memref<400xf32, #tpu.memory_space<vmem>>[vector<16xi32>], vector<16xf32>,
        %gather3A_400 = tpu.vector_load_idx %arg25[%scan3A_395] : memref<400xf32, #tpu.memory_space<vmem>>[vector<16xi32>], vector<16xf32>,
        %gather3A_401 = tpu.vector_load_idx %arg26[%scan3A_395] : memref<400xf32, #tpu.memory_space<vmem>>[vector<16xi32>], vector<16xf32>,
        %gather3A_402 = tpu.vector_load_idx %arg27[%scan3A_395] : memref<400xf32, #tpu.memory_space<vmem>>[vector<16xi32>], vector<16xf32>,
        %sub3A_403 = arith.subf %add3A_280, %gather3A_396 : vector<16xf32>
        %sub3A_404 = arith.subf %convert_element_type3A_282, %gather3A_397 : vector<16xf32>
        %sub3A_405 = arith.subf %gather3A_398, %add3A_280 : vector<16xf32>
        %sub3A_406 = arith.subf %gather3A_399, %convert_element_type3A_282 : vector<16xf32>
        %min3A_407 = arith.minimumf %sub3A_403, %sub3A_404 : vector<16xf32>
        %min3A_408 = arith.minimumf %sub3A_405, %sub3A_406 : vector<16xf32>
        %min3A_409 = arith.minimumf %min3A_407, %min3A_408 : vector<16xf32>
        %max3A_410 = arith.maximumf %sub3A_403, %sub3A_404 : vector<16xf32>
        %max3A_411 = arith.maximumf %sub3A_405, %sub3A_406 : vector<16xf32>
        %max3A_412 = arith.maximumf %max3A_410, %max3A_411 : vector<16xf32>
        %sub3A_413 = arith.subf %add3A_287, %gather3A_400 : vector<16xf32>
        %abs3A = math.absf %sub3A_413 : vector<16xf32>
        %sub3A_414 = arith.subf %add3A_288, %gather3A_401 : vector<16xf32>
        %abs3A_415 = math.absf %sub3A_414 : vector<16xf32>
        %max3A_416 = arith.maximumf %abs3A, %abs3A_415 : vector<16xf32>
        %gt3A = arith.constant 0.000000e+00 : f32
        %gt3A_417 = vector.broadcast %gt3A : f32 to vector<16xf32>
        %gt3A_418 = arith.cmpf ogt, %min3A_409, %gt3A_417 : vector<16xf32>
        %lt3A_419 = arith.constant 9.600000e+01 : f32
        %lt3A_420 = vector.broadcast %lt3A_419 : f32 to vector<16xf32>
        %lt3A_421 = arith.cmpf olt, %max3A_416, %lt3A_420 : vector<16xf32>
        %and3A_422 = arith.andi %gt3A_418, %lt3A_421 : vector<16xi1>
        %le3A = arith.constant 2.560000e+02 : f32
        %le3A_423 = vector.broadcast %le3A : f32 to vector<16xf32>
        %le3A_424 = arith.cmpf ole, %max3A_412, %le3A_423 : vector<16xf32>
        %and3A_425 = arith.andi %and3A_422, %le3A_424 : vector<16xi1>
        %ge3A = arith.constant 1.280000e+02 : f32
        %ge3A_426 = vector.broadcast %ge3A : f32 to vector<16xf32>
        %ge3A_427 = arith.cmpf oge, %max3A_412, %ge3A_426 : vector<16xf32>
        %and3A_428 = arith.andi %and3A_425, %ge3A_427 : vector<16xi1>
        %lt3A_429 = arith.cmpf olt, %gather3A_402, %scan3A_393 : vector<16xf32>
        %and3A_430 = arith.andi %and3A_428, %lt3A_429 : vector<16xi1>
        %select_n3A_431 = arith.select %and3A_430, %gather3A_402, %scan3A_393 : vector<16xi1>, vector<16xf32>
        %select_n3A_432 = arith.select %and3A_430, %scan3A_395, %scan3A_394 : vector<16xi1>, vector<16xi32>
        %add3A_433 = arith.constant 1 : i32
        %add3A_434 = vector.broadcast %add3A_433 : i32 to vector<16xi32>
        %add3A_435 = arith.addi %scan3A_395, %add3A_434 : vector<16xi32>
        %gather3A_436 = tpu.vector_load_idx %arg21[%add3A_435] : memref<400xf32, #tpu.memory_space<vmem>>[vector<16xi32>], vector<16xf32>,
        %gather3A_437 = tpu.vector_load_idx %arg22[%add3A_435] : memref<400xf32, #tpu.memory_space<vmem>>[vector<16xi32>], vector<16xf32>,
        %gather3A_438 = tpu.vector_load_idx %arg23[%add3A_435] : memref<400xf32, #tpu.memory_space<vmem>>[vector<16xi32>], vector<16xf32>,
        %gather3A_439 = tpu.vector_load_idx %arg24[%add3A_435] : memref<400xf32, #tpu.memory_space<vmem>>[vector<16xi32>], vector<16xf32>,
        %gather3A_440 = tpu.vector_load_idx %arg25[%add3A_435] : memref<400xf32, #tpu.memory_space<vmem>>[vector<16xi32>], vector<16xf32>,
        %gather3A_441 = tpu.vector_load_idx %arg26[%add3A_435] : memref<400xf32, #tpu.memory_space<vmem>>[vector<16xi32>], vector<16xf32>,
        %gather3A_442 = tpu.vector_load_idx %arg27[%add3A_435] : memref<400xf32, #tpu.memory_space<vmem>>[vector<16xi32>], vector<16xf32>,
        %sub3A_443 = arith.subf %add3A_280, %gather3A_436 : vector<16xf32>
        %sub3A_444 = arith.subf %convert_element_type3A_282, %gather3A_437 : vector<16xf32>
        %sub3A_445 = arith.subf %gather3A_438, %add3A_280 : vector<16xf32>
        %sub3A_446 = arith.subf %gather3A_439, %convert_element_type3A_282 : vector<16xf32>
        %min3A_447 = arith.minimumf %sub3A_443, %sub3A_444 : vector<16xf32>
        %min3A_448 = arith.minimumf %sub3A_445, %sub3A_446 : vector<16xf32>
        %min3A_449 = arith.minimumf %min3A_447, %min3A_448 : vector<16xf32>
        %max3A_450 = arith.maximumf %sub3A_443, %sub3A_444 : vector<16xf32>
        %max3A_451 = arith.maximumf %sub3A_445, %sub3A_446 : vector<16xf32>
        %max3A_452 = arith.maximumf %max3A_450, %max3A_451 : vector<16xf32>
        %sub3A_453 = arith.subf %add3A_287, %gather3A_440 : vector<16xf32>
        %abs3A_454 = math.absf %sub3A_453 : vector<16xf32>
        %sub3A_455 = arith.subf %add3A_288, %gather3A_441 : vector<16xf32>
        %abs3A_456 = math.absf %sub3A_455 : vector<16xf32>
        %max3A_457 = arith.maximumf %abs3A_454, %abs3A_456 : vector<16xf32>
        %gt3A_458 = arith.constant 0.000000e+00 : f32
        %gt3A_459 = vector.broadcast %gt3A_458 : f32 to vector<16xf32>
        %gt3A_460 = arith.cmpf ogt, %min3A_449, %gt3A_459 : vector<16xf32>
        %lt3A_461 = arith.constant 9.600000e+01 : f32
        %lt3A_462 = vector.broadcast %lt3A_461 : f32 to vector<16xf32>
        %lt3A_463 = arith.cmpf olt, %max3A_457, %lt3A_462 : vector<16xf32>
        %and3A_464 = arith.andi %gt3A_460, %lt3A_463 : vector<16xi1>
        %le3A_465 = arith.constant 2.560000e+02 : f32
        %le3A_466 = vector.broadcast %le3A_465 : f32 to vector<16xf32>
        %le3A_467 = arith.cmpf ole, %max3A_452, %le3A_466 : vector<16xf32>
        %and3A_468 = arith.andi %and3A_464, %le3A_467 : vector<16xi1>
        %ge3A_469 = arith.constant 1.280000e+02 : f32
        %ge3A_470 = vector.broadcast %ge3A_469 : f32 to vector<16xf32>
        %ge3A_471 = arith.cmpf oge, %max3A_452, %ge3A_470 : vector<16xf32>
        %and3A_472 = arith.andi %and3A_468, %ge3A_471 : vector<16xi1>
        %lt3A_473 = arith.cmpf olt, %gather3A_442, %select_n3A_431 : vector<16xf32>
        %and3A_474 = arith.andi %and3A_472, %lt3A_473 : vector<16xi1>
        %select_n3A_475 = arith.select %and3A_474, %gather3A_442, %select_n3A_431 : vector<16xi1>, vector<16xf32>
        %select_n3A_476 = arith.select %and3A_474, %add3A_435, %select_n3A_432 : vector<16xi1>, vector<16xi32>
        %add3A_477 = arith.constant 1 : i32
        %add3A_478 = vector.broadcast %add3A_477 : i32 to vector<16xi32>
        %add3A_479 = arith.addi %add3A_435, %add3A_478 : vector<16xi32>
        %gather3A_480 = tpu.vector_load_idx %arg21[%add3A_479] : memref<400xf32, #tpu.memory_space<vmem>>[vector<16xi32>], vector<16xf32>,
        %gather3A_481 = tpu.vector_load_idx %arg22[%add3A_479] : memref<400xf32, #tpu.memory_space<vmem>>[vector<16xi32>], vector<16xf32>,
        %gather3A_482 = tpu.vector_load_idx %arg23[%add3A_479] : memref<400xf32, #tpu.memory_space<vmem>>[vector<16xi32>], vector<16xf32>,
        %gather3A_483 = tpu.vector_load_idx %arg24[%add3A_479] : memref<400xf32, #tpu.memory_space<vmem>>[vector<16xi32>], vector<16xf32>,
        %gather3A_484 = tpu.vector_load_idx %arg25[%add3A_479] : memref<400xf32, #tpu.memory_space<vmem>>[vector<16xi32>], vector<16xf32>,
        %gather3A_485 = tpu.vector_load_idx %arg26[%add3A_479] : memref<400xf32, #tpu.memory_space<vmem>>[vector<16xi32>], vector<16xf32>,
        %gather3A_486 = tpu.vector_load_idx %arg27[%add3A_479] : memref<400xf32, #tpu.memory_space<vmem>>[vector<16xi32>], vector<16xf32>,
        %sub3A_487 = arith.subf %add3A_280, %gather3A_480 : vector<16xf32>
        %sub3A_488 = arith.subf %convert_element_type3A_282, %gather3A_481 : vector<16xf32>
        %sub3A_489 = arith.subf %gather3A_482, %add3A_280 : vector<16xf32>
        %sub3A_490 = arith.subf %gather3A_483, %convert_element_type3A_282 : vector<16xf32>
        %min3A_491 = arith.minimumf %sub3A_487, %sub3A_488 : vector<16xf32>
        %min3A_492 = arith.minimumf %sub3A_489, %sub3A_490 : vector<16xf32>
        %min3A_493 = arith.minimumf %min3A_491, %min3A_492 : vector<16xf32>
        %max3A_494 = arith.maximumf %sub3A_487, %sub3A_488 : vector<16xf32>
        %max3A_495 = arith.maximumf %sub3A_489, %sub3A_490 : vector<16xf32>
        %max3A_496 = arith.maximumf %max3A_494, %max3A_495 : vector<16xf32>
        %sub3A_497 = arith.subf %add3A_287, %gather3A_484 : vector<16xf32>
        %abs3A_498 = math.absf %sub3A_497 : vector<16xf32>
        %sub3A_499 = arith.subf %add3A_288, %gather3A_485 : vector<16xf32>
        %abs3A_500 = math.absf %sub3A_499 : vector<16xf32>
        %max3A_501 = arith.maximumf %abs3A_498, %abs3A_500 : vector<16xf32>
        %gt3A_502 = arith.constant 0.000000e+00 : f32
        %gt3A_503 = vector.broadcast %gt3A_502 : f32 to vector<16xf32>
        %gt3A_504 = arith.cmpf ogt, %min3A_493, %gt3A_503 : vector<16xf32>
        %lt3A_505 = arith.constant 9.600000e+01 : f32
        %lt3A_506 = vector.broadcast %lt3A_505 : f32 to vector<16xf32>
        %lt3A_507 = arith.cmpf olt, %max3A_501, %lt3A_506 : vector<16xf32>
        %and3A_508 = arith.andi %gt3A_504, %lt3A_507 : vector<16xi1>
        %le3A_509 = arith.constant 2.560000e+02 : f32
        %le3A_510 = vector.broadcast %le3A_509 : f32 to vector<16xf32>
        %le3A_511 = arith.cmpf ole, %max3A_496, %le3A_510 : vector<16xf32>
        %and3A_512 = arith.andi %and3A_508, %le3A_511 : vector<16xi1>
        %ge3A_513 = arith.constant 1.280000e+02 : f32
        %ge3A_514 = vector.broadcast %ge3A_513 : f32 to vector<16xf32>
        %ge3A_515 = arith.cmpf oge, %max3A_496, %ge3A_514 : vector<16xf32>
        %and3A_516 = arith.andi %and3A_512, %ge3A_515 : vector<16xi1>
        %lt3A_517 = arith.cmpf olt, %gather3A_486, %select_n3A_475 : vector<16xf32>
        %and3A_518 = arith.andi %and3A_516, %lt3A_517 : vector<16xi1>
        %select_n3A_519 = arith.select %and3A_518, %gather3A_486, %select_n3A_475 : vector<16xi1>, vector<16xf32>
        %select_n3A_520 = arith.select %and3A_518, %add3A_479, %select_n3A_476 : vector<16xi1>, vector<16xi32>
        %add3A_521 = arith.constant 1 : i32
        %add3A_522 = vector.broadcast %add3A_521 : i32 to vector<16xi32>
        %add3A_523 = arith.addi %add3A_479, %add3A_522 : vector<16xi32>
        %gather3A_524 = tpu.vector_load_idx %arg21[%add3A_523] : memref<400xf32, #tpu.memory_space<vmem>>[vector<16xi32>], vector<16xf32>,
        %gather3A_525 = tpu.vector_load_idx %arg22[%add3A_523] : memref<400xf32, #tpu.memory_space<vmem>>[vector<16xi32>], vector<16xf32>,
        %gather3A_526 = tpu.vector_load_idx %arg23[%add3A_523] : memref<400xf32, #tpu.memory_space<vmem>>[vector<16xi32>], vector<16xf32>,
        %gather3A_527 = tpu.vector_load_idx %arg24[%add3A_523] : memref<400xf32, #tpu.memory_space<vmem>>[vector<16xi32>], vector<16xf32>,
        %gather3A_528 = tpu.vector_load_idx %arg25[%add3A_523] : memref<400xf32, #tpu.memory_space<vmem>>[vector<16xi32>], vector<16xf32>,
        %gather3A_529 = tpu.vector_load_idx %arg26[%add3A_523] : memref<400xf32, #tpu.memory_space<vmem>>[vector<16xi32>], vector<16xf32>,
        %gather3A_530 = tpu.vector_load_idx %arg27[%add3A_523] : memref<400xf32, #tpu.memory_space<vmem>>[vector<16xi32>], vector<16xf32>,
        %sub3A_531 = arith.subf %add3A_280, %gather3A_524 : vector<16xf32>
        %sub3A_532 = arith.subf %convert_element_type3A_282, %gather3A_525 : vector<16xf32>
        %sub3A_533 = arith.subf %gather3A_526, %add3A_280 : vector<16xf32>
        %sub3A_534 = arith.subf %gather3A_527, %convert_element_type3A_282 : vector<16xf32>
        %min3A_535 = arith.minimumf %sub3A_531, %sub3A_532 : vector<16xf32>
        %min3A_536 = arith.minimumf %sub3A_533, %sub3A_534 : vector<16xf32>
        %min3A_537 = arith.minimumf %min3A_535, %min3A_536 : vector<16xf32>
        %max3A_538 = arith.maximumf %sub3A_531, %sub3A_532 : vector<16xf32>
        %max3A_539 = arith.maximumf %sub3A_533, %sub3A_534 : vector<16xf32>
        %max3A_540 = arith.maximumf %max3A_538, %max3A_539 : vector<16xf32>
        %sub3A_541 = arith.subf %add3A_287, %gather3A_528 : vector<16xf32>
        %abs3A_542 = math.absf %sub3A_541 : vector<16xf32>
        %sub3A_543 = arith.subf %add3A_288, %gather3A_529 : vector<16xf32>
        %abs3A_544 = math.absf %sub3A_543 : vector<16xf32>
        %max3A_545 = arith.maximumf %abs3A_542, %abs3A_544 : vector<16xf32>
        %gt3A_546 = arith.constant 0.000000e+00 : f32
        %gt3A_547 = vector.broadcast %gt3A_546 : f32 to vector<16xf32>
        %gt3A_548 = arith.cmpf ogt, %min3A_537, %gt3A_547 : vector<16xf32>
        %lt3A_549 = arith.constant 9.600000e+01 : f32
        %lt3A_550 = vector.broadcast %lt3A_549 : f32 to vector<16xf32>
        %lt3A_551 = arith.cmpf olt, %max3A_545, %lt3A_550 : vector<16xf32>
        %and3A_552 = arith.andi %gt3A_548, %lt3A_551 : vector<16xi1>
        %le3A_553 = arith.constant 2.560000e+02 : f32
        %le3A_554 = vector.broadcast %le3A_553 : f32 to vector<16xf32>
        %le3A_555 = arith.cmpf ole, %max3A_540, %le3A_554 : vector<16xf32>
        %and3A_556 = arith.andi %and3A_552, %le3A_555 : vector<16xi1>
        %ge3A_557 = arith.constant 1.280000e+02 : f32
        %ge3A_558 = vector.broadcast %ge3A_557 : f32 to vector<16xf32>
        %ge3A_559 = arith.cmpf oge, %max3A_540, %ge3A_558 : vector<16xf32>
        %and3A_560 = arith.andi %and3A_556, %ge3A_559 : vector<16xi1>
        %lt3A_561 = arith.cmpf olt, %gather3A_530, %select_n3A_519 : vector<16xf32>
        %and3A_562 = arith.andi %and3A_560, %lt3A_561 : vector<16xi1>
        %select_n3A_563 = arith.select %and3A_562, %gather3A_530, %select_n3A_519 : vector<16xi1>, vector<16xf32>
        %select_n3A_564 = arith.select %and3A_562, %add3A_523, %select_n3A_520 : vector<16xi1>, vector<16xi32>
        %add3A_565 = arith.constant 1 : i32
        %add3A_566 = vector.broadcast %add3A_565 : i32 to vector<16xi32>
        %add3A_567 = arith.addi %add3A_523, %add3A_566 : vector<16xi32>
        %gather3A_568 = tpu.vector_load_idx %arg21[%add3A_567] : memref<400xf32, #tpu.memory_space<vmem>>[vector<16xi32>], vector<16xf32>,
        %gather3A_569 = tpu.vector_load_idx %arg22[%add3A_567] : memref<400xf32, #tpu.memory_space<vmem>>[vector<16xi32>], vector<16xf32>,
        %gather3A_570 = tpu.vector_load_idx %arg23[%add3A_567] : memref<400xf32, #tpu.memory_space<vmem>>[vector<16xi32>], vector<16xf32>,
        %gather3A_571 = tpu.vector_load_idx %arg24[%add3A_567] : memref<400xf32, #tpu.memory_space<vmem>>[vector<16xi32>], vector<16xf32>,
        %gather3A_572 = tpu.vector_load_idx %arg25[%add3A_567] : memref<400xf32, #tpu.memory_space<vmem>>[vector<16xi32>], vector<16xf32>,
        %gather3A_573 = tpu.vector_load_idx %arg26[%add3A_567] : memref<400xf32, #tpu.memory_space<vmem>>[vector<16xi32>], vector<16xf32>,
        %gather3A_574 = tpu.vector_load_idx %arg27[%add3A_567] : memref<400xf32, #tpu.memory_space<vmem>>[vector<16xi32>], vector<16xf32>,
        %sub3A_575 = arith.subf %add3A_280, %gather3A_568 : vector<16xf32>
        %sub3A_576 = arith.subf %convert_element_type3A_282, %gather3A_569 : vector<16xf32>
        %sub3A_577 = arith.subf %gather3A_570, %add3A_280 : vector<16xf32>
        %sub3A_578 = arith.subf %gather3A_571, %convert_element_type3A_282 : vector<16xf32>
        %min3A_579 = arith.minimumf %sub3A_575, %sub3A_576 : vector<16xf32>
        %min3A_580 = arith.minimumf %sub3A_577, %sub3A_578 : vector<16xf32>
        %min3A_581 = arith.minimumf %min3A_579, %min3A_580 : vector<16xf32>
        %max3A_582 = arith.maximumf %sub3A_575, %sub3A_576 : vector<16xf32>
        %max3A_583 = arith.maximumf %sub3A_577, %sub3A_578 : vector<16xf32>
        %max3A_584 = arith.maximumf %max3A_582, %max3A_583 : vector<16xf32>
        %sub3A_585 = arith.subf %add3A_287, %gather3A_572 : vector<16xf32>
        %abs3A_586 = math.absf %sub3A_585 : vector<16xf32>
        %sub3A_587 = arith.subf %add3A_288, %gather3A_573 : vector<16xf32>
        %abs3A_588 = math.absf %sub3A_587 : vector<16xf32>
        %max3A_589 = arith.maximumf %abs3A_586, %abs3A_588 : vector<16xf32>
        %gt3A_590 = arith.constant 0.000000e+00 : f32
        %gt3A_591 = vector.broadcast %gt3A_590 : f32 to vector<16xf32>
        %gt3A_592 = arith.cmpf ogt, %min3A_581, %gt3A_591 : vector<16xf32>
        %lt3A_593 = arith.constant 9.600000e+01 : f32
        %lt3A_594 = vector.broadcast %lt3A_593 : f32 to vector<16xf32>
        %lt3A_595 = arith.cmpf olt, %max3A_589, %lt3A_594 : vector<16xf32>
        %and3A_596 = arith.andi %gt3A_592, %lt3A_595 : vector<16xi1>
        %le3A_597 = arith.constant 2.560000e+02 : f32
        %le3A_598 = vector.broadcast %le3A_597 : f32 to vector<16xf32>
        %le3A_599 = arith.cmpf ole, %max3A_584, %le3A_598 : vector<16xf32>
        %and3A_600 = arith.andi %and3A_596, %le3A_599 : vector<16xi1>
        %ge3A_601 = arith.constant 1.280000e+02 : f32
        %ge3A_602 = vector.broadcast %ge3A_601 : f32 to vector<16xf32>
        %ge3A_603 = arith.cmpf oge, %max3A_584, %ge3A_602 : vector<16xf32>
        %and3A_604 = arith.andi %and3A_600, %ge3A_603 : vector<16xi1>
        %lt3A_605 = arith.cmpf olt, %gather3A_574, %select_n3A_563 : vector<16xf32>
        %and3A_606 = arith.andi %and3A_604, %lt3A_605 : vector<16xi1>
        %select_n3A_607 = arith.select %and3A_606, %gather3A_574, %select_n3A_563 : vector<16xi1>, vector<16xf32>
        %select_n3A_608 = arith.select %and3A_606, %add3A_567, %select_n3A_564 : vector<16xi1>, vector<16xi32>
        %add3A_609 = arith.constant 1 : i32
        %add3A_610 = vector.broadcast %add3A_609 : i32 to vector<16xi32>
        %add3A_611 = arith.addi %add3A_567, %add3A_610 : vector<16xi32>
        scf.yield %select_n3A_607, %select_n3A_608, %add3A_611 : vector<16xf32>, vector<16xi32>, vector<16xi32>
      }
      %scan3A_296 = arith.constant 10 : i32
      %lt3A_297 = arith.constant 1.000000e+08 : f32
      %lt3A_298 = vector.broadcast %lt3A_297 : f32 to vector<16xf32>
      %lt3A_299 = arith.cmpf olt, %scan3A_295#0, %lt3A_298 : vector<16xf32>
      %gather3A_300 = tpu.vector_load_idx %arg21[%scan3A_295#1] : memref<400xf32, #tpu.memory_space<vmem>>[vector<16xi32>], vector<16xf32>,
      %gather3A_301 = tpu.vector_load_idx %arg22[%scan3A_295#1] : memref<400xf32, #tpu.memory_space<vmem>>[vector<16xi32>], vector<16xf32>,
      %gather3A_302 = tpu.vector_load_idx %arg23[%scan3A_295#1] : memref<400xf32, #tpu.memory_space<vmem>>[vector<16xi32>], vector<16xf32>,
      %gather3A_303 = tpu.vector_load_idx %arg24[%scan3A_295#1] : memref<400xf32, #tpu.memory_space<vmem>>[vector<16xi32>], vector<16xf32>,
      %gather3A_304 = tpu.vector_load_idx %arg20[%scan3A_295#1] : memref<400xi32, #tpu.memory_space<vmem>>[vector<16xi32>], vector<16xi32>,
      %sub3A_305 = arith.subf %add3A_280, %gather3A_300 : vector<16xf32>
      %sub3A_306 = arith.subf %convert_element_type3A_282, %gather3A_301 : vector<16xf32>
      %sub3A_307 = arith.subf %gather3A_302, %add3A_280 : vector<16xf32>
      %sub3A_308 = arith.subf %gather3A_303, %convert_element_type3A_282 : vector<16xf32>
      %min3A_309 = arith.minimumf %sub3A_305, %sub3A_307 : vector<16xf32>
      %max3A_310 = arith.maximumf %sub3A_305, %sub3A_307 : vector<16xf32>
      %min3A_311 = arith.minimumf %sub3A_306, %sub3A_308 : vector<16xf32>
      %max3A_312 = arith.maximumf %sub3A_306, %sub3A_308 : vector<16xf32>
      %mul3A_313 = arith.mulf %min3A_309, %min3A_311 : vector<16xf32>
      %mul3A_314 = arith.mulf %max3A_310, %max3A_312 : vector<16xf32>
      %add3A_315 = arith.constant 1.000000e-10 : f32
      %add3A_316 = vector.broadcast %add3A_315 : f32 to vector<16xf32>
      %add3A_317 = arith.addf %mul3A_314, %add3A_316 : vector<16xf32>
      %div3A_318 = arith.divf %mul3A_313, %add3A_317 : vector<16xf32>
      %max3A_319 = arith.constant 0.000000e+00 : f32
      %max3A_320 = vector.broadcast %max3A_319 : f32 to vector<16xf32>
      %max3A_321 = arith.maximumf %div3A_318, %max3A_320 : vector<16xf32>
      %add3A_322 = arith.constant 9.99999996E-13 : f32
      %add3A_323 = vector.broadcast %add3A_322 : f32 to vector<16xf32>
      %add3A_324 = arith.addf %max3A_321, %add3A_323 : vector<16xf32>
      %bitcast_convert_type3A_325 = tpu.bitcast %add3A_324 : vector<16xf32> -> vector<16xi32>
      %shift_right_arithmetic3A_326 = arith.constant 1 : i32
      %shift_right_arithmetic3A_327 = vector.broadcast %shift_right_arithmetic3A_326 : i32 to vector<16xi32>
      %shift_right_arithmetic3A_328 = arith.shrsi %bitcast_convert_type3A_325, %shift_right_arithmetic3A_327 : vector<16xi32>
      %sub3A_329 = arith.constant 1597463007 : i32
      %sub3A_330 = vector.broadcast %sub3A_329 : i32 to vector<16xi32>
      %sub3A_331 = arith.subi %sub3A_330, %shift_right_arithmetic3A_328 : vector<16xi32>
      %bitcast_convert_type3A_332 = tpu.bitcast %sub3A_331 : vector<16xi32> -> vector<16xf32>
      %mul3A_333 = arith.constant 5.000000e-01 : f32
      %mul3A_334 = vector.broadcast %mul3A_333 : f32 to vector<16xf32>
      %mul3A_335 = arith.mulf %add3A_324, %mul3A_334 : vector<16xf32>
      %mul3A_336 = arith.mulf %mul3A_335, %bitcast_convert_type3A_332 : vector<16xf32>
      %mul3A_337 = arith.mulf %mul3A_336, %bitcast_convert_type3A_332 : vector<16xf32>
      %sub3A_338 = arith.constant 1.500000e+00 : f32
      %sub3A_339 = vector.broadcast %sub3A_338 : f32 to vector<16xf32>
      %sub3A_340 = arith.subf %sub3A_339, %mul3A_337 : vector<16xf32>
      %mul3A_341 = arith.mulf %bitcast_convert_type3A_332, %sub3A_340 : vector<16xf32>
      %mul3A_342 = arith.mulf %mul3A_335, %mul3A_341 : vector<16xf32>
      %mul3A_343 = arith.mulf %mul3A_342, %mul3A_341 : vector<16xf32>
      %sub3A_344 = arith.constant 1.500000e+00 : f32
      %sub3A_345 = vector.broadcast %sub3A_344 : f32 to vector<16xf32>
      %sub3A_346 = arith.subf %sub3A_345, %mul3A_343 : vector<16xf32>
      %mul3A_347 = arith.mulf %mul3A_341, %sub3A_346 : vector<16xf32>
      %mul3A_348 = arith.mulf %mul3A_335, %mul3A_347 : vector<16xf32>
      %mul3A_349 = arith.mulf %mul3A_348, %mul3A_347 : vector<16xf32>
      %sub3A_350 = arith.constant 1.500000e+00 : f32
      %sub3A_351 = vector.broadcast %sub3A_350 : f32 to vector<16xf32>
      %sub3A_352 = arith.subf %sub3A_351, %mul3A_349 : vector<16xf32>
      %mul3A_353 = arith.mulf %mul3A_347, %sub3A_352 : vector<16xf32>
      %mul3A_354 = arith.mulf %mul3A_335, %mul3A_353 : vector<16xf32>
      %mul3A_355 = arith.mulf %mul3A_354, %mul3A_353 : vector<16xf32>
      %sub3A_356 = arith.constant 1.500000e+00 : f32
      %sub3A_357 = vector.broadcast %sub3A_356 : f32 to vector<16xf32>
      %sub3A_358 = arith.subf %sub3A_357, %mul3A_355 : vector<16xf32>
      %mul3A_359 = arith.mulf %mul3A_353, %sub3A_358 : vector<16xf32>
      %mul3A_360 = arith.mulf %add3A_324, %mul3A_359 : vector<16xf32>
      %broadcast_in_dim3A_361 = arith.constant -1.000000e+00 : f32
      %broadcast_in_dim3A_362 = vector.broadcast %broadcast_in_dim3A_361 : f32 to vector<16xf32>
      %select_n3A_363 = arith.select %lt3A_299, %sub3A_305, %broadcast_in_dim3A_362 : vector<16xi1>, vector<16xf32>
      %select_n3A_364 = arith.select %lt3A_299, %sub3A_306, %broadcast_in_dim3A_362 : vector<16xi1>, vector<16xf32>
      %select_n3A_365 = arith.select %lt3A_299, %sub3A_307, %broadcast_in_dim3A_362 : vector<16xi1>, vector<16xf32>
      %select_n3A_366 = arith.select %lt3A_299, %sub3A_308, %broadcast_in_dim3A_362 : vector<16xi1>, vector<16xf32>
      %mul3A_367 = arith.constant 16 : i32
      %mul3A_368 = arith.muli %scan3A_260, %mul3A_367 : i32
      %swap3A_369 = arith.index_cast %mul3A_368 : i32 to index
      %swap3A_370 = tpu.vector_load %arg32[%swap3A_369] {strides = array<i32>} : memref<512xf32, #tpu.memory_space<vmem>>, vector<16xf32>,
      tpu.vector_store %arg32[%swap3A_369], %select_n3A_363 {strides = array<i32>} : memref<512xf32, #tpu.memory_space<vmem>>, vector<16xf32>,
      %add3A_371 = arith.constant 128 : i32
      %add3A_372 = arith.addi %mul3A_368, %add3A_371 : i32
      %swap3A_373 = arith.index_cast %add3A_372 : i32 to index
      %swap3A_374 = tpu.vector_load %arg32[%swap3A_373] {strides = array<i32>} : memref<512xf32, #tpu.memory_space<vmem>>, vector<16xf32>,
      tpu.vector_store %arg32[%swap3A_373], %select_n3A_364 {strides = array<i32>} : memref<512xf32, #tpu.memory_space<vmem>>, vector<16xf32>,
      %add3A_375 = arith.constant 256 : i32
      %add3A_376 = arith.addi %mul3A_368, %add3A_375 : i32
      %swap3A_377 = arith.index_cast %add3A_376 : i32 to index
      %swap3A_378 = tpu.vector_load %arg32[%swap3A_377] {strides = array<i32>} : memref<512xf32, #tpu.memory_space<vmem>>, vector<16xf32>,
      tpu.vector_store %arg32[%swap3A_377], %select_n3A_365 {strides = array<i32>} : memref<512xf32, #tpu.memory_space<vmem>>, vector<16xf32>,
      %add3A_379 = arith.constant 384 : i32
      %add3A_380 = arith.addi %mul3A_368, %add3A_379 : i32
      %swap3A_381 = arith.index_cast %add3A_380 : i32 to index
      %swap3A_382 = tpu.vector_load %arg32[%swap3A_381] {strides = array<i32>} : memref<512xf32, #tpu.memory_space<vmem>>, vector<16xf32>,
      tpu.vector_store %arg32[%swap3A_381], %select_n3A_366 {strides = array<i32>} : memref<512xf32, #tpu.memory_space<vmem>>, vector<16xf32>,
      %select_n3A_383 = arith.select %lt3A_299, %mul3A_360, %broadcast_in_dim3A_362 : vector<16xi1>, vector<16xf32>
      %swap3A_384 = arith.index_cast %add3A_286 : i32 to index
      %swap3A_385 = tpu.vector_load %arg29[%swap3A_384] {strides = array<i32>} : memref<1376xf32, #tpu.memory_space<vmem>>, vector<16xf32>,
      tpu.vector_store %arg29[%swap3A_384], %select_n3A_383 {strides = array<i32>} : memref<1376xf32, #tpu.memory_space<vmem>>, vector<16xf32>,
      %broadcast_in_dim3A_386 = arith.constant 0 : i32
      %broadcast_in_dim3A_387 = vector.broadcast %broadcast_in_dim3A_386 : i32 to vector<16xi32>
      %select_n3A_388 = arith.select %lt3A_299, %gather3A_304, %broadcast_in_dim3A_387 : vector<16xi1>, vector<16xi32>
      %swap3A_389 = arith.index_cast %add3A_286 : i32 to index
      %swap3A_390 = tpu.vector_load %arg28[%swap3A_389] {strides = array<i32>} : memref<1376xi32, #tpu.memory_space<vmem>>, vector<16xi32>,
      tpu.vector_store %arg28[%swap3A_389], %select_n3A_388 {strides = array<i32>} : memref<1376xi32, #tpu.memory_space<vmem>>, vector<16xi32>,
      %scan3A_391 = arith.constant 0 : i32
      scf.yield %scan3A_391 : i32
    }
    %scan3A_33 = arith.constant 4 : i32
    %scan3A_34 = arith.constant 0 : i32
    %scan3A_35 = arith.constant 0 : i32
    %and3A = arith.constant 7 : i32
    %and3A_36 = vector.broadcast %and3A : i32 to vector<16xi32>
    %and3A_37 = arith.andi %iota3A, %and3A_36 : vector<16xi32>
    %mul3A_38 = arith.constant 64 : i32
    %mul3A_39 = vector.broadcast %mul3A_38 : i32 to vector<16xi32>
    %mul3A_40 = arith.muli %and3A_37, %mul3A_39 : vector<16xi32>
    %add3A_41 = arith.constant 32 : i32
    %add3A_42 = vector.broadcast %add3A_41 : i32 to vector<16xi32>
    %add3A_43 = arith.addi %mul3A_40, %add3A_42 : vector<16xi32>
    %convert_element_type3A_44 = arith.sitofp %add3A_43 : vector<16xi32> to vector<16xf32>
    %shift_right_arithmetic3A_45 = arith.constant 3 : i32
    %shift_right_arithmetic3A_46 = vector.broadcast %shift_right_arithmetic3A_45 : i32 to vector<16xi32>
    %shift_right_arithmetic3A_47 = arith.shrsi %iota3A, %shift_right_arithmetic3A_46 : vector<16xi32>
    %mul3A_48 = arith.constant 64 : i32
    %mul3A_49 = vector.broadcast %mul3A_48 : i32 to vector<16xi32>
    %mul3A_50 = arith.muli %shift_right_arithmetic3A_47, %mul3A_49 : vector<16xi32>
    %and3A_51 = arith.constant 3 : i32
    %and3A_52 = arith.andi %add3A, %and3A_51 : i32
    %mul3A_53 = arith.constant 128 : i32
    %mul3A_54 = arith.muli %and3A_52, %mul3A_53 : i32
    %add3A_55 = arith.constant 32 : i32
    %add3A_56 = arith.addi %mul3A_54, %add3A_55 : i32
    %add3A_57 = vector.broadcast %add3A_56 : i32 to vector<16xi32>
    %add3A_58 = arith.addi %mul3A_50, %add3A_57 : vector<16xi32>
    %convert_element_type3A_59 = arith.sitofp %add3A_58 : vector<16xi32> to vector<16xf32>
    %mul3A_60 = arith.constant 16 : i32
    %mul3A_61 = arith.muli %scan3A_35, %mul3A_60 : i32
    %add3A_62 = arith.constant 1344 : i32
    %add3A_63 = arith.addi %add3A_62, %mul3A_61 : i32
    %add3A_64 = arith.addf %convert_element_type3A_44, %convert_element_type3A_44 : vector<16xf32>
    %add3A_65 = arith.addf %convert_element_type3A_59, %convert_element_type3A_59 : vector<16xf32>
    %broadcast_in_dim3A_66 = arith.constant 1.000000e+08 : f32
    %broadcast_in_dim3A_67 = vector.broadcast %broadcast_in_dim3A_66 : f32 to vector<16xf32>
    %scan3A_68 = arith.constant 0 : i32
    %scan3A_69 = arith.constant 10 : i32
    %scan3A_70 = arith.addi %scan3A_68, %scan3A_69 : i32
    %scan3A_71 = arith.constant 1 : i32
    %scan3A_72:3 = scf.for %scan3A_260 = %scan3A_68 to %scan3A_70 step %scan3A_71 iter_args(%scan3A_261 = %broadcast_in_dim3A_67, %scan3A_262 = %broadcast_in_dim3A, %scan3A_263 = %broadcast_in_dim3A) -> (vector<16xf32>, vector<16xi32>, vector<16xi32>)  : i32 {
      %gather3A_264 = tpu.vector_load_idx %arg21[%scan3A_263] : memref<400xf32, #tpu.memory_space<vmem>>[vector<16xi32>], vector<16xf32>,
      %gather3A_265 = tpu.vector_load_idx %arg22[%scan3A_263] : memref<400xf32, #tpu.memory_space<vmem>>[vector<16xi32>], vector<16xf32>,
      %gather3A_266 = tpu.vector_load_idx %arg23[%scan3A_263] : memref<400xf32, #tpu.memory_space<vmem>>[vector<16xi32>], vector<16xf32>,
      %gather3A_267 = tpu.vector_load_idx %arg24[%scan3A_263] : memref<400xf32, #tpu.memory_space<vmem>>[vector<16xi32>], vector<16xf32>,
      %gather3A_268 = tpu.vector_load_idx %arg25[%scan3A_263] : memref<400xf32, #tpu.memory_space<vmem>>[vector<16xi32>], vector<16xf32>,
      %gather3A_269 = tpu.vector_load_idx %arg26[%scan3A_263] : memref<400xf32, #tpu.memory_space<vmem>>[vector<16xi32>], vector<16xf32>,
      %gather3A_270 = tpu.vector_load_idx %arg27[%scan3A_263] : memref<400xf32, #tpu.memory_space<vmem>>[vector<16xi32>], vector<16xf32>,
      %sub3A_271 = arith.subf %convert_element_type3A_44, %gather3A_264 : vector<16xf32>
      %sub3A_272 = arith.subf %convert_element_type3A_59, %gather3A_265 : vector<16xf32>
      %sub3A_273 = arith.subf %gather3A_266, %convert_element_type3A_44 : vector<16xf32>
      %sub3A_274 = arith.subf %gather3A_267, %convert_element_type3A_59 : vector<16xf32>
      %min3A_275 = arith.minimumf %sub3A_271, %sub3A_272 : vector<16xf32>
      %min3A_276 = arith.minimumf %sub3A_273, %sub3A_274 : vector<16xf32>
      %min3A_277 = arith.minimumf %min3A_275, %min3A_276 : vector<16xf32>
      %max3A_278 = arith.maximumf %sub3A_271, %sub3A_272 : vector<16xf32>
      %max3A_279 = arith.maximumf %sub3A_273, %sub3A_274 : vector<16xf32>
      %max3A_280 = arith.maximumf %max3A_278, %max3A_279 : vector<16xf32>
      %sub3A_281 = arith.subf %add3A_64, %gather3A_268 : vector<16xf32>
      %abs3A = math.absf %sub3A_281 : vector<16xf32>
      %sub3A_282 = arith.subf %add3A_65, %gather3A_269 : vector<16xf32>
      %abs3A_283 = math.absf %sub3A_282 : vector<16xf32>
      %max3A_284 = arith.maximumf %abs3A, %abs3A_283 : vector<16xf32>
      %gt3A = arith.constant 0.000000e+00 : f32
      %gt3A_285 = vector.broadcast %gt3A : f32 to vector<16xf32>
      %gt3A_286 = arith.cmpf ogt, %min3A_277, %gt3A_285 : vector<16xf32>
      %lt3A_287 = arith.constant 1.920000e+02 : f32
      %lt3A_288 = vector.broadcast %lt3A_287 : f32 to vector<16xf32>
      %lt3A_289 = arith.cmpf olt, %max3A_284, %lt3A_288 : vector<16xf32>
      %and3A_290 = arith.andi %gt3A_286, %lt3A_289 : vector<16xi1>
      %le3A = arith.constant 5.120000e+02 : f32
      %le3A_291 = vector.broadcast %le3A : f32 to vector<16xf32>
      %le3A_292 = arith.cmpf ole, %max3A_280, %le3A_291 : vector<16xf32>
      %and3A_293 = arith.andi %and3A_290, %le3A_292 : vector<16xi1>
      %ge3A = arith.constant 2.560000e+02 : f32
      %ge3A_294 = vector.broadcast %ge3A : f32 to vector<16xf32>
      %ge3A_295 = arith.cmpf oge, %max3A_280, %ge3A_294 : vector<16xf32>
      %and3A_296 = arith.andi %and3A_293, %ge3A_295 : vector<16xi1>
      %lt3A_297 = arith.cmpf olt, %gather3A_270, %scan3A_261 : vector<16xf32>
      %and3A_298 = arith.andi %and3A_296, %lt3A_297 : vector<16xi1>
      %select_n3A_299 = arith.select %and3A_298, %gather3A_270, %scan3A_261 : vector<16xi1>, vector<16xf32>
      %select_n3A_300 = arith.select %and3A_298, %scan3A_263, %scan3A_262 : vector<16xi1>, vector<16xi32>
      %add3A_301 = arith.constant 1 : i32
      %add3A_302 = vector.broadcast %add3A_301 : i32 to vector<16xi32>
      %add3A_303 = arith.addi %scan3A_263, %add3A_302 : vector<16xi32>
      %gather3A_304 = tpu.vector_load_idx %arg21[%add3A_303] : memref<400xf32, #tpu.memory_space<vmem>>[vector<16xi32>], vector<16xf32>,
      %gather3A_305 = tpu.vector_load_idx %arg22[%add3A_303] : memref<400xf32, #tpu.memory_space<vmem>>[vector<16xi32>], vector<16xf32>,
      %gather3A_306 = tpu.vector_load_idx %arg23[%add3A_303] : memref<400xf32, #tpu.memory_space<vmem>>[vector<16xi32>], vector<16xf32>,
      %gather3A_307 = tpu.vector_load_idx %arg24[%add3A_303] : memref<400xf32, #tpu.memory_space<vmem>>[vector<16xi32>], vector<16xf32>,
      %gather3A_308 = tpu.vector_load_idx %arg25[%add3A_303] : memref<400xf32, #tpu.memory_space<vmem>>[vector<16xi32>], vector<16xf32>,
      %gather3A_309 = tpu.vector_load_idx %arg26[%add3A_303] : memref<400xf32, #tpu.memory_space<vmem>>[vector<16xi32>], vector<16xf32>,
      %gather3A_310 = tpu.vector_load_idx %arg27[%add3A_303] : memref<400xf32, #tpu.memory_space<vmem>>[vector<16xi32>], vector<16xf32>,
      %sub3A_311 = arith.subf %convert_element_type3A_44, %gather3A_304 : vector<16xf32>
      %sub3A_312 = arith.subf %convert_element_type3A_59, %gather3A_305 : vector<16xf32>
      %sub3A_313 = arith.subf %gather3A_306, %convert_element_type3A_44 : vector<16xf32>
      %sub3A_314 = arith.subf %gather3A_307, %convert_element_type3A_59 : vector<16xf32>
      %min3A_315 = arith.minimumf %sub3A_311, %sub3A_312 : vector<16xf32>
      %min3A_316 = arith.minimumf %sub3A_313, %sub3A_314 : vector<16xf32>
      %min3A_317 = arith.minimumf %min3A_315, %min3A_316 : vector<16xf32>
      %max3A_318 = arith.maximumf %sub3A_311, %sub3A_312 : vector<16xf32>
      %max3A_319 = arith.maximumf %sub3A_313, %sub3A_314 : vector<16xf32>
      %max3A_320 = arith.maximumf %max3A_318, %max3A_319 : vector<16xf32>
      %sub3A_321 = arith.subf %add3A_64, %gather3A_308 : vector<16xf32>
      %abs3A_322 = math.absf %sub3A_321 : vector<16xf32>
      %sub3A_323 = arith.subf %add3A_65, %gather3A_309 : vector<16xf32>
      %abs3A_324 = math.absf %sub3A_323 : vector<16xf32>
      %max3A_325 = arith.maximumf %abs3A_322, %abs3A_324 : vector<16xf32>
      %gt3A_326 = arith.constant 0.000000e+00 : f32
      %gt3A_327 = vector.broadcast %gt3A_326 : f32 to vector<16xf32>
      %gt3A_328 = arith.cmpf ogt, %min3A_317, %gt3A_327 : vector<16xf32>
      %lt3A_329 = arith.constant 1.920000e+02 : f32
      %lt3A_330 = vector.broadcast %lt3A_329 : f32 to vector<16xf32>
      %lt3A_331 = arith.cmpf olt, %max3A_325, %lt3A_330 : vector<16xf32>
      %and3A_332 = arith.andi %gt3A_328, %lt3A_331 : vector<16xi1>
      %le3A_333 = arith.constant 5.120000e+02 : f32
      %le3A_334 = vector.broadcast %le3A_333 : f32 to vector<16xf32>
      %le3A_335 = arith.cmpf ole, %max3A_320, %le3A_334 : vector<16xf32>
      %and3A_336 = arith.andi %and3A_332, %le3A_335 : vector<16xi1>
      %ge3A_337 = arith.constant 2.560000e+02 : f32
      %ge3A_338 = vector.broadcast %ge3A_337 : f32 to vector<16xf32>
      %ge3A_339 = arith.cmpf oge, %max3A_320, %ge3A_338 : vector<16xf32>
      %and3A_340 = arith.andi %and3A_336, %ge3A_339 : vector<16xi1>
      %lt3A_341 = arith.cmpf olt, %gather3A_310, %select_n3A_299 : vector<16xf32>
      %and3A_342 = arith.andi %and3A_340, %lt3A_341 : vector<16xi1>
      %select_n3A_343 = arith.select %and3A_342, %gather3A_310, %select_n3A_299 : vector<16xi1>, vector<16xf32>
      %select_n3A_344 = arith.select %and3A_342, %add3A_303, %select_n3A_300 : vector<16xi1>, vector<16xi32>
      %add3A_345 = arith.constant 1 : i32
      %add3A_346 = vector.broadcast %add3A_345 : i32 to vector<16xi32>
      %add3A_347 = arith.addi %add3A_303, %add3A_346 : vector<16xi32>
      %gather3A_348 = tpu.vector_load_idx %arg21[%add3A_347] : memref<400xf32, #tpu.memory_space<vmem>>[vector<16xi32>], vector<16xf32>,
      %gather3A_349 = tpu.vector_load_idx %arg22[%add3A_347] : memref<400xf32, #tpu.memory_space<vmem>>[vector<16xi32>], vector<16xf32>,
      %gather3A_350 = tpu.vector_load_idx %arg23[%add3A_347] : memref<400xf32, #tpu.memory_space<vmem>>[vector<16xi32>], vector<16xf32>,
      %gather3A_351 = tpu.vector_load_idx %arg24[%add3A_347] : memref<400xf32, #tpu.memory_space<vmem>>[vector<16xi32>], vector<16xf32>,
      %gather3A_352 = tpu.vector_load_idx %arg25[%add3A_347] : memref<400xf32, #tpu.memory_space<vmem>>[vector<16xi32>], vector<16xf32>,
      %gather3A_353 = tpu.vector_load_idx %arg26[%add3A_347] : memref<400xf32, #tpu.memory_space<vmem>>[vector<16xi32>], vector<16xf32>,
      %gather3A_354 = tpu.vector_load_idx %arg27[%add3A_347] : memref<400xf32, #tpu.memory_space<vmem>>[vector<16xi32>], vector<16xf32>,
      %sub3A_355 = arith.subf %convert_element_type3A_44, %gather3A_348 : vector<16xf32>
      %sub3A_356 = arith.subf %convert_element_type3A_59, %gather3A_349 : vector<16xf32>
      %sub3A_357 = arith.subf %gather3A_350, %convert_element_type3A_44 : vector<16xf32>
      %sub3A_358 = arith.subf %gather3A_351, %convert_element_type3A_59 : vector<16xf32>
      %min3A_359 = arith.minimumf %sub3A_355, %sub3A_356 : vector<16xf32>
      %min3A_360 = arith.minimumf %sub3A_357, %sub3A_358 : vector<16xf32>
      %min3A_361 = arith.minimumf %min3A_359, %min3A_360 : vector<16xf32>
      %max3A_362 = arith.maximumf %sub3A_355, %sub3A_356 : vector<16xf32>
      %max3A_363 = arith.maximumf %sub3A_357, %sub3A_358 : vector<16xf32>
      %max3A_364 = arith.maximumf %max3A_362, %max3A_363 : vector<16xf32>
      %sub3A_365 = arith.subf %add3A_64, %gather3A_352 : vector<16xf32>
      %abs3A_366 = math.absf %sub3A_365 : vector<16xf32>
      %sub3A_367 = arith.subf %add3A_65, %gather3A_353 : vector<16xf32>
      %abs3A_368 = math.absf %sub3A_367 : vector<16xf32>
      %max3A_369 = arith.maximumf %abs3A_366, %abs3A_368 : vector<16xf32>
      %gt3A_370 = arith.constant 0.000000e+00 : f32
      %gt3A_371 = vector.broadcast %gt3A_370 : f32 to vector<16xf32>
      %gt3A_372 = arith.cmpf ogt, %min3A_361, %gt3A_371 : vector<16xf32>
      %lt3A_373 = arith.constant 1.920000e+02 : f32
      %lt3A_374 = vector.broadcast %lt3A_373 : f32 to vector<16xf32>
      %lt3A_375 = arith.cmpf olt, %max3A_369, %lt3A_374 : vector<16xf32>
      %and3A_376 = arith.andi %gt3A_372, %lt3A_375 : vector<16xi1>
      %le3A_377 = arith.constant 5.120000e+02 : f32
      %le3A_378 = vector.broadcast %le3A_377 : f32 to vector<16xf32>
      %le3A_379 = arith.cmpf ole, %max3A_364, %le3A_378 : vector<16xf32>
      %and3A_380 = arith.andi %and3A_376, %le3A_379 : vector<16xi1>
      %ge3A_381 = arith.constant 2.560000e+02 : f32
      %ge3A_382 = vector.broadcast %ge3A_381 : f32 to vector<16xf32>
      %ge3A_383 = arith.cmpf oge, %max3A_364, %ge3A_382 : vector<16xf32>
      %and3A_384 = arith.andi %and3A_380, %ge3A_383 : vector<16xi1>
      %lt3A_385 = arith.cmpf olt, %gather3A_354, %select_n3A_343 : vector<16xf32>
      %and3A_386 = arith.andi %and3A_384, %lt3A_385 : vector<16xi1>
      %select_n3A_387 = arith.select %and3A_386, %gather3A_354, %select_n3A_343 : vector<16xi1>, vector<16xf32>
      %select_n3A_388 = arith.select %and3A_386, %add3A_347, %select_n3A_344 : vector<16xi1>, vector<16xi32>
      %add3A_389 = arith.constant 1 : i32
      %add3A_390 = vector.broadcast %add3A_389 : i32 to vector<16xi32>
      %add3A_391 = arith.addi %add3A_347, %add3A_390 : vector<16xi32>
      %gather3A_392 = tpu.vector_load_idx %arg21[%add3A_391] : memref<400xf32, #tpu.memory_space<vmem>>[vector<16xi32>], vector<16xf32>,
      %gather3A_393 = tpu.vector_load_idx %arg22[%add3A_391] : memref<400xf32, #tpu.memory_space<vmem>>[vector<16xi32>], vector<16xf32>,
      %gather3A_394 = tpu.vector_load_idx %arg23[%add3A_391] : memref<400xf32, #tpu.memory_space<vmem>>[vector<16xi32>], vector<16xf32>,
      %gather3A_395 = tpu.vector_load_idx %arg24[%add3A_391] : memref<400xf32, #tpu.memory_space<vmem>>[vector<16xi32>], vector<16xf32>,
      %gather3A_396 = tpu.vector_load_idx %arg25[%add3A_391] : memref<400xf32, #tpu.memory_space<vmem>>[vector<16xi32>], vector<16xf32>,
      %gather3A_397 = tpu.vector_load_idx %arg26[%add3A_391] : memref<400xf32, #tpu.memory_space<vmem>>[vector<16xi32>], vector<16xf32>,
      %gather3A_398 = tpu.vector_load_idx %arg27[%add3A_391] : memref<400xf32, #tpu.memory_space<vmem>>[vector<16xi32>], vector<16xf32>,
      %sub3A_399 = arith.subf %convert_element_type3A_44, %gather3A_392 : vector<16xf32>
      %sub3A_400 = arith.subf %convert_element_type3A_59, %gather3A_393 : vector<16xf32>
      %sub3A_401 = arith.subf %gather3A_394, %convert_element_type3A_44 : vector<16xf32>
      %sub3A_402 = arith.subf %gather3A_395, %convert_element_type3A_59 : vector<16xf32>
      %min3A_403 = arith.minimumf %sub3A_399, %sub3A_400 : vector<16xf32>
      %min3A_404 = arith.minimumf %sub3A_401, %sub3A_402 : vector<16xf32>
      %min3A_405 = arith.minimumf %min3A_403, %min3A_404 : vector<16xf32>
      %max3A_406 = arith.maximumf %sub3A_399, %sub3A_400 : vector<16xf32>
      %max3A_407 = arith.maximumf %sub3A_401, %sub3A_402 : vector<16xf32>
      %max3A_408 = arith.maximumf %max3A_406, %max3A_407 : vector<16xf32>
      %sub3A_409 = arith.subf %add3A_64, %gather3A_396 : vector<16xf32>
      %abs3A_410 = math.absf %sub3A_409 : vector<16xf32>
      %sub3A_411 = arith.subf %add3A_65, %gather3A_397 : vector<16xf32>
      %abs3A_412 = math.absf %sub3A_411 : vector<16xf32>
      %max3A_413 = arith.maximumf %abs3A_410, %abs3A_412 : vector<16xf32>
      %gt3A_414 = arith.constant 0.000000e+00 : f32
      %gt3A_415 = vector.broadcast %gt3A_414 : f32 to vector<16xf32>
      %gt3A_416 = arith.cmpf ogt, %min3A_405, %gt3A_415 : vector<16xf32>
      %lt3A_417 = arith.constant 1.920000e+02 : f32
      %lt3A_418 = vector.broadcast %lt3A_417 : f32 to vector<16xf32>
      %lt3A_419 = arith.cmpf olt, %max3A_413, %lt3A_418 : vector<16xf32>
      %and3A_420 = arith.andi %gt3A_416, %lt3A_419 : vector<16xi1>
      %le3A_421 = arith.constant 5.120000e+02 : f32
      %le3A_422 = vector.broadcast %le3A_421 : f32 to vector<16xf32>
      %le3A_423 = arith.cmpf ole, %max3A_408, %le3A_422 : vector<16xf32>
      %and3A_424 = arith.andi %and3A_420, %le3A_423 : vector<16xi1>
      %ge3A_425 = arith.constant 2.560000e+02 : f32
      %ge3A_426 = vector.broadcast %ge3A_425 : f32 to vector<16xf32>
      %ge3A_427 = arith.cmpf oge, %max3A_408, %ge3A_426 : vector<16xf32>
      %and3A_428 = arith.andi %and3A_424, %ge3A_427 : vector<16xi1>
      %lt3A_429 = arith.cmpf olt, %gather3A_398, %select_n3A_387 : vector<16xf32>
      %and3A_430 = arith.andi %and3A_428, %lt3A_429 : vector<16xi1>
      %select_n3A_431 = arith.select %and3A_430, %gather3A_398, %select_n3A_387 : vector<16xi1>, vector<16xf32>
      %select_n3A_432 = arith.select %and3A_430, %add3A_391, %select_n3A_388 : vector<16xi1>, vector<16xi32>
      %add3A_433 = arith.constant 1 : i32
      %add3A_434 = vector.broadcast %add3A_433 : i32 to vector<16xi32>
      %add3A_435 = arith.addi %add3A_391, %add3A_434 : vector<16xi32>
      %gather3A_436 = tpu.vector_load_idx %arg21[%add3A_435] : memref<400xf32, #tpu.memory_space<vmem>>[vector<16xi32>], vector<16xf32>,
      %gather3A_437 = tpu.vector_load_idx %arg22[%add3A_435] : memref<400xf32, #tpu.memory_space<vmem>>[vector<16xi32>], vector<16xf32>,
      %gather3A_438 = tpu.vector_load_idx %arg23[%add3A_435] : memref<400xf32, #tpu.memory_space<vmem>>[vector<16xi32>], vector<16xf32>,
      %gather3A_439 = tpu.vector_load_idx %arg24[%add3A_435] : memref<400xf32, #tpu.memory_space<vmem>>[vector<16xi32>], vector<16xf32>,
      %gather3A_440 = tpu.vector_load_idx %arg25[%add3A_435] : memref<400xf32, #tpu.memory_space<vmem>>[vector<16xi32>], vector<16xf32>,
      %gather3A_441 = tpu.vector_load_idx %arg26[%add3A_435] : memref<400xf32, #tpu.memory_space<vmem>>[vector<16xi32>], vector<16xf32>,
      %gather3A_442 = tpu.vector_load_idx %arg27[%add3A_435] : memref<400xf32, #tpu.memory_space<vmem>>[vector<16xi32>], vector<16xf32>,
      %sub3A_443 = arith.subf %convert_element_type3A_44, %gather3A_436 : vector<16xf32>
      %sub3A_444 = arith.subf %convert_element_type3A_59, %gather3A_437 : vector<16xf32>
      %sub3A_445 = arith.subf %gather3A_438, %convert_element_type3A_44 : vector<16xf32>
      %sub3A_446 = arith.subf %gather3A_439, %convert_element_type3A_59 : vector<16xf32>
      %min3A_447 = arith.minimumf %sub3A_443, %sub3A_444 : vector<16xf32>
      %min3A_448 = arith.minimumf %sub3A_445, %sub3A_446 : vector<16xf32>
      %min3A_449 = arith.minimumf %min3A_447, %min3A_448 : vector<16xf32>
      %max3A_450 = arith.maximumf %sub3A_443, %sub3A_444 : vector<16xf32>
      %max3A_451 = arith.maximumf %sub3A_445, %sub3A_446 : vector<16xf32>
      %max3A_452 = arith.maximumf %max3A_450, %max3A_451 : vector<16xf32>
      %sub3A_453 = arith.subf %add3A_64, %gather3A_440 : vector<16xf32>
      %abs3A_454 = math.absf %sub3A_453 : vector<16xf32>
      %sub3A_455 = arith.subf %add3A_65, %gather3A_441 : vector<16xf32>
      %abs3A_456 = math.absf %sub3A_455 : vector<16xf32>
      %max3A_457 = arith.maximumf %abs3A_454, %abs3A_456 : vector<16xf32>
      %gt3A_458 = arith.constant 0.000000e+00 : f32
      %gt3A_459 = vector.broadcast %gt3A_458 : f32 to vector<16xf32>
      %gt3A_460 = arith.cmpf ogt, %min3A_449, %gt3A_459 : vector<16xf32>
      %lt3A_461 = arith.constant 1.920000e+02 : f32
      %lt3A_462 = vector.broadcast %lt3A_461 : f32 to vector<16xf32>
      %lt3A_463 = arith.cmpf olt, %max3A_457, %lt3A_462 : vector<16xf32>
      %and3A_464 = arith.andi %gt3A_460, %lt3A_463 : vector<16xi1>
      %le3A_465 = arith.constant 5.120000e+02 : f32
      %le3A_466 = vector.broadcast %le3A_465 : f32 to vector<16xf32>
      %le3A_467 = arith.cmpf ole, %max3A_452, %le3A_466 : vector<16xf32>
      %and3A_468 = arith.andi %and3A_464, %le3A_467 : vector<16xi1>
      %ge3A_469 = arith.constant 2.560000e+02 : f32
      %ge3A_470 = vector.broadcast %ge3A_469 : f32 to vector<16xf32>
      %ge3A_471 = arith.cmpf oge, %max3A_452, %ge3A_470 : vector<16xf32>
      %and3A_472 = arith.andi %and3A_468, %ge3A_471 : vector<16xi1>
      %lt3A_473 = arith.cmpf olt, %gather3A_442, %select_n3A_431 : vector<16xf32>
      %and3A_474 = arith.andi %and3A_472, %lt3A_473 : vector<16xi1>
      %select_n3A_475 = arith.select %and3A_474, %gather3A_442, %select_n3A_431 : vector<16xi1>, vector<16xf32>
      %select_n3A_476 = arith.select %and3A_474, %add3A_435, %select_n3A_432 : vector<16xi1>, vector<16xi32>
      %add3A_477 = arith.constant 1 : i32
      %add3A_478 = vector.broadcast %add3A_477 : i32 to vector<16xi32>
      %add3A_479 = arith.addi %add3A_435, %add3A_478 : vector<16xi32>
      scf.yield %select_n3A_475, %select_n3A_476, %add3A_479 : vector<16xf32>, vector<16xi32>, vector<16xi32>
    }
    %scan3A_73 = arith.constant 10 : i32
    %lt3A = arith.constant 1.000000e+08 : f32
    %lt3A_74 = vector.broadcast %lt3A : f32 to vector<16xf32>
    %lt3A_75 = arith.cmpf olt, %scan3A_72#0, %lt3A_74 : vector<16xf32>
    %gather3A = tpu.vector_load_idx %arg21[%scan3A_72#1] : memref<400xf32, #tpu.memory_space<vmem>>[vector<16xi32>], vector<16xf32>,
    %gather3A_76 = tpu.vector_load_idx %arg22[%scan3A_72#1] : memref<400xf32, #tpu.memory_space<vmem>>[vector<16xi32>], vector<16xf32>,
    %gather3A_77 = tpu.vector_load_idx %arg23[%scan3A_72#1] : memref<400xf32, #tpu.memory_space<vmem>>[vector<16xi32>], vector<16xf32>,
    %gather3A_78 = tpu.vector_load_idx %arg24[%scan3A_72#1] : memref<400xf32, #tpu.memory_space<vmem>>[vector<16xi32>], vector<16xf32>,
    %gather3A_79 = tpu.vector_load_idx %arg20[%scan3A_72#1] : memref<400xi32, #tpu.memory_space<vmem>>[vector<16xi32>], vector<16xi32>,
    %sub3A = arith.subf %convert_element_type3A_44, %gather3A : vector<16xf32>
    %sub3A_80 = arith.subf %convert_element_type3A_59, %gather3A_76 : vector<16xf32>
    %sub3A_81 = arith.subf %gather3A_77, %convert_element_type3A_44 : vector<16xf32>
    %sub3A_82 = arith.subf %gather3A_78, %convert_element_type3A_59 : vector<16xf32>
    %min3A = arith.minimumf %sub3A, %sub3A_81 : vector<16xf32>
    %max3A = arith.maximumf %sub3A, %sub3A_81 : vector<16xf32>
    %min3A_83 = arith.minimumf %sub3A_80, %sub3A_82 : vector<16xf32>
    %max3A_84 = arith.maximumf %sub3A_80, %sub3A_82 : vector<16xf32>
    %mul3A_85 = arith.mulf %min3A, %min3A_83 : vector<16xf32>
    %mul3A_86 = arith.mulf %max3A, %max3A_84 : vector<16xf32>
    %add3A_87 = arith.constant 1.000000e-10 : f32
    %add3A_88 = vector.broadcast %add3A_87 : f32 to vector<16xf32>
    %add3A_89 = arith.addf %mul3A_86, %add3A_88 : vector<16xf32>
    %div3A = arith.divf %mul3A_85, %add3A_89 : vector<16xf32>
    %max3A_90 = arith.constant 0.000000e+00 : f32
    %max3A_91 = vector.broadcast %max3A_90 : f32 to vector<16xf32>
    %max3A_92 = arith.maximumf %div3A, %max3A_91 : vector<16xf32>
    %add3A_93 = arith.constant 9.99999996E-13 : f32
    %add3A_94 = vector.broadcast %add3A_93 : f32 to vector<16xf32>
    %add3A_95 = arith.addf %max3A_92, %add3A_94 : vector<16xf32>
    %bitcast_convert_type3A = tpu.bitcast %add3A_95 : vector<16xf32> -> vector<16xi32>
    %shift_right_arithmetic3A_96 = arith.constant 1 : i32
    %shift_right_arithmetic3A_97 = vector.broadcast %shift_right_arithmetic3A_96 : i32 to vector<16xi32>
    %shift_right_arithmetic3A_98 = arith.shrsi %bitcast_convert_type3A, %shift_right_arithmetic3A_97 : vector<16xi32>
    %sub3A_99 = arith.constant 1597463007 : i32
    %sub3A_100 = vector.broadcast %sub3A_99 : i32 to vector<16xi32>
    %sub3A_101 = arith.subi %sub3A_100, %shift_right_arithmetic3A_98 : vector<16xi32>
    %bitcast_convert_type3A_102 = tpu.bitcast %sub3A_101 : vector<16xi32> -> vector<16xf32>
    %mul3A_103 = arith.constant 5.000000e-01 : f32
    %mul3A_104 = vector.broadcast %mul3A_103 : f32 to vector<16xf32>
    %mul3A_105 = arith.mulf %add3A_95, %mul3A_104 : vector<16xf32>
    %mul3A_106 = arith.mulf %mul3A_105, %bitcast_convert_type3A_102 : vector<16xf32>
    %mul3A_107 = arith.mulf %mul3A_106, %bitcast_convert_type3A_102 : vector<16xf32>
    %sub3A_108 = arith.constant 1.500000e+00 : f32
    %sub3A_109 = vector.broadcast %sub3A_108 : f32 to vector<16xf32>
    %sub3A_110 = arith.subf %sub3A_109, %mul3A_107 : vector<16xf32>
    %mul3A_111 = arith.mulf %bitcast_convert_type3A_102, %sub3A_110 : vector<16xf32>
    %mul3A_112 = arith.mulf %mul3A_105, %mul3A_111 : vector<16xf32>
    %mul3A_113 = arith.mulf %mul3A_112, %mul3A_111 : vector<16xf32>
    %sub3A_114 = arith.constant 1.500000e+00 : f32
    %sub3A_115 = vector.broadcast %sub3A_114 : f32 to vector<16xf32>
    %sub3A_116 = arith.subf %sub3A_115, %mul3A_113 : vector<16xf32>
    %mul3A_117 = arith.mulf %mul3A_111, %sub3A_116 : vector<16xf32>
    %mul3A_118 = arith.mulf %mul3A_105, %mul3A_117 : vector<16xf32>
    %mul3A_119 = arith.mulf %mul3A_118, %mul3A_117 : vector<16xf32>
    %sub3A_120 = arith.constant 1.500000e+00 : f32
    %sub3A_121 = vector.broadcast %sub3A_120 : f32 to vector<16xf32>
    %sub3A_122 = arith.subf %sub3A_121, %mul3A_119 : vector<16xf32>
    %mul3A_123 = arith.mulf %mul3A_117, %sub3A_122 : vector<16xf32>
    %mul3A_124 = arith.mulf %mul3A_105, %mul3A_123 : vector<16xf32>
    %mul3A_125 = arith.mulf %mul3A_124, %mul3A_123 : vector<16xf32>
    %sub3A_126 = arith.constant 1.500000e+00 : f32
    %sub3A_127 = vector.broadcast %sub3A_126 : f32 to vector<16xf32>
    %sub3A_128 = arith.subf %sub3A_127, %mul3A_125 : vector<16xf32>
    %mul3A_129 = arith.mulf %mul3A_123, %sub3A_128 : vector<16xf32>
    %mul3A_130 = arith.mulf %add3A_95, %mul3A_129 : vector<16xf32>
    %broadcast_in_dim3A_131 = arith.constant -1.000000e+00 : f32
    %broadcast_in_dim3A_132 = vector.broadcast %broadcast_in_dim3A_131 : f32 to vector<16xf32>
    %select_n3A = arith.select %lt3A_75, %sub3A, %broadcast_in_dim3A_132 : vector<16xi1>, vector<16xf32>
    %select_n3A_133 = arith.select %lt3A_75, %sub3A_80, %broadcast_in_dim3A_132 : vector<16xi1>, vector<16xf32>
    %select_n3A_134 = arith.select %lt3A_75, %sub3A_81, %broadcast_in_dim3A_132 : vector<16xi1>, vector<16xf32>
    %select_n3A_135 = arith.select %lt3A_75, %sub3A_82, %broadcast_in_dim3A_132 : vector<16xi1>, vector<16xf32>
    %mul3A_136 = arith.constant 16 : i32
    %mul3A_137 = arith.muli %scan3A_35, %mul3A_136 : i32
    %swap3A = arith.index_cast %mul3A_137 : i32 to index
    %swap3A_138 = tpu.vector_load %arg33[%swap3A] {strides = array<i32>} : memref<64xf32, #tpu.memory_space<vmem>>, vector<16xf32>,
    tpu.vector_store %arg33[%swap3A], %select_n3A {strides = array<i32>} : memref<64xf32, #tpu.memory_space<vmem>>, vector<16xf32>,
    %add3A_139 = arith.constant 16 : i32
    %add3A_140 = arith.addi %mul3A_137, %add3A_139 : i32
    %swap3A_141 = arith.index_cast %add3A_140 : i32 to index
    %swap3A_142 = tpu.vector_load %arg33[%swap3A_141] {strides = array<i32>} : memref<64xf32, #tpu.memory_space<vmem>>, vector<16xf32>,
    tpu.vector_store %arg33[%swap3A_141], %select_n3A_133 {strides = array<i32>} : memref<64xf32, #tpu.memory_space<vmem>>, vector<16xf32>,
    %add3A_143 = arith.constant 32 : i32
    %add3A_144 = arith.addi %mul3A_137, %add3A_143 : i32
    %swap3A_145 = arith.index_cast %add3A_144 : i32 to index
    %swap3A_146 = tpu.vector_load %arg33[%swap3A_145] {strides = array<i32>} : memref<64xf32, #tpu.memory_space<vmem>>, vector<16xf32>,
    tpu.vector_store %arg33[%swap3A_145], %select_n3A_134 {strides = array<i32>} : memref<64xf32, #tpu.memory_space<vmem>>, vector<16xf32>,
    %add3A_147 = arith.constant 48 : i32
    %add3A_148 = arith.addi %mul3A_137, %add3A_147 : i32
    %swap3A_149 = arith.index_cast %add3A_148 : i32 to index
    %swap3A_150 = tpu.vector_load %arg33[%swap3A_149] {strides = array<i32>} : memref<64xf32, #tpu.memory_space<vmem>>, vector<16xf32>,
    tpu.vector_store %arg33[%swap3A_149], %select_n3A_135 {strides = array<i32>} : memref<64xf32, #tpu.memory_space<vmem>>, vector<16xf32>,
    %select_n3A_151 = arith.select %lt3A_75, %mul3A_130, %broadcast_in_dim3A_132 : vector<16xi1>, vector<16xf32>
    %swap3A_152 = arith.index_cast %add3A_63 : i32 to index
    %swap3A_153 = tpu.vector_load %arg29[%swap3A_152] {strides = array<i32>} : memref<1376xf32, #tpu.memory_space<vmem>>, vector<16xf32>,
    tpu.vector_store %arg29[%swap3A_152], %select_n3A_151 {strides = array<i32>} : memref<1376xf32, #tpu.memory_space<vmem>>, vector<16xf32>,
    %broadcast_in_dim3A_154 = arith.constant 0 : i32
    %broadcast_in_dim3A_155 = vector.broadcast %broadcast_in_dim3A_154 : i32 to vector<16xi32>
    %select_n3A_156 = arith.select %lt3A_75, %gather3A_79, %broadcast_in_dim3A_155 : vector<16xi1>, vector<16xi32>
    %swap3A_157 = arith.index_cast %add3A_63 : i32 to index
    %swap3A_158 = tpu.vector_load %arg28[%swap3A_157] {strides = array<i32>} : memref<1376xi32, #tpu.memory_space<vmem>>, vector<16xi32>,
    tpu.vector_store %arg28[%swap3A_157], %select_n3A_156 {strides = array<i32>} : memref<1376xi32, #tpu.memory_space<vmem>>, vector<16xi32>,
    %scan3A_159 = arith.constant 0 : i32
    %scan3A_160 = arith.constant 1 : i32
    %lt3A_161 = arith.constant 8 : i32
    %lt3A_162 = arith.cmpi slt, %add3A, %lt3A_161 : i32
    %convert_element_type3A_163 = arith.extui %lt3A_162 : i1 to i32
    %cond3A = arith.constant 0 : i32
    %cond3A_164 = arith.cmpi ne, %convert_element_type3A_163, %cond3A : i32
    scf.if %cond3A_164 {
      %scan3A_260 = arith.constant 0 : i32
      %scan3A_261 = arith.constant 0 : i32
      %and3A_262 = arith.constant 3 : i32
      %and3A_263 = vector.broadcast %and3A_262 : i32 to vector<16xi32>
      %and3A_264 = arith.andi %iota3A, %and3A_263 : vector<16xi32>
      %mul3A_265 = arith.constant 128 : i32
      %mul3A_266 = vector.broadcast %mul3A_265 : i32 to vector<16xi32>
      %mul3A_267 = arith.muli %and3A_264, %mul3A_266 : vector<16xi32>
      %add3A_268 = arith.constant 64 : i32
      %add3A_269 = vector.broadcast %add3A_268 : i32 to vector<16xi32>
      %add3A_270 = arith.addi %mul3A_267, %add3A_269 : vector<16xi32>
      %convert_element_type3A_271 = arith.sitofp %add3A_270 : vector<16xi32> to vector<16xf32>
      %shift_right_arithmetic3A_272 = arith.constant 2 : i32
      %shift_right_arithmetic3A_273 = vector.broadcast %shift_right_arithmetic3A_272 : i32 to vector<16xi32>
      %shift_right_arithmetic3A_274 = arith.shrsi %iota3A, %shift_right_arithmetic3A_273 : vector<16xi32>
      %mul3A_275 = arith.constant 128 : i32
      %mul3A_276 = vector.broadcast %mul3A_275 : i32 to vector<16xi32>
      %mul3A_277 = arith.muli %shift_right_arithmetic3A_274, %mul3A_276 : vector<16xi32>
      %add3A_278 = arith.constant 64 : i32
      %add3A_279 = vector.broadcast %add3A_278 : i32 to vector<16xi32>
      %add3A_280 = arith.addi %mul3A_277, %add3A_279 : vector<16xi32>
      %convert_element_type3A_281 = arith.sitofp %add3A_280 : vector<16xi32> to vector<16xf32>
      %mul3A_282 = arith.constant 50 : i32
      %mul3A_283 = arith.muli %add3A, %mul3A_282 : i32
      %broadcast_in_dim3A_284 = vector.broadcast %mul3A_283 : i32 to vector<16xi32>
      %mul3A_285 = arith.constant 16 : i32
      %mul3A_286 = arith.muli %scan3A_261, %mul3A_285 : i32
      %add3A_287 = arith.constant 1360 : i32
      %add3A_288 = arith.addi %add3A_287, %mul3A_286 : i32
      %add3A_289 = arith.addf %convert_element_type3A_271, %convert_element_type3A_271 : vector<16xf32>
      %add3A_290 = arith.addf %convert_element_type3A_281, %convert_element_type3A_281 : vector<16xf32>
      %broadcast_in_dim3A_291 = arith.constant 1.000000e+08 : f32
      %broadcast_in_dim3A_292 = vector.broadcast %broadcast_in_dim3A_291 : f32 to vector<16xf32>
      %scan3A_293 = arith.constant 0 : i32
      %scan3A_294 = arith.constant 10 : i32
      %scan3A_295 = arith.addi %scan3A_293, %scan3A_294 : i32
      %scan3A_296 = arith.constant 1 : i32
      %scan3A_297:3 = scf.for %scan3A_395 = %scan3A_293 to %scan3A_295 step %scan3A_296 iter_args(%scan3A_396 = %broadcast_in_dim3A_292, %scan3A_397 = %broadcast_in_dim3A_284, %scan3A_398 = %broadcast_in_dim3A_284) -> (vector<16xf32>, vector<16xi32>, vector<16xi32>)  : i32 {
        %gather3A_399 = tpu.vector_load_idx %arg21[%scan3A_398] : memref<400xf32, #tpu.memory_space<vmem>>[vector<16xi32>], vector<16xf32>,
        %gather3A_400 = tpu.vector_load_idx %arg22[%scan3A_398] : memref<400xf32, #tpu.memory_space<vmem>>[vector<16xi32>], vector<16xf32>,
        %gather3A_401 = tpu.vector_load_idx %arg23[%scan3A_398] : memref<400xf32, #tpu.memory_space<vmem>>[vector<16xi32>], vector<16xf32>,
        %gather3A_402 = tpu.vector_load_idx %arg24[%scan3A_398] : memref<400xf32, #tpu.memory_space<vmem>>[vector<16xi32>], vector<16xf32>,
        %gather3A_403 = tpu.vector_load_idx %arg25[%scan3A_398] : memref<400xf32, #tpu.memory_space<vmem>>[vector<16xi32>], vector<16xf32>,
        %gather3A_404 = tpu.vector_load_idx %arg26[%scan3A_398] : memref<400xf32, #tpu.memory_space<vmem>>[vector<16xi32>], vector<16xf32>,
        %gather3A_405 = tpu.vector_load_idx %arg27[%scan3A_398] : memref<400xf32, #tpu.memory_space<vmem>>[vector<16xi32>], vector<16xf32>,
        %sub3A_406 = arith.subf %convert_element_type3A_271, %gather3A_399 : vector<16xf32>
        %sub3A_407 = arith.subf %convert_element_type3A_281, %gather3A_400 : vector<16xf32>
        %sub3A_408 = arith.subf %gather3A_401, %convert_element_type3A_271 : vector<16xf32>
        %sub3A_409 = arith.subf %gather3A_402, %convert_element_type3A_281 : vector<16xf32>
        %min3A_410 = arith.minimumf %sub3A_406, %sub3A_407 : vector<16xf32>
        %min3A_411 = arith.minimumf %sub3A_408, %sub3A_409 : vector<16xf32>
        %min3A_412 = arith.minimumf %min3A_410, %min3A_411 : vector<16xf32>
        %max3A_413 = arith.maximumf %sub3A_406, %sub3A_407 : vector<16xf32>
        %max3A_414 = arith.maximumf %sub3A_408, %sub3A_409 : vector<16xf32>
        %max3A_415 = arith.maximumf %max3A_413, %max3A_414 : vector<16xf32>
        %sub3A_416 = arith.subf %add3A_289, %gather3A_403 : vector<16xf32>
        %abs3A = math.absf %sub3A_416 : vector<16xf32>
        %sub3A_417 = arith.subf %add3A_290, %gather3A_404 : vector<16xf32>
        %abs3A_418 = math.absf %sub3A_417 : vector<16xf32>
        %max3A_419 = arith.maximumf %abs3A, %abs3A_418 : vector<16xf32>
        %gt3A = arith.constant 0.000000e+00 : f32
        %gt3A_420 = vector.broadcast %gt3A : f32 to vector<16xf32>
        %gt3A_421 = arith.cmpf ogt, %min3A_412, %gt3A_420 : vector<16xf32>
        %lt3A_422 = arith.constant 3.840000e+02 : f32
        %lt3A_423 = vector.broadcast %lt3A_422 : f32 to vector<16xf32>
        %lt3A_424 = arith.cmpf olt, %max3A_419, %lt3A_423 : vector<16xf32>
        %and3A_425 = arith.andi %gt3A_421, %lt3A_424 : vector<16xi1>
        %ge3A = arith.constant 5.120000e+02 : f32
        %ge3A_426 = vector.broadcast %ge3A : f32 to vector<16xf32>
        %ge3A_427 = arith.cmpf oge, %max3A_415, %ge3A_426 : vector<16xf32>
        %and3A_428 = arith.andi %and3A_425, %ge3A_427 : vector<16xi1>
        %lt3A_429 = arith.cmpf olt, %gather3A_405, %scan3A_396 : vector<16xf32>
        %and3A_430 = arith.andi %and3A_428, %lt3A_429 : vector<16xi1>
        %select_n3A_431 = arith.select %and3A_430, %gather3A_405, %scan3A_396 : vector<16xi1>, vector<16xf32>
        %select_n3A_432 = arith.select %and3A_430, %scan3A_398, %scan3A_397 : vector<16xi1>, vector<16xi32>
        %add3A_433 = arith.constant 1 : i32
        %add3A_434 = vector.broadcast %add3A_433 : i32 to vector<16xi32>
        %add3A_435 = arith.addi %scan3A_398, %add3A_434 : vector<16xi32>
        %gather3A_436 = tpu.vector_load_idx %arg21[%add3A_435] : memref<400xf32, #tpu.memory_space<vmem>>[vector<16xi32>], vector<16xf32>,
        %gather3A_437 = tpu.vector_load_idx %arg22[%add3A_435] : memref<400xf32, #tpu.memory_space<vmem>>[vector<16xi32>], vector<16xf32>,
        %gather3A_438 = tpu.vector_load_idx %arg23[%add3A_435] : memref<400xf32, #tpu.memory_space<vmem>>[vector<16xi32>], vector<16xf32>,
        %gather3A_439 = tpu.vector_load_idx %arg24[%add3A_435] : memref<400xf32, #tpu.memory_space<vmem>>[vector<16xi32>], vector<16xf32>,
        %gather3A_440 = tpu.vector_load_idx %arg25[%add3A_435] : memref<400xf32, #tpu.memory_space<vmem>>[vector<16xi32>], vector<16xf32>,
        %gather3A_441 = tpu.vector_load_idx %arg26[%add3A_435] : memref<400xf32, #tpu.memory_space<vmem>>[vector<16xi32>], vector<16xf32>,
        %gather3A_442 = tpu.vector_load_idx %arg27[%add3A_435] : memref<400xf32, #tpu.memory_space<vmem>>[vector<16xi32>], vector<16xf32>,
        %sub3A_443 = arith.subf %convert_element_type3A_271, %gather3A_436 : vector<16xf32>
        %sub3A_444 = arith.subf %convert_element_type3A_281, %gather3A_437 : vector<16xf32>
        %sub3A_445 = arith.subf %gather3A_438, %convert_element_type3A_271 : vector<16xf32>
        %sub3A_446 = arith.subf %gather3A_439, %convert_element_type3A_281 : vector<16xf32>
        %min3A_447 = arith.minimumf %sub3A_443, %sub3A_444 : vector<16xf32>
        %min3A_448 = arith.minimumf %sub3A_445, %sub3A_446 : vector<16xf32>
        %min3A_449 = arith.minimumf %min3A_447, %min3A_448 : vector<16xf32>
        %max3A_450 = arith.maximumf %sub3A_443, %sub3A_444 : vector<16xf32>
        %max3A_451 = arith.maximumf %sub3A_445, %sub3A_446 : vector<16xf32>
        %max3A_452 = arith.maximumf %max3A_450, %max3A_451 : vector<16xf32>
        %sub3A_453 = arith.subf %add3A_289, %gather3A_440 : vector<16xf32>
        %abs3A_454 = math.absf %sub3A_453 : vector<16xf32>
        %sub3A_455 = arith.subf %add3A_290, %gather3A_441 : vector<16xf32>
        %abs3A_456 = math.absf %sub3A_455 : vector<16xf32>
        %max3A_457 = arith.maximumf %abs3A_454, %abs3A_456 : vector<16xf32>
        %gt3A_458 = arith.constant 0.000000e+00 : f32
        %gt3A_459 = vector.broadcast %gt3A_458 : f32 to vector<16xf32>
        %gt3A_460 = arith.cmpf ogt, %min3A_449, %gt3A_459 : vector<16xf32>
        %lt3A_461 = arith.constant 3.840000e+02 : f32
        %lt3A_462 = vector.broadcast %lt3A_461 : f32 to vector<16xf32>
        %lt3A_463 = arith.cmpf olt, %max3A_457, %lt3A_462 : vector<16xf32>
        %and3A_464 = arith.andi %gt3A_460, %lt3A_463 : vector<16xi1>
        %ge3A_465 = arith.constant 5.120000e+02 : f32
        %ge3A_466 = vector.broadcast %ge3A_465 : f32 to vector<16xf32>
        %ge3A_467 = arith.cmpf oge, %max3A_452, %ge3A_466 : vector<16xf32>
        %and3A_468 = arith.andi %and3A_464, %ge3A_467 : vector<16xi1>
        %lt3A_469 = arith.cmpf olt, %gather3A_442, %select_n3A_431 : vector<16xf32>
        %and3A_470 = arith.andi %and3A_468, %lt3A_469 : vector<16xi1>
        %select_n3A_471 = arith.select %and3A_470, %gather3A_442, %select_n3A_431 : vector<16xi1>, vector<16xf32>
        %select_n3A_472 = arith.select %and3A_470, %add3A_435, %select_n3A_432 : vector<16xi1>, vector<16xi32>
        %add3A_473 = arith.constant 1 : i32
        %add3A_474 = vector.broadcast %add3A_473 : i32 to vector<16xi32>
        %add3A_475 = arith.addi %add3A_435, %add3A_474 : vector<16xi32>
        %gather3A_476 = tpu.vector_load_idx %arg21[%add3A_475] : memref<400xf32, #tpu.memory_space<vmem>>[vector<16xi32>], vector<16xf32>,
        %gather3A_477 = tpu.vector_load_idx %arg22[%add3A_475] : memref<400xf32, #tpu.memory_space<vmem>>[vector<16xi32>], vector<16xf32>,
        %gather3A_478 = tpu.vector_load_idx %arg23[%add3A_475] : memref<400xf32, #tpu.memory_space<vmem>>[vector<16xi32>], vector<16xf32>,
        %gather3A_479 = tpu.vector_load_idx %arg24[%add3A_475] : memref<400xf32, #tpu.memory_space<vmem>>[vector<16xi32>], vector<16xf32>,
        %gather3A_480 = tpu.vector_load_idx %arg25[%add3A_475] : memref<400xf32, #tpu.memory_space<vmem>>[vector<16xi32>], vector<16xf32>,
        %gather3A_481 = tpu.vector_load_idx %arg26[%add3A_475] : memref<400xf32, #tpu.memory_space<vmem>>[vector<16xi32>], vector<16xf32>,
        %gather3A_482 = tpu.vector_load_idx %arg27[%add3A_475] : memref<400xf32, #tpu.memory_space<vmem>>[vector<16xi32>], vector<16xf32>,
        %sub3A_483 = arith.subf %convert_element_type3A_271, %gather3A_476 : vector<16xf32>
        %sub3A_484 = arith.subf %convert_element_type3A_281, %gather3A_477 : vector<16xf32>
        %sub3A_485 = arith.subf %gather3A_478, %convert_element_type3A_271 : vector<16xf32>
        %sub3A_486 = arith.subf %gather3A_479, %convert_element_type3A_281 : vector<16xf32>
        %min3A_487 = arith.minimumf %sub3A_483, %sub3A_484 : vector<16xf32>
        %min3A_488 = arith.minimumf %sub3A_485, %sub3A_486 : vector<16xf32>
        %min3A_489 = arith.minimumf %min3A_487, %min3A_488 : vector<16xf32>
        %max3A_490 = arith.maximumf %sub3A_483, %sub3A_484 : vector<16xf32>
        %max3A_491 = arith.maximumf %sub3A_485, %sub3A_486 : vector<16xf32>
        %max3A_492 = arith.maximumf %max3A_490, %max3A_491 : vector<16xf32>
        %sub3A_493 = arith.subf %add3A_289, %gather3A_480 : vector<16xf32>
        %abs3A_494 = math.absf %sub3A_493 : vector<16xf32>
        %sub3A_495 = arith.subf %add3A_290, %gather3A_481 : vector<16xf32>
        %abs3A_496 = math.absf %sub3A_495 : vector<16xf32>
        %max3A_497 = arith.maximumf %abs3A_494, %abs3A_496 : vector<16xf32>
        %gt3A_498 = arith.constant 0.000000e+00 : f32
        %gt3A_499 = vector.broadcast %gt3A_498 : f32 to vector<16xf32>
        %gt3A_500 = arith.cmpf ogt, %min3A_489, %gt3A_499 : vector<16xf32>
        %lt3A_501 = arith.constant 3.840000e+02 : f32
        %lt3A_502 = vector.broadcast %lt3A_501 : f32 to vector<16xf32>
        %lt3A_503 = arith.cmpf olt, %max3A_497, %lt3A_502 : vector<16xf32>
        %and3A_504 = arith.andi %gt3A_500, %lt3A_503 : vector<16xi1>
        %ge3A_505 = arith.constant 5.120000e+02 : f32
        %ge3A_506 = vector.broadcast %ge3A_505 : f32 to vector<16xf32>
        %ge3A_507 = arith.cmpf oge, %max3A_492, %ge3A_506 : vector<16xf32>
        %and3A_508 = arith.andi %and3A_504, %ge3A_507 : vector<16xi1>
        %lt3A_509 = arith.cmpf olt, %gather3A_482, %select_n3A_471 : vector<16xf32>
        %and3A_510 = arith.andi %and3A_508, %lt3A_509 : vector<16xi1>
        %select_n3A_511 = arith.select %and3A_510, %gather3A_482, %select_n3A_471 : vector<16xi1>, vector<16xf32>
        %select_n3A_512 = arith.select %and3A_510, %add3A_475, %select_n3A_472 : vector<16xi1>, vector<16xi32>
        %add3A_513 = arith.constant 1 : i32
        %add3A_514 = vector.broadcast %add3A_513 : i32 to vector<16xi32>
        %add3A_515 = arith.addi %add3A_475, %add3A_514 : vector<16xi32>
        %gather3A_516 = tpu.vector_load_idx %arg21[%add3A_515] : memref<400xf32, #tpu.memory_space<vmem>>[vector<16xi32>], vector<16xf32>,
        %gather3A_517 = tpu.vector_load_idx %arg22[%add3A_515] : memref<400xf32, #tpu.memory_space<vmem>>[vector<16xi32>], vector<16xf32>,
        %gather3A_518 = tpu.vector_load_idx %arg23[%add3A_515] : memref<400xf32, #tpu.memory_space<vmem>>[vector<16xi32>], vector<16xf32>,
        %gather3A_519 = tpu.vector_load_idx %arg24[%add3A_515] : memref<400xf32, #tpu.memory_space<vmem>>[vector<16xi32>], vector<16xf32>,
        %gather3A_520 = tpu.vector_load_idx %arg25[%add3A_515] : memref<400xf32, #tpu.memory_space<vmem>>[vector<16xi32>], vector<16xf32>,
        %gather3A_521 = tpu.vector_load_idx %arg26[%add3A_515] : memref<400xf32, #tpu.memory_space<vmem>>[vector<16xi32>], vector<16xf32>,
        %gather3A_522 = tpu.vector_load_idx %arg27[%add3A_515] : memref<400xf32, #tpu.memory_space<vmem>>[vector<16xi32>], vector<16xf32>,
        %sub3A_523 = arith.subf %convert_element_type3A_271, %gather3A_516 : vector<16xf32>
        %sub3A_524 = arith.subf %convert_element_type3A_281, %gather3A_517 : vector<16xf32>
        %sub3A_525 = arith.subf %gather3A_518, %convert_element_type3A_271 : vector<16xf32>
        %sub3A_526 = arith.subf %gather3A_519, %convert_element_type3A_281 : vector<16xf32>
        %min3A_527 = arith.minimumf %sub3A_523, %sub3A_524 : vector<16xf32>
        %min3A_528 = arith.minimumf %sub3A_525, %sub3A_526 : vector<16xf32>
        %min3A_529 = arith.minimumf %min3A_527, %min3A_528 : vector<16xf32>
        %max3A_530 = arith.maximumf %sub3A_523, %sub3A_524 : vector<16xf32>
        %max3A_531 = arith.maximumf %sub3A_525, %sub3A_526 : vector<16xf32>
        %max3A_532 = arith.maximumf %max3A_530, %max3A_531 : vector<16xf32>
        %sub3A_533 = arith.subf %add3A_289, %gather3A_520 : vector<16xf32>
        %abs3A_534 = math.absf %sub3A_533 : vector<16xf32>
        %sub3A_535 = arith.subf %add3A_290, %gather3A_521 : vector<16xf32>
        %abs3A_536 = math.absf %sub3A_535 : vector<16xf32>
        %max3A_537 = arith.maximumf %abs3A_534, %abs3A_536 : vector<16xf32>
        %gt3A_538 = arith.constant 0.000000e+00 : f32
        %gt3A_539 = vector.broadcast %gt3A_538 : f32 to vector<16xf32>
        %gt3A_540 = arith.cmpf ogt, %min3A_529, %gt3A_539 : vector<16xf32>
        %lt3A_541 = arith.constant 3.840000e+02 : f32
        %lt3A_542 = vector.broadcast %lt3A_541 : f32 to vector<16xf32>
        %lt3A_543 = arith.cmpf olt, %max3A_537, %lt3A_542 : vector<16xf32>
        %and3A_544 = arith.andi %gt3A_540, %lt3A_543 : vector<16xi1>
        %ge3A_545 = arith.constant 5.120000e+02 : f32
        %ge3A_546 = vector.broadcast %ge3A_545 : f32 to vector<16xf32>
        %ge3A_547 = arith.cmpf oge, %max3A_532, %ge3A_546 : vector<16xf32>
        %and3A_548 = arith.andi %and3A_544, %ge3A_547 : vector<16xi1>
        %lt3A_549 = arith.cmpf olt, %gather3A_522, %select_n3A_511 : vector<16xf32>
        %and3A_550 = arith.andi %and3A_548, %lt3A_549 : vector<16xi1>
        %select_n3A_551 = arith.select %and3A_550, %gather3A_522, %select_n3A_511 : vector<16xi1>, vector<16xf32>
        %select_n3A_552 = arith.select %and3A_550, %add3A_515, %select_n3A_512 : vector<16xi1>, vector<16xi32>
        %add3A_553 = arith.constant 1 : i32
        %add3A_554 = vector.broadcast %add3A_553 : i32 to vector<16xi32>
        %add3A_555 = arith.addi %add3A_515, %add3A_554 : vector<16xi32>
        %gather3A_556 = tpu.vector_load_idx %arg21[%add3A_555] : memref<400xf32, #tpu.memory_space<vmem>>[vector<16xi32>], vector<16xf32>,
        %gather3A_557 = tpu.vector_load_idx %arg22[%add3A_555] : memref<400xf32, #tpu.memory_space<vmem>>[vector<16xi32>], vector<16xf32>,
        %gather3A_558 = tpu.vector_load_idx %arg23[%add3A_555] : memref<400xf32, #tpu.memory_space<vmem>>[vector<16xi32>], vector<16xf32>,
        %gather3A_559 = tpu.vector_load_idx %arg24[%add3A_555] : memref<400xf32, #tpu.memory_space<vmem>>[vector<16xi32>], vector<16xf32>,
        %gather3A_560 = tpu.vector_load_idx %arg25[%add3A_555] : memref<400xf32, #tpu.memory_space<vmem>>[vector<16xi32>], vector<16xf32>,
        %gather3A_561 = tpu.vector_load_idx %arg26[%add3A_555] : memref<400xf32, #tpu.memory_space<vmem>>[vector<16xi32>], vector<16xf32>,
        %gather3A_562 = tpu.vector_load_idx %arg27[%add3A_555] : memref<400xf32, #tpu.memory_space<vmem>>[vector<16xi32>], vector<16xf32>,
        %sub3A_563 = arith.subf %convert_element_type3A_271, %gather3A_556 : vector<16xf32>
        %sub3A_564 = arith.subf %convert_element_type3A_281, %gather3A_557 : vector<16xf32>
        %sub3A_565 = arith.subf %gather3A_558, %convert_element_type3A_271 : vector<16xf32>
        %sub3A_566 = arith.subf %gather3A_559, %convert_element_type3A_281 : vector<16xf32>
        %min3A_567 = arith.minimumf %sub3A_563, %sub3A_564 : vector<16xf32>
        %min3A_568 = arith.minimumf %sub3A_565, %sub3A_566 : vector<16xf32>
        %min3A_569 = arith.minimumf %min3A_567, %min3A_568 : vector<16xf32>
        %max3A_570 = arith.maximumf %sub3A_563, %sub3A_564 : vector<16xf32>
        %max3A_571 = arith.maximumf %sub3A_565, %sub3A_566 : vector<16xf32>
        %max3A_572 = arith.maximumf %max3A_570, %max3A_571 : vector<16xf32>
        %sub3A_573 = arith.subf %add3A_289, %gather3A_560 : vector<16xf32>
        %abs3A_574 = math.absf %sub3A_573 : vector<16xf32>
        %sub3A_575 = arith.subf %add3A_290, %gather3A_561 : vector<16xf32>
        %abs3A_576 = math.absf %sub3A_575 : vector<16xf32>
        %max3A_577 = arith.maximumf %abs3A_574, %abs3A_576 : vector<16xf32>
        %gt3A_578 = arith.constant 0.000000e+00 : f32
        %gt3A_579 = vector.broadcast %gt3A_578 : f32 to vector<16xf32>
        %gt3A_580 = arith.cmpf ogt, %min3A_569, %gt3A_579 : vector<16xf32>
        %lt3A_581 = arith.constant 3.840000e+02 : f32
        %lt3A_582 = vector.broadcast %lt3A_581 : f32 to vector<16xf32>
        %lt3A_583 = arith.cmpf olt, %max3A_577, %lt3A_582 : vector<16xf32>
        %and3A_584 = arith.andi %gt3A_580, %lt3A_583 : vector<16xi1>
        %ge3A_585 = arith.constant 5.120000e+02 : f32
        %ge3A_586 = vector.broadcast %ge3A_585 : f32 to vector<16xf32>
        %ge3A_587 = arith.cmpf oge, %max3A_572, %ge3A_586 : vector<16xf32>
        %and3A_588 = arith.andi %and3A_584, %ge3A_587 : vector<16xi1>
        %lt3A_589 = arith.cmpf olt, %gather3A_562, %select_n3A_551 : vector<16xf32>
        %and3A_590 = arith.andi %and3A_588, %lt3A_589 : vector<16xi1>
        %select_n3A_591 = arith.select %and3A_590, %gather3A_562, %select_n3A_551 : vector<16xi1>, vector<16xf32>
        %select_n3A_592 = arith.select %and3A_590, %add3A_555, %select_n3A_552 : vector<16xi1>, vector<16xi32>
        %add3A_593 = arith.constant 1 : i32
        %add3A_594 = vector.broadcast %add3A_593 : i32 to vector<16xi32>
        %add3A_595 = arith.addi %add3A_555, %add3A_594 : vector<16xi32>
        scf.yield %select_n3A_591, %select_n3A_592, %add3A_595 : vector<16xf32>, vector<16xi32>, vector<16xi32>
      }
      %scan3A_298 = arith.constant 10 : i32
      %lt3A_299 = arith.constant 1.000000e+08 : f32
      %lt3A_300 = vector.broadcast %lt3A_299 : f32 to vector<16xf32>
      %lt3A_301 = arith.cmpf olt, %scan3A_297#0, %lt3A_300 : vector<16xf32>
      %gather3A_302 = tpu.vector_load_idx %arg21[%scan3A_297#1] : memref<400xf32, #tpu.memory_space<vmem>>[vector<16xi32>], vector<16xf32>,
      %gather3A_303 = tpu.vector_load_idx %arg22[%scan3A_297#1] : memref<400xf32, #tpu.memory_space<vmem>>[vector<16xi32>], vector<16xf32>,
      %gather3A_304 = tpu.vector_load_idx %arg23[%scan3A_297#1] : memref<400xf32, #tpu.memory_space<vmem>>[vector<16xi32>], vector<16xf32>,
      %gather3A_305 = tpu.vector_load_idx %arg24[%scan3A_297#1] : memref<400xf32, #tpu.memory_space<vmem>>[vector<16xi32>], vector<16xf32>,
      %gather3A_306 = tpu.vector_load_idx %arg20[%scan3A_297#1] : memref<400xi32, #tpu.memory_space<vmem>>[vector<16xi32>], vector<16xi32>,
      %sub3A_307 = arith.subf %convert_element_type3A_271, %gather3A_302 : vector<16xf32>
      %sub3A_308 = arith.subf %convert_element_type3A_281, %gather3A_303 : vector<16xf32>
      %sub3A_309 = arith.subf %gather3A_304, %convert_element_type3A_271 : vector<16xf32>
      %sub3A_310 = arith.subf %gather3A_305, %convert_element_type3A_281 : vector<16xf32>
      %min3A_311 = arith.minimumf %sub3A_307, %sub3A_309 : vector<16xf32>
      %max3A_312 = arith.maximumf %sub3A_307, %sub3A_309 : vector<16xf32>
      %min3A_313 = arith.minimumf %sub3A_308, %sub3A_310 : vector<16xf32>
      %max3A_314 = arith.maximumf %sub3A_308, %sub3A_310 : vector<16xf32>
      %mul3A_315 = arith.mulf %min3A_311, %min3A_313 : vector<16xf32>
      %mul3A_316 = arith.mulf %max3A_312, %max3A_314 : vector<16xf32>
      %add3A_317 = arith.constant 1.000000e-10 : f32
      %add3A_318 = vector.broadcast %add3A_317 : f32 to vector<16xf32>
      %add3A_319 = arith.addf %mul3A_316, %add3A_318 : vector<16xf32>
      %div3A_320 = arith.divf %mul3A_315, %add3A_319 : vector<16xf32>
      %max3A_321 = arith.constant 0.000000e+00 : f32
      %max3A_322 = vector.broadcast %max3A_321 : f32 to vector<16xf32>
      %max3A_323 = arith.maximumf %div3A_320, %max3A_322 : vector<16xf32>
      %add3A_324 = arith.constant 9.99999996E-13 : f32
      %add3A_325 = vector.broadcast %add3A_324 : f32 to vector<16xf32>
      %add3A_326 = arith.addf %max3A_323, %add3A_325 : vector<16xf32>
      %bitcast_convert_type3A_327 = tpu.bitcast %add3A_326 : vector<16xf32> -> vector<16xi32>
      %shift_right_arithmetic3A_328 = arith.constant 1 : i32
      %shift_right_arithmetic3A_329 = vector.broadcast %shift_right_arithmetic3A_328 : i32 to vector<16xi32>
      %shift_right_arithmetic3A_330 = arith.shrsi %bitcast_convert_type3A_327, %shift_right_arithmetic3A_329 : vector<16xi32>
      %sub3A_331 = arith.constant 1597463007 : i32
      %sub3A_332 = vector.broadcast %sub3A_331 : i32 to vector<16xi32>
      %sub3A_333 = arith.subi %sub3A_332, %shift_right_arithmetic3A_330 : vector<16xi32>
      %bitcast_convert_type3A_334 = tpu.bitcast %sub3A_333 : vector<16xi32> -> vector<16xf32>
      %mul3A_335 = arith.constant 5.000000e-01 : f32
      %mul3A_336 = vector.broadcast %mul3A_335 : f32 to vector<16xf32>
      %mul3A_337 = arith.mulf %add3A_326, %mul3A_336 : vector<16xf32>
      %mul3A_338 = arith.mulf %mul3A_337, %bitcast_convert_type3A_334 : vector<16xf32>
      %mul3A_339 = arith.mulf %mul3A_338, %bitcast_convert_type3A_334 : vector<16xf32>
      %sub3A_340 = arith.constant 1.500000e+00 : f32
      %sub3A_341 = vector.broadcast %sub3A_340 : f32 to vector<16xf32>
      %sub3A_342 = arith.subf %sub3A_341, %mul3A_339 : vector<16xf32>
      %mul3A_343 = arith.mulf %bitcast_convert_type3A_334, %sub3A_342 : vector<16xf32>
      %mul3A_344 = arith.mulf %mul3A_337, %mul3A_343 : vector<16xf32>
      %mul3A_345 = arith.mulf %mul3A_344, %mul3A_343 : vector<16xf32>
      %sub3A_346 = arith.constant 1.500000e+00 : f32
      %sub3A_347 = vector.broadcast %sub3A_346 : f32 to vector<16xf32>
      %sub3A_348 = arith.subf %sub3A_347, %mul3A_345 : vector<16xf32>
      %mul3A_349 = arith.mulf %mul3A_343, %sub3A_348 : vector<16xf32>
      %mul3A_350 = arith.mulf %mul3A_337, %mul3A_349 : vector<16xf32>
      %mul3A_351 = arith.mulf %mul3A_350, %mul3A_349 : vector<16xf32>
      %sub3A_352 = arith.constant 1.500000e+00 : f32
      %sub3A_353 = vector.broadcast %sub3A_352 : f32 to vector<16xf32>
      %sub3A_354 = arith.subf %sub3A_353, %mul3A_351 : vector<16xf32>
      %mul3A_355 = arith.mulf %mul3A_349, %sub3A_354 : vector<16xf32>
      %mul3A_356 = arith.mulf %mul3A_337, %mul3A_355 : vector<16xf32>
      %mul3A_357 = arith.mulf %mul3A_356, %mul3A_355 : vector<16xf32>
      %sub3A_358 = arith.constant 1.500000e+00 : f32
      %sub3A_359 = vector.broadcast %sub3A_358 : f32 to vector<16xf32>
      %sub3A_360 = arith.subf %sub3A_359, %mul3A_357 : vector<16xf32>
      %mul3A_361 = arith.mulf %mul3A_355, %sub3A_360 : vector<16xf32>
      %mul3A_362 = arith.mulf %add3A_326, %mul3A_361 : vector<16xf32>
      %broadcast_in_dim3A_363 = arith.constant -1.000000e+00 : f32
      %broadcast_in_dim3A_364 = vector.broadcast %broadcast_in_dim3A_363 : f32 to vector<16xf32>
      %select_n3A_365 = arith.select %lt3A_301, %sub3A_307, %broadcast_in_dim3A_364 : vector<16xi1>, vector<16xf32>
      %select_n3A_366 = arith.select %lt3A_301, %sub3A_308, %broadcast_in_dim3A_364 : vector<16xi1>, vector<16xf32>
      %select_n3A_367 = arith.select %lt3A_301, %sub3A_309, %broadcast_in_dim3A_364 : vector<16xi1>, vector<16xf32>
      %select_n3A_368 = arith.select %lt3A_301, %sub3A_310, %broadcast_in_dim3A_364 : vector<16xi1>, vector<16xf32>
      %mul3A_369 = arith.constant 16 : i32
      %mul3A_370 = arith.muli %scan3A_261, %mul3A_369 : i32
      %swap3A_371 = arith.index_cast %mul3A_370 : i32 to index
      %swap3A_372 = tpu.vector_load %arg34[%swap3A_371] {strides = array<i32>} : memref<64xf32, #tpu.memory_space<vmem>>, vector<16xf32>,
      tpu.vector_store %arg34[%swap3A_371], %select_n3A_365 {strides = array<i32>} : memref<64xf32, #tpu.memory_space<vmem>>, vector<16xf32>,
      %add3A_373 = arith.constant 16 : i32
      %add3A_374 = arith.addi %mul3A_370, %add3A_373 : i32
      %swap3A_375 = arith.index_cast %add3A_374 : i32 to index
      %swap3A_376 = tpu.vector_load %arg34[%swap3A_375] {strides = array<i32>} : memref<64xf32, #tpu.memory_space<vmem>>, vector<16xf32>,
      tpu.vector_store %arg34[%swap3A_375], %select_n3A_366 {strides = array<i32>} : memref<64xf32, #tpu.memory_space<vmem>>, vector<16xf32>,
      %add3A_377 = arith.constant 32 : i32
      %add3A_378 = arith.addi %mul3A_370, %add3A_377 : i32
      %swap3A_379 = arith.index_cast %add3A_378 : i32 to index
      %swap3A_380 = tpu.vector_load %arg34[%swap3A_379] {strides = array<i32>} : memref<64xf32, #tpu.memory_space<vmem>>, vector<16xf32>,
      tpu.vector_store %arg34[%swap3A_379], %select_n3A_367 {strides = array<i32>} : memref<64xf32, #tpu.memory_space<vmem>>, vector<16xf32>,
      %add3A_381 = arith.constant 48 : i32
      %add3A_382 = arith.addi %mul3A_370, %add3A_381 : i32
      %swap3A_383 = arith.index_cast %add3A_382 : i32 to index
      %swap3A_384 = tpu.vector_load %arg34[%swap3A_383] {strides = array<i32>} : memref<64xf32, #tpu.memory_space<vmem>>, vector<16xf32>,
      tpu.vector_store %arg34[%swap3A_383], %select_n3A_368 {strides = array<i32>} : memref<64xf32, #tpu.memory_space<vmem>>, vector<16xf32>,
      %select_n3A_385 = arith.select %lt3A_301, %mul3A_362, %broadcast_in_dim3A_364 : vector<16xi1>, vector<16xf32>
      %swap3A_386 = arith.index_cast %add3A_288 : i32 to index
      %swap3A_387 = tpu.vector_load %arg29[%swap3A_386] {strides = array<i32>} : memref<1376xf32, #tpu.memory_space<vmem>>, vector<16xf32>,
      tpu.vector_store %arg29[%swap3A_386], %select_n3A_385 {strides = array<i32>} : memref<1376xf32, #tpu.memory_space<vmem>>, vector<16xf32>,
      %broadcast_in_dim3A_388 = arith.constant 0 : i32
      %broadcast_in_dim3A_389 = vector.broadcast %broadcast_in_dim3A_388 : i32 to vector<16xi32>
      %select_n3A_390 = arith.select %lt3A_301, %gather3A_306, %broadcast_in_dim3A_389 : vector<16xi1>, vector<16xi32>
      %swap3A_391 = arith.index_cast %add3A_288 : i32 to index
      %swap3A_392 = tpu.vector_load %arg28[%swap3A_391] {strides = array<i32>} : memref<1376xi32, #tpu.memory_space<vmem>>, vector<16xi32>,
      tpu.vector_store %arg28[%swap3A_391], %select_n3A_390 {strides = array<i32>} : memref<1376xi32, #tpu.memory_space<vmem>>, vector<16xi32>,
      %scan3A_393 = arith.constant 0 : i32
      %scan3A_394 = arith.constant 1 : i32
    } else {
    }
    %shift_right_arithmetic3A_165 = arith.constant 2 : i32
    %shift_right_arithmetic3A_166 = arith.shrsi %add3A, %shift_right_arithmetic3A_165 : i32
    %and3A_167 = arith.constant 3 : i32
    %and3A_168 = arith.andi %add3A, %and3A_167 : i32
    %mul3A_169 = arith.constant 1024 : i32
    %mul3A_170 = arith.muli %add3A, %mul3A_169 : i32
    "tpu.region"() ({
      %run_scoped3A = tpu.sem_alloc : memref<!tpu.dma_semaphore, #tpu.memory_space<semaphore_mem>>
      %dma_start3A = arith.constant 0 : i32
      %dma_start3A_260 = tpu.memref_slice %arg28[%dma_start3A] : memref<1376xi32, #tpu.memory_space<vmem>> -> memref<1024xi32, #tpu.memory_space<vmem>>
      %dma_start3A_261 = tpu.memref_slice %arg4[%mul3A_170] : memref<32768xi32, #tpu.memory_space<hbm>> -> memref<1024xi32, #tpu.memory_space<hbm>>
      %dma_start3A_262 = tpu.memref_slice %arg4[%mul3A_170] : memref<32768xi32, #tpu.memory_space<hbm>> -> memref<1024xi32, #tpu.memory_space<hbm>>
      %dma_start3A_263 = arith.constant 0 : i32
      %dma_start3A_264 = tpu.memref_slice %arg28[%dma_start3A_263] : memref<1376xi32, #tpu.memory_space<vmem>> -> memref<1024xi32, #tpu.memory_space<vmem>>
      tpu.enqueue_dma source(%dma_start3A_264 : memref<1024xi32, #tpu.memory_space<vmem>>) target(%dma_start3A_262 : memref<1024xi32, #tpu.memory_space<hbm>>) target_semaphore(%run_scoped3A : memref<!tpu.dma_semaphore, #tpu.memory_space<semaphore_mem>>)
      %dma_wait3A = arith.constant 0 : i32
      %dma_wait3A_265 = tpu.memref_slice %arg28[%dma_wait3A] : memref<1376xi32, #tpu.memory_space<vmem>> -> memref<1024xi32, #tpu.memory_space<vmem>>
      %dma_wait3A_266 = tpu.memref_slice %arg4[%mul3A_170] : memref<32768xi32, #tpu.memory_space<hbm>> -> memref<1024xi32, #tpu.memory_space<hbm>>
      %dma_wait3A_267 = tpu.memref_slice %arg4[%mul3A_170] : memref<32768xi32, #tpu.memory_space<hbm>> -> memref<1024xi32, #tpu.memory_space<hbm>>
      %dma_wait3A_268 = arith.constant 0 : i32
      %dma_wait3A_269 = tpu.memref_slice %arg28[%dma_wait3A_268] : memref<1376xi32, #tpu.memory_space<vmem>> -> memref<1024xi32, #tpu.memory_space<vmem>>
      tpu.wait_dma2 semaphore(%run_scoped3A : memref<!tpu.dma_semaphore, #tpu.memory_space<semaphore_mem>>) src(%dma_wait3A_269 : memref<1024xi32, #tpu.memory_space<vmem>>) dst(%dma_wait3A_267 : memref<1024xi32, #tpu.memory_space<hbm>>)
      tpu.yield
    }) : () -> ()
    %mul3A_171 = arith.constant 1024 : i32
    %mul3A_172 = arith.muli %add3A, %mul3A_171 : i32
    "tpu.region"() ({
      %run_scoped3A = tpu.sem_alloc : memref<!tpu.dma_semaphore, #tpu.memory_space<semaphore_mem>>
      %dma_start3A = arith.constant 0 : i32
      %dma_start3A_260 = tpu.memref_slice %arg29[%dma_start3A] : memref<1376xf32, #tpu.memory_space<vmem>> -> memref<1024xf32, #tpu.memory_space<vmem>>
      %dma_start3A_261 = tpu.memref_slice %arg14[%mul3A_172] : memref<32768xf32, #tpu.memory_space<hbm>> -> memref<1024xf32, #tpu.memory_space<hbm>>
      %dma_start3A_262 = tpu.memref_slice %arg14[%mul3A_172] : memref<32768xf32, #tpu.memory_space<hbm>> -> memref<1024xf32, #tpu.memory_space<hbm>>
      %dma_start3A_263 = arith.constant 0 : i32
      %dma_start3A_264 = tpu.memref_slice %arg29[%dma_start3A_263] : memref<1376xf32, #tpu.memory_space<vmem>> -> memref<1024xf32, #tpu.memory_space<vmem>>
      tpu.enqueue_dma source(%dma_start3A_264 : memref<1024xf32, #tpu.memory_space<vmem>>) target(%dma_start3A_262 : memref<1024xf32, #tpu.memory_space<hbm>>) target_semaphore(%run_scoped3A : memref<!tpu.dma_semaphore, #tpu.memory_space<semaphore_mem>>)
      %dma_wait3A = arith.constant 0 : i32
      %dma_wait3A_265 = tpu.memref_slice %arg29[%dma_wait3A] : memref<1376xf32, #tpu.memory_space<vmem>> -> memref<1024xf32, #tpu.memory_space<vmem>>
      %dma_wait3A_266 = tpu.memref_slice %arg14[%mul3A_172] : memref<32768xf32, #tpu.memory_space<hbm>> -> memref<1024xf32, #tpu.memory_space<hbm>>
      %dma_wait3A_267 = tpu.memref_slice %arg14[%mul3A_172] : memref<32768xf32, #tpu.memory_space<hbm>> -> memref<1024xf32, #tpu.memory_space<hbm>>
      %dma_wait3A_268 = arith.constant 0 : i32
      %dma_wait3A_269 = tpu.memref_slice %arg29[%dma_wait3A_268] : memref<1376xf32, #tpu.memory_space<vmem>> -> memref<1024xf32, #tpu.memory_space<vmem>>
      tpu.wait_dma2 semaphore(%run_scoped3A : memref<!tpu.dma_semaphore, #tpu.memory_space<semaphore_mem>>) src(%dma_wait3A_269 : memref<1024xf32, #tpu.memory_space<vmem>>) dst(%dma_wait3A_267 : memref<1024xf32, #tpu.memory_space<hbm>>)
      tpu.yield
    }) : () -> ()
    %mul3A_173 = arith.constant 256 : i32
    %mul3A_174 = arith.muli %add3A, %mul3A_173 : i32
    "tpu.region"() ({
      %run_scoped3A = tpu.sem_alloc : memref<!tpu.dma_semaphore, #tpu.memory_space<semaphore_mem>>
      %dma_start3A = arith.constant 1024 : i32
      %dma_start3A_260 = tpu.memref_slice %arg28[%dma_start3A] : memref<1376xi32, #tpu.memory_space<vmem>> -> memref<256xi32, #tpu.memory_space<vmem>>
      %dma_start3A_261 = tpu.memref_slice %arg5[%mul3A_174] : memref<8192xi32, #tpu.memory_space<hbm>> -> memref<256xi32, #tpu.memory_space<hbm>>
      %dma_start3A_262 = tpu.memref_slice %arg5[%mul3A_174] : memref<8192xi32, #tpu.memory_space<hbm>> -> memref<256xi32, #tpu.memory_space<hbm>>
      %dma_start3A_263 = arith.constant 1024 : i32
      %dma_start3A_264 = tpu.memref_slice %arg28[%dma_start3A_263] : memref<1376xi32, #tpu.memory_space<vmem>> -> memref<256xi32, #tpu.memory_space<vmem>>
      tpu.enqueue_dma source(%dma_start3A_264 : memref<256xi32, #tpu.memory_space<vmem>>) target(%dma_start3A_262 : memref<256xi32, #tpu.memory_space<hbm>>) target_semaphore(%run_scoped3A : memref<!tpu.dma_semaphore, #tpu.memory_space<semaphore_mem>>)
      %dma_wait3A = arith.constant 1024 : i32
      %dma_wait3A_265 = tpu.memref_slice %arg28[%dma_wait3A] : memref<1376xi32, #tpu.memory_space<vmem>> -> memref<256xi32, #tpu.memory_space<vmem>>
      %dma_wait3A_266 = tpu.memref_slice %arg5[%mul3A_174] : memref<8192xi32, #tpu.memory_space<hbm>> -> memref<256xi32, #tpu.memory_space<hbm>>
      %dma_wait3A_267 = tpu.memref_slice %arg5[%mul3A_174] : memref<8192xi32, #tpu.memory_space<hbm>> -> memref<256xi32, #tpu.memory_space<hbm>>
      %dma_wait3A_268 = arith.constant 1024 : i32
      %dma_wait3A_269 = tpu.memref_slice %arg28[%dma_wait3A_268] : memref<1376xi32, #tpu.memory_space<vmem>> -> memref<256xi32, #tpu.memory_space<vmem>>
      tpu.wait_dma2 semaphore(%run_scoped3A : memref<!tpu.dma_semaphore, #tpu.memory_space<semaphore_mem>>) src(%dma_wait3A_269 : memref<256xi32, #tpu.memory_space<vmem>>) dst(%dma_wait3A_267 : memref<256xi32, #tpu.memory_space<hbm>>)
      tpu.yield
    }) : () -> ()
    %mul3A_175 = arith.constant 256 : i32
    %mul3A_176 = arith.muli %add3A, %mul3A_175 : i32
    "tpu.region"() ({
      %run_scoped3A = tpu.sem_alloc : memref<!tpu.dma_semaphore, #tpu.memory_space<semaphore_mem>>
      %dma_start3A = arith.constant 1024 : i32
      %dma_start3A_260 = tpu.memref_slice %arg29[%dma_start3A] : memref<1376xf32, #tpu.memory_space<vmem>> -> memref<256xf32, #tpu.memory_space<vmem>>
      %dma_start3A_261 = tpu.memref_slice %arg15[%mul3A_176] : memref<8192xf32, #tpu.memory_space<hbm>> -> memref<256xf32, #tpu.memory_space<hbm>>
      %dma_start3A_262 = tpu.memref_slice %arg15[%mul3A_176] : memref<8192xf32, #tpu.memory_space<hbm>> -> memref<256xf32, #tpu.memory_space<hbm>>
      %dma_start3A_263 = arith.constant 1024 : i32
      %dma_start3A_264 = tpu.memref_slice %arg29[%dma_start3A_263] : memref<1376xf32, #tpu.memory_space<vmem>> -> memref<256xf32, #tpu.memory_space<vmem>>
      tpu.enqueue_dma source(%dma_start3A_264 : memref<256xf32, #tpu.memory_space<vmem>>) target(%dma_start3A_262 : memref<256xf32, #tpu.memory_space<hbm>>) target_semaphore(%run_scoped3A : memref<!tpu.dma_semaphore, #tpu.memory_space<semaphore_mem>>)
      %dma_wait3A = arith.constant 1024 : i32
      %dma_wait3A_265 = tpu.memref_slice %arg29[%dma_wait3A] : memref<1376xf32, #tpu.memory_space<vmem>> -> memref<256xf32, #tpu.memory_space<vmem>>
      %dma_wait3A_266 = tpu.memref_slice %arg15[%mul3A_176] : memref<8192xf32, #tpu.memory_space<hbm>> -> memref<256xf32, #tpu.memory_space<hbm>>
      %dma_wait3A_267 = tpu.memref_slice %arg15[%mul3A_176] : memref<8192xf32, #tpu.memory_space<hbm>> -> memref<256xf32, #tpu.memory_space<hbm>>
      %dma_wait3A_268 = arith.constant 1024 : i32
      %dma_wait3A_269 = tpu.memref_slice %arg29[%dma_wait3A_268] : memref<1376xf32, #tpu.memory_space<vmem>> -> memref<256xf32, #tpu.memory_space<vmem>>
      tpu.wait_dma2 semaphore(%run_scoped3A : memref<!tpu.dma_semaphore, #tpu.memory_space<semaphore_mem>>) src(%dma_wait3A_269 : memref<256xf32, #tpu.memory_space<vmem>>) dst(%dma_wait3A_267 : memref<256xf32, #tpu.memory_space<hbm>>)
      tpu.yield
    }) : () -> ()
    %mul3A_177 = arith.constant 64 : i32
    %mul3A_178 = arith.muli %add3A, %mul3A_177 : i32
    "tpu.region"() ({
      %run_scoped3A = tpu.sem_alloc : memref<!tpu.dma_semaphore, #tpu.memory_space<semaphore_mem>>
      %dma_start3A = arith.constant 1280 : i32
      %dma_start3A_260 = tpu.memref_slice %arg28[%dma_start3A] : memref<1376xi32, #tpu.memory_space<vmem>> -> memref<64xi32, #tpu.memory_space<vmem>>
      %dma_start3A_261 = tpu.memref_slice %arg6[%mul3A_178] : memref<2048xi32, #tpu.memory_space<hbm>> -> memref<64xi32, #tpu.memory_space<hbm>>
      %dma_start3A_262 = tpu.memref_slice %arg6[%mul3A_178] : memref<2048xi32, #tpu.memory_space<hbm>> -> memref<64xi32, #tpu.memory_space<hbm>>
      %dma_start3A_263 = arith.constant 1280 : i32
      %dma_start3A_264 = tpu.memref_slice %arg28[%dma_start3A_263] : memref<1376xi32, #tpu.memory_space<vmem>> -> memref<64xi32, #tpu.memory_space<vmem>>
      tpu.enqueue_dma source(%dma_start3A_264 : memref<64xi32, #tpu.memory_space<vmem>>) target(%dma_start3A_262 : memref<64xi32, #tpu.memory_space<hbm>>) target_semaphore(%run_scoped3A : memref<!tpu.dma_semaphore, #tpu.memory_space<semaphore_mem>>)
      %dma_wait3A = arith.constant 1280 : i32
      %dma_wait3A_265 = tpu.memref_slice %arg28[%dma_wait3A] : memref<1376xi32, #tpu.memory_space<vmem>> -> memref<64xi32, #tpu.memory_space<vmem>>
      %dma_wait3A_266 = tpu.memref_slice %arg6[%mul3A_178] : memref<2048xi32, #tpu.memory_space<hbm>> -> memref<64xi32, #tpu.memory_space<hbm>>
      %dma_wait3A_267 = tpu.memref_slice %arg6[%mul3A_178] : memref<2048xi32, #tpu.memory_space<hbm>> -> memref<64xi32, #tpu.memory_space<hbm>>
      %dma_wait3A_268 = arith.constant 1280 : i32
      %dma_wait3A_269 = tpu.memref_slice %arg28[%dma_wait3A_268] : memref<1376xi32, #tpu.memory_space<vmem>> -> memref<64xi32, #tpu.memory_space<vmem>>
      tpu.wait_dma2 semaphore(%run_scoped3A : memref<!tpu.dma_semaphore, #tpu.memory_space<semaphore_mem>>) src(%dma_wait3A_269 : memref<64xi32, #tpu.memory_space<vmem>>) dst(%dma_wait3A_267 : memref<64xi32, #tpu.memory_space<hbm>>)
      tpu.yield
    }) : () -> ()
    %mul3A_179 = arith.constant 64 : i32
    %mul3A_180 = arith.muli %add3A, %mul3A_179 : i32
    "tpu.region"() ({
      %run_scoped3A = tpu.sem_alloc : memref<!tpu.dma_semaphore, #tpu.memory_space<semaphore_mem>>
      %dma_start3A = arith.constant 1280 : i32
      %dma_start3A_260 = tpu.memref_slice %arg29[%dma_start3A] : memref<1376xf32, #tpu.memory_space<vmem>> -> memref<64xf32, #tpu.memory_space<vmem>>
      %dma_start3A_261 = tpu.memref_slice %arg16[%mul3A_180] : memref<2048xf32, #tpu.memory_space<hbm>> -> memref<64xf32, #tpu.memory_space<hbm>>
      %dma_start3A_262 = tpu.memref_slice %arg16[%mul3A_180] : memref<2048xf32, #tpu.memory_space<hbm>> -> memref<64xf32, #tpu.memory_space<hbm>>
      %dma_start3A_263 = arith.constant 1280 : i32
      %dma_start3A_264 = tpu.memref_slice %arg29[%dma_start3A_263] : memref<1376xf32, #tpu.memory_space<vmem>> -> memref<64xf32, #tpu.memory_space<vmem>>
      tpu.enqueue_dma source(%dma_start3A_264 : memref<64xf32, #tpu.memory_space<vmem>>) target(%dma_start3A_262 : memref<64xf32, #tpu.memory_space<hbm>>) target_semaphore(%run_scoped3A : memref<!tpu.dma_semaphore, #tpu.memory_space<semaphore_mem>>)
      %dma_wait3A = arith.constant 1280 : i32
      %dma_wait3A_265 = tpu.memref_slice %arg29[%dma_wait3A] : memref<1376xf32, #tpu.memory_space<vmem>> -> memref<64xf32, #tpu.memory_space<vmem>>
      %dma_wait3A_266 = tpu.memref_slice %arg16[%mul3A_180] : memref<2048xf32, #tpu.memory_space<hbm>> -> memref<64xf32, #tpu.memory_space<hbm>>
      %dma_wait3A_267 = tpu.memref_slice %arg16[%mul3A_180] : memref<2048xf32, #tpu.memory_space<hbm>> -> memref<64xf32, #tpu.memory_space<hbm>>
      %dma_wait3A_268 = arith.constant 1280 : i32
      %dma_wait3A_269 = tpu.memref_slice %arg29[%dma_wait3A_268] : memref<1376xf32, #tpu.memory_space<vmem>> -> memref<64xf32, #tpu.memory_space<vmem>>
      tpu.wait_dma2 semaphore(%run_scoped3A : memref<!tpu.dma_semaphore, #tpu.memory_space<semaphore_mem>>) src(%dma_wait3A_269 : memref<64xf32, #tpu.memory_space<vmem>>) dst(%dma_wait3A_267 : memref<64xf32, #tpu.memory_space<hbm>>)
      tpu.yield
    }) : () -> ()
    %mul3A_181 = arith.constant 16 : i32
    %mul3A_182 = arith.muli %add3A, %mul3A_181 : i32
    "tpu.region"() ({
      %run_scoped3A = tpu.sem_alloc : memref<!tpu.dma_semaphore, #tpu.memory_space<semaphore_mem>>
      %dma_start3A = arith.constant 1344 : i32
      %dma_start3A_260 = tpu.memref_slice %arg28[%dma_start3A] : memref<1376xi32, #tpu.memory_space<vmem>> -> memref<16xi32, #tpu.memory_space<vmem>>
      %dma_start3A_261 = tpu.memref_slice %arg7[%mul3A_182] : memref<512xi32, #tpu.memory_space<hbm>> -> memref<16xi32, #tpu.memory_space<hbm>>
      %dma_start3A_262 = tpu.memref_slice %arg7[%mul3A_182] : memref<512xi32, #tpu.memory_space<hbm>> -> memref<16xi32, #tpu.memory_space<hbm>>
      %dma_start3A_263 = arith.constant 1344 : i32
      %dma_start3A_264 = tpu.memref_slice %arg28[%dma_start3A_263] : memref<1376xi32, #tpu.memory_space<vmem>> -> memref<16xi32, #tpu.memory_space<vmem>>
      tpu.enqueue_dma source(%dma_start3A_264 : memref<16xi32, #tpu.memory_space<vmem>>) target(%dma_start3A_262 : memref<16xi32, #tpu.memory_space<hbm>>) target_semaphore(%run_scoped3A : memref<!tpu.dma_semaphore, #tpu.memory_space<semaphore_mem>>)
      %dma_wait3A = arith.constant 1344 : i32
      %dma_wait3A_265 = tpu.memref_slice %arg28[%dma_wait3A] : memref<1376xi32, #tpu.memory_space<vmem>> -> memref<16xi32, #tpu.memory_space<vmem>>
      %dma_wait3A_266 = tpu.memref_slice %arg7[%mul3A_182] : memref<512xi32, #tpu.memory_space<hbm>> -> memref<16xi32, #tpu.memory_space<hbm>>
      %dma_wait3A_267 = tpu.memref_slice %arg7[%mul3A_182] : memref<512xi32, #tpu.memory_space<hbm>> -> memref<16xi32, #tpu.memory_space<hbm>>
      %dma_wait3A_268 = arith.constant 1344 : i32
      %dma_wait3A_269 = tpu.memref_slice %arg28[%dma_wait3A_268] : memref<1376xi32, #tpu.memory_space<vmem>> -> memref<16xi32, #tpu.memory_space<vmem>>
      tpu.wait_dma2 semaphore(%run_scoped3A : memref<!tpu.dma_semaphore, #tpu.memory_space<semaphore_mem>>) src(%dma_wait3A_269 : memref<16xi32, #tpu.memory_space<vmem>>) dst(%dma_wait3A_267 : memref<16xi32, #tpu.memory_space<hbm>>)
      tpu.yield
    }) : () -> ()
    %mul3A_183 = arith.constant 16 : i32
    %mul3A_184 = arith.muli %add3A, %mul3A_183 : i32
    "tpu.region"() ({
      %run_scoped3A = tpu.sem_alloc : memref<!tpu.dma_semaphore, #tpu.memory_space<semaphore_mem>>
      %dma_start3A = arith.constant 1344 : i32
      %dma_start3A_260 = tpu.memref_slice %arg29[%dma_start3A] : memref<1376xf32, #tpu.memory_space<vmem>> -> memref<16xf32, #tpu.memory_space<vmem>>
      %dma_start3A_261 = tpu.memref_slice %arg17[%mul3A_184] : memref<512xf32, #tpu.memory_space<hbm>> -> memref<16xf32, #tpu.memory_space<hbm>>
      %dma_start3A_262 = tpu.memref_slice %arg17[%mul3A_184] : memref<512xf32, #tpu.memory_space<hbm>> -> memref<16xf32, #tpu.memory_space<hbm>>
      %dma_start3A_263 = arith.constant 1344 : i32
      %dma_start3A_264 = tpu.memref_slice %arg29[%dma_start3A_263] : memref<1376xf32, #tpu.memory_space<vmem>> -> memref<16xf32, #tpu.memory_space<vmem>>
      tpu.enqueue_dma source(%dma_start3A_264 : memref<16xf32, #tpu.memory_space<vmem>>) target(%dma_start3A_262 : memref<16xf32, #tpu.memory_space<hbm>>) target_semaphore(%run_scoped3A : memref<!tpu.dma_semaphore, #tpu.memory_space<semaphore_mem>>)
      %dma_wait3A = arith.constant 1344 : i32
      %dma_wait3A_265 = tpu.memref_slice %arg29[%dma_wait3A] : memref<1376xf32, #tpu.memory_space<vmem>> -> memref<16xf32, #tpu.memory_space<vmem>>
      %dma_wait3A_266 = tpu.memref_slice %arg17[%mul3A_184] : memref<512xf32, #tpu.memory_space<hbm>> -> memref<16xf32, #tpu.memory_space<hbm>>
      %dma_wait3A_267 = tpu.memref_slice %arg17[%mul3A_184] : memref<512xf32, #tpu.memory_space<hbm>> -> memref<16xf32, #tpu.memory_space<hbm>>
      %dma_wait3A_268 = arith.constant 1344 : i32
      %dma_wait3A_269 = tpu.memref_slice %arg29[%dma_wait3A_268] : memref<1376xf32, #tpu.memory_space<vmem>> -> memref<16xf32, #tpu.memory_space<vmem>>
      tpu.wait_dma2 semaphore(%run_scoped3A : memref<!tpu.dma_semaphore, #tpu.memory_space<semaphore_mem>>) src(%dma_wait3A_269 : memref<16xf32, #tpu.memory_space<vmem>>) dst(%dma_wait3A_267 : memref<16xf32, #tpu.memory_space<hbm>>)
      tpu.yield
    }) : () -> ()
    %mul3A_185 = arith.constant 4096 : i32
    %mul3A_186 = arith.muli %add3A, %mul3A_185 : i32
    "tpu.region"() ({
      %run_scoped3A = tpu.sem_alloc : memref<!tpu.dma_semaphore, #tpu.memory_space<semaphore_mem>>
      %dma_start3A = tpu.memref_slice %arg9[%mul3A_186] : memref<131072xf32, #tpu.memory_space<hbm>> -> memref<4096xf32, #tpu.memory_space<hbm>>
      %dma_start3A_260 = tpu.memref_slice %arg9[%mul3A_186] : memref<131072xf32, #tpu.memory_space<hbm>> -> memref<4096xf32, #tpu.memory_space<hbm>>
      tpu.enqueue_dma source(%arg30 : memref<4096xf32, #tpu.memory_space<vmem>>) target(%dma_start3A_260 : memref<4096xf32, #tpu.memory_space<hbm>>) target_semaphore(%run_scoped3A : memref<!tpu.dma_semaphore, #tpu.memory_space<semaphore_mem>>)
      %dma_wait3A = tpu.memref_slice %arg9[%mul3A_186] : memref<131072xf32, #tpu.memory_space<hbm>> -> memref<4096xf32, #tpu.memory_space<hbm>>
      %dma_wait3A_261 = tpu.memref_slice %arg9[%mul3A_186] : memref<131072xf32, #tpu.memory_space<hbm>> -> memref<4096xf32, #tpu.memory_space<hbm>>
      tpu.wait_dma2 semaphore(%run_scoped3A : memref<!tpu.dma_semaphore, #tpu.memory_space<semaphore_mem>>) src(%arg30 : memref<4096xf32, #tpu.memory_space<vmem>>) dst(%dma_wait3A_261 : memref<4096xf32, #tpu.memory_space<hbm>>)
      tpu.yield
    }) : () -> ()
    %mul3A_187 = arith.constant 1024 : i32
    %mul3A_188 = arith.muli %add3A, %mul3A_187 : i32
    "tpu.region"() ({
      %run_scoped3A = tpu.sem_alloc : memref<!tpu.dma_semaphore, #tpu.memory_space<semaphore_mem>>
      %dma_start3A = tpu.memref_slice %arg10[%mul3A_188] : memref<32768xf32, #tpu.memory_space<hbm>> -> memref<1024xf32, #tpu.memory_space<hbm>>
      %dma_start3A_260 = tpu.memref_slice %arg10[%mul3A_188] : memref<32768xf32, #tpu.memory_space<hbm>> -> memref<1024xf32, #tpu.memory_space<hbm>>
      tpu.enqueue_dma source(%arg31 : memref<1024xf32, #tpu.memory_space<vmem>>) target(%dma_start3A_260 : memref<1024xf32, #tpu.memory_space<hbm>>) target_semaphore(%run_scoped3A : memref<!tpu.dma_semaphore, #tpu.memory_space<semaphore_mem>>)
      %dma_wait3A = tpu.memref_slice %arg10[%mul3A_188] : memref<32768xf32, #tpu.memory_space<hbm>> -> memref<1024xf32, #tpu.memory_space<hbm>>
      %dma_wait3A_261 = tpu.memref_slice %arg10[%mul3A_188] : memref<32768xf32, #tpu.memory_space<hbm>> -> memref<1024xf32, #tpu.memory_space<hbm>>
      tpu.wait_dma2 semaphore(%run_scoped3A : memref<!tpu.dma_semaphore, #tpu.memory_space<semaphore_mem>>) src(%arg31 : memref<1024xf32, #tpu.memory_space<vmem>>) dst(%dma_wait3A_261 : memref<1024xf32, #tpu.memory_space<hbm>>)
      tpu.yield
    }) : () -> ()
    %shift_right_arithmetic3A_189 = arith.constant 1 : i32
    %shift_right_arithmetic3A_190 = arith.shrsi %and3A_168, %shift_right_arithmetic3A_189 : i32
    %and3A_191 = arith.constant 1 : i32
    %and3A_192 = arith.andi %and3A_168, %and3A_191 : i32
    %mul3A_193 = arith.constant 64 : i32
    %mul3A_194 = arith.muli %and3A_192, %mul3A_193 : i32
    %mul3A_195 = arith.constant 1024 : i32
    %mul3A_196 = arith.muli %shift_right_arithmetic3A_166, %mul3A_195 : i32
    %mul3A_197 = arith.constant 512 : i32
    %mul3A_198 = arith.muli %shift_right_arithmetic3A_190, %mul3A_197 : i32
    %add3A_199 = arith.addi %mul3A_196, %mul3A_198 : i32
    %add3A_200 = arith.constant 0 : i32
    %add3A_201 = arith.addi %add3A_199, %add3A_200 : i32
    %add3A_202 = arith.addi %add3A_201, %mul3A_194 : i32
    "tpu.region"() ({
      %run_scoped3A = tpu.sem_alloc : memref<!tpu.dma_semaphore, #tpu.memory_space<semaphore_mem>>
      %dma_start3A = arith.constant 0 : i32
      %dma_start3A_260 = tpu.memref_slice %arg32[%dma_start3A] : memref<512xf32, #tpu.memory_space<vmem>> -> memref<64xf32, #tpu.memory_space<vmem>>
      %dma_start3A_261 = tpu.memref_slice %arg11[%add3A_202] : memref<8192xf32, #tpu.memory_space<hbm>> -> memref<64xf32, #tpu.memory_space<hbm>>
      %dma_start3A_262 = tpu.memref_slice %arg11[%add3A_202] : memref<8192xf32, #tpu.memory_space<hbm>> -> memref<64xf32, #tpu.memory_space<hbm>>
      %dma_start3A_263 = arith.constant 0 : i32
      %dma_start3A_264 = tpu.memref_slice %arg32[%dma_start3A_263] : memref<512xf32, #tpu.memory_space<vmem>> -> memref<64xf32, #tpu.memory_space<vmem>>
      tpu.enqueue_dma source(%dma_start3A_264 : memref<64xf32, #tpu.memory_space<vmem>>) target(%dma_start3A_262 : memref<64xf32, #tpu.memory_space<hbm>>) target_semaphore(%run_scoped3A : memref<!tpu.dma_semaphore, #tpu.memory_space<semaphore_mem>>)
      %dma_wait3A = arith.constant 0 : i32
      %dma_wait3A_265 = tpu.memref_slice %arg32[%dma_wait3A] : memref<512xf32, #tpu.memory_space<vmem>> -> memref<64xf32, #tpu.memory_space<vmem>>
      %dma_wait3A_266 = tpu.memref_slice %arg11[%add3A_202] : memref<8192xf32, #tpu.memory_space<hbm>> -> memref<64xf32, #tpu.memory_space<hbm>>
      %dma_wait3A_267 = tpu.memref_slice %arg11[%add3A_202] : memref<8192xf32, #tpu.memory_space<hbm>> -> memref<64xf32, #tpu.memory_space<hbm>>
      %dma_wait3A_268 = arith.constant 0 : i32
      %dma_wait3A_269 = tpu.memref_slice %arg32[%dma_wait3A_268] : memref<512xf32, #tpu.memory_space<vmem>> -> memref<64xf32, #tpu.memory_space<vmem>>
      tpu.wait_dma2 semaphore(%run_scoped3A : memref<!tpu.dma_semaphore, #tpu.memory_space<semaphore_mem>>) src(%dma_wait3A_269 : memref<64xf32, #tpu.memory_space<vmem>>) dst(%dma_wait3A_267 : memref<64xf32, #tpu.memory_space<hbm>>)
      tpu.yield
    }) : () -> ()
    %mul3A_203 = arith.constant 512 : i32
    %mul3A_204 = arith.muli %shift_right_arithmetic3A_166, %mul3A_203 : i32
    %add3A_205 = arith.constant 0 : i32
    %add3A_206 = arith.addi %mul3A_204, %add3A_205 : i32
    %mul3A_207 = arith.constant 16 : i32
    %mul3A_208 = arith.muli %and3A_168, %mul3A_207 : i32
    %add3A_209 = arith.addi %add3A_206, %mul3A_208 : i32
    "tpu.region"() ({
      %run_scoped3A = tpu.sem_alloc : memref<!tpu.dma_semaphore, #tpu.memory_space<semaphore_mem>>
      %dma_start3A = arith.constant 0 : i32
      %dma_start3A_260 = tpu.memref_slice %arg33[%dma_start3A] : memref<64xf32, #tpu.memory_space<vmem>> -> memref<16xf32, #tpu.memory_space<vmem>>
      %dma_start3A_261 = tpu.memref_slice %arg12[%add3A_209] : memref<4096xf32, #tpu.memory_space<hbm>> -> memref<16xf32, #tpu.memory_space<hbm>>
      %dma_start3A_262 = tpu.memref_slice %arg12[%add3A_209] : memref<4096xf32, #tpu.memory_space<hbm>> -> memref<16xf32, #tpu.memory_space<hbm>>
      %dma_start3A_263 = arith.constant 0 : i32
      %dma_start3A_264 = tpu.memref_slice %arg33[%dma_start3A_263] : memref<64xf32, #tpu.memory_space<vmem>> -> memref<16xf32, #tpu.memory_space<vmem>>
      tpu.enqueue_dma source(%dma_start3A_264 : memref<16xf32, #tpu.memory_space<vmem>>) target(%dma_start3A_262 : memref<16xf32, #tpu.memory_space<hbm>>) target_semaphore(%run_scoped3A : memref<!tpu.dma_semaphore, #tpu.memory_space<semaphore_mem>>)
      %dma_wait3A = arith.constant 0 : i32
      %dma_wait3A_265 = tpu.memref_slice %arg33[%dma_wait3A] : memref<64xf32, #tpu.memory_space<vmem>> -> memref<16xf32, #tpu.memory_space<vmem>>
      %dma_wait3A_266 = tpu.memref_slice %arg12[%add3A_209] : memref<4096xf32, #tpu.memory_space<hbm>> -> memref<16xf32, #tpu.memory_space<hbm>>
      %dma_wait3A_267 = tpu.memref_slice %arg12[%add3A_209] : memref<4096xf32, #tpu.memory_space<hbm>> -> memref<16xf32, #tpu.memory_space<hbm>>
      %dma_wait3A_268 = arith.constant 0 : i32
      %dma_wait3A_269 = tpu.memref_slice %arg33[%dma_wait3A_268] : memref<64xf32, #tpu.memory_space<vmem>> -> memref<16xf32, #tpu.memory_space<vmem>>
      tpu.wait_dma2 semaphore(%run_scoped3A : memref<!tpu.dma_semaphore, #tpu.memory_space<semaphore_mem>>) src(%dma_wait3A_269 : memref<16xf32, #tpu.memory_space<vmem>>) dst(%dma_wait3A_267 : memref<16xf32, #tpu.memory_space<hbm>>)
      tpu.yield
    }) : () -> ()
    %mul3A_210 = arith.constant 1024 : i32
    %mul3A_211 = arith.muli %shift_right_arithmetic3A_166, %mul3A_210 : i32
    %mul3A_212 = arith.constant 512 : i32
    %mul3A_213 = arith.muli %shift_right_arithmetic3A_190, %mul3A_212 : i32
    %add3A_214 = arith.addi %mul3A_211, %mul3A_213 : i32
    %add3A_215 = arith.constant 128 : i32
    %add3A_216 = arith.addi %add3A_214, %add3A_215 : i32
    %add3A_217 = arith.addi %add3A_216, %mul3A_194 : i32
    "tpu.region"() ({
      %run_scoped3A = tpu.sem_alloc : memref<!tpu.dma_semaphore, #tpu.memory_space<semaphore_mem>>
      %dma_start3A = arith.constant 128 : i32
      %dma_start3A_260 = tpu.memref_slice %arg32[%dma_start3A] : memref<512xf32, #tpu.memory_space<vmem>> -> memref<64xf32, #tpu.memory_space<vmem>>
      %dma_start3A_261 = tpu.memref_slice %arg11[%add3A_217] : memref<8192xf32, #tpu.memory_space<hbm>> -> memref<64xf32, #tpu.memory_space<hbm>>
      %dma_start3A_262 = tpu.memref_slice %arg11[%add3A_217] : memref<8192xf32, #tpu.memory_space<hbm>> -> memref<64xf32, #tpu.memory_space<hbm>>
      %dma_start3A_263 = arith.constant 128 : i32
      %dma_start3A_264 = tpu.memref_slice %arg32[%dma_start3A_263] : memref<512xf32, #tpu.memory_space<vmem>> -> memref<64xf32, #tpu.memory_space<vmem>>
      tpu.enqueue_dma source(%dma_start3A_264 : memref<64xf32, #tpu.memory_space<vmem>>) target(%dma_start3A_262 : memref<64xf32, #tpu.memory_space<hbm>>) target_semaphore(%run_scoped3A : memref<!tpu.dma_semaphore, #tpu.memory_space<semaphore_mem>>)
      %dma_wait3A = arith.constant 128 : i32
      %dma_wait3A_265 = tpu.memref_slice %arg32[%dma_wait3A] : memref<512xf32, #tpu.memory_space<vmem>> -> memref<64xf32, #tpu.memory_space<vmem>>
      %dma_wait3A_266 = tpu.memref_slice %arg11[%add3A_217] : memref<8192xf32, #tpu.memory_space<hbm>> -> memref<64xf32, #tpu.memory_space<hbm>>
      %dma_wait3A_267 = tpu.memref_slice %arg11[%add3A_217] : memref<8192xf32, #tpu.memory_space<hbm>> -> memref<64xf32, #tpu.memory_space<hbm>>
      %dma_wait3A_268 = arith.constant 128 : i32
      %dma_wait3A_269 = tpu.memref_slice %arg32[%dma_wait3A_268] : memref<512xf32, #tpu.memory_space<vmem>> -> memref<64xf32, #tpu.memory_space<vmem>>
      tpu.wait_dma2 semaphore(%run_scoped3A : memref<!tpu.dma_semaphore, #tpu.memory_space<semaphore_mem>>) src(%dma_wait3A_269 : memref<64xf32, #tpu.memory_space<vmem>>) dst(%dma_wait3A_267 : memref<64xf32, #tpu.memory_space<hbm>>)
      tpu.yield
    }) : () -> ()
    %mul3A_218 = arith.constant 512 : i32
    %mul3A_219 = arith.muli %shift_right_arithmetic3A_166, %mul3A_218 : i32
    %add3A_220 = arith.constant 128 : i32
    %add3A_221 = arith.addi %mul3A_219, %add3A_220 : i32
    %mul3A_222 = arith.constant 16 : i32
    %mul3A_223 = arith.muli %and3A_168, %mul3A_222 : i32
    %add3A_224 = arith.addi %add3A_221, %mul3A_223 : i32
    "tpu.region"() ({
      %run_scoped3A = tpu.sem_alloc : memref<!tpu.dma_semaphore, #tpu.memory_space<semaphore_mem>>
      %dma_start3A = arith.constant 16 : i32
      %dma_start3A_260 = tpu.memref_slice %arg33[%dma_start3A] : memref<64xf32, #tpu.memory_space<vmem>> -> memref<16xf32, #tpu.memory_space<vmem>>
      %dma_start3A_261 = tpu.memref_slice %arg12[%add3A_224] : memref<4096xf32, #tpu.memory_space<hbm>> -> memref<16xf32, #tpu.memory_space<hbm>>
      %dma_start3A_262 = tpu.memref_slice %arg12[%add3A_224] : memref<4096xf32, #tpu.memory_space<hbm>> -> memref<16xf32, #tpu.memory_space<hbm>>
      %dma_start3A_263 = arith.constant 16 : i32
      %dma_start3A_264 = tpu.memref_slice %arg33[%dma_start3A_263] : memref<64xf32, #tpu.memory_space<vmem>> -> memref<16xf32, #tpu.memory_space<vmem>>
      tpu.enqueue_dma source(%dma_start3A_264 : memref<16xf32, #tpu.memory_space<vmem>>) target(%dma_start3A_262 : memref<16xf32, #tpu.memory_space<hbm>>) target_semaphore(%run_scoped3A : memref<!tpu.dma_semaphore, #tpu.memory_space<semaphore_mem>>)
      %dma_wait3A = arith.constant 16 : i32
      %dma_wait3A_265 = tpu.memref_slice %arg33[%dma_wait3A] : memref<64xf32, #tpu.memory_space<vmem>> -> memref<16xf32, #tpu.memory_space<vmem>>
      %dma_wait3A_266 = tpu.memref_slice %arg12[%add3A_224] : memref<4096xf32, #tpu.memory_space<hbm>> -> memref<16xf32, #tpu.memory_space<hbm>>
      %dma_wait3A_267 = tpu.memref_slice %arg12[%add3A_224] : memref<4096xf32, #tpu.memory_space<hbm>> -> memref<16xf32, #tpu.memory_space<hbm>>
      %dma_wait3A_268 = arith.constant 16 : i32
      %dma_wait3A_269 = tpu.memref_slice %arg33[%dma_wait3A_268] : memref<64xf32, #tpu.memory_space<vmem>> -> memref<16xf32, #tpu.memory_space<vmem>>
      tpu.wait_dma2 semaphore(%run_scoped3A : memref<!tpu.dma_semaphore, #tpu.memory_space<semaphore_mem>>) src(%dma_wait3A_269 : memref<16xf32, #tpu.memory_space<vmem>>) dst(%dma_wait3A_267 : memref<16xf32, #tpu.memory_space<hbm>>)
      tpu.yield
    }) : () -> ()
    %mul3A_225 = arith.constant 1024 : i32
    %mul3A_226 = arith.muli %shift_right_arithmetic3A_166, %mul3A_225 : i32
    %mul3A_227 = arith.constant 512 : i32
    %mul3A_228 = arith.muli %shift_right_arithmetic3A_190, %mul3A_227 : i32
    %add3A_229 = arith.addi %mul3A_226, %mul3A_228 : i32
    %add3A_230 = arith.constant 256 : i32
    %add3A_231 = arith.addi %add3A_229, %add3A_230 : i32
    %add3A_232 = arith.addi %add3A_231, %mul3A_194 : i32
    "tpu.region"() ({
      %run_scoped3A = tpu.sem_alloc : memref<!tpu.dma_semaphore, #tpu.memory_space<semaphore_mem>>
      %dma_start3A = arith.constant 256 : i32
      %dma_start3A_260 = tpu.memref_slice %arg32[%dma_start3A] : memref<512xf32, #tpu.memory_space<vmem>> -> memref<64xf32, #tpu.memory_space<vmem>>
      %dma_start3A_261 = tpu.memref_slice %arg11[%add3A_232] : memref<8192xf32, #tpu.memory_space<hbm>> -> memref<64xf32, #tpu.memory_space<hbm>>
      %dma_start3A_262 = tpu.memref_slice %arg11[%add3A_232] : memref<8192xf32, #tpu.memory_space<hbm>> -> memref<64xf32, #tpu.memory_space<hbm>>
      %dma_start3A_263 = arith.constant 256 : i32
      %dma_start3A_264 = tpu.memref_slice %arg32[%dma_start3A_263] : memref<512xf32, #tpu.memory_space<vmem>> -> memref<64xf32, #tpu.memory_space<vmem>>
      tpu.enqueue_dma source(%dma_start3A_264 : memref<64xf32, #tpu.memory_space<vmem>>) target(%dma_start3A_262 : memref<64xf32, #tpu.memory_space<hbm>>) target_semaphore(%run_scoped3A : memref<!tpu.dma_semaphore, #tpu.memory_space<semaphore_mem>>)
      %dma_wait3A = arith.constant 256 : i32
      %dma_wait3A_265 = tpu.memref_slice %arg32[%dma_wait3A] : memref<512xf32, #tpu.memory_space<vmem>> -> memref<64xf32, #tpu.memory_space<vmem>>
      %dma_wait3A_266 = tpu.memref_slice %arg11[%add3A_232] : memref<8192xf32, #tpu.memory_space<hbm>> -> memref<64xf32, #tpu.memory_space<hbm>>
      %dma_wait3A_267 = tpu.memref_slice %arg11[%add3A_232] : memref<8192xf32, #tpu.memory_space<hbm>> -> memref<64xf32, #tpu.memory_space<hbm>>
      %dma_wait3A_268 = arith.constant 256 : i32
      %dma_wait3A_269 = tpu.memref_slice %arg32[%dma_wait3A_268] : memref<512xf32, #tpu.memory_space<vmem>> -> memref<64xf32, #tpu.memory_space<vmem>>
      tpu.wait_dma2 semaphore(%run_scoped3A : memref<!tpu.dma_semaphore, #tpu.memory_space<semaphore_mem>>) src(%dma_wait3A_269 : memref<64xf32, #tpu.memory_space<vmem>>) dst(%dma_wait3A_267 : memref<64xf32, #tpu.memory_space<hbm>>)
      tpu.yield
    }) : () -> ()
    %mul3A_233 = arith.constant 512 : i32
    %mul3A_234 = arith.muli %shift_right_arithmetic3A_166, %mul3A_233 : i32
    %add3A_235 = arith.constant 256 : i32
    %add3A_236 = arith.addi %mul3A_234, %add3A_235 : i32
    %mul3A_237 = arith.constant 16 : i32
    %mul3A_238 = arith.muli %and3A_168, %mul3A_237 : i32
    %add3A_239 = arith.addi %add3A_236, %mul3A_238 : i32
    "tpu.region"() ({
      %run_scoped3A = tpu.sem_alloc : memref<!tpu.dma_semaphore, #tpu.memory_space<semaphore_mem>>
      %dma_start3A = arith.constant 32 : i32
      %dma_start3A_260 = tpu.memref_slice %arg33[%dma_start3A] : memref<64xf32, #tpu.memory_space<vmem>> -> memref<16xf32, #tpu.memory_space<vmem>>
      %dma_start3A_261 = tpu.memref_slice %arg12[%add3A_239] : memref<4096xf32, #tpu.memory_space<hbm>> -> memref<16xf32, #tpu.memory_space<hbm>>
      %dma_start3A_262 = tpu.memref_slice %arg12[%add3A_239] : memref<4096xf32, #tpu.memory_space<hbm>> -> memref<16xf32, #tpu.memory_space<hbm>>
      %dma_start3A_263 = arith.constant 32 : i32
      %dma_start3A_264 = tpu.memref_slice %arg33[%dma_start3A_263] : memref<64xf32, #tpu.memory_space<vmem>> -> memref<16xf32, #tpu.memory_space<vmem>>
      tpu.enqueue_dma source(%dma_start3A_264 : memref<16xf32, #tpu.memory_space<vmem>>) target(%dma_start3A_262 : memref<16xf32, #tpu.memory_space<hbm>>) target_semaphore(%run_scoped3A : memref<!tpu.dma_semaphore, #tpu.memory_space<semaphore_mem>>)
      %dma_wait3A = arith.constant 32 : i32
      %dma_wait3A_265 = tpu.memref_slice %arg33[%dma_wait3A] : memref<64xf32, #tpu.memory_space<vmem>> -> memref<16xf32, #tpu.memory_space<vmem>>
      %dma_wait3A_266 = tpu.memref_slice %arg12[%add3A_239] : memref<4096xf32, #tpu.memory_space<hbm>> -> memref<16xf32, #tpu.memory_space<hbm>>
      %dma_wait3A_267 = tpu.memref_slice %arg12[%add3A_239] : memref<4096xf32, #tpu.memory_space<hbm>> -> memref<16xf32, #tpu.memory_space<hbm>>
      %dma_wait3A_268 = arith.constant 32 : i32
      %dma_wait3A_269 = tpu.memref_slice %arg33[%dma_wait3A_268] : memref<64xf32, #tpu.memory_space<vmem>> -> memref<16xf32, #tpu.memory_space<vmem>>
      tpu.wait_dma2 semaphore(%run_scoped3A : memref<!tpu.dma_semaphore, #tpu.memory_space<semaphore_mem>>) src(%dma_wait3A_269 : memref<16xf32, #tpu.memory_space<vmem>>) dst(%dma_wait3A_267 : memref<16xf32, #tpu.memory_space<hbm>>)
      tpu.yield
    }) : () -> ()
    %mul3A_240 = arith.constant 1024 : i32
    %mul3A_241 = arith.muli %shift_right_arithmetic3A_166, %mul3A_240 : i32
    %mul3A_242 = arith.constant 512 : i32
    %mul3A_243 = arith.muli %shift_right_arithmetic3A_190, %mul3A_242 : i32
    %add3A_244 = arith.addi %mul3A_241, %mul3A_243 : i32
    %add3A_245 = arith.constant 384 : i32
    %add3A_246 = arith.addi %add3A_244, %add3A_245 : i32
    %add3A_247 = arith.addi %add3A_246, %mul3A_194 : i32
    "tpu.region"() ({
      %run_scoped3A = tpu.sem_alloc : memref<!tpu.dma_semaphore, #tpu.memory_space<semaphore_mem>>
      %dma_start3A = arith.constant 384 : i32
      %dma_start3A_260 = tpu.memref_slice %arg32[%dma_start3A] : memref<512xf32, #tpu.memory_space<vmem>> -> memref<64xf32, #tpu.memory_space<vmem>>
      %dma_start3A_261 = tpu.memref_slice %arg11[%add3A_247] : memref<8192xf32, #tpu.memory_space<hbm>> -> memref<64xf32, #tpu.memory_space<hbm>>
      %dma_start3A_262 = tpu.memref_slice %arg11[%add3A_247] : memref<8192xf32, #tpu.memory_space<hbm>> -> memref<64xf32, #tpu.memory_space<hbm>>
      %dma_start3A_263 = arith.constant 384 : i32
      %dma_start3A_264 = tpu.memref_slice %arg32[%dma_start3A_263] : memref<512xf32, #tpu.memory_space<vmem>> -> memref<64xf32, #tpu.memory_space<vmem>>
      tpu.enqueue_dma source(%dma_start3A_264 : memref<64xf32, #tpu.memory_space<vmem>>) target(%dma_start3A_262 : memref<64xf32, #tpu.memory_space<hbm>>) target_semaphore(%run_scoped3A : memref<!tpu.dma_semaphore, #tpu.memory_space<semaphore_mem>>)
      %dma_wait3A = arith.constant 384 : i32
      %dma_wait3A_265 = tpu.memref_slice %arg32[%dma_wait3A] : memref<512xf32, #tpu.memory_space<vmem>> -> memref<64xf32, #tpu.memory_space<vmem>>
      %dma_wait3A_266 = tpu.memref_slice %arg11[%add3A_247] : memref<8192xf32, #tpu.memory_space<hbm>> -> memref<64xf32, #tpu.memory_space<hbm>>
      %dma_wait3A_267 = tpu.memref_slice %arg11[%add3A_247] : memref<8192xf32, #tpu.memory_space<hbm>> -> memref<64xf32, #tpu.memory_space<hbm>>
      %dma_wait3A_268 = arith.constant 384 : i32
      %dma_wait3A_269 = tpu.memref_slice %arg32[%dma_wait3A_268] : memref<512xf32, #tpu.memory_space<vmem>> -> memref<64xf32, #tpu.memory_space<vmem>>
      tpu.wait_dma2 semaphore(%run_scoped3A : memref<!tpu.dma_semaphore, #tpu.memory_space<semaphore_mem>>) src(%dma_wait3A_269 : memref<64xf32, #tpu.memory_space<vmem>>) dst(%dma_wait3A_267 : memref<64xf32, #tpu.memory_space<hbm>>)
      tpu.yield
    }) : () -> ()
    %mul3A_248 = arith.constant 512 : i32
    %mul3A_249 = arith.muli %shift_right_arithmetic3A_166, %mul3A_248 : i32
    %add3A_250 = arith.constant 384 : i32
    %add3A_251 = arith.addi %mul3A_249, %add3A_250 : i32
    %mul3A_252 = arith.constant 16 : i32
    %mul3A_253 = arith.muli %and3A_168, %mul3A_252 : i32
    %add3A_254 = arith.addi %add3A_251, %mul3A_253 : i32
    "tpu.region"() ({
      %run_scoped3A = tpu.sem_alloc : memref<!tpu.dma_semaphore, #tpu.memory_space<semaphore_mem>>
      %dma_start3A = arith.constant 48 : i32
      %dma_start3A_260 = tpu.memref_slice %arg33[%dma_start3A] : memref<64xf32, #tpu.memory_space<vmem>> -> memref<16xf32, #tpu.memory_space<vmem>>
      %dma_start3A_261 = tpu.memref_slice %arg12[%add3A_254] : memref<4096xf32, #tpu.memory_space<hbm>> -> memref<16xf32, #tpu.memory_space<hbm>>
      %dma_start3A_262 = tpu.memref_slice %arg12[%add3A_254] : memref<4096xf32, #tpu.memory_space<hbm>> -> memref<16xf32, #tpu.memory_space<hbm>>
      %dma_start3A_263 = arith.constant 48 : i32
      %dma_start3A_264 = tpu.memref_slice %arg33[%dma_start3A_263] : memref<64xf32, #tpu.memory_space<vmem>> -> memref<16xf32, #tpu.memory_space<vmem>>
      tpu.enqueue_dma source(%dma_start3A_264 : memref<16xf32, #tpu.memory_space<vmem>>) target(%dma_start3A_262 : memref<16xf32, #tpu.memory_space<hbm>>) target_semaphore(%run_scoped3A : memref<!tpu.dma_semaphore, #tpu.memory_space<semaphore_mem>>)
      %dma_wait3A = arith.constant 48 : i32
      %dma_wait3A_265 = tpu.memref_slice %arg33[%dma_wait3A] : memref<64xf32, #tpu.memory_space<vmem>> -> memref<16xf32, #tpu.memory_space<vmem>>
      %dma_wait3A_266 = tpu.memref_slice %arg12[%add3A_254] : memref<4096xf32, #tpu.memory_space<hbm>> -> memref<16xf32, #tpu.memory_space<hbm>>
      %dma_wait3A_267 = tpu.memref_slice %arg12[%add3A_254] : memref<4096xf32, #tpu.memory_space<hbm>> -> memref<16xf32, #tpu.memory_space<hbm>>
      %dma_wait3A_268 = arith.constant 48 : i32
      %dma_wait3A_269 = tpu.memref_slice %arg33[%dma_wait3A_268] : memref<64xf32, #tpu.memory_space<vmem>> -> memref<16xf32, #tpu.memory_space<vmem>>
      tpu.wait_dma2 semaphore(%run_scoped3A : memref<!tpu.dma_semaphore, #tpu.memory_space<semaphore_mem>>) src(%dma_wait3A_269 : memref<16xf32, #tpu.memory_space<vmem>>) dst(%dma_wait3A_267 : memref<16xf32, #tpu.memory_space<hbm>>)
      tpu.yield
    }) : () -> ()
    %lt3A_255 = arith.constant 8 : i32
    %lt3A_256 = arith.cmpi slt, %add3A, %lt3A_255 : i32
    %convert_element_type3A_257 = arith.extui %lt3A_256 : i1 to i32
    %cond3A_258 = arith.constant 0 : i32
    %cond3A_259 = arith.cmpi ne, %convert_element_type3A_257, %cond3A_258 : i32
    scf.if %cond3A_259 {
      %mul3A_260 = arith.constant 16 : i32
      %mul3A_261 = arith.muli %add3A, %mul3A_260 : i32
      "tpu.region"() ({
        %run_scoped3A = tpu.sem_alloc : memref<!tpu.dma_semaphore, #tpu.memory_space<semaphore_mem>>
        %dma_start3A = arith.constant 1360 : i32
        %dma_start3A_280 = tpu.memref_slice %arg28[%dma_start3A] : memref<1376xi32, #tpu.memory_space<vmem>> -> memref<16xi32, #tpu.memory_space<vmem>>
        %dma_start3A_281 = tpu.memref_slice %arg8[%mul3A_261] : memref<128xi32, #tpu.memory_space<hbm>> -> memref<16xi32, #tpu.memory_space<hbm>>
        %dma_start3A_282 = tpu.memref_slice %arg8[%mul3A_261] : memref<128xi32, #tpu.memory_space<hbm>> -> memref<16xi32, #tpu.memory_space<hbm>>
        %dma_start3A_283 = arith.constant 1360 : i32
        %dma_start3A_284 = tpu.memref_slice %arg28[%dma_start3A_283] : memref<1376xi32, #tpu.memory_space<vmem>> -> memref<16xi32, #tpu.memory_space<vmem>>
        tpu.enqueue_dma source(%dma_start3A_284 : memref<16xi32, #tpu.memory_space<vmem>>) target(%dma_start3A_282 : memref<16xi32, #tpu.memory_space<hbm>>) target_semaphore(%run_scoped3A : memref<!tpu.dma_semaphore, #tpu.memory_space<semaphore_mem>>)
        %dma_wait3A = arith.constant 1360 : i32
        %dma_wait3A_285 = tpu.memref_slice %arg28[%dma_wait3A] : memref<1376xi32, #tpu.memory_space<vmem>> -> memref<16xi32, #tpu.memory_space<vmem>>
        %dma_wait3A_286 = tpu.memref_slice %arg8[%mul3A_261] : memref<128xi32, #tpu.memory_space<hbm>> -> memref<16xi32, #tpu.memory_space<hbm>>
        %dma_wait3A_287 = tpu.memref_slice %arg8[%mul3A_261] : memref<128xi32, #tpu.memory_space<hbm>> -> memref<16xi32, #tpu.memory_space<hbm>>
        %dma_wait3A_288 = arith.constant 1360 : i32
        %dma_wait3A_289 = tpu.memref_slice %arg28[%dma_wait3A_288] : memref<1376xi32, #tpu.memory_space<vmem>> -> memref<16xi32, #tpu.memory_space<vmem>>
        tpu.wait_dma2 semaphore(%run_scoped3A : memref<!tpu.dma_semaphore, #tpu.memory_space<semaphore_mem>>) src(%dma_wait3A_289 : memref<16xi32, #tpu.memory_space<vmem>>) dst(%dma_wait3A_287 : memref<16xi32, #tpu.memory_space<hbm>>)
        tpu.yield
      }) : () -> ()
      %mul3A_262 = arith.constant 16 : i32
      %mul3A_263 = arith.muli %add3A, %mul3A_262 : i32
      "tpu.region"() ({
        %run_scoped3A = tpu.sem_alloc : memref<!tpu.dma_semaphore, #tpu.memory_space<semaphore_mem>>
        %dma_start3A = arith.constant 1360 : i32
        %dma_start3A_280 = tpu.memref_slice %arg29[%dma_start3A] : memref<1376xf32, #tpu.memory_space<vmem>> -> memref<16xf32, #tpu.memory_space<vmem>>
        %dma_start3A_281 = tpu.memref_slice %arg18[%mul3A_263] : memref<128xf32, #tpu.memory_space<hbm>> -> memref<16xf32, #tpu.memory_space<hbm>>
        %dma_start3A_282 = tpu.memref_slice %arg18[%mul3A_263] : memref<128xf32, #tpu.memory_space<hbm>> -> memref<16xf32, #tpu.memory_space<hbm>>
        %dma_start3A_283 = arith.constant 1360 : i32
        %dma_start3A_284 = tpu.memref_slice %arg29[%dma_start3A_283] : memref<1376xf32, #tpu.memory_space<vmem>> -> memref<16xf32, #tpu.memory_space<vmem>>
        tpu.enqueue_dma source(%dma_start3A_284 : memref<16xf32, #tpu.memory_space<vmem>>) target(%dma_start3A_282 : memref<16xf32, #tpu.memory_space<hbm>>) target_semaphore(%run_scoped3A : memref<!tpu.dma_semaphore, #tpu.memory_space<semaphore_mem>>)
        %dma_wait3A = arith.constant 1360 : i32
        %dma_wait3A_285 = tpu.memref_slice %arg29[%dma_wait3A] : memref<1376xf32, #tpu.memory_space<vmem>> -> memref<16xf32, #tpu.memory_space<vmem>>
        %dma_wait3A_286 = tpu.memref_slice %arg18[%mul3A_263] : memref<128xf32, #tpu.memory_space<hbm>> -> memref<16xf32, #tpu.memory_space<hbm>>
        %dma_wait3A_287 = tpu.memref_slice %arg18[%mul3A_263] : memref<128xf32, #tpu.memory_space<hbm>> -> memref<16xf32, #tpu.memory_space<hbm>>
        %dma_wait3A_288 = arith.constant 1360 : i32
        %dma_wait3A_289 = tpu.memref_slice %arg29[%dma_wait3A_288] : memref<1376xf32, #tpu.memory_space<vmem>> -> memref<16xf32, #tpu.memory_space<vmem>>
        tpu.wait_dma2 semaphore(%run_scoped3A : memref<!tpu.dma_semaphore, #tpu.memory_space<semaphore_mem>>) src(%dma_wait3A_289 : memref<16xf32, #tpu.memory_space<vmem>>) dst(%dma_wait3A_287 : memref<16xf32, #tpu.memory_space<hbm>>)
        tpu.yield
      }) : () -> ()
      %mul3A_264 = arith.constant 512 : i32
      %mul3A_265 = arith.muli %add3A, %mul3A_264 : i32
      %add3A_266 = arith.constant 0 : i32
      %add3A_267 = arith.addi %mul3A_265, %add3A_266 : i32
      "tpu.region"() ({
        %run_scoped3A = tpu.sem_alloc : memref<!tpu.dma_semaphore, #tpu.memory_space<semaphore_mem>>
        %dma_start3A = arith.constant 0 : i32
        %dma_start3A_280 = tpu.memref_slice %arg34[%dma_start3A] : memref<64xf32, #tpu.memory_space<vmem>> -> memref<16xf32, #tpu.memory_space<vmem>>
        %dma_start3A_281 = tpu.memref_slice %arg13[%add3A_267] : memref<4096xf32, #tpu.memory_space<hbm>> -> memref<16xf32, #tpu.memory_space<hbm>>
        %dma_start3A_282 = tpu.memref_slice %arg13[%add3A_267] : memref<4096xf32, #tpu.memory_space<hbm>> -> memref<16xf32, #tpu.memory_space<hbm>>
        %dma_start3A_283 = arith.constant 0 : i32
        %dma_start3A_284 = tpu.memref_slice %arg34[%dma_start3A_283] : memref<64xf32, #tpu.memory_space<vmem>> -> memref<16xf32, #tpu.memory_space<vmem>>
        tpu.enqueue_dma source(%dma_start3A_284 : memref<16xf32, #tpu.memory_space<vmem>>) target(%dma_start3A_282 : memref<16xf32, #tpu.memory_space<hbm>>) target_semaphore(%run_scoped3A : memref<!tpu.dma_semaphore, #tpu.memory_space<semaphore_mem>>)
        %dma_wait3A = arith.constant 0 : i32
        %dma_wait3A_285 = tpu.memref_slice %arg34[%dma_wait3A] : memref<64xf32, #tpu.memory_space<vmem>> -> memref<16xf32, #tpu.memory_space<vmem>>
        %dma_wait3A_286 = tpu.memref_slice %arg13[%add3A_267] : memref<4096xf32, #tpu.memory_space<hbm>> -> memref<16xf32, #tpu.memory_space<hbm>>
        %dma_wait3A_287 = tpu.memref_slice %arg13[%add3A_267] : memref<4096xf32, #tpu.memory_space<hbm>> -> memref<16xf32, #tpu.memory_space<hbm>>
        %dma_wait3A_288 = arith.constant 0 : i32
        %dma_wait3A_289 = tpu.memref_slice %arg34[%dma_wait3A_288] : memref<64xf32, #tpu.memory_space<vmem>> -> memref<16xf32, #tpu.memory_space<vmem>>
        tpu.wait_dma2 semaphore(%run_scoped3A : memref<!tpu.dma_semaphore, #tpu.memory_space<semaphore_mem>>) src(%dma_wait3A_289 : memref<16xf32, #tpu.memory_space<vmem>>) dst(%dma_wait3A_287 : memref<16xf32, #tpu.memory_space<hbm>>)
        tpu.yield
      }) : () -> ()
      %mul3A_268 = arith.constant 512 : i32
      %mul3A_269 = arith.muli %add3A, %mul3A_268 : i32
      %add3A_270 = arith.constant 128 : i32
      %add3A_271 = arith.addi %mul3A_269, %add3A_270 : i32
      "tpu.region"() ({
        %run_scoped3A = tpu.sem_alloc : memref<!tpu.dma_semaphore, #tpu.memory_space<semaphore_mem>>
        %dma_start3A = arith.constant 16 : i32
        %dma_start3A_280 = tpu.memref_slice %arg34[%dma_start3A] : memref<64xf32, #tpu.memory_space<vmem>> -> memref<16xf32, #tpu.memory_space<vmem>>
        %dma_start3A_281 = tpu.memref_slice %arg13[%add3A_271] : memref<4096xf32, #tpu.memory_space<hbm>> -> memref<16xf32, #tpu.memory_space<hbm>>
        %dma_start3A_282 = tpu.memref_slice %arg13[%add3A_271] : memref<4096xf32, #tpu.memory_space<hbm>> -> memref<16xf32, #tpu.memory_space<hbm>>
        %dma_start3A_283 = arith.constant 16 : i32
        %dma_start3A_284 = tpu.memref_slice %arg34[%dma_start3A_283] : memref<64xf32, #tpu.memory_space<vmem>> -> memref<16xf32, #tpu.memory_space<vmem>>
        tpu.enqueue_dma source(%dma_start3A_284 : memref<16xf32, #tpu.memory_space<vmem>>) target(%dma_start3A_282 : memref<16xf32, #tpu.memory_space<hbm>>) target_semaphore(%run_scoped3A : memref<!tpu.dma_semaphore, #tpu.memory_space<semaphore_mem>>)
        %dma_wait3A = arith.constant 16 : i32
        %dma_wait3A_285 = tpu.memref_slice %arg34[%dma_wait3A] : memref<64xf32, #tpu.memory_space<vmem>> -> memref<16xf32, #tpu.memory_space<vmem>>
        %dma_wait3A_286 = tpu.memref_slice %arg13[%add3A_271] : memref<4096xf32, #tpu.memory_space<hbm>> -> memref<16xf32, #tpu.memory_space<hbm>>
        %dma_wait3A_287 = tpu.memref_slice %arg13[%add3A_271] : memref<4096xf32, #tpu.memory_space<hbm>> -> memref<16xf32, #tpu.memory_space<hbm>>
        %dma_wait3A_288 = arith.constant 16 : i32
        %dma_wait3A_289 = tpu.memref_slice %arg34[%dma_wait3A_288] : memref<64xf32, #tpu.memory_space<vmem>> -> memref<16xf32, #tpu.memory_space<vmem>>
        tpu.wait_dma2 semaphore(%run_scoped3A : memref<!tpu.dma_semaphore, #tpu.memory_space<semaphore_mem>>) src(%dma_wait3A_289 : memref<16xf32, #tpu.memory_space<vmem>>) dst(%dma_wait3A_287 : memref<16xf32, #tpu.memory_space<hbm>>)
        tpu.yield
      }) : () -> ()
      %mul3A_272 = arith.constant 512 : i32
      %mul3A_273 = arith.muli %add3A, %mul3A_272 : i32
      %add3A_274 = arith.constant 256 : i32
      %add3A_275 = arith.addi %mul3A_273, %add3A_274 : i32
      "tpu.region"() ({
        %run_scoped3A = tpu.sem_alloc : memref<!tpu.dma_semaphore, #tpu.memory_space<semaphore_mem>>
        %dma_start3A = arith.constant 32 : i32
        %dma_start3A_280 = tpu.memref_slice %arg34[%dma_start3A] : memref<64xf32, #tpu.memory_space<vmem>> -> memref<16xf32, #tpu.memory_space<vmem>>
        %dma_start3A_281 = tpu.memref_slice %arg13[%add3A_275] : memref<4096xf32, #tpu.memory_space<hbm>> -> memref<16xf32, #tpu.memory_space<hbm>>
        %dma_start3A_282 = tpu.memref_slice %arg13[%add3A_275] : memref<4096xf32, #tpu.memory_space<hbm>> -> memref<16xf32, #tpu.memory_space<hbm>>
        %dma_start3A_283 = arith.constant 32 : i32
        %dma_start3A_284 = tpu.memref_slice %arg34[%dma_start3A_283] : memref<64xf32, #tpu.memory_space<vmem>> -> memref<16xf32, #tpu.memory_space<vmem>>
        tpu.enqueue_dma source(%dma_start3A_284 : memref<16xf32, #tpu.memory_space<vmem>>) target(%dma_start3A_282 : memref<16xf32, #tpu.memory_space<hbm>>) target_semaphore(%run_scoped3A : memref<!tpu.dma_semaphore, #tpu.memory_space<semaphore_mem>>)
        %dma_wait3A = arith.constant 32 : i32
        %dma_wait3A_285 = tpu.memref_slice %arg34[%dma_wait3A] : memref<64xf32, #tpu.memory_space<vmem>> -> memref<16xf32, #tpu.memory_space<vmem>>
        %dma_wait3A_286 = tpu.memref_slice %arg13[%add3A_275] : memref<4096xf32, #tpu.memory_space<hbm>> -> memref<16xf32, #tpu.memory_space<hbm>>
        %dma_wait3A_287 = tpu.memref_slice %arg13[%add3A_275] : memref<4096xf32, #tpu.memory_space<hbm>> -> memref<16xf32, #tpu.memory_space<hbm>>
        %dma_wait3A_288 = arith.constant 32 : i32
        %dma_wait3A_289 = tpu.memref_slice %arg34[%dma_wait3A_288] : memref<64xf32, #tpu.memory_space<vmem>> -> memref<16xf32, #tpu.memory_space<vmem>>
        tpu.wait_dma2 semaphore(%run_scoped3A : memref<!tpu.dma_semaphore, #tpu.memory_space<semaphore_mem>>) src(%dma_wait3A_289 : memref<16xf32, #tpu.memory_space<vmem>>) dst(%dma_wait3A_287 : memref<16xf32, #tpu.memory_space<hbm>>)
        tpu.yield
      }) : () -> ()
      %mul3A_276 = arith.constant 512 : i32
      %mul3A_277 = arith.muli %add3A, %mul3A_276 : i32
      %add3A_278 = arith.constant 384 : i32
      %add3A_279 = arith.addi %mul3A_277, %add3A_278 : i32
      "tpu.region"() ({
        %run_scoped3A = tpu.sem_alloc : memref<!tpu.dma_semaphore, #tpu.memory_space<semaphore_mem>>
        %dma_start3A = arith.constant 48 : i32
        %dma_start3A_280 = tpu.memref_slice %arg34[%dma_start3A] : memref<64xf32, #tpu.memory_space<vmem>> -> memref<16xf32, #tpu.memory_space<vmem>>
        %dma_start3A_281 = tpu.memref_slice %arg13[%add3A_279] : memref<4096xf32, #tpu.memory_space<hbm>> -> memref<16xf32, #tpu.memory_space<hbm>>
        %dma_start3A_282 = tpu.memref_slice %arg13[%add3A_279] : memref<4096xf32, #tpu.memory_space<hbm>> -> memref<16xf32, #tpu.memory_space<hbm>>
        %dma_start3A_283 = arith.constant 48 : i32
        %dma_start3A_284 = tpu.memref_slice %arg34[%dma_start3A_283] : memref<64xf32, #tpu.memory_space<vmem>> -> memref<16xf32, #tpu.memory_space<vmem>>
        tpu.enqueue_dma source(%dma_start3A_284 : memref<16xf32, #tpu.memory_space<vmem>>) target(%dma_start3A_282 : memref<16xf32, #tpu.memory_space<hbm>>) target_semaphore(%run_scoped3A : memref<!tpu.dma_semaphore, #tpu.memory_space<semaphore_mem>>)
        %dma_wait3A = arith.constant 48 : i32
        %dma_wait3A_285 = tpu.memref_slice %arg34[%dma_wait3A] : memref<64xf32, #tpu.memory_space<vmem>> -> memref<16xf32, #tpu.memory_space<vmem>>
        %dma_wait3A_286 = tpu.memref_slice %arg13[%add3A_279] : memref<4096xf32, #tpu.memory_space<hbm>> -> memref<16xf32, #tpu.memory_space<hbm>>
        %dma_wait3A_287 = tpu.memref_slice %arg13[%add3A_279] : memref<4096xf32, #tpu.memory_space<hbm>> -> memref<16xf32, #tpu.memory_space<hbm>>
        %dma_wait3A_288 = arith.constant 48 : i32
        %dma_wait3A_289 = tpu.memref_slice %arg34[%dma_wait3A_288] : memref<64xf32, #tpu.memory_space<vmem>> -> memref<16xf32, #tpu.memory_space<vmem>>
        tpu.wait_dma2 semaphore(%run_scoped3A : memref<!tpu.dma_semaphore, #tpu.memory_space<semaphore_mem>>) src(%dma_wait3A_289 : memref<16xf32, #tpu.memory_space<vmem>>) dst(%dma_wait3A_287 : memref<16xf32, #tpu.memory_space<hbm>>)
        tpu.yield
      }) : () -> ()
    } else {
    }
    return
  }
}

</mosaic_0001>

<sc_bundles>
// kernel: _targets.3.cloned.1.call-start
scs
__scs_entry_jumppad:
0x0: {  	(pc) =	sbr.rel $0x88, $3  }
0x1: {  	(tag) =	ssettag $0x0;
	lr =	simm.s32 $0x1  }
0x2: {  	[smem:$0x3F9F] =	sst lr;
	_ =	strace $0xD0000000  }
0x3: {  	_ = 	snop  }
0x4: {  	_ = 	snop  }
0x5: {  	_ = 	snop  }
0x6: {  	_ = 	snop  }
0x7: {  	_ = 	snop  }
__scs_overlays_trampoline_lowered:
0x8: {  	[smem:$0x3FAE] =	sst s0  }
0x9: {  	[smem:$0x3FAF] =	sst s1  }
0xa: {  	[smem:$0x3FB0] =	sst s2  }
0xb: {  	[smem:$0x3FB1] =	sst s3  }
0xc: {  	[smem:$0x3FB2] =	sst s4  }
0xd: {  	[smem:$0x3FB3] =	sst s5  }
0xe: {  	[smem:$0x3FB4] =	sst s6  }
0xf: {  	[smem:$0x3FB5] =	sst s7  }
0x10: {  	[smem:$0x3FB6] =	sst s8  }
0x11: {  	[smem:$0x3FB7] =	sst s9;
	s0 =	simm.s32 @!p0 $0x0  }
0x12: {  	s1 =	sld [smem:$0x3F9D];
	s0 =	simm.s32 @p0 $0x1  }
0x13: {  	[smem:$0x3FB8] =	sst s0;
	s0 =	simm.s32 @!p1 $0x0  }
0x14: {  	s2 =	sld [smem:$0x3F9C];
	s0 =	simm.s32 @p1 $0x1  }
0x15: {  	[smem:$0x3FB9] =	sst s0;
	s0 =	simm.s32 @!p2 $0x0  }
0x16: {  	s3 =	sld [smem:$0x3FDB];
	s0 =	simm.s32 @p2 $0x1  }
0x17: {  	s4 =	simm.s32 $0x1BF5;
	[smem:$0x3FBB] =	sst s0  }
0x18: {  	s0 =	sld [smem:$0x3F9E];
	_ =	swait.ge [sflag:s4], $0x0  }
0x19: {  	s7 =	sld [smem:$0x3F9F]  }
0x1a: {  	s8 =	sadd.s32 $0xFFFFE003, lr  }
0x1b: {  	s9 =	sadd.s32 $0xFFFFFEF7, lr;
	s5 =	simm.s32 $0xFFFFFFFF;
	p2 =	slt.u32 s8, $0xFFFFF086  }
0x1c: {  	p1 =	slt.u32 s9, $0xF7A;
	s5 =	simm.s32 @!p2 $0x0  }
0x1d: {  	s5 =	simm.s32 @p1 $0x1;
	p0 =	seq.s32 s7, s2  }
0x1e: {  	s7 =	smul.u32 @!p0 $0xF7A, s2;
	p2 =	seq.s32 @!p0 s5, $0x0  }
0x1f: {  	s9 =	smul.u32 $0xF7A, s1;
	s8 =	simm.s32 @!p0 $0x1BF5;
	p2 =	por !p2, p0  }
0x20: {  	[sflag:s8] =	ssyncset.s32 @!p0 $0xFFFFF086;
	s6 =	sadd.s32 @!p0 s3, s7;
	s7 =	simm.s32 @!p0 $0x108  }
0x21: {  	s3 =	sadd.s32 s3, s9;
	s6 =	sadd.s32 @!p0 $0x88, s6;
	s7 =	simm.s32 @p2 $0x1082  }
0x22: {  	[simem:s7], [sflag:s8] =	dma.local @!p0 [hbm:s6], $0xF7A  }
0x23: {  	s9 =	sor.u32 $0xD0000000, s2;
	s6 =	simm.s32 $0x108;
	_ =	swait.ge @!p0 [sflag:s8], $0x0  }
0x24: {  	s3 =	sadd.s32 $0x88, s3;
	s6 =	simm.s32 @!p1 $0x1082;
	[sflag:s4] =	ssyncset.s32 $0xFFFFF086  }
0x25: {  	[simem:s6], [sflag:s4] =	dma.local [hbm:s3], $0xF7A  }
0x26: {  	[smem:$0x3F9F] =	sst s1;
	(tag) =	ssettag s2;
	_ =	strace s9  }
0x27: {  	s1 =	sld [smem:$0x3FAF]  }
0x28: {  	s2 =	sld [smem:$0x3FB0]  }
0x29: {  	s4 =	sld [smem:$0x3FB2]  }
0x2a: {  	p0 =	seq.s32 s5, $0x0;
	s5 =	sld [smem:$0x3FB3]  }
0x2b: {  	s6 =	sld [smem:$0x3FB4]  }
0x2c: {  	s7 =	sld [smem:$0x3FB5]  }
0x2d: {  	s3 =	simm.s32 $0x108;
	s8 =	sld [smem:$0x3FB6]  }
0x2e: {  	s3 =	simm.s32 @!p0 $0x1082;
	s9 =	sld [smem:$0x3FB7]  }
0x2f: {  	lr =	sadd.s32 s0, s3;
	s0 =	sld [smem:$0x3FAE]  }
0x30: {  	s3 =	sld [smem:$0x3FB1]  }
0x31: {  	[smem:$0x3FBA] =	sst s10  }
0x32: {  	s10 =	sld [smem:$0x3FB8];
	_ =	sdelay $0x3  }
0x33: {  	p0 =	seq.s32 s10, $0x1;
	s10 =	sld [smem:$0x3FBA];
	_ =	sdelay $0x3  }
0x34: {  	[smem:$0x3FBA] =	sst s10  }
0x35: {  	s10 =	sld [smem:$0x3FB9];
	_ =	sdelay $0x3  }
0x36: {  	p1 =	seq.s32 s10, $0x1;
	s10 =	sld [smem:$0x3FBA];
	_ =	sdelay $0x3  }
0x37: {  	[smem:$0x3FBA] =	sst s10  }
0x38: {  	s10 =	sld [smem:$0x3FBB]  }
0x39: {  	_ = 	snop;
	(pc) =	sbr.ind lr, $3  }
0x3a: {  	_ = 	snop  }
0x3b: {  	_ = 	snop  }
0x3c: {  	p2 =	seq.s32 s10, $0x1;
	s10 =	sld [smem:$0x3FBA]  }
0x3d: {  	_ =	shalt  }
0x3e: {  	_ =	shalt  }
0x3f: {  	_ =	shalt  }
0x40: {  	_ =	shalt  }
0x41: {  	_ =	shalt  }
0x42: {  	_ =	shalt  }
0x43: {  	_ =	shalt  }
0x44: {  	_ =	shalt  }
0x45: {  	_ =	shalt  }
0x46: {  	_ =	shalt  }
0x47: {  	_ =	shalt  }
0x48: {  	_ =	shalt  }
0x49: {  	_ =	shalt  }
0x4a: {  	_ =	shalt  }
0x4b: {  	_ =	shalt  }
0x4c: {  	_ =	shalt  }
0x4d: {  	_ =	shalt  }
0x4e: {  	_ =	shalt  }
0x4f: {  	_ =	shalt  }
0x50: {  	_ =	shalt  }
0x51: {  	_ =	shalt  }
0x52: {  	_ =	shalt  }
0x53: {  	_ =	shalt  }
0x54: {  	_ =	shalt  }
0x55: {  	_ =	shalt  }
0x56: {  	_ =	shalt  }
0x57: {  	_ =	shalt  }
0x58: {  	_ =	shalt  }
0x59: {  	_ =	shalt  }
0x5a: {  	_ =	shalt  }
0x5b: {  	_ =	shalt  }
0x5c: {  	_ =	shalt  }
0x5d: {  	_ =	shalt  }
0x5e: {  	_ =	shalt  }
0x5f: {  	_ =	shalt  }
0x60: {  	_ =	shalt  }
0x61: {  	_ =	shalt  }
0x62: {  	_ =	shalt  }
0x63: {  	_ =	shalt  }
0x64: {  	_ =	shalt  }
0x65: {  	_ =	shalt  }
0x66: {  	_ =	shalt  }
0x67: {  	_ =	shalt  }
0x68: {  	_ =	shalt  }
0x69: {  	_ =	shalt  }
0x6a: {  	_ =	shalt  }
0x6b: {  	_ =	shalt  }
0x6c: {  	_ =	shalt  }
0x6d: {  	_ =	shalt  }
0x6e: {  	_ =	shalt  }
0x6f: {  	_ =	shalt  }
0x70: {  	_ =	shalt  }
0x71: {  	_ =	shalt  }
0x72: {  	_ =	shalt  }
0x73: {  	_ =	shalt  }
0x74: {  	_ =	shalt  }
0x75: {  	_ =	shalt  }
0x76: {  	_ =	shalt  }
0x77: {  	_ =	shalt  }
0x78: {  	_ =	shalt  }
0x79: {  	_ =	shalt  }
0x7a: {  	_ =	shalt  }
0x7b: {  	_ =	shalt  }
0x7c: {  	_ =	shalt  }
0x7d: {  	_ =	shalt  }
0x7e: {  	_ =	shalt  }
0x7f: {  	_ =	shalt  }
0x80: {  	_ =	shalt  }
0x81: {  	_ =	shalt  }
0x82: {  	_ =	shalt  }
0x83: {  	_ =	shalt  }
0x84: {  	_ =	shalt  }
0x85: {  	_ =	shalt  }
0x86: {  	_ =	shalt  }
0x87: {  	_ =	shalt  }
.Lfunc_end0:
.L_simem_size_0:
called_computation_lowered:
.L_overlay_start_0:
0x88: {  	s2 =	sld [smem:$0x3FD9]  }
0x89: {  	s3 =	sld [smem:$0x3FFE];
	_ =	sdelay $0x1  }
0x8a: {  	s1 =	srdreg.scid  }
0x8b: {  	s0 =	sand.u32 $0x1, s1  }
0x8c: {  	s23 =	sshll.u32 s0, $0xA;
	s2 =	sadd.s32 s3, s2  }
0x8d: {  	s2 =	sadd.s32 s2, s23  }
0x8e: {  	[smem:$0x3FC6] =	sst s2  }
0x8f: {  	_ = 	snop  }
0x90: {  	s9 =	sld [smem:$0x3FD0];
	_ =	sdelay $0x2  }
0x91: {  	s14 =	simm.s32 $0xA;
	s10 =	simm.s32 $0x10  }
0x92: {  	[smem:s10], [sflag:s14] =	dma.local [hbm:s9], $0x1  }
0x93: {  	_ =	swait.eq [sflag:s14], $0x1  }
0x94: {  	s4 =	sld [smem:$0x10]  }
0x95: {  	s5 =	sld [smem:$0x11]  }
0x96: {  	s6 =	sld [smem:$0x12]  }
0x97: {  	s2 =	sld [smem:$0x14]  }
0x98: {  	s3 =	sld [smem:$0x15];
	[sflag:s14] =	ssyncset.done $0x0  }
0x99: {  	s7 =	sld [smem:$0x16];
	[sflag:s14] =	ssyncadd.s32 $0xFFFFFFFF  }
0x9a: {  	s9 =	sadd.s32 $0x1, s9;
	s8 =	sld [smem:$0x17]  }
0x9b: {  	[smem:s10], [sflag:s14] =	dma.local [hbm:s9], $0x1  }
0x9c: {  	_ =	swait.eq [sflag:s14], $0x1  }
0x9d: {  	s9 =	sld [smem:$0x10]  }
0x9e: {  	s10 =	sld [smem:$0x11]  }
0x9f: {  	s11 =	sld [smem:$0x12]  }
0xa0: {  	s12 =	sld [smem:$0x13]  }
0xa1: {  	s16 =	sld [smem:$0x14];
	[sflag:s14] =	ssyncset.done $0x0  }
0xa2: {  	s13 =	sld [smem:$0x15];
	[sflag:s14] =	ssyncadd.s32 $0xFFFFFFFF  }
0xa3: {  	s15 =	sld [smem:$0x16];
	(tm) =	ssettm $0x1  }
0xa4: {  	s24 =	sld [smem:$0x3FFB];
	_ =	sdelay $0x3  }
0xa5: {  	_ =	strace s24  }
0xa6: {  	s14 =	sld [smem:$0x3FFC];
	_ =	sdelay $0x3  }
0xa7: {  	_ =	strace s14  }
0xa8: {  	s14 =	sld [smem:$0x3FFD];
	_ =	sdelay $0x3  }
0xa9: {  	_ =	strace s14  }
0xaa: {  	_ =	strace $0x8FFFFFFF  }
0xab: {  	s25 =	sld [smem:$0x3FDB];
	_ =	sdelay $0x1  }
0xac: {  	s17 =	simm.s32 $_scs_section_size  }
0xad: {  	s18 =	simm.s32 $_size__tile_task_arg_handler_lowered;
	s19 =	simm.s32 $_tile_task_arg_handler_lowered  }
0xae: {  	s29 =	simm.s32 $0x1BFF;
	s28 =	sshll.u32 s19, $0x1;
	s17 =	sadd.s32 s17, s25  }
0xaf: {  	s20 =	simm.s32 $0x60;
	s26 =	sshll.u32 s18, $0x1;
	s18 =	sadd.s32 s28, s17  }
0xb0: {  	[timem:s20], [sflag:s29] =	dma.local [hbm:s18], s26  }
0xb1: {  	_ =	swait.ge [sflag:s29], s26  }
0xb2: {  	s30 =	simm.s32 $_tile_overlayer_lowered;
	s14 =	ssub.s32 $0x0, s26;
	[sflag:s29] =	ssyncset.done $0x0  }
0xb3: {  	s31 =	simm.s32 $_size__tile_overlayer_lowered;
	s18 =	sshll.u32 s30, $0x1;
	[sflag:s29] =	ssyncadd.s32 s14  }
0xb4: {  	s21 =	simm.s32 $0x0;
	s18 =	sadd.s32 s18, s17;
	s14 =	sshll.u32 s31, $0x1  }
0xb5: {  	[timem:s21], [sflag:s29] =	dma.local [hbm:s18], s14  }
0xb6: {  	_ =	swait.ge [sflag:s29], s14  }
0xb7: {  	s22 =	ssub.s32 $0x0, s14;
	[sflag:s29] =	ssyncset.done $0x0  }
0xb8: {  	[sflag:s29] =	ssyncadd.s32 s22;
	_ =	sdelay $0x1  }
0xb9: {  	s23 =	simm.s32 $0x1B8B  }
0xba: {  	_ =	swait.ge [sflag:s23], $0x1  }
0xbb: {  	[sflag:s23] =	ssyncset.done $0x0  }
0xbc: {  	s25 =	simm.s32 $0x1B8E;
	s24 =	sld [smem:$0x3FFE];
	[sflag:s23] =	ssyncadd.s32 $0xFFFFFFFF  }
0xbd: {  	s26 =	simm.s32 $execute0_lowered;
	[smem:$0x3FD2] =	sst s25  }
0xbe: {  	s19 =	sshll.u32 s26, $0x1;
	_ =	strace $0x80000046;
	[dreg:$0x1] =	wrdreg $0xFFFFFFFF  }
0xbf: {  	s28 =	simm.s32 $_size_execute0_lowered;
	s17 =	sadd.s32 s17, s19;
	[dreg:$0x0] =	wrdreg $0x0  }
0xc0: {  	s19 =	sshll.u32 s28, $0x1;
	[dreg:$0x2] =	wrdreg s17  }
0xc1: {  	[dreg:$0x3] =	wrdreg s19  }
0xc2: {  	[dreg:$0x4] =	wrdreg $0xC0  }
0xc3: {  	_ =	task [dreg:s21], $0x5FFFF  }
0xc4: {  	[dreg:$0x1] =	wrdreg $0xFFFFFFFF  }
0xc5: {  	[dreg:$0x0] =	wrdreg $0x30  }
0xc6: {  	[dreg:$0x2] =	wrdreg $0x0  }
0xc7: {  	[dreg:$0x3] =	wrdreg s16  }
0xc8: {  	[dreg:$0x4] =	wrdreg $0x9  }
0xc9: {  	_ =	task [dreg:s21], $0x5FFFF  }
0xca: {  	[dreg:$0x1] =	wrdreg $0xFFFFFFFF  }
0xcb: {  	[dreg:$0x0] =	wrdreg $0x60  }
0xcc: {  	[dreg:$0x2] =	wrdreg s24  }
0xcd: {  	[dreg:$0x3] =	wrdreg s15  }
0xce: {  	[dreg:$0x4] =	wrdreg s4  }
0xcf: {  	[dreg:$0x5] =	wrdreg s5  }
0xd0: {  	[dreg:$0x6] =	wrdreg s6  }
0xd1: {  	[dreg:$0x7] =	wrdreg s13  }
0xd2: {  	[dreg:$0x8] =	wrdreg s2  }
0xd3: {  	[dreg:$0x9] =	wrdreg s3  }
0xd4: {  	[dreg:$0xa] =	wrdreg s7  }
0xd5: {  	[dreg:$0xb] =	wrdreg s8  }
0xd6: {  	[dreg:$0xc] =	wrdreg s9  }
0xd7: {  	[dreg:$0xd] =	wrdreg s10  }
0xd8: {  	[dreg:$0xe] =	wrdreg s11  }
0xd9: {  	[dreg:$0xf] =	wrdreg s12  }
0xda: {  	_ =	task.clear_ibuf [dreg:s21], $0x10FFFF;
	_ =	strace $0x90000046  }
0xdb: {  	s29 =	simm.s32 $0x9;
	_ =	strace $0x80000048  }
0xdc: {  	_ =	swait.ge [sflag:s29], $0x1  }
0xdd: {  	[sflag:s29] =	ssyncadd.s32 $0xFFFFFFFF  }
0xde: {  	_ =	strace $0x90000048  }
0xdf: {  	_ =	sfence  }
0xe0: {  	s30 =	sld [smem:$0x0];
	_ =	sdelay $0x2  }
0xe1: {  	s31 =	sshll.u32 s1, $0xD;
	s1 =	sshrl.u32 s1, $0x2  }
0xe2: {  	s3 =	sand.u32 $0x4000, s31;
	s1 =	sadd.s32 s1, s30  }
0xe3: {  	s0 =	sor.u32 s3, s0;
	s1 =	sshll.u32 s1, $0x11  }
0xe4: {  	s0 =	sor.u32 s1, s0  }
0xe5: {  	s0 =	sadd.s32 $0x8F2B, s0  }
0xe6: {  	[sflag:s0] =	ssyncadd.remote.s32 $0x1  }
0xe7: {  	_ =	sfence.sel $0xFFFF  }
0xe8: {  	[dreg:$0x0] =	wrdreg $0xFFFFFFFF;
	(pc) =	sbr.abs _section_cstart, $3  }
0xe9: {  	[dreg:$0x1] =	wrdreg $0xFFFFFFFF  }
0xea: {  	_ =	task.clear_ibuf [dreg:s21], $0x2FFFF;
	_ =	strace $0x9FFFFFFF  }
0xeb: {  	(tm) =	ssettm $0x7FFFFFFF  }
tec
_tile_task_arg_handler_lowered:
.L_overlay_start_1:
0x0: {  	(tag) =	ssettag $0x1  }
0x1: {  	s0 =	rddreg [dreg:$0x0]  }
0x2: {  	s1 =	rddreg [dreg:$0x1]  }
0x3: {  	s2 =	rddreg [dreg:$0x2]  }
0x4: {  	s3 =	rddreg [dreg:$0x3]  }
0x5: {  	s4 =	rddreg [dreg:$0x4]  }
0x6: {  	s5 =	rddreg [dreg:$0x5]  }
0x7: {  	s6 =	rddreg [dreg:$0x6]  }
0x8: {  	s7 =	rddreg [dreg:$0x7]  }
0x9: {  	s8 =	rddreg [dreg:$0x8]  }
0xa: {  	s9 =	rddreg [dreg:$0x9]  }
0xb: {  	s10 =	rddreg [dreg:$0xa]  }
0xc: {  	s11 =	rddreg [dreg:$0xb]  }
0xd: {  	s12 =	rddreg [dreg:$0xc]  }
0xe: {  	s13 =	rddreg [dreg:$0xd]  }
0xf: {  	[smem:s0] =	sst s1  }
0x10: {  	[smem:s0+$0x1] =	sst s2  }
0x11: {  	[smem:s0+$0x2] =	sst s3  }
0x12: {  	[smem:s0+$0x3] =	sst s4  }
0x13: {  	[smem:s0+$0x4] =	sst s5  }
0x14: {  	[smem:s0+$0x5] =	sst s6  }
0x15: {  	[smem:s0+$0x6] =	sst s7  }
0x16: {  	[smem:s0+$0x7] =	sst s8  }
0x17: {  	[smem:s0+$0x8] =	sst s9  }
0x18: {  	[smem:s0+$0x9] =	sst s10  }
0x19: {  	[smem:s0+$0xA] =	sst s11  }
0x1a: {  	[smem:s0+$0xB] =	sst s12  }
0x1b: {  	[smem:s0+$0xC] =	sst s13;
	_ =	shalt  }
.Lfunc_end2:
execute0_lowered:
.L_overlay_start_2:
0x1c: {  	(tag) =	ssettag $0x2  }
0x1d: {  	v1 =	vlaneseq.u32;
	v7 =	vimm.f32 $1.200000000e+02;
	vm0 =	vcmask $0x300  }
0x1e: {  	v8 =	vimm.f32 $2.400000000e+02;
	vm1 =	vcmask $0x704;
	vm2 =	vcmask $0xB08  }
0x1f: {  	vm13 =	vcmask $0xF0C;
	vm3 =	vcmask $0x1310;
	vm4 =	vcmask $0x1714  }
0x20: {  	vm5 =	vcmask $0x1B18;
	vm14 =	vcmask $0x1F1C;
	vm6 =	vcmask $0x2320  }
0x21: {  	vm7 =	vcmask $0x2724;
	vm8 =	vcmask $0x2B28;
	vm12 =	vcmask $0x2F2C  }
0x22: {  	vm9 =	vcmask $0x3330;
	vm10 =	vcmask $0x3734;
	vm11 =	vcmask $0x3B38  }
0x23: {  	v11 =	vimm.f32 $-4.960000000e+02;
	v12 =	vimm.f32 $9.920000000e+02;
	v13 =	vimm.f32 $4.800000000e+02  }
0x24: {  	v14 =	vimm.f32 $-4.800000000e+02;
	v15 =	vimm.f32 $9.600000000e+02;
	v18 =	vimm.f32 $8.960000000e+02  }
0x25: {  	v0 =	vshrl.u32 v1, $0x3;
	v1 =	vmul.u32 $0x4, v1;
	v7 =	vsel vm0, $0x0, v7  }
0x26: {  	v8 =	vsel vm0, $0x0, v8;
	v11 =	vsel vm0, $0xC1800000, v11;
	v12 =	vsel vm0, $0x42000000, v12  }
0x27: {  	v13 =	vsel vm0, $0x42000000, v13;
	v14 =	vsel vm0, $0xC2000000, v14;
	v15 =	vsel vm0, $0x42800000, v15  }
0x28: {  	v0 =	vmul.u32 $0x40, v0;
	v7 =	vsel vm1, $0x41000000, v7;
	v8 =	vsel vm1, $0x41800000, v8  }
0x29: {  	s26 =	stileid.u32;
	s6 =	rddreg [dreg:$0x0];
	v11 =	vsel vm1, $0xC2400000, v11;
	v12 =	vsel vm1, $0x42C00000, v12;
	v13 =	vsel vm1, $0x42C00000, v13  }
0x2a: {  	s0 =	srdreg.scid;
	s8 =	rddreg [dreg:$0x2];
	s3 =	sshrl.u32 s26, $0x1;
	v14 =	vsel vm1, $0xC2C00000, v14;
	v15 =	vsel vm1, $0x43400000, v15;
	v5 =	vor.u32 $0x1, v1  }
0x2b: {  	s13 =	rddreg [dreg:$0x3];
	s22 =	smul.u32 $0x32, s3;
	v6 =	vor.u32 $0x2, v1;
	v7 =	vsel vm2, $0x41800000, v7;
	v8 =	vsel vm2, $0x42000000, v8  }
0x2c: {  	s14 =	rddreg [dreg:$0x4];
	s4 =	sand.u32 $0x1, s0;
	s21 =	sshll.u32 s26, $0x1;
	v11 =	vsel vm2, $0xC2A00000, v11;
	v12 =	vsel vm2, $0x43200000, v12;
	v13 =	vsel vm2, $0x43200000, v13  }
0x2d: {  	s7 =	rddreg [dreg:$0x5];
	s0 =	sor.u32 s4, s21;
	v14 =	vsel vm2, $0xC3200000, v14;
	v15 =	vsel vm2, $0x43A00000, v15;
	v2 =	vmov s22  }
0x2e: {  	s15 =	rddreg [dreg:$0x7];
	s5 =	smul.u32 $0x32, s0;
	v7 =	vsel vm13, $0x41C00000, v7;
	v8 =	vsel vm13, $0x42400000, v8;
	v11 =	vsel vm13, $0xC2E00000, v11  }
0x2f: {  	s11 =	rddreg [dreg:$0x8];
	v12 =	vsel vm13, $0x43600000, v12;
	v13 =	vsel vm13, $0x43600000, v13;
	v14 =	vsel vm13, $0xC3600000, v14  }
0x30: {  	s12 =	rddreg [dreg:$0x9];
	s1 =	sand.u32 $0x3, s0;
	v15 =	vsel vm13, $0x43E00000, v15;
	v4 =	vmov s5;
	v7 =	vsel vm3, $0x42000000, v7  }
0x31: {  	s10 =	rddreg [dreg:$0xa];
	s2 =	sshll.u32 s1, $0x7;
	v8 =	vsel vm3, $0x42800000, v8;
	v11 =	vsel vm3, $0xC3100000, v11;
	v12 =	vsel vm3, $0x43900000, v12  }
0x32: {  	s9 =	rddreg [dreg:$0xb];
	s2 =	sor.u32 $0x20, s2;
	v13 =	vsel vm3, $0x43900000, v13;
	v14 =	vsel vm3, $0xC3900000, v14;
	v15 =	vsel vm3, $0x44100000, v15  }
0x33: {  	s17 =	rddreg [dreg:$0xc];
	v0 =	vor.u32 s2, v0;
	v7 =	vsel vm4, $0x42200000, v7;
	v8 =	vsel vm4, $0x42A00000, v8  }
0x34: {  	s18 =	rddreg [dreg:$0xd];
	v11 =	vsel vm4, $0xC3300000, v11;
	v12 =	vsel vm4, $0x43B00000, v12;
	v13 =	vsel vm4, $0x43B00000, v13  }
0x35: {  	p0 =	sgt.u32 s26, $0x3;
	s23 =	ssub.s32 $0x2, s4;
	s2 =	simm.s32 $0x0;
	v14 =	vsel vm4, $0xC3B00000, v14;
	v15 =	vsel vm4, $0x44300000, v15;
	v0 =	vcvt.s32.f32 v0  }
0x36: {  	s4 =	sshll.u32 s4, $0x3;
	s20 =	sshrl.u32 s23, $0x1;
	v7 =	vsel vm5, $0x42400000, v7;
	v8 =	vsel vm5, $0x42C00000, v8;
	[smem:$0x7FF] =	sst s2;
	v11 =	vsel vm5, $0xC3500000, v11  }
0x37: {  	s24 =	sshll.u32 s0, $0x5;
	s21 =	sshll.u32 s0, $0x3;
	v12 =	vsel vm5, $0x43D00000, v12;
	v13 =	vsel vm5, $0x43D00000, v13;
	v14 =	vsel vm5, $0xC3D00000, v14;
	s16 =	sld [smem:$0x1]  }
0x38: {  	s13 =	sadd.s32 s13, s24;
	s25 =	sadd.s32 s18, s24;
	s5 =	rddreg [dreg:$0x6];
	v15 =	vsel vm5, $0x44500000, v15;
	v7 =	vsel vm14, $0x42600000, v7;
	v8 =	vsel vm14, $0x42E00000, v8  }
0x39: {  	s18 =	sadd.s32 s14, s21;
	s22 =	sshll.u32 s26, $0x6;
	s19 =	sld [smem:$0x0];
	v11 =	vsel vm14, $0xC3700000, v11;
	v12 =	vsel vm14, $0x43F00000, v12;
	v13 =	vsel vm6, $0x42000000, v13  }
0x3a: {  	s24 =	sadd.s32 $0xE00, s6;
	s1 =	sshll.u32 s1, $0x1;
	v14 =	vsel vm6, $0xC2000000, v14;
	v7 =	vsel vm6, $0x42800000, v7;
	v8 =	vsel vm6, $0x43000000, v8;
	[dreg:$0xe] =	wrdreg s16  }
0x3b: {  	s14 =	sand.u32 $0x40, s22;
	v15 =	vsel vm6, $0x42800000, v15;
	v7 =	vsel vm7, $0x42900000, v7;
	v8 =	vsel vm7, $0x43100000, v8;
	_ =	strace $0x80000047;
	[dreg:$0xf] =	wrdreg s13  }
0x3c: {  	v3 =	vadd.f32 v0, v0;
	v7 =	vsel vm8, $0x42A00000, v7;
	v8 =	vsel vm8, $0x43200000, v8;
	s16 =	ssub.s32 s23, s20;
	s20 =	sadd.s32 s19, s21;
	[dreg:$0x10] =	wrdreg s25  }
0x3d: {  	v11 =	vsel vm6, $0xC3880000, v11;
	s21 =	sshll.u32 s0, $0x9;
	s23 =	sshll.u32 s3, $0x7;
	v7 =	vsel vm12, $0x42B00000, v7;
	v8 =	vsel vm12, $0x43300000, v8;
	[dreg:$0x11] =	wrdreg s18  }
0x3e: {  	v12 =	vsel vm6, $0x44080000, v12;
	s3 =	sshll.u32 s3, $0x6;
	[dreg:$0x12] =	wrdreg s20;
	s13 =	sadd.s32 s15, s21;
	v7 =	vsel vm9, $0x42C00000, v7;
	v8 =	vsel vm9, $0x43400000, v8  }
0x3f: {  	v13 =	vsel vm7, $0x42C00000, v13;
	[dreg:$0x14] =	wrdreg s24;
	s25 =	sshll.u32 s0, $0x1;
	s15 =	sshll.u32 s0, $0x7;
	v9 =	vsel vm10, $0x42D00000, v7;
	v10 =	vsel vm10, $0x43500000, v8  }
0x40: {  	s1 =	sor.u32 s3, s1;
	s0 =	sshll.u32 s0, $0x6;
	[dreg:$0x13] =	wrdreg s13;
	v8 =	vsel vm11, $0x42E00000, v9;
	v9 =	vsel vm11, $0x43600000, v10;
	v10 =	vimm.f32 $4.960000000e+02  }
0x41: {  	v14 =	vsel vm7, $0xC2C00000, v14;
	v15 =	vsel vm7, $0x43400000, v15;
	s13 =	sor.u32 s14, s23;
	s6 =	sadd.s32 s25, s6;
	s8 =	sadd.s32 s8, s15;
	v10 =	vsel vm0, $0x41800000, v10  }
0x42: {  	v11 =	vsel vm7, $0xC3980000, v11;
	v12 =	vsel vm7, $0x44180000, v12;
	s18 =	sadd.s32 s17, s15;
	s20 =	sadd.s32 s11, s15;
	s21 =	sadd.s32 s7, s25;
	v10 =	vsel vm1, $0x42400000, v10  }
0x43: {  	v13 =	vsel vm8, $0x43200000, v13;
	v14 =	vsel vm8, $0xC3200000, v14;
	s24 =	sadd.s32 s5, s25;
	s5 =	simm.s32 $0x880;
	[dreg:$0x15] =	wrdreg s8;
	v10 =	vsel vm2, $0x42A00000, v10  }
0x44: {  	v15 =	vsel vm8, $0x43A00000, v15;
	v11 =	vsel vm8, $0xC3A80000, v11;
	s7 =	simm.s32 $0xC80;
	s11 =	simm.s32 $0x1480;
	[dreg:$0x16] =	wrdreg s18;
	v10 =	vsel vm13, $0x42E00000, v10  }
0x45: {  	v12 =	vsel vm8, $0x44280000, v12;
	v13 =	vsel vm12, $0x43600000, v13;
	s4 =	sor.u32 s4, s13;
	[dreg:$0x17] =	wrdreg s20;
	s13 =	sand.u32 $0x180, s15;
	v10 =	vsel vm3, $0x43100000, v10  }
0x46: {  	v14 =	vsel vm12, $0xC3600000, v14;
	v15 =	vsel vm12, $0x43E00000, v15;
	[dreg:$0x18] =	wrdreg s21;
	s22 =	sadd.s32 $0x1000, s6;
	s18 =	sadd.s32 s10, s1;
	v10 =	vsel vm4, $0x43300000, v10  }
0x47: {  	v11 =	vsel vm12, $0xC3B80000, v11;
	v12 =	vsel vm12, $0x44380000, v12;
	[dreg:$0x1b] =	wrdreg s24;
	s24 =	sadd.s32 $0x1200, s6;
	s1 =	simm.s32 $0x1;
	v10 =	vsel vm5, $0x43500000, v10  }
0x48: {  	v13 =	vsel vm9, $0x43900000, v13;
	v14 =	vsel vm9, $0xC3900000, v14;
	s6 =	simm.s32 $0xA80;
	s8 =	simm.s32 $0xE80;
	s10 =	simm.s32 $0x1280;
	v10 =	vsel vm14, $0x43700000, v10  }
0x49: {  	v15 =	vsel vm9, $0x44100000, v15;
	v11 =	vsel vm9, $0xC3C80000, v11;
	s14 =	sadd.s32 s12, s4;
	s15 =	sor.u32 $0x10, s13;
	[dreg:$0x19] =	wrdreg s22;
	v10 =	vsel vm6, $0x43880000, v10  }
0x4a: {  	v12 =	vsel vm9, $0x44480000, v12;
	v13 =	vsel vm10, $0x43B00000, v13;
	s25 =	sadd.s32 $0x10, s18;
	s22 =	sadd.s32 s9, s0;
	s26 =	sadd.s32 $0x20, s18;
	v10 =	vsel vm7, $0x43980000, v10  }
.Ltmp0:
0x4b: {  	v14 =	vsel vm10, $0xC3B00000, v14;
	v15 =	vsel vm10, $0x44300000, v15;
	s29 =	sadd.s32 $0x30, s18;
	s0 =	sor.u32 $0x4, s13;
	v10 =	vsel vm8, $0x43A80000, v10;
	(pc) =	sbr.rel .LBB3_1-.Ltmp0, $4  }
0x4c: {  	v7 =	vor.u32 $0x3, v1;
	v11 =	vsel vm10, $0xC3D80000, v11;
	s4 =	simm.s32 $0x680;
	s9 =	simm.s32 $0x1080;
	s12 =	simm.s32 $0x0;
	v10 =	vsel vm12, $0x43B80000, v10  }
0x4d: {  	v12 =	vsel vm10, $0x44580000, v12;
	v13 =	vsel vm11, $0x43D00000, v13;
	s23 =	sadd.s32 $0x10, s14;
	[dreg:$0x1c] =	wrdreg s25;
	s25 =	smax.u32 s16, $0x1;
	v10 =	vsel vm9, $0x43C80000, v10  }
0x4e: {  	v14 =	vsel vm11, $0xC3D00000, v14;
	v15 =	vsel vm11, $0x44500000, v15;
	s28 =	sadd.s32 $0x30, s14;
	s30 =	sadd.s32 $0x10, s22;
	s31 =	sadd.s32 $0x20, s22;
	v10 =	vsel vm10, $0x43D80000, v10  }
0x4f: {  	v11 =	vsel vm11, $0xC3E80000, v11;
	v12 =	vsel vm11, $0x44680000, v12;
	s3 =	sadd.s32 $0x30, s22;
	[dreg:$0x1a] =	wrdreg s23;
	s23 =	sadd.s32 $0x20, s14;
	v10 =	vsel vm11, $0x43E80000, v10  }
.LBB3_21:
0x50: {  	s16 =	rddreg [dreg:$0x15];
	s17 =	simm.s32 $0x1680  }
0x51: {  	[hbm4b:s16+s2] =	stream.linear.scatter [tilespmem:s17], [sflag:$0x1], $0x400, $0x38;
	[tilespmem:$0x3880] =	vst v63  }
0x52: {  	_ =	swait.ge [sflag:s1], $0x400  }
0x53: {  	[sflag:s1] =	ssyncset.done $0x0  }
0x54: {  	s19 =	simm.s32 $0x1C00;
	s17 =	rddreg [dreg:$0x16];
	[sflag:s1] =	ssyncadd.s32 $0xFFFFFC00  }
0x55: {  	[hbm4b:s17+s2] =	stream.linear.scatter [tilespmem:s19], [sflag:$0x1], $0x400, $0x38;
	[tilespmem:$0x3880] =	vst v63  }
0x56: {  	_ =	swait.ge [sflag:s1], $0x400  }
0x57: {  	[sflag:s1] =	ssyncset.done $0x0  }
0x58: {  	s21 =	simm.s32 $0x1A80;
	s20 =	rddreg [dreg:$0xf];
	[sflag:s1] =	ssyncadd.s32 $0xFFFFFC00  }
0x59: {  	[hbm4b:s20+s2] =	stream.linear.scatter [tilespmem:s21], [sflag:$0x1], $0x100, $0x38;
	[tilespmem:$0x3880] =	vst v63  }
0x5a: {  	_ =	swait.ge [sflag:s1], $0x100  }
0x5b: {  	[sflag:s1] =	ssyncset.done $0x0  }
0x5c: {  	s19 =	simm.s32 $0x2000;
	s17 =	rddreg [dreg:$0x10];
	[sflag:s1] =	ssyncadd.s32 $0xFFFFFF00  }
0x5d: {  	[hbm4b:s17+s2] =	stream.linear.scatter [tilespmem:s19], [sflag:$0x1], $0x100, $0x38;
	[tilespmem:$0x3880] =	vst v63  }
0x5e: {  	_ =	swait.ge [sflag:s1], $0x100  }
0x5f: {  	[sflag:s1] =	ssyncset.done $0x0  }
0x60: {  	s21 =	simm.s32 $0x1B80;
	s20 =	rddreg [dreg:$0x11];
	[sflag:s1] =	ssyncadd.s32 $0xFFFFFF00  }
0x61: {  	[hbm4b:s20+s2] =	stream.linear.scatter [tilespmem:s21], [sflag:$0x1], $0x40, $0x38;
	[tilespmem:$0x3880] =	vst v63  }
0x62: {  	_ =	swait.ge [sflag:s1], $0x40  }
0x63: {  	[sflag:s1] =	ssyncset.done $0x0  }
0x64: {  	s19 =	simm.s32 $0x2100;
	s17 =	rddreg [dreg:$0x12];
	[sflag:s1] =	ssyncadd.s32 $0xFFFFFFC0  }
0x65: {  	[hbm4b:s17+s2] =	stream.linear.scatter [tilespmem:s19], [sflag:$0x1], $0x40, $0x38;
	[tilespmem:$0x3880] =	vst v63  }
0x66: {  	_ =	swait.ge [sflag:s1], $0x40  }
0x67: {  	[sflag:s1] =	ssyncset.done $0x0  }
0x68: {  	s21 =	simm.s32 $0x1BC0;
	s20 =	rddreg [dreg:$0x18];
	[sflag:s1] =	ssyncadd.s32 $0xFFFFFFC0  }
0x69: {  	[hbm4b:s20+s2] =	stream.linear.scatter [tilespmem:s21], [sflag:$0x1], $0x10, $0x38;
	[tilespmem:$0x3880] =	vst v63  }
0x6a: {  	_ =	swait.ge [sflag:s1], $0x10  }
0x6b: {  	[sflag:s1] =	ssyncset.done $0x0  }
0x6c: {  	s19 =	simm.s32 $0x2140;
	s17 =	rddreg [dreg:$0x19];
	[sflag:s1] =	ssyncadd.s32 $0xFFFFFFF0  }
0x6d: {  	[hbm4b:s17+s2] =	stream.linear.scatter [tilespmem:s19], [sflag:$0x1], $0x10, $0x38;
	[tilespmem:$0x3880] =	vst v63  }
0x6e: {  	_ =	swait.ge [sflag:s1], $0x10  }
0x6f: {  	[sflag:s1] =	ssyncset.done $0x0  }
0x70: {  	s21 =	simm.s32 $0x2180;
	s20 =	rddreg [dreg:$0x13];
	[sflag:s1] =	ssyncadd.s32 $0xFFFFFFF0  }
0x71: {  	[hbm4b:s20+s2] =	stream.linear.scatter [tilespmem:s21], [sflag:$0x1], $0x1000, $0x38;
	[tilespmem:$0x3880] =	vst v63  }
0x72: {  	_ =	swait.ge [sflag:s1], $0x1000  }
0x73: {  	[sflag:s1] =	ssyncset.done $0x0  }
0x74: {  	s19 =	simm.s32 $0x3180;
	s17 =	rddreg [dreg:$0x17];
	[sflag:s1] =	ssyncadd.s32 $0xFFFFF000  }
0x75: {  	[hbm4b:s17+s2] =	stream.linear.scatter [tilespmem:s19], [sflag:$0x1], $0x400, $0x38;
	[tilespmem:$0x3880] =	vst v63  }
0x76: {  	_ =	swait.ge [sflag:s1], $0x400  }
0x77: {  	[sflag:s1] =	ssyncset.done $0x0  }
0x78: {  	s20 =	simm.s32 $0x3580;
	[sflag:s1] =	ssyncadd.s32 $0xFFFFFC00  }
0x79: {  	[hbm4b:s14+s2] =	stream.linear.scatter [tilespmem:s20], [sflag:$0x1], $0x40, $0x38;
	[tilespmem:$0x3880] =	vst v63  }
0x7a: {  	_ =	swait.ge [sflag:s1], $0x40  }
0x7b: {  	[sflag:s1] =	ssyncset.done $0x0  }
0x7c: {  	s21 =	simm.s32 $0x3780;
	[sflag:s1] =	ssyncadd.s32 $0xFFFFFFC0  }
0x7d: {  	[hbm4b:s18+s2] =	stream.linear.scatter [tilespmem:s21], [sflag:$0x1], $0x10, $0x38;
	[tilespmem:$0x3880] =	vst v63  }
0x7e: {  	_ =	swait.ge [sflag:s1], $0x10  }
0x7f: {  	[sflag:s1] =	ssyncset.done $0x0  }
0x80: {  	s19 =	simm.s32 $0x3600;
	s17 =	rddreg [dreg:$0x1a];
	[sflag:s1] =	ssyncadd.s32 $0xFFFFFFF0  }
0x81: {  	[hbm4b:s17+s2] =	stream.linear.scatter [tilespmem:s19], [sflag:$0x1], $0x40, $0x38;
	[tilespmem:$0x3880] =	vst v63  }
0x82: {  	_ =	swait.ge [sflag:s1], $0x40  }
0x83: {  	[sflag:s1] =	ssyncset.done $0x0  }
0x84: {  	s21 =	simm.s32 $0x3790;
	s20 =	rddreg [dreg:$0x1c];
	[sflag:s1] =	ssyncadd.s32 $0xFFFFFFC0  }
0x85: {  	[hbm4b:s20+s2] =	stream.linear.scatter [tilespmem:s21], [sflag:$0x1], $0x10, $0x38;
	[tilespmem:$0x3880] =	vst v63  }
0x86: {  	_ =	swait.ge [sflag:s1], $0x10  }
0x87: {  	[sflag:s1] =	ssyncset.done $0x0  }
0x88: {  	s17 =	simm.s32 $0x3680;
	[sflag:s1] =	ssyncadd.s32 $0xFFFFFFF0  }
0x89: {  	[hbm4b:s23+s2] =	stream.linear.scatter [tilespmem:s17], [sflag:$0x1], $0x40, $0x38;
	[tilespmem:$0x3880] =	vst v63  }
0x8a: {  	_ =	swait.ge [sflag:s1], $0x40  }
0x8b: {  	[sflag:s1] =	ssyncset.done $0x0  }
0x8c: {  	s19 =	simm.s32 $0x37A0;
	[sflag:s1] =	ssyncadd.s32 $0xFFFFFFC0  }
0x8d: {  	[hbm4b:s26+s2] =	stream.linear.scatter [tilespmem:s19], [sflag:$0x1], $0x10, $0x38;
	[tilespmem:$0x3880] =	vst v63  }
0x8e: {  	_ =	swait.ge [sflag:s1], $0x10  }
0x8f: {  	[sflag:s1] =	ssyncset.done $0x0  }
0x90: {  	s20 =	simm.s32 $0x3700;
	[sflag:s1] =	ssyncadd.s32 $0xFFFFFFF0  }
0x91: {  	[hbm4b:s28+s2] =	stream.linear.scatter [tilespmem:s20], [sflag:$0x1], $0x40, $0x38;
	[tilespmem:$0x3880] =	vst v63  }
0x92: {  	_ =	swait.ge [sflag:s1], $0x40  }
0x93: {  	[sflag:s1] =	ssyncset.done $0x0  }
0x94: {  	s21 =	simm.s32 $0x37B0;
	[sflag:s1] =	ssyncadd.s32 $0xFFFFFFC0  }
0x95: {  	[hbm4b:s29+s2] =	stream.linear.scatter [tilespmem:s21], [sflag:$0x1], $0x10, $0x38;
	[tilespmem:$0x3880] =	vst v63  }
0x96: {  	_ =	swait.ge [sflag:s1], $0x10  }
0x97: {  	s16 =	simm.s32 @!p0 $0x0;
	[sflag:s1] =	ssyncset.done $0x0  }
0x98: {  	s17 =	simm.s32 @!p0 $0x1BD0;
	s19 =	rddreg [dreg:$0x1b];
	[sflag:s1] =	ssyncadd.s32 $0xFFFFFFF0  }
0x99: {  	[hbm4b:s19+s16] =	stream.linear.scatter @!p0 [tilespmem:s17], [sflag:$0x1], $0x10, $0x38;
	[tilespmem:$0x3880] =	vst v63  }
0x9a: {  	s17 =	simm.s32 @!p0 $0x1  }
0x9b: {  	_ =	swait.ge @!p0 [sflag:s17], $0x10  }
0x9c: {  	[sflag:s17] =	ssyncset.done @!p0 $0x0  }
0x9d: {  	s19 =	simm.s32 @!p0 $0x2150;
	[sflag:s17] =	ssyncadd.s32 @!p0 $0xFFFFFFF0  }
0x9e: {  	[hbm4b:s24+s16] =	stream.linear.scatter @!p0 [tilespmem:s19], [sflag:$0x1], $0x10, $0x38;
	[tilespmem:$0x3880] =	vst v63  }
0x9f: {  	_ =	swait.ge @!p0 [sflag:s17], $0x10  }
0xa0: {  	[sflag:s17] =	ssyncset.done @!p0 $0x0  }
0xa1: {  	s19 =	simm.s32 @!p0 $0x3800;
	[sflag:s17] =	ssyncadd.s32 @!p0 $0xFFFFFFF0  }
0xa2: {  	[hbm4b:s22+s16] =	stream.linear.scatter @!p0 [tilespmem:s19], [sflag:$0x1], $0x10, $0x38;
	[tilespmem:$0x3880] =	vst v63  }
0xa3: {  	_ =	swait.ge @!p0 [sflag:s17], $0x10  }
0xa4: {  	[sflag:s17] =	ssyncset.done @!p0 $0x0  }
0xa5: {  	s19 =	simm.s32 @!p0 $0x3810;
	[sflag:s17] =	ssyncadd.s32 @!p0 $0xFFFFFFF0  }
0xa6: {  	[hbm4b:s30+s16] =	stream.linear.scatter @!p0 [tilespmem:s19], [sflag:$0x1], $0x10, $0x38;
	[tilespmem:$0x3880] =	vst v63  }
0xa7: {  	_ =	swait.ge @!p0 [sflag:s17], $0x10  }
0xa8: {  	[sflag:s17] =	ssyncset.done @!p0 $0x0  }
0xa9: {  	s19 =	simm.s32 @!p0 $0x3820;
	[sflag:s17] =	ssyncadd.s32 @!p0 $0xFFFFFFF0  }
0xaa: {  	[hbm4b:s31+s16] =	stream.linear.scatter @!p0 [tilespmem:s19], [sflag:$0x1], $0x10, $0x38;
	[tilespmem:$0x3880] =	vst v63  }
0xab: {  	s12 =	sadd.s32 $0x1, s12;
	_ =	swait.ge @!p0 [sflag:s17], $0x10  }
0xac: {  	p1 =	sne.s32 s12, s25;
	[sflag:s17] =	ssyncset.done @!p0 $0x0  }
.Ltmp1:
0xad: {  	s19 =	simm.s32 @!p0 $0x3830;
	[sflag:s17] =	ssyncadd.s32 @!p0 $0xFFFFFFF0;
	(pc) =	sbr.rel @!p1 .LBB3_22-.Ltmp1, $4  }
0xae: {  	[hbm4b:s3+s16] =	stream.linear.scatter @!p0 [tilespmem:s19], [sflag:$0x1], $0x10, $0x38;
	[tilespmem:$0x3880] =	vst v63  }
0xaf: {  	_ =	swait.ge @!p0 [sflag:s17], $0x10  }
0xb0: {  	[sflag:s17] =	ssyncset.done @!p0 $0x0  }
0xb1: {  	[sflag:s17] =	ssyncadd.s32 @!p0 $0xFFFFFFF0  }
.LBB3_1:
0xb2: {  	s16 =	rddreg [dreg:$0x14]  }
0xb3: {  	[tilespmem:s2], [sflag:$0x1] =	stream.linear.gather [hbm4b:s16+s2], $0x680, $0x38;
	[tilespmem:$0x3880] =	vst v63  }
0xb4: {  	_ =	swait.ge [sflag:s1], $0x680  }
0xb5: {  	[sflag:s1] =	ssyncset.done $0x0  }
0xb6: {  	[sflag:s1] =	ssyncadd.s32 $0xFFFFF980  }
0xb7: {  	v19 =	vor.u32 s2, v7;
	s21 =	rddreg [dreg:$0x1]  }
0xb8: {  	v20 =	vor.u32 s2, v1;
	[tilespmem:s4], [sflag:$0x1] =	stream.linear.gather [hbm4b:s21+s2], $0x200, $0x38;
	[tilespmem:$0x3880] =	vst v63  }
0xb9: {  	v21 =	vor.u32 s2, v6;
	_ =	swait.ge [sflag:s1], $0x200  }
0xba: {  	v22 =	vor.u32 s2, v5;
	[sflag:s1] =	ssyncset.done $0x0  }
0xbb: {  	[sflag:s1] =	ssyncadd.s32 $0xFFFFFE00  }
0xbc: {  	v19 =	vld.idx.msk [tilespmem:v19+s2+$0x0], $0xffff  }
0xbd: {  	v20 =	vld.idx.msk [tilespmem:v20+s2+$0x0], $0xffff  }
0xbe: {  	v21 =	vld.idx.msk [tilespmem:v21+s2+$0x0], $0xffff  }
0xbf: {  	v22 =	vld.idx.msk [tilespmem:v22+s2+$0x0], $0xffff  }
0xc0: {  	s19 =	simm.s32 $0x0  }
0xc1: {  	[tilespmem:s19+$0xE80] =	vst v19  }
0xc2: {  	[tilespmem:s19+$0x880] =	vst v20  }
0xc3: {  	s17 =	simm.s32 $0x40;
	[tilespmem:s19+$0xC80] =	vst v21;
	v23 =	vadd.f32 v21, v20;
	v24 =	vsub.f32 v21, v20  }
0xc4: {  	[tilespmem:s19+$0xA80] =	vst v22;
	v25 =	vadd.f32 v19, v22;
	v26 =	vsub.f32 v19, v22;
	v19 =	vor.u32 s17, v7  }
0xc5: {  	v20 =	vor.u32 s17, v1;
	[tilespmem:s19+$0x1080] =	vst v23  }
0xc6: {  	s20 =	simm.s32 $0x80;
	v21 =	vor.u32 s17, v5;
	v22 =	vor.u32 s17, v6;
	[tilespmem:s19+$0x1280] =	vst v25;
	v23 =	vmul.f32 v26, v24  }
.LBB3_2:
0xc7: {  	p1 =	sne.s32 s20, $0x600;
	s21 =	smov.u32 s20;
	s20 =	sadd.s32 $0x40, s20  }
0xc8: {  	s16 =	simm.s32 $0x0;
	[tilespmem:s19+$0x1480] =	vst v23  }
0xc9: {  	v23 =	vld.idx.msk [tilespmem:v19+s16+$0x0], $0xffff  }
0xca: {  	v19 =	vld.idx.msk [tilespmem:v20+s16+$0x0], $0xffff  }
0xcb: {  	v20 =	vld.idx.msk [tilespmem:v22+s16+$0x0], $0xffff  }
0xcc: {  	v21 =	vld.idx.msk [tilespmem:v21+s16+$0x0], $0xffff;
	_ =	sdelay $0x1  }
0xcd: {  	s19 =	sshra.s32 s17, $0x2;
	s17 =	smov.u32 s21  }
0xce: {  	[tilespmem:s19+$0xE80] =	vst v23  }
.Ltmp2:
0xcf: {  	[tilespmem:s19+$0x880] =	vst v19;
	(pc) =	sbr.rel @p1 .LBB3_2-.Ltmp2, $4  }
0xd0: {  	v22 =	vadd.f32 v20, v19;
	v24 =	vsub.f32 v20, v19;
	[tilespmem:s19+$0xC80] =	vst v20  }
0xd1: {  	v19 =	vor.u32 s17, v7;
	v25 =	vadd.f32 v23, v21;
	v23 =	vsub.f32 v23, v21;
	[tilespmem:s19+$0xA80] =	vst v21  }
0xd2: {  	v20 =	vor.u32 s17, v1;
	[tilespmem:s19+$0x1080] =	vst v22  }
0xd3: {  	v21 =	vor.u32 s17, v5;
	v22 =	vor.u32 s17, v6;
	v23 =	vmul.f32 v23, v24;
	[tilespmem:s19+$0x1280] =	vst v25  }
0xd4: {  	_ =	sdelay $0x2  }
0xd5: {  	[tilespmem:s19+$0x1480] =	vst v23  }
0xd6: {  	v19 =	vld.idx.msk [tilespmem:v19+s16+$0x0], $0xffff  }
0xd7: {  	v20 =	vld.idx.msk [tilespmem:v20+s16+$0x0], $0xffff  }
0xd8: {  	v22 =	vld.idx.msk [tilespmem:v22+s16+$0x0], $0xffff  }
0xd9: {  	v21 =	vld.idx.msk [tilespmem:v21+s16+$0x0], $0xffff;
	_ =	sdelay $0x1  }
0xda: {  	s17 =	sshra.s32 s17, $0x2  }
0xdb: {  	[tilespmem:s17+$0xE80] =	vst v19  }
0xdc: {  	[tilespmem:s17+$0x880] =	vst v20;
	v62 =	vadd.f32 v22, v20  }
0xdd: {  	[tilespmem:s17+$0xC80] =	vst v22;
	v20 =	vsub.f32 v22, v20;
	v63 =	vsub.f32 v19, v21  }
0xde: {  	[tilespmem:s17+$0xA80] =	vst v21;
	v19 =	vadd.f32 v19, v21  }
0xdf: {  	[tilespmem:s17+$0x1080] =	vst v62;
	v20 =	vmul.f32 v63, v20  }
0xe0: {  	[tilespmem:s17+$0x1280] =	vst v19  }
0xe1: {  	[tilespmem:s17+$0x1480] =	vst v20  }
.LBB3_4:
0xe2: {  	_ =	sdelay $0x3  }
0xe3: {  	s17 =	sshll.u32 s16, $0x1;
	v24 =	vld.idx.msk [tilespmem:v2+s6+$0x0], $0xffff  }
0xe4: {  	v20 =	vld.idx.msk [tilespmem:v2+s10+$0x0], $0xffff;
	s17 =	sand.u32 $0x78, s17  }
0xe5: {  	s19 =	sshll.u32 s16, $0x7;
	v27 =	vld.idx.msk [tilespmem:v2+s5+$0x0], $0xffff;
	v23 =	vadd.s32 $0x1, v2;
	s17 =	sor.u32 s0, s17  }
0xe6: {  	v28 =	vld.idx.msk [tilespmem:v2+s7+$0x0], $0xffff;
	s19 =	sand.u32 $0x180, s19;
	v19 =	vmov s17  }
0xe7: {  	v29 =	vld.idx.msk [tilespmem:v2+s9+$0x0], $0xffff;
	s21 =	sor.u32 $0x4, s19;
	v21 =	vcvt.s32.f32 v19  }
0xe8: {  	v30 =	vld.idx.msk [tilespmem:v2+s8+$0x0], $0xffff;
	s17 =	scvt.s32.f32 s21  }
0xe9: {  	v31 =	vld.idx.msk [tilespmem:v2+s11+$0x0], $0xffff;
	v22 =	vadd.f32 v21, v21  }
0xea: {  	v19 =	vadd.f32 s17, v8;
	v33 =	vld.idx.msk [tilespmem:v23+s10+$0x0], $0xffff  }
0xeb: {  	v36 =	vld.idx.msk [tilespmem:v23+s7+$0x0], $0xffff;
	v21 =	vbroadcast v21, $0x0;
	v25 =	vbroadcast v22, $0x0;
	v22 =	vadd.s32 $0x4, v2  }
0xec: {  	v37 =	vld.idx.msk [tilespmem:v23+s6+$0x0], $0xffff;
	v26 =	vadd.f32 v19, v19;
	v27 =	vsub.f32 v19, v27  }
0xed: {  	v38 =	vld.idx.msk [tilespmem:v23+s5+$0x0], $0xffff;
	v28 =	vsub.f32 v28, v19;
	v24 =	vsub.f32 v21, v24  }
0xee: {  	v60 =	vimm.f32 $1.000000000e+08;
	v34 =	vld.idx.msk [tilespmem:v23+s9+$0x0], $0xffff;
	v29 =	vsub.f32 v26, v29;
	v32 =	vsub.f32 v25, v20  }
0xef: {  	v35 =	vld.idx.msk [tilespmem:v23+s8+$0x0], $0xffff;
	v30 =	vsub.f32 v30, v21;
	v20 =	vadd.s32 $0x2, v2;
	v39 =	vmin.f32 v27, v24  }
0xf0: {  	v24 =	vmax.f32 v27, v24;
	v27 =	vand.u32 $0x7FFFFFFF, v29;
	v32 =	vand.u32 $0x7FFFFFFF, v32;
	v42 =	vld.idx.msk [tilespmem:v22+s10+$0x0], $0xffff  }
0xf1: {  	v37 =	vsub.f32 v21, v37;
	v29 =	vmin.f32 v28, v30;
	v27 =	vmax.f32 v27, v32;
	v32 =	vld.idx.msk [tilespmem:v23+s11+$0x0], $0xffff  }
0xf2: {  	v38 =	vsub.f32 v19, v38;
	v63 =	vsub.f32 v36, v19;
	v29 =	vmin.f32 v39, v29;
	v36 =	vld.idx.msk [tilespmem:v22+s6+$0x0], $0xffff  }
0xf3: {  	v28 =	vmax.f32 v28, v30;
	vm1 =	vgt.f32 v29, $0.0e+00;
	v29 =	vsub.f32 v26, v34;
	v48 =	vld.idx.msk [tilespmem:v22+s9+$0x0], $0xffff  }
0xf4: {  	v45 =	vld.idx.msk [tilespmem:v22+s5+$0x0], $0xffff;
	vm0 =	vlt.f32 v27, $2.400000000e+01;
	v27 =	vmax.f32 v24, v28;
	v28 =	vsub.f32 v25, v33  }
0xf5: {  	vm2 =	vlt.f32 v31, v60;
	v41 =	vmin.f32 v38, v37;
	v30 =	vld.idx.msk [tilespmem:v20+s10+$0x0], $0xffff;
	vm0 =	vmand vm1, vm0  }
0xf6: {  	vm1 =	vle.f32 v27, $6.400000000e+01;
	v61 =	vld.idx.msk [tilespmem:v20+s9+$0x0], $0xffff;
	v27 =	vand.u32 $0x7FFFFFFF, v28;
	v28 =	vand.u32 $0x7FFFFFFF, v29  }
0xf7: {  	v40 =	vld.idx.msk [tilespmem:v20+s8+$0x0], $0xffff;
	vm0 =	vmand vm1, vm0;
	v27 =	vmax.f32 v28, v27;
	v28 =	vsub.f32 v35, v21  }
0xf8: {  	v37 =	vmax.f32 v38, v37;
	v44 =	vld.idx.msk [tilespmem:v20+s7+$0x0], $0xffff;
	vm12 =	vmand vm2, vm0;
	vm1 =	vlt.f32 v27, $2.400000000e+01  }
0xf9: {  	v24 =	vld.idx.msk [tilespmem:v20+s11+$0x0], $0xffff;
	v27 =	vadd.s32 $0x3, v2;
	v43 =	vmin.f32 v63, v28;
	v28 =	vmax.f32 v63, v28  }
0xfa: {  	v62 =	vld.idx.msk [tilespmem:v20+s6+$0x0], $0xffff;
	v29 =	vadd.s32 $0x5, v2;
	v38 =	vsel vm12, v31, v60;
	v28 =	vmax.f32 v37, v28  }
0xfb: {  	v33 =	vld.idx.msk [tilespmem:v20+s5+$0x0], $0xffff;
	v30 =	vsub.f32 v25, v30;
	vm3 =	vle.f32 v28, $6.400000000e+01;
	v28 =	vsub.f32 v26, v61  }
0xfc: {  	v47 =	vsub.f32 v25, v42;
	v31 =	vmin.f32 v41, v43;
	v43 =	vld.idx.msk [tilespmem:v22+s8+$0x0], $0xffff;
	v40 =	vsub.f32 v40, v21  }
0xfd: {  	v41 =	vld.idx.msk [tilespmem:v22+s7+$0x0], $0xffff;
	v44 =	vsub.f32 v44, v19;
	v30 =	vand.u32 $0x7FFFFFFF, v30;
	v28 =	vand.u32 $0x7FFFFFFF, v28  }
0xfe: {  	v48 =	vsub.f32 v26, v48;
	vm0 =	vlt.f32 v32, v38;
	vm2 =	vgt.f32 v31, $0.0e+00;
	v39 =	vld.idx.msk [tilespmem:v27+s9+$0x0], $0xffff  }
0xff: {  	v34 =	vsub.f32 v21, v62;
	vm1 =	vmand vm2, vm1;
	v35 =	vmin.f32 v44, v40;
	v42 =	vld.idx.msk [tilespmem:v27+s10+$0x0], $0xffff  }
0x100: {  	s17 =	simm.s32 $0x9;
	v37 =	vmovc v2;
	vm1 =	vmand vm3, vm1;
	v46 =	vld.idx.msk [tilespmem:v27+s8+$0x0], $0xffff;
	v31 =	vmax.f32 v28, v30;
	v30 =	vmovc v2;
	v28 =	vmov v20  }
.LBB3_5:
0x101: {  	p1 =	sne.s32 s17, $0x1;
	s17 =	sadd.s32 $0xFFFFFFFF, s17;
	vm0 =	vmand vm0, vm1;
	vm13 =	vlt.f32 v31, $2.400000000e+01;
	v49 =	vld.idx.msk [tilespmem:v27+s7+$0x0], $0xffff;
	v43 =	vsub.f32 v43, v21  }
0x102: {  	v31 =	vadd.s32 $0x4, v29;
	v47 =	vand.u32 $0x7FFFFFFF, v47;
	v50 =	vld.idx.msk [tilespmem:v27+s6+$0x0], $0xffff;
	v48 =	vand.u32 $0x7FFFFFFF, v48  }
0x103: {  	v36 =	vsub.f32 v21, v36;
	v38 =	vsel vm0, v32, v38;
	v45 =	vsub.f32 v19, v45;
	v32 =	vld.idx.msk [tilespmem:v27+s5+$0x0], $0xffff  }
0x104: {  	v40 =	vmax.f32 v44, v40;
	v41 =	vsub.f32 v41, v19;
	v51 =	vld.idx.msk [tilespmem:v29+s6+$0x0], $0xffff  }
0x105: {  	v33 =	vsub.f32 v19, v33;
	v47 =	vmax.f32 v48, v47;
	v52 =	vmin.f32 v45, v36;
	v44 =	vld.idx.msk [tilespmem:v29+s10+$0x0], $0xffff  }
0x106: {  	v37 =	vsel vm12, v30, v37;
	v30 =	vmovc v29;
	vm12 =	vlt.f32 v47, $2.400000000e+01;
	v46 =	vsub.f32 v46, v21;
	v48 =	vld.idx.msk [tilespmem:v29+s5+$0x0], $0xffff  }
0x107: {  	v39 =	vsub.f32 v26, v39;
	v53 =	vmax.f32 v41, v43;
	v42 =	vsub.f32 v25, v42;
	v47 =	vld.idx.msk [tilespmem:v29+s7+$0x0], $0xffff  }
0x108: {  	v36 =	vmax.f32 v45, v36;
	v49 =	vsub.f32 v49, v19;
	v50 =	vsub.f32 v21, v50;
	v54 =	vld.idx.msk [tilespmem:v29+s9+$0x0], $0xffff  }
0x109: {  	v55 =	vmax.f32 v33, v34;
	vm14 =	vlt.f32 v24, v38;
	v41 =	vmin.f32 v41, v43;
	v45 =	vld.idx.msk [tilespmem:v29+s8+$0x0], $0xffff  }
0x10a: {  	v41 =	vmin.f32 v52, v41;
	v32 =	vsub.f32 v19, v32;
	v43 =	vmin.f32 v49, v46  }
0x10b: {  	v37 =	vsel vm0, v23, v37;
	vm0 =	vgt.f32 v41, $0.0e+00;
	v44 =	vsub.f32 v25, v44  }
0x10c: {  	v23 =	vmin.f32 v33, v34;
	v33 =	vmax.f32 v49, v46;
	v41 =	vsub.f32 v19, v48  }
0x10d: {  	v23 =	vmin.f32 v23, v35;
	v34 =	vsub.f32 v21, v51;
	v44 =	vand.u32 $0x7FFFFFFF, v44  }
0x10e: {  	vm1 =	vgt.f32 v23, $0.0e+00;
	v35 =	vsub.f32 v47, v19;
	v46 =	vsub.f32 v26, v54  }
0x10f: {  	v23 =	vadd.s32 $0x1, v29;
	v48 =	vmin.f32 v32, v50;
	v45 =	vsub.f32 v45, v21;
	v47 =	vld.idx.msk [tilespmem:v29+s11+$0x0], $0xffff  }
0x110: {  	v49 =	vmin.f32 v41, v34;
	v34 =	vmax.f32 v41, v34;
	v41 =	vand.u32 $0x7FFFFFFF, v46  }
0x111: {  	vm1 =	vmand vm1, vm13;
	v46 =	vmin.f32 v35, v45;
	v41 =	vmax.f32 v41, v44  }
0x112: {  	v35 =	vmax.f32 v35, v45;
	v44 =	vmin.f32 v49, v46;
	vm2 =	vlt.f32 v41, $2.400000000e+01;
	v41 =	vld.idx.msk [tilespmem:v22+s11+$0x0], $0xffff  }
0x113: {  	v39 =	vand.u32 $0x7FFFFFFF, v39;
	v34 =	vmax.f32 v34, v35;
	v35 =	vmax.f32 v55, v40;
	v40 =	vld.idx.msk [tilespmem:v27+s11+$0x0], $0xffff  }
0x114: {  	v32 =	vmax.f32 v32, v50;
	vm3 =	vle.f32 v35, $6.400000000e+01;
	v35 =	vand.u32 $0x7FFFFFFF, v42;
	v45 =	vld.idx.msk [tilespmem:v23+s10+$0x0], $0xffff  }
0x115: {  	v32 =	vmax.f32 v32, v33;
	v33 =	vmax.f32 v36, v53;
	vm1 =	vmand vm3, vm1;
	v42 =	vld.idx.msk [tilespmem:v23+s9+$0x0], $0xffff  }
0x116: {  	vm0 =	vmand vm0, vm12;
	vm12 =	vle.f32 v33, $6.400000000e+01;
	vm3 =	vgt.f32 v44, $0.0e+00;
	v36 =	vld.idx.msk [tilespmem:v23+s8+$0x0], $0xffff  }
0x117: {  	v43 =	vmin.f32 v48, v43;
	v33 =	vadd.s32 $0x2, v29;
	vm3 =	vmand vm3, vm2;
	v44 =	vld.idx.msk [tilespmem:v23+s7+$0x0], $0xffff  }
0x118: {  	vm13 =	vle.f32 v34, $6.400000000e+01;
	v35 =	vmax.f32 v39, v35;
	vm1 =	vmand vm14, vm1;
	v34 =	vld.idx.msk [tilespmem:v23+s6+$0x0], $0xffff  }
0x119: {  	vm14 =	vgt.f32 v43, $0.0e+00;
	vm15 =	vlt.f32 v35, $2.400000000e+01;
	vm2 =	vmand vm12, vm0;
	v39 =	vld.idx.msk [tilespmem:v23+s5+$0x0], $0xffff  }
0x11a: {  	vm12 =	vle.f32 v32, $6.400000000e+01;
	vm0 =	vmand vm14, vm15;
	v35 =	vsub.f32 v25, v45;
	v46 =	vld.idx.msk [tilespmem:v31+s10+$0x0], $0xffff  }
0x11b: {  	v37 =	vsel vm1, v28, v37;
	v28 =	vmovc v33;
	vm12 =	vmand vm12, vm0;
	v42 =	vsub.f32 v26, v42;
	v32 =	vld.idx.msk [tilespmem:v23+s11+$0x0], $0xffff  }
0x11c: {  	v38 =	vsel vm1, v24, v38;
	vm0 =	vmand vm13, vm3;
	v35 =	vand.u32 $0x7FFFFFFF, v35;
	v24 =	vld.idx.msk [tilespmem:v33+s11+$0x0], $0xffff  }
0x11d: {  	v29 =	vadd.s32 $0x5, v29;
	vm1 =	vlt.f32 v40, v38;
	v43 =	vsub.f32 v36, v21;
	v36 =	vld.idx.msk [tilespmem:v33+s10+$0x0], $0xffff  }
0x11e: {  	vm3 =	vmand vm1, vm12;
	v42 =	vand.u32 $0x7FFFFFFF, v42;
	v34 =	vsub.f32 v21, v34;
	v45 =	vld.idx.msk [tilespmem:v33+s9+$0x0], $0xffff  }
0x11f: {  	v38 =	vsel vm3, v40, v38;
	v35 =	vmax.f32 v42, v35;
	v39 =	vsub.f32 v19, v39;
	v42 =	vld.idx.msk [tilespmem:v33+s8+$0x0], $0xffff  }
0x120: {  	v27 =	vsel vm3, v27, v37;
	vm3 =	vlt.f32 v41, v38;
	vm1 =	vlt.f32 v35, $2.400000000e+01;
	v33 =	vld.idx.msk [tilespmem:v33+s5+$0x0], $0xffff  }
0x121: {  	vm2 =	vmand vm3, vm2;
	v35 =	vmin.f32 v39, v34;
	v34 =	vmax.f32 v39, v34;
	v48 =	vld.idx.msk [tilespmem:v28+s6+$0x0], $0xffff  }
0x122: {  	v38 =	vsel vm2, v41, v38;
	v37 =	vsel vm2, v22, v27;
	v39 =	vsub.f32 v44, v19;
	v44 =	vld.idx.msk [tilespmem:v28+s7+$0x0], $0xffff  }
0x123: {  	v27 =	vadd.s32 $0x3, v30;
	v22 =	vmovc v31;
	vm2 =	vlt.f32 v47, v38;
	v40 =	vsub.f32 v25, v36;
	v36 =	vld.idx.msk [tilespmem:v31+s6+$0x0], $0xffff  }
0x124: {  	vm12 =	vmand vm2, vm0;
	v41 =	vmin.f32 v39, v43;
	v39 =	vmax.f32 v39, v43;
	v49 =	vld.idx.msk [tilespmem:v31+s9+$0x0], $0xffff  }
0x125: {  	v38 =	vsel vm12, v47, v38;
	v35 =	vmin.f32 v35, v41;
	v50 =	vand.u32 $0x7FFFFFFF, v40;
	v43 =	vld.idx.msk [tilespmem:v31+s8+$0x0], $0xffff  }
.Ltmp3:
0x126: {  	vm0 =	vlt.f32 v32, v38;
	v34 =	vmax.f32 v34, v39;
	v40 =	vsub.f32 v42, v21;
	v41 =	vld.idx.msk [tilespmem:v31+s7+$0x0], $0xffff;
	(pc) =	sbr.rel @p1 .LBB3_5-.Ltmp3, $4  }
0x127: {  	vm2 =	vgt.f32 v35, $0.0e+00;
	vm3 =	vle.f32 v34, $6.400000000e+01;
	v35 =	vsub.f32 v26, v45;
	v45 =	vld.idx.msk [tilespmem:v31+s5+$0x0], $0xffff  }
0x128: {  	v47 =	vsub.f32 v25, v46;
	vm1 =	vmand vm2, vm1;
	v44 =	vsub.f32 v44, v19;
	v39 =	vld.idx.msk [tilespmem:v27+s9+$0x0], $0xffff  }
0x129: {  	vm1 =	vmand vm3, vm1;
	v34 =	vsub.f32 v21, v48;
	v31 =	vand.u32 $0x7FFFFFFF, v35;
	v42 =	vld.idx.msk [tilespmem:v27+s10+$0x0], $0xffff  }
0x12a: {  	v31 =	vmax.f32 v31, v50;
	v35 =	vmin.f32 v44, v40;
	v48 =	vsub.f32 v26, v49;
	v46 =	vld.idx.msk [tilespmem:v27+s8+$0x0], $0xffff  }
0x12b: {  	vm0 =	vmand vm0, vm1  }
0x12c: {  	vm2 =	vlt.f32 v31, $2.400000000e+01;
	v52 =	vsub.f32 v43, v21;
	v47 =	vand.u32 $0x7FFFFFFF, v47  }
0x12d: {  	v36 =	vsub.f32 v21, v36;
	v55 =	vmax.f32 v44, v40;
	v56 =	vsub.f32 v41, v19  }
0x12e: {  	v33 =	vsub.f32 v19, v33;
	v30 =	vsel vm12, v30, v37;
	v53 =	vand.u32 $0x7FFFFFFF, v48  }
0x12f: {  	v29 =	vld.idx.msk [tilespmem:v27+s7+$0x0], $0xffff;
	v45 =	vsub.f32 v19, v45;
	v32 =	vsel vm0, v32, v38;
	v23 =	vsel vm0, v23, v30  }
0x130: {  	v54 =	vld.idx.msk [tilespmem:v27+s6+$0x0], $0xffff;
	v43 =	vmax.f32 v53, v47;
	v26 =	vsub.f32 v26, v39;
	v60 =	vmax.f32 v56, v52  }
0x131: {  	v57 =	vld.idx.msk [tilespmem:v27+s5+$0x0], $0xffff;
	v62 =	vmax.f32 v33, v34;
	vm3 =	vlt.f32 v24, v32;
	v31 =	vmin.f32 v56, v52  }
0x132: {  	v33 =	vmin.f32 v33, v34;
	v58 =	vmin.f32 v45, v36;
	vm1 =	vlt.f32 v43, $2.400000000e+01  }
0x133: {  	v25 =	vsub.f32 v25, v42;
	v33 =	vmin.f32 v33, v35;
	v47 =	vmax.f32 v62, v55  }
0x134: {  	v59 =	vsub.f32 v46, v21;
	vm5 =	vgt.f32 v33, $0.0e+00;
	v26 =	vand.u32 $0x7FFFFFFF, v26  }
0x135: {  	vm6 =	vle.f32 v47, $6.400000000e+01;
	v61 =	vsub.f32 v21, v54;
	v29 =	vsub.f32 v29, v19  }
0x136: {  	v63 =	vsub.f32 v19, v57;
	vm2 =	vmand vm5, vm2;
	v25 =	vand.u32 $0x7FFFFFFF, v25  }
0x137: {  	v48 =	vld.idx.msk [tilespmem:v27+s11+$0x0], $0xffff;
	v36 =	vmax.f32 v45, v36;
	vm2 =	vmand vm6, vm2;
	v25 =	vmax.f32 v26, v25  }
0x138: {  	v45 =	vmin.f32 v29, v59;
	v29 =	vmax.f32 v29, v59;
	v46 =	vmin.f32 v63, v61  }
0x139: {  	v49 =	vmax.f32 v63, v61;
	vm2 =	vmand vm3, vm2;
	v33 =	vmin.f32 v46, v45  }
0x13a: {  	v50 =	vld.idx.msk [tilespmem:v22+s11+$0x0], $0xffff;
	vm4 =	vlt.f32 v25, $2.400000000e+01;
	v29 =	vmax.f32 v49, v29;
	vm7 =	vgt.f32 v33, $0.0e+00  }
0x13b: {  	v51 =	vsel vm2, v24, v32;
	vm5 =	vle.f32 v29, $6.400000000e+01;
	vm3 =	vmand vm7, vm4  }
0x13c: {  	v31 =	vmin.f32 v58, v31;
	vm6 =	vlt.f32 v48, v51;
	vm0 =	vmand vm5, vm3  }
0x13d: {  	v52 =	vmax.f32 v36, v60;
	vm7 =	vgt.f32 v31, $0.0e+00;
	vm0 =	vmand vm6, vm0  }
0x13e: {  	vm13 =	vle.f32 v52, $6.400000000e+01;
	vm1 =	vmand vm7, vm1;
	v24 =	vsel vm0, v48, v51  }
0x13f: {  	v23 =	vsel vm2, v28, v23;
	vm1 =	vmand vm13, vm1;
	vm14 =	vlt.f32 v50, v24  }
0x140: {  	v23 =	vsel vm0, v27, v23;
	vm15 =	vmand vm14, vm1  }
0x141: {  	v22 =	vsel vm15, v22, v23;
	_ =	sdelay $0x4  }
0x142: {  	v23 =	vld.idx.msk [tilespmem:v22+s5+$0x0], $0xffff  }
0x143: {  	v53 =	vld.idx.msk [tilespmem:v22+s6+$0x0], $0xffff  }
0x144: {  	v54 =	vld.idx.msk [tilespmem:v22+s7+$0x0], $0xffff  }
0x145: {  	v55 =	vld.idx.msk [tilespmem:v22+s8+$0x0], $0xffff;
	_ =	sdelay $0x3  }
0x146: {  	v23 =	vsub.f32 v19, v23;
	v25 =	vsub.f32 v21, v53  }
0x147: {  	v19 =	vsub.f32 v54, v19;
	v21 =	vsub.f32 v55, v21;
	_ =	sdelay $0x1  }
0x148: {  	v27 =	vmax.f32 v23, v19;
	v28 =	vmax.f32 v25, v21  }
0x149: {  	v27 =	vmul.f32 v28, v27;
	_ =	sdelay $0x1  }
0x14a: {  	v27 =	vadd.f32 $1.000000010e-10, v27;
	_ =	sdelay $0x1  }
0x14b: {  	(erf) = vrcp.f32 v27;
	_ =	sdelay $0x6  }
0x14c: {  	v56 =	vmin.f32 v23, v19;
	v57 =	vmin.f32 v25, v21  }
0x14d: {  	v27 =	vmul.f32 v57, v56  }
0x14e: {  	v58 =	vpop (erf)  }
0x14f: {  	v27 =	vmul.f32 v58, v27;
	_ =	sdelay $0x1  }
0x150: {  	v27 =	vmax.f32 v27, $0.0e+00  }
0x151: {  	v27 =	vadd.f32 $9.999999960e-13, v27;
	_ =	sdelay $0x1  }
0x152: {  	v59 =	vshra.s32 v27, $0x1;
	v60 =	vmul.f32 $5.000000000e-01, v27  }
0x153: {  	v28 =	vsub.s32 $0x5F3759DF, v59  }
0x154: {  	v61 =	vmul.f32 v28, v60;
	_ =	sdelay $0x1  }
0x155: {  	v30 =	vmul.f32 v28, v61;
	_ =	sdelay $0x1  }
0x156: {  	v30 =	vsub.f32 $1.500000000e+00, v30;
	_ =	sdelay $0x1  }
0x157: {  	v28 =	vmul.f32 v28, v30;
	_ =	sdelay $0x1  }
0x158: {  	v30 =	vmul.f32 v28, v60;
	_ =	sdelay $0x1  }
0x159: {  	v30 =	vmul.f32 v30, v28;
	_ =	sdelay $0x1  }
0x15a: {  	v30 =	vsub.f32 $1.500000000e+00, v30;
	_ =	sdelay $0x1  }
0x15b: {  	v28 =	vmul.f32 v30, v28;
	_ =	sdelay $0x1  }
0x15c: {  	v30 =	vmul.f32 v28, v60;
	_ =	sdelay $0x1  }
0x15d: {  	v30 =	vmul.f32 v30, v28;
	_ =	sdelay $0x1  }
0x15e: {  	v30 =	vsub.f32 $1.500000000e+00, v30;
	_ =	sdelay $0x1  }
0x15f: {  	v28 =	vmul.f32 v30, v28;
	_ =	sdelay $0x1  }
0x160: {  	v29 =	vmul.f32 v28, v60;
	_ =	sdelay $0x1  }
0x161: {  	v29 =	vmul.f32 v29, v28;
	_ =	sdelay $0x1  }
0x162: {  	s17 =	sshll.u32 s16, $0x4;
	s19 =	sshll.u32 s16, $0x6;
	v24 =	vsel vm15, v50, v24;
	v62 =	vsub.f32 $1.500000000e+00, v29  }
0x163: {  	s19 =	sand.u32 $0xE00, s19;
	s20 =	sand.u32 $0x70, s17;
	vm0 =	vlt.f32 v24, $1.000000000e+08  }
0x164: {  	s16 =	sadd.s32 $0x1, s16;
	s19 =	sor.u32 s20, s19;
	v22 =	vld.idx.msk [tilespmem:v22+s4+$0x0], $0xffff;
	v23 =	vnsel vm0, $0xBF800000, v23;
	v63 =	vmul.f32 v62, v28  }
0x165: {  	p1 =	sne.s32 s16, $0x40;
	v25 =	vnsel vm0, $0xBF800000, v25;
	[tilespmem:s19+$0x2180] =	vst v23  }
.Ltmp4:
0x166: {  	v19 =	vnsel vm0, $0xBF800000, v19;
	[tilespmem:s19+$0x2200] =	vst v25;
	v23 =	vmul.f32 v63, v27;
	(pc) =	sbr.rel @p1 .LBB3_4-.Ltmp4, $4  }
0x167: {  	v21 =	vnsel vm0, $0xBF800000, v21;
	[tilespmem:s19+$0x2280] =	vst v19  }
0x168: {  	[tilespmem:s19+$0x2300] =	vst v21;
	v19 =	vnsel vm0, $0xBF800000, v23  }
0x169: {  	[tilespmem:s17+$0x1C00] =	vst v19;
	v19 =	vnsel vm0, $0x0, v22  }
0x16a: {  	[tilespmem:s17+$0x1680] =	vst v19  }
0x16b: {  	s16 =	simm.s32 $0x0  }
.LBB3_8:
0x16c: {  	_ =	sdelay $0x3  }
0x16d: {  	s17 =	sshll.u32 s16, $0x3;
	s19 =	sshll.u32 s16, $0x8;
	v25 =	vld.idx.msk [tilespmem:v2+s6+$0x0], $0xffff  }
0x16e: {  	v26 =	vld.idx.msk [tilespmem:v2+s10+$0x0], $0xffff;
	s17 =	sadd.s32 s13, s17;
	s19 =	sand.u32 $0x100, s19  }
0x16f: {  	v27 =	vld.idx.msk [tilespmem:v2+s5+$0x0], $0xffff;
	s17 =	sor.u32 $0x8, s17;
	s19 =	sor.u32 $0x8, s19  }
0x170: {  	v30 =	vld.idx.msk [tilespmem:v2+s7+$0x0], $0xffff;
	v19 =	vmov s17;
	s21 =	scvt.s32.f32 s19  }
0x171: {  	v29 =	vld.idx.msk [tilespmem:v2+s8+$0x0], $0xffff;
	v22 =	vcvt.s32.f32 v19  }
0x172: {  	v28 =	vld.idx.msk [tilespmem:v2+s9+$0x0], $0xffff;
	v19 =	vadd.s32 $0x1, v2;
	v21 =	vadd.f32 s21, v9  }
0x173: {  	v24 =	vadd.f32 v22, v22  }
0x174: {  	v31 =	vld.idx.msk [tilespmem:v2+s11+$0x0], $0xffff;
	v22 =	vbroadcast v22, $0x0;
	v23 =	vadd.f32 v21, v21  }
0x175: {  	v39 =	vld.idx.msk [tilespmem:v20+s9+$0x0], $0xffff;
	v27 =	vsub.f32 v21, v27;
	v30 =	vsub.f32 v30, v21;
	v24 =	vbroadcast v24, $0x0  }
0x176: {  	v38 =	vld.idx.msk [tilespmem:v20+s8+$0x0], $0xffff;
	v25 =	vsub.f32 v22, v25;
	v29 =	vsub.f32 v29, v22  }
0x177: {  	v28 =	vsub.f32 v23, v28;
	v32 =	vld.idx.msk [tilespmem:v19+s10+$0x0], $0xffff;
	v26 =	vsub.f32 v24, v26  }
0x178: {  	v34 =	vld.idx.msk [tilespmem:v19+s9+$0x0], $0xffff;
	v33 =	vmin.f32 v27, v25;
	v25 =	vmax.f32 v27, v25  }
0x179: {  	v35 =	vld.idx.msk [tilespmem:v19+s8+$0x0], $0xffff;
	v27 =	vand.u32 $0x7FFFFFFF, v28;
	v28 =	vmin.f32 v30, v29;
	v26 =	vand.u32 $0x7FFFFFFF, v26  }
0x17a: {  	v26 =	vmax.f32 v27, v26;
	v27 =	vmin.f32 v33, v28;
	v28 =	vmax.f32 v30, v29;
	v29 =	vld.idx.msk [tilespmem:v19+s7+$0x0], $0xffff  }
0x17b: {  	v56 =	vimm.f32 $1.000000000e+08;
	v39 =	vsub.f32 v23, v39;
	vm1 =	vgt.f32 v27, $0.0e+00;
	v27 =	vld.idx.msk [tilespmem:v19+s5+$0x0], $0xffff  }
0x17c: {  	vm5 =	vlt.f32 v31, v56;
	v25 =	vmax.f32 v25, v28;
	v28 =	vld.idx.msk [tilespmem:v19+s6+$0x0], $0xffff  }
0x17d: {  	v62 =	vsub.f32 v38, v22;
	v39 =	vand.u32 $0x7FFFFFFF, v39;
	vm0 =	vlt.f32 v26, $4.800000000e+01  }
0x17e: {  	v26 =	vadd.s32 $0x5, v2;
	v57 =	vsub.f32 v23, v34;
	v35 =	vsub.f32 v35, v22  }
0x17f: {  	vm0 =	vmand vm1, vm0;
	vm4 =	vle.f32 v25, $1.280000000e+02;
	vm2 =	vge.f32 v25, $6.400000000e+01  }
0x180: {  	v36 =	vld.idx.msk [tilespmem:v20+s10+$0x0], $0xffff;
	v25 =	vsub.f32 v24, v32;
	vm0 =	vmand vm4, vm0;
	v29 =	vsub.f32 v29, v21  }
0x181: {  	vm0 =	vmand vm2, vm0;
	v27 =	vsub.f32 v21, v27;
	v28 =	vsub.f32 v22, v28  }
0x182: {  	v37 =	vld.idx.msk [tilespmem:v20+s7+$0x0], $0xffff;
	v58 =	vand.u32 $0x7FFFFFFF, v25;
	v25 =	vadd.s32 $0x3, v2;
	v59 =	vmin.f32 v29, v35  }
0x183: {  	v40 =	vmin.f32 v27, v28;
	v27 =	vmax.f32 v27, v28;
	v28 =	vmax.f32 v29, v35;
	v29 =	vld.idx.msk [tilespmem:v20+s6+$0x0], $0xffff  }
0x184: {  	v33 =	vand.u32 $0x7FFFFFFF, v57;
	vm0 =	vmand vm5, vm0;
	v27 =	vmax.f32 v27, v28;
	v28 =	vld.idx.msk [tilespmem:v20+s5+$0x0], $0xffff  }
0x185: {  	v30 =	vld.idx.msk [tilespmem:v19+s11+$0x0], $0xffff;
	v33 =	vmax.f32 v33, v58;
	v34 =	vsel vm0, v31, v56;
	v31 =	vsub.f32 v24, v36  }
0x186: {  	vm6 =	vlt.f32 v33, $4.800000000e+01;
	v61 =	vsel vm0, v2, v2;
	v60 =	vmin.f32 v40, v59  }
0x187: {  	v32 =	vld.idx.msk [tilespmem:v20+s11+$0x0], $0xffff;
	v31 =	vand.u32 $0x7FFFFFFF, v31;
	vm7 =	vgt.f32 v60, $0.0e+00;
	vm3 =	vle.f32 v27, $1.280000000e+02  }
0x188: {  	v43 =	vld.idx.msk [tilespmem:v25+s10+$0x0], $0xffff;
	vm5 =	vmand vm7, vm6;
	vm6 =	vge.f32 v27, $6.400000000e+01;
	v27 =	vsub.f32 v37, v21  }
0x189: {  	v38 =	vld.idx.msk [tilespmem:v25+s5+$0x0], $0xffff;
	vm0 =	vmand vm3, vm5;
	v29 =	vsub.f32 v22, v29;
	v28 =	vsub.f32 v21, v28  }
0x18a: {  	v36 =	vld.idx.msk [tilespmem:v25+s8+$0x0], $0xffff;
	vm7 =	vlt.f32 v30, v34;
	vm0 =	vmand vm6, vm0;
	v63 =	vmin.f32 v27, v62  }
0x18b: {  	v40 =	vld.idx.msk [tilespmem:v25+s7+$0x0], $0xffff;
	v27 =	vmax.f32 v27, v62;
	v41 =	vmin.f32 v28, v29;
	v28 =	vmax.f32 v28, v29  }
0x18c: {  	v31 =	vmax.f32 v39, v31;
	v39 =	vld.idx.msk [tilespmem:v25+s9+$0x0], $0xffff;
	vm12 =	vmand vm7, vm0  }
0x18d: {  	v37 =	vld.idx.msk [tilespmem:v25+s6+$0x0], $0xffff;
	v35 =	vsub.f32 v24, v43;
	v33 =	vsel vm12, v19, v61  }
0x18e: {  	s17 =	simm.s32 $0x9;
	v29 =	vld.idx.msk [tilespmem:v25+s11+$0x0], $0xffff;
	v42 =	vmin.f32 v41, v63;
	v41 =	vmax.f32 v28, v27;
	v27 =	vmovc v2;
	v28 =	vmov v20  }
.LBB3_9:
0x18f: {  	v43 =	vld.idx.msk [tilespmem:v26+s6+$0x0], $0xffff;
	p1 =	sne.s32 s17, $0x1;
	s17 =	sadd.s32 $0xFFFFFFFF, s17;
	vm0 =	vgt.f32 v42, $0.0e+00;
	vm1 =	vlt.f32 v31, $4.800000000e+01;
	v31 =	vadd.s32 $0x4, v27;
	v27 =	vmovc v26  }
0x190: {  	v38 =	vsub.f32 v21, v38;
	v42 =	vld.idx.msk [tilespmem:v26+s10+$0x0], $0xffff;
	vm0 =	vmand vm0, vm1;
	vm1 =	vle.f32 v41, $1.280000000e+02  }
0x191: {  	v30 =	vsel vm12, v30, v34;
	v44 =	vld.idx.msk [tilespmem:v26+s5+$0x0], $0xffff;
	vm0 =	vmand vm1, vm0;
	vm1 =	vge.f32 v41, $6.400000000e+01  }
0x192: {  	v36 =	vsub.f32 v36, v22;
	v40 =	vsub.f32 v40, v21;
	v34 =	vld.idx.msk [tilespmem:v26+s9+$0x0], $0xffff;
	vm0 =	vmand vm1, vm0  }
0x193: {  	v37 =	vsub.f32 v22, v37;
	vm1 =	vlt.f32 v32, v30;
	v39 =	vsub.f32 v23, v39;
	v41 =	vld.idx.msk [tilespmem:v26+s8+$0x0], $0xffff  }
0x194: {  	vm0 =	vmand vm1, vm0;
	v46 =	vmin.f32 v40, v36;
	v36 =	vmax.f32 v40, v36;
	v45 =	vld.idx.msk [tilespmem:v26+s7+$0x0], $0xffff  }
0x195: {  	v40 =	vsub.f32 v22, v43;
	v28 =	vsel vm0, v28, v33;
	v33 =	vmin.f32 v38, v37;
	v43 =	vld.idx.msk [tilespmem:v31+s6+$0x0], $0xffff  }
0x196: {  	v37 =	vmax.f32 v38, v37;
	v38 =	vand.u32 $0x7FFFFFFF, v39;
	v33 =	vmin.f32 v33, v46;
	v39 =	vld.idx.msk [tilespmem:v31+s10+$0x0], $0xffff  }
0x197: {  	v42 =	vsub.f32 v24, v42;
	v36 =	vmax.f32 v37, v36;
	v44 =	vsub.f32 v21, v44;
	v37 =	vld.idx.msk [tilespmem:v31+s9+$0x0], $0xffff  }
0x198: {  	v30 =	vsel vm0, v32, v30;
	v32 =	vand.u32 $0x7FFFFFFF, v35;
	v34 =	vsub.f32 v23, v34;
	v35 =	vld.idx.msk [tilespmem:v31+s8+$0x0], $0xffff  }
0x199: {  	v32 =	vmax.f32 v38, v32;
	v42 =	vand.u32 $0x7FFFFFFF, v42;
	v41 =	vsub.f32 v41, v22;
	v38 =	vld.idx.msk [tilespmem:v31+s7+$0x0], $0xffff  }
0x19a: {  	vm1 =	vge.f32 v36, $6.400000000e+01;
	v46 =	vmin.f32 v44, v40;
	v45 =	vsub.f32 v45, v21  }
0x19b: {  	vm2 =	vlt.f32 v29, v30;
	v40 =	vmax.f32 v44, v40;
	v34 =	vand.u32 $0x7FFFFFFF, v34  }
0x19c: {  	vm0 =	vgt.f32 v33, $0.0e+00;
	v34 =	vmax.f32 v34, v42;
	v44 =	vmin.f32 v45, v41  }
0x19d: {  	vm12 =	vlt.f32 v32, $4.800000000e+01;
	vm3 =	vlt.f32 v34, $4.800000000e+01;
	v32 =	vsub.f32 v24, v39  }
0x19e: {  	vm13 =	vle.f32 v36, $1.280000000e+02;
	v36 =	vsub.f32 v22, v43;
	v33 =	vmin.f32 v46, v44;
	v34 =	vld.idx.msk [tilespmem:v31+s5+$0x0], $0xffff  }
0x19f: {  	vm14 =	vgt.f32 v33, $0.0e+00;
	v33 =	vadd.s32 $0x1, v26;
	v38 =	vsub.f32 v38, v21;
	v39 =	vld.idx.msk [tilespmem:v26+s11+$0x0], $0xffff  }
0x1a0: {  	v41 =	vmax.f32 v45, v41;
	v37 =	vsub.f32 v23, v37;
	vm3 =	vmand vm14, vm3  }
0x1a1: {  	v40 =	vmax.f32 v40, v41;
	v35 =	vsub.f32 v35, v22;
	v32 =	vand.u32 $0x7FFFFFFF, v32;
	v41 =	vld.idx.msk [tilespmem:v31+s11+$0x0], $0xffff  }
0x1a2: {  	vm0 =	vmand vm0, vm12;
	vm15 =	vge.f32 v40, $6.400000000e+01;
	vm14 =	vle.f32 v40, $1.280000000e+02  }
0x1a3: {  	vm12 =	vmand vm13, vm0;
	v37 =	vand.u32 $0x7FFFFFFF, v37;
	vm3 =	vmand vm14, vm3  }
0x1a4: {  	vm1 =	vmand vm1, vm12;
	v32 =	vmax.f32 v37, v32;
	vm0 =	vmand vm15, vm3;
	v40 =	vld.idx.msk [tilespmem:v33+s10+$0x0], $0xffff  }
0x1a5: {  	vm1 =	vmand vm2, vm1;
	v42 =	vmin.f32 v38, v35;
	v34 =	vsub.f32 v21, v34;
	v37 =	vld.idx.msk [tilespmem:v33+s9+$0x0], $0xffff  }
0x1a6: {  	v29 =	vsel vm1, v29, v30;
	v44 =	vsel vm1, v25, v28;
	v25 =	vmax.f32 v38, v35;
	v43 =	vld.idx.msk [tilespmem:v33+s8+$0x0], $0xffff  }
0x1a7: {  	v28 =	vadd.s32 $0x2, v26;
	v30 =	vmin.f32 v34, v36;
	vm1 =	vlt.f32 v41, v29;
	v35 =	vld.idx.msk [tilespmem:v33+s7+$0x0], $0xffff  }
0x1a8: {  	vm2 =	vlt.f32 v32, $4.800000000e+01;
	v34 =	vmax.f32 v34, v36;
	v30 =	vmin.f32 v30, v42;
	v38 =	vld.idx.msk [tilespmem:v33+s5+$0x0], $0xffff  }
0x1a9: {  	v26 =	vadd.s32 $0x5, v26;
	v25 =	vmax.f32 v34, v25;
	vm3 =	vgt.f32 v30, $0.0e+00;
	v32 =	vld.idx.msk [tilespmem:v33+s6+$0x0], $0xffff  }
0x1aa: {  	vm2 =	vmand vm3, vm2;
	vm3 =	vle.f32 v25, $1.280000000e+02;
	v34 =	vsub.f32 v24, v40  }
0x1ab: {  	vm2 =	vmand vm3, vm2;
	vm3 =	vge.f32 v25, $6.400000000e+01;
	v36 =	vsub.f32 v23, v37;
	v30 =	vld.idx.msk [tilespmem:v33+s11+$0x0], $0xffff  }
0x1ac: {  	v25 =	vadd.s32 $0x3, v27;
	vm2 =	vmand vm3, vm2;
	v34 =	vand.u32 $0x7FFFFFFF, v34;
	v37 =	vld.idx.msk [tilespmem:v28+s10+$0x0], $0xffff  }
0x1ad: {  	v40 =	vsub.f32 v43, v22;
	vm1 =	vmand vm1, vm2;
	v35 =	vsub.f32 v35, v21;
	v42 =	vld.idx.msk [tilespmem:v28+s5+$0x0], $0xffff  }
0x1ae: {  	v36 =	vand.u32 $0x7FFFFFFF, v36;
	v29 =	vsel vm1, v41, v29;
	v38 =	vsub.f32 v21, v38;
	v43 =	vld.idx.msk [tilespmem:v28+s7+$0x0], $0xffff  }
0x1af: {  	vm2 =	vlt.f32 v39, v29;
	v34 =	vmax.f32 v36, v34;
	v32 =	vsub.f32 v22, v32;
	v36 =	vld.idx.msk [tilespmem:v28+s9+$0x0], $0xffff  }
0x1b0: {  	vm0 =	vmand vm2, vm0;
	v41 =	vmin.f32 v35, v40;
	vm2 =	vlt.f32 v34, $4.800000000e+01;
	v45 =	vld.idx.msk [tilespmem:v28+s8+$0x0], $0xffff  }
0x1b1: {  	v35 =	vmax.f32 v35, v40;
	v34 =	vmin.f32 v38, v32;
	v32 =	vmax.f32 v38, v32;
	v40 =	vld.idx.msk [tilespmem:v28+s6+$0x0], $0xffff  }
0x1b2: {  	v31 =	vsel vm1, v31, v44;
	v34 =	vmin.f32 v34, v41;
	v35 =	vmax.f32 v32, v35  }
0x1b3: {  	v31 =	vsel vm0, v27, v31;
	vm1 =	vgt.f32 v34, $0.0e+00;
	vm3 =	vle.f32 v35, $1.280000000e+02  }
0x1b4: {  	v34 =	vsel vm0, v39, v29;
	v29 =	vsub.f32 v24, v37;
	vm0 =	vmand vm1, vm2;
	v32 =	vld.idx.msk [tilespmem:v28+s11+$0x0], $0xffff  }
0x1b5: {  	vm1 =	vge.f32 v35, $6.400000000e+01;
	v35 =	vsub.f32 v43, v21;
	vm0 =	vmand vm3, vm0;
	v43 =	vld.idx.msk [tilespmem:v25+s10+$0x0], $0xffff  }
0x1b6: {  	vm0 =	vmand vm1, vm0;
	vm1 =	vlt.f32 v30, v34;
	v39 =	vsub.f32 v45, v22;
	v38 =	vld.idx.msk [tilespmem:v25+s5+$0x0], $0xffff  }
.Ltmp5:
0x1b7: {  	vm12 =	vmand vm1, vm0;
	v41 =	vsub.f32 v22, v40;
	v40 =	vsub.f32 v23, v36;
	v36 =	vld.idx.msk [tilespmem:v25+s8+$0x0], $0xffff;
	(pc) =	sbr.rel @p1 .LBB3_9-.Ltmp5, $4  }
0x1b8: {  	v29 =	vand.u32 $0x7FFFFFFF, v29;
	v33 =	vsel vm12, v33, v31;
	v31 =	vsub.f32 v21, v42;
	v37 =	vld.idx.msk [tilespmem:v25+s6+$0x0], $0xffff  }
0x1b9: {  	v42 =	vmin.f32 v35, v39;
	v35 =	vmax.f32 v35, v39;
	v39 =	vand.u32 $0x7FFFFFFF, v40;
	v40 =	vld.idx.msk [tilespmem:v25+s7+$0x0], $0xffff  }
0x1ba: {  	v44 =	vmin.f32 v31, v41;
	v41 =	vmax.f32 v31, v41;
	v31 =	vmax.f32 v39, v29;
	v39 =	vld.idx.msk [tilespmem:v25+s9+$0x0], $0xffff  }
0x1bb: {  	v42 =	vmin.f32 v44, v42;
	v41 =	vmax.f32 v41, v35;
	v35 =	vsub.f32 v24, v43;
	v29 =	vld.idx.msk [tilespmem:v25+s11+$0x0], $0xffff  }
0x1bc: {  	v26 =	vadd.s32 $0x4, v27;
	_ =	sdelay $0x2  }
0x1bd: {  	vm0 =	vgt.f32 v42, $0.0e+00;
	vm1 =	vlt.f32 v31, $4.800000000e+01  }
0x1be: {  	vm4 =	vle.f32 v41, $1.280000000e+02;
	v56 =	vsub.f32 v21, v38;
	v30 =	vsel vm12, v30, v34  }
0x1bf: {  	vm5 =	vge.f32 v41, $6.400000000e+01;
	v36 =	vsub.f32 v36, v22;
	vm0 =	vmand vm0, vm1;
	v58 =	vld.idx.msk [tilespmem:v26+s6+$0x0], $0xffff  }
0x1c0: {  	v37 =	vsub.f32 v22, v37;
	vm6 =	vlt.f32 v32, v30;
	vm0 =	vmand vm4, vm0;
	v59 =	vld.idx.msk [tilespmem:v26+s10+$0x0], $0xffff  }
0x1c1: {  	v44 =	vand.u32 $0x7FFFFFFF, v35;
	v57 =	vsub.f32 v40, v21;
	vm0 =	vmand vm5, vm0;
	v60 =	vld.idx.msk [tilespmem:v26+s9+$0x0], $0xffff  }
0x1c2: {  	v39 =	vsub.f32 v23, v39;
	v62 =	vmin.f32 v56, v37;
	v27 =	vmax.f32 v56, v37;
	v63 =	vld.idx.msk [tilespmem:v26+s8+$0x0], $0xffff  }
0x1c3: {  	v61 =	vmin.f32 v57, v36;
	v31 =	vmax.f32 v57, v36;
	vm0 =	vmand vm6, vm0;
	v43 =	vld.idx.msk [tilespmem:v26+s7+$0x0], $0xffff  }
0x1c4: {  	v36 =	vmin.f32 v62, v61;
	v39 =	vand.u32 $0x7FFFFFFF, v39;
	v27 =	vmax.f32 v27, v31;
	v45 =	vld.idx.msk [tilespmem:v26+s5+$0x0], $0xffff  }
0x1c5: {  	v30 =	vsel vm0, v32, v30;
	v31 =	vmax.f32 v39, v44;
	vm7 =	vge.f32 v27, $6.400000000e+01  }
0x1c6: {  	vm2 =	vlt.f32 v29, v30;
	vm3 =	vgt.f32 v36, $0.0e+00;
	vm5 =	vle.f32 v27, $1.280000000e+02  }
0x1c7: {  	vm4 =	vlt.f32 v31, $4.800000000e+01;
	v24 =	vsub.f32 v24, v59;
	v46 =	vsub.f32 v22, v58  }
0x1c8: {  	vm3 =	vmand vm3, vm4;
	v47 =	vsub.f32 v43, v21;
	v23 =	vsub.f32 v23, v60  }
0x1c9: {  	vm3 =	vmand vm5, vm3;
	v48 =	vsub.f32 v63, v22;
	v49 =	vsub.f32 v21, v45  }
0x1ca: {  	vm1 =	vmand vm7, vm3;
	v24 =	vand.u32 $0x7FFFFFFF, v24;
	v23 =	vand.u32 $0x7FFFFFFF, v23  }
0x1cb: {  	v50 =	vld.idx.msk [tilespmem:v26+s11+$0x0], $0xffff;
	v51 =	vmin.f32 v47, v48;
	v52 =	vmin.f32 v49, v46;
	v27 =	vmax.f32 v47, v48  }
0x1cc: {  	v31 =	vmax.f32 v49, v46;
	v23 =	vmax.f32 v23, v24;
	v24 =	vmin.f32 v52, v51  }
0x1cd: {  	vm6 =	vlt.f32 v23, $4.800000000e+01;
	v23 =	vmax.f32 v31, v27;
	vm7 =	vgt.f32 v24, $0.0e+00  }
0x1ce: {  	vm1 =	vmand vm2, vm1;
	vm12 =	vmand vm7, vm6;
	vm13 =	vle.f32 v23, $1.280000000e+02  }
0x1cf: {  	v53 =	vsel vm1, v29, v30;
	vm14 =	vge.f32 v23, $6.400000000e+01;
	vm2 =	vmand vm13, vm12  }
0x1d0: {  	vm15 =	vlt.f32 v50, v53;
	v23 =	vsel vm0, v28, v33;
	vm2 =	vmand vm14, vm2  }
0x1d1: {  	v23 =	vsel vm1, v25, v23;
	vm0 =	vmand vm15, vm2  }
0x1d2: {  	v23 =	vsel vm0, v26, v23;
	_ =	sdelay $0x4  }
0x1d3: {  	v54 =	vld.idx.msk [tilespmem:v23+s5+$0x0], $0xffff  }
0x1d4: {  	v26 =	vld.idx.msk [tilespmem:v23+s6+$0x0], $0xffff  }
0x1d5: {  	v55 =	vld.idx.msk [tilespmem:v23+s7+$0x0], $0xffff  }
0x1d6: {  	v56 =	vld.idx.msk [tilespmem:v23+s8+$0x0], $0xffff;
	_ =	sdelay $0x3  }
0x1d7: {  	v25 =	vsub.f32 v21, v54;
	v26 =	vsub.f32 v22, v26  }
0x1d8: {  	v21 =	vsub.f32 v55, v21;
	v22 =	vsub.f32 v56, v22;
	_ =	sdelay $0x1  }
0x1d9: {  	v27 =	vmax.f32 v25, v21;
	v28 =	vmax.f32 v26, v22  }
0x1da: {  	v27 =	vmul.f32 v28, v27;
	_ =	sdelay $0x1  }
0x1db: {  	v27 =	vadd.f32 $1.000000010e-10, v27;
	_ =	sdelay $0x1  }
0x1dc: {  	(erf) = vrcp.f32 v27;
	_ =	sdelay $0x6  }
0x1dd: {  	v57 =	vmin.f32 v25, v21;
	v58 =	vmin.f32 v26, v22  }
0x1de: {  	v27 =	vmul.f32 v58, v57  }
0x1df: {  	v59 =	vpop (erf)  }
0x1e0: {  	v27 =	vmul.f32 v59, v27;
	_ =	sdelay $0x1  }
0x1e1: {  	v27 =	vmax.f32 v27, $0.0e+00  }
0x1e2: {  	v27 =	vadd.f32 $9.999999960e-13, v27;
	_ =	sdelay $0x1  }
0x1e3: {  	v60 =	vshra.s32 v27, $0x1;
	v61 =	vmul.f32 $5.000000000e-01, v27  }
0x1e4: {  	v28 =	vsub.s32 $0x5F3759DF, v60  }
0x1e5: {  	v62 =	vmul.f32 v28, v61;
	_ =	sdelay $0x1  }
0x1e6: {  	v30 =	vmul.f32 v28, v62;
	_ =	sdelay $0x1  }
0x1e7: {  	v30 =	vsub.f32 $1.500000000e+00, v30;
	_ =	sdelay $0x1  }
0x1e8: {  	v28 =	vmul.f32 v28, v30;
	_ =	sdelay $0x1  }
0x1e9: {  	v30 =	vmul.f32 v28, v61;
	_ =	sdelay $0x1  }
0x1ea: {  	v30 =	vmul.f32 v30, v28;
	_ =	sdelay $0x1  }
0x1eb: {  	v30 =	vsub.f32 $1.500000000e+00, v30;
	_ =	sdelay $0x1  }
0x1ec: {  	v28 =	vmul.f32 v30, v28;
	_ =	sdelay $0x1  }
0x1ed: {  	v30 =	vmul.f32 v28, v61;
	_ =	sdelay $0x1  }
0x1ee: {  	v30 =	vmul.f32 v30, v28;
	_ =	sdelay $0x1  }
0x1ef: {  	v30 =	vsub.f32 $1.500000000e+00, v30;
	_ =	sdelay $0x1  }
0x1f0: {  	v28 =	vmul.f32 v30, v28;
	_ =	sdelay $0x1  }
0x1f1: {  	v29 =	vmul.f32 v28, v61;
	_ =	sdelay $0x1  }
0x1f2: {  	v29 =	vmul.f32 v29, v28;
	_ =	sdelay $0x1  }
0x1f3: {  	s17 =	sshll.u32 s16, $0x4;
	s19 =	sshll.u32 s16, $0x6;
	v24 =	vsel vm0, v50, v53;
	v29 =	vsub.f32 $1.500000000e+00, v29  }
0x1f4: {  	s19 =	sand.u32 $0x200, s19;
	s20 =	sand.u32 $0x70, s17;
	vm0 =	vlt.f32 v24, $1.000000000e+08  }
0x1f5: {  	s16 =	sadd.s32 $0x1, s16;
	s19 =	sor.u32 s20, s19;
	v23 =	vld.idx.msk [tilespmem:v23+s4+$0x0], $0xffff;
	v25 =	vnsel vm0, $0xBF800000, v25;
	v63 =	vmul.f32 v29, v28  }
0x1f6: {  	p1 =	sne.s32 s16, $0x10;
	v26 =	vnsel vm0, $0xBF800000, v26;
	[tilespmem:s19+$0x3180] =	vst v25  }
.Ltmp6:
0x1f7: {  	v21 =	vnsel vm0, $0xBF800000, v21;
	[tilespmem:s19+$0x3200] =	vst v26;
	v24 =	vmul.f32 v63, v27;
	(pc) =	sbr.rel @p1 .LBB3_8-.Ltmp6, $4  }
0x1f8: {  	v22 =	vnsel vm0, $0xBF800000, v22;
	[tilespmem:s19+$0x3280] =	vst v21  }
0x1f9: {  	[tilespmem:s19+$0x3300] =	vst v22;
	v21 =	vnsel vm0, $0xBF800000, v24  }
0x1fa: {  	[tilespmem:s17+$0x2000] =	vst v21;
	v21 =	vnsel vm0, $0x0, v23  }
0x1fb: {  	[tilespmem:s17+$0x1A80] =	vst v21  }
0x1fc: {  	s16 =	simm.s32 $0x0  }
.LBB3_12:
0x1fd: {  	_ =	sdelay $0x3  }
0x1fe: {  	s17 =	sshll.u32 s16, $0x5;
	v22 =	vld.idx.msk [tilespmem:v2+s6+$0x0], $0xffff  }
0x1ff: {  	v23 =	vld.idx.msk [tilespmem:v2+s10+$0x0], $0xffff;
	s17 =	sadd.s32 s15, s17  }
0x200: {  	v24 =	vld.idx.msk [tilespmem:v2+s5+$0x0], $0xffff;
	v20 =	vmov s17  }
0x201: {  	v25 =	vld.idx.msk [tilespmem:v2+s9+$0x0], $0xffff;
	v20 =	vcvt.s32.f32 v20  }
0x202: {  	v26 =	vld.idx.msk [tilespmem:v2+s8+$0x0], $0xffff  }
0x203: {  	v27 =	vld.idx.msk [tilespmem:v2+s7+$0x0], $0xffff;
	v21 =	vadd.f32 v20, v20;
	_ =	sdelay $0x1  }
0x204: {  	v20 =	vbroadcast v20, $0x0;
	v21 =	vbroadcast v21, $0x0  }
0x205: {  	v24 =	vsub.f32 v10, v24;
	v25 =	vsub.f32 v12, v25  }
0x206: {  	v31 =	vld.idx.msk [tilespmem:v19+s9+$0x0], $0xffff;
	v22 =	vsub.f32 v20, v22;
	v23 =	vsub.f32 v21, v23  }
0x207: {  	v27 =	vadd.f32 v11, v27;
	v26 =	vsub.f32 v26, v20  }
0x208: {  	v32 =	vld.idx.msk [tilespmem:v19+s6+$0x0], $0xffff;
	v25 =	vand.u32 $0x7FFFFFFF, v25;
	v30 =	vmin.f32 v24, v22;
	v23 =	vand.u32 $0x7FFFFFFF, v23  }
0x209: {  	v28 =	vld.idx.msk [tilespmem:v2+s11+$0x0], $0xffff;
	v22 =	vmax.f32 v24, v22;
	v24 =	vmin.f32 v27, v26;
	v23 =	vmax.f32 v25, v23  }
0x20a: {  	v29 =	vld.idx.msk [tilespmem:v19+s10+$0x0], $0xffff;
	vm0 =	vlt.f32 v23, $9.600000000e+01;
	v23 =	vmin.f32 v30, v24;
	v24 =	vmax.f32 v27, v26  }
0x20b: {  	v31 =	vsub.f32 v12, v31;
	v25 =	vld.idx.msk [tilespmem:v19+s8+$0x0], $0xffff;
	v22 =	vmax.f32 v22, v24;
	v24 =	vadd.s32 $0x2, v2  }
0x20c: {  	v26 =	vld.idx.msk [tilespmem:v19+s7+$0x0], $0xffff  }
0x20d: {  	v31 =	vand.u32 $0x7FFFFFFF, v31;
	v32 =	vsub.f32 v20, v32;
	v30 =	vld.idx.msk [tilespmem:v19+s5+$0x0], $0xffff;
	vm1 =	vgt.f32 v23, $0.0e+00  }
0x20e: {  	vm0 =	vmand vm1, vm0;
	vm4 =	vle.f32 v22, $2.560000000e+02;
	vm2 =	vge.f32 v22, $1.280000000e+02  }
0x20f: {  	v27 =	vld.idx.msk [tilespmem:v19+s11+$0x0], $0xffff;
	v22 =	vsub.f32 v21, v29;
	v29 =	vimm.f32 $1.000000000e+08;
	vm0 =	vmand vm4, vm0  }
0x210: {  	v23 =	vadd.s32 $0x5, v2;
	vm5 =	vlt.f32 v28, v29;
	vm0 =	vmand vm2, vm0;
	v34 =	vld.idx.msk [tilespmem:v24+s10+$0x0], $0xffff  }
0x211: {  	v33 =	vand.u32 $0x7FFFFFFF, v22;
	v25 =	vsub.f32 v25, v20;
	v26 =	vadd.f32 v11, v26;
	v35 =	vld.idx.msk [tilespmem:v24+s7+$0x0], $0xffff  }
0x212: {  	v22 =	vadd.s32 $0x3, v2;
	v30 =	vsub.f32 v10, v30;
	v31 =	vmax.f32 v31, v33;
	v58 =	vld.idx.msk [tilespmem:v24+s9+$0x0], $0xffff  }
0x213: {  	vm0 =	vmand vm5, vm0;
	v37 =	vld.idx.msk [tilespmem:v24+s8+$0x0], $0xffff;
	vm6 =	vlt.f32 v31, $9.600000000e+01;
	v36 =	vmin.f32 v26, v25  }
0x214: {  	v59 =	vld.idx.msk [tilespmem:v24+s5+$0x0], $0xffff;
	v38 =	vmin.f32 v30, v32;
	v30 =	vmax.f32 v30, v32;
	v25 =	vmax.f32 v26, v25  }
0x215: {  	v26 =	vld.idx.msk [tilespmem:v24+s6+$0x0], $0xffff;
	v31 =	vmin.f32 v38, v36;
	v25 =	vmax.f32 v30, v25;
	v30 =	vsel vm0, v2, v2  }
0x216: {  	vm7 =	vgt.f32 v31, $0.0e+00;
	vm3 =	vle.f32 v25, $2.560000000e+02;
	v31 =	vsel vm0, v28, v29  }
0x217: {  	v29 =	vld.idx.msk [tilespmem:v24+s11+$0x0], $0xffff;
	vm5 =	vmand vm7, vm6;
	vm6 =	vge.f32 v25, $1.280000000e+02;
	vm7 =	vlt.f32 v27, v31  }
0x218: {  	v40 =	vld.idx.msk [tilespmem:v22+s10+$0x0], $0xffff;
	v28 =	vsub.f32 v21, v34;
	vm0 =	vmand vm3, vm5;
	v25 =	vadd.f32 v11, v35  }
0x219: {  	v33 =	vld.idx.msk [tilespmem:v22+s8+$0x0], $0xffff;
	v60 =	vsub.f32 v37, v20;
	v61 =	vsub.f32 v12, v58;
	vm0 =	vmand vm6, vm0  }
0x21a: {  	v36 =	vld.idx.msk [tilespmem:v22+s9+$0x0], $0xffff;
	v32 =	vsub.f32 v10, v59;
	v26 =	vsub.f32 v20, v26;
	vm12 =	vmand vm7, vm0  }
0x21b: {  	v35 =	vld.idx.msk [tilespmem:v22+s5+$0x0], $0xffff;
	v28 =	vand.u32 $0x7FFFFFFF, v28;
	v62 =	vmin.f32 v25, v60;
	v25 =	vmax.f32 v25, v60  }
0x21c: {  	v34 =	vld.idx.msk [tilespmem:v22+s6+$0x0], $0xffff;
	v63 =	vand.u32 $0x7FFFFFFF, v61;
	v30 =	vsel vm12, v19, v30;
	v39 =	vmin.f32 v32, v26  }
0x21d: {  	v37 =	vld.idx.msk [tilespmem:v22+s7+$0x0], $0xffff;
	v26 =	vmax.f32 v32, v26;
	v28 =	vmax.f32 v63, v28;
	v32 =	vsub.f32 v21, v40  }
0x21e: {  	s17 =	simm.s32 $0x9;
	v39 =	vmin.f32 v39, v62;
	v38 =	vmax.f32 v26, v25;
	v26 =	vld.idx.msk [tilespmem:v22+s11+$0x0], $0xffff;
	v25 =	vmov v2  }
.LBB3_13:
0x21f: {  	v40 =	vld.idx.msk [tilespmem:v23+s6+$0x0], $0xffff;
	p1 =	sne.s32 s17, $0x1;
	s17 =	sadd.s32 $0xFFFFFFFF, s17;
	vm0 =	vgt.f32 v39, $0.0e+00;
	vm1 =	vlt.f32 v28, $9.600000000e+01;
	v28 =	vadd.s32 $0x4, v25;
	v25 =	vmovc v23  }
0x220: {  	v35 =	vsub.f32 v10, v35;
	v39 =	vld.idx.msk [tilespmem:v23+s10+$0x0], $0xffff;
	vm0 =	vmand vm0, vm1;
	vm1 =	vle.f32 v38, $2.560000000e+02  }
0x221: {  	v27 =	vsel vm12, v27, v31;
	v41 =	vld.idx.msk [tilespmem:v23+s5+$0x0], $0xffff;
	vm0 =	vmand vm1, vm0;
	vm1 =	vge.f32 v38, $1.280000000e+02  }
0x222: {  	v33 =	vsub.f32 v33, v20;
	v37 =	vadd.f32 v11, v37;
	v31 =	vld.idx.msk [tilespmem:v23+s9+$0x0], $0xffff;
	vm0 =	vmand vm1, vm0  }
0x223: {  	v34 =	vsub.f32 v20, v34;
	vm1 =	vlt.f32 v29, v27;
	v36 =	vsub.f32 v12, v36;
	v38 =	vld.idx.msk [tilespmem:v23+s8+$0x0], $0xffff  }
0x224: {  	vm0 =	vmand vm1, vm0;
	v43 =	vmin.f32 v37, v33;
	v33 =	vmax.f32 v37, v33;
	v42 =	vld.idx.msk [tilespmem:v23+s7+$0x0], $0xffff  }
0x225: {  	v37 =	vsub.f32 v20, v40;
	v24 =	vsel vm0, v24, v30;
	v30 =	vmin.f32 v35, v34;
	v40 =	vld.idx.msk [tilespmem:v28+s6+$0x0], $0xffff  }
0x226: {  	v34 =	vmax.f32 v35, v34;
	v35 =	vand.u32 $0x7FFFFFFF, v36;
	v30 =	vmin.f32 v30, v43;
	v36 =	vld.idx.msk [tilespmem:v28+s10+$0x0], $0xffff  }
0x227: {  	v39 =	vsub.f32 v21, v39;
	v33 =	vmax.f32 v34, v33;
	v41 =	vsub.f32 v10, v41;
	v34 =	vld.idx.msk [tilespmem:v28+s9+$0x0], $0xffff  }
0x228: {  	v27 =	vsel vm0, v29, v27;
	v29 =	vand.u32 $0x7FFFFFFF, v32;
	v31 =	vsub.f32 v12, v31;
	v32 =	vld.idx.msk [tilespmem:v28+s8+$0x0], $0xffff  }
0x229: {  	v29 =	vmax.f32 v35, v29;
	v39 =	vand.u32 $0x7FFFFFFF, v39;
	v38 =	vsub.f32 v38, v20;
	v35 =	vld.idx.msk [tilespmem:v28+s7+$0x0], $0xffff  }
0x22a: {  	vm1 =	vge.f32 v33, $1.280000000e+02;
	v43 =	vmin.f32 v41, v37;
	v42 =	vadd.f32 v11, v42  }
0x22b: {  	vm2 =	vlt.f32 v26, v27;
	v37 =	vmax.f32 v41, v37;
	v31 =	vand.u32 $0x7FFFFFFF, v31  }
0x22c: {  	vm0 =	vgt.f32 v30, $0.0e+00;
	v31 =	vmax.f32 v31, v39;
	v41 =	vmin.f32 v42, v38  }
0x22d: {  	vm12 =	vlt.f32 v29, $9.600000000e+01;
	vm3 =	vlt.f32 v31, $9.600000000e+01;
	v29 =	vsub.f32 v21, v36  }
0x22e: {  	vm13 =	vle.f32 v33, $2.560000000e+02;
	v33 =	vsub.f32 v20, v40;
	v30 =	vmin.f32 v43, v41;
	v31 =	vld.idx.msk [tilespmem:v28+s5+$0x0], $0xffff  }
0x22f: {  	vm14 =	vgt.f32 v30, $0.0e+00;
	v30 =	vadd.s32 $0x1, v23;
	v35 =	vadd.f32 v11, v35;
	v36 =	vld.idx.msk [tilespmem:v23+s11+$0x0], $0xffff  }
0x230: {  	v38 =	vmax.f32 v42, v38;
	v34 =	vsub.f32 v12, v34;
	vm3 =	vmand vm14, vm3  }
0x231: {  	v37 =	vmax.f32 v37, v38;
	v32 =	vsub.f32 v32, v20;
	v29 =	vand.u32 $0x7FFFFFFF, v29;
	v38 =	vld.idx.msk [tilespmem:v28+s11+$0x0], $0xffff  }
0x232: {  	vm0 =	vmand vm0, vm12;
	vm15 =	vge.f32 v37, $1.280000000e+02;
	vm14 =	vle.f32 v37, $2.560000000e+02  }
0x233: {  	vm12 =	vmand vm13, vm0;
	v34 =	vand.u32 $0x7FFFFFFF, v34;
	vm3 =	vmand vm14, vm3  }
0x234: {  	vm1 =	vmand vm1, vm12;
	v29 =	vmax.f32 v34, v29;
	vm0 =	vmand vm15, vm3;
	v37 =	vld.idx.msk [tilespmem:v30+s10+$0x0], $0xffff  }
0x235: {  	vm1 =	vmand vm2, vm1;
	v39 =	vmin.f32 v35, v32;
	v31 =	vsub.f32 v10, v31;
	v34 =	vld.idx.msk [tilespmem:v30+s9+$0x0], $0xffff  }
0x236: {  	v26 =	vsel vm1, v26, v27;
	v41 =	vsel vm1, v22, v24;
	v22 =	vmax.f32 v35, v32;
	v40 =	vld.idx.msk [tilespmem:v30+s8+$0x0], $0xffff  }
0x237: {  	v24 =	vadd.s32 $0x2, v23;
	v27 =	vmin.f32 v31, v33;
	vm1 =	vlt.f32 v38, v26;
	v32 =	vld.idx.msk [tilespmem:v30+s7+$0x0], $0xffff  }
0x238: {  	vm2 =	vlt.f32 v29, $9.600000000e+01;
	v31 =	vmax.f32 v31, v33;
	v27 =	vmin.f32 v27, v39;
	v35 =	vld.idx.msk [tilespmem:v30+s5+$0x0], $0xffff  }
0x239: {  	v23 =	vadd.s32 $0x5, v23;
	v22 =	vmax.f32 v31, v22;
	vm3 =	vgt.f32 v27, $0.0e+00;
	v29 =	vld.idx.msk [tilespmem:v30+s6+$0x0], $0xffff  }
0x23a: {  	vm2 =	vmand vm3, vm2;
	vm3 =	vle.f32 v22, $2.560000000e+02;
	v31 =	vsub.f32 v21, v37  }
0x23b: {  	vm2 =	vmand vm3, vm2;
	vm3 =	vge.f32 v22, $1.280000000e+02;
	v33 =	vsub.f32 v12, v34;
	v27 =	vld.idx.msk [tilespmem:v30+s11+$0x0], $0xffff  }
0x23c: {  	v22 =	vadd.s32 $0x3, v25;
	vm2 =	vmand vm3, vm2;
	v31 =	vand.u32 $0x7FFFFFFF, v31;
	v34 =	vld.idx.msk [tilespmem:v24+s10+$0x0], $0xffff  }
0x23d: {  	v37 =	vsub.f32 v40, v20;
	vm1 =	vmand vm1, vm2;
	v32 =	vadd.f32 v11, v32;
	v39 =	vld.idx.msk [tilespmem:v24+s5+$0x0], $0xffff  }
0x23e: {  	v33 =	vand.u32 $0x7FFFFFFF, v33;
	v26 =	vsel vm1, v38, v26;
	v35 =	vsub.f32 v10, v35;
	v40 =	vld.idx.msk [tilespmem:v24+s7+$0x0], $0xffff  }
0x23f: {  	vm2 =	vlt.f32 v36, v26;
	v31 =	vmax.f32 v33, v31;
	v29 =	vsub.f32 v20, v29;
	v33 =	vld.idx.msk [tilespmem:v24+s9+$0x0], $0xffff  }
0x240: {  	vm0 =	vmand vm2, vm0;
	v38 =	vmin.f32 v32, v37;
	vm2 =	vlt.f32 v31, $9.600000000e+01;
	v42 =	vld.idx.msk [tilespmem:v24+s8+$0x0], $0xffff  }
0x241: {  	v32 =	vmax.f32 v32, v37;
	v31 =	vmin.f32 v35, v29;
	v29 =	vmax.f32 v35, v29;
	v37 =	vld.idx.msk [tilespmem:v24+s6+$0x0], $0xffff  }
0x242: {  	v28 =	vsel vm1, v28, v41;
	v31 =	vmin.f32 v31, v38;
	v32 =	vmax.f32 v29, v32  }
0x243: {  	v28 =	vsel vm0, v25, v28;
	vm1 =	vgt.f32 v31, $0.0e+00;
	vm3 =	vle.f32 v32, $2.560000000e+02  }
0x244: {  	v31 =	vsel vm0, v36, v26;
	v26 =	vsub.f32 v21, v34;
	vm0 =	vmand vm1, vm2;
	v29 =	vld.idx.msk [tilespmem:v24+s11+$0x0], $0xffff  }
0x245: {  	vm1 =	vge.f32 v32, $1.280000000e+02;
	v32 =	vadd.f32 v11, v40;
	vm0 =	vmand vm3, vm0;
	v40 =	vld.idx.msk [tilespmem:v22+s10+$0x0], $0xffff  }
0x246: {  	vm0 =	vmand vm1, vm0;
	vm1 =	vlt.f32 v27, v31;
	v36 =	vsub.f32 v42, v20;
	v35 =	vld.idx.msk [tilespmem:v22+s5+$0x0], $0xffff  }
.Ltmp7:
0x247: {  	vm12 =	vmand vm1, vm0;
	v38 =	vsub.f32 v20, v37;
	v37 =	vsub.f32 v12, v33;
	v33 =	vld.idx.msk [tilespmem:v22+s8+$0x0], $0xffff;
	(pc) =	sbr.rel @p1 .LBB3_13-.Ltmp7, $4  }
0x248: {  	v26 =	vand.u32 $0x7FFFFFFF, v26;
	v30 =	vsel vm12, v30, v28;
	v28 =	vsub.f32 v10, v39;
	v34 =	vld.idx.msk [tilespmem:v22+s6+$0x0], $0xffff  }
0x249: {  	v39 =	vmin.f32 v32, v36;
	v32 =	vmax.f32 v32, v36;
	v36 =	vand.u32 $0x7FFFFFFF, v37;
	v37 =	vld.idx.msk [tilespmem:v22+s7+$0x0], $0xffff  }
0x24a: {  	v41 =	vmin.f32 v28, v38;
	v38 =	vmax.f32 v28, v38;
	v28 =	vmax.f32 v36, v26;
	v36 =	vld.idx.msk [tilespmem:v22+s9+$0x0], $0xffff  }
0x24b: {  	v39 =	vmin.f32 v41, v39;
	v38 =	vmax.f32 v38, v32;
	v32 =	vsub.f32 v21, v40;
	v26 =	vld.idx.msk [tilespmem:v22+s11+$0x0], $0xffff  }
0x24c: {  	v23 =	vadd.s32 $0x4, v25;
	_ =	sdelay $0x2  }
0x24d: {  	vm0 =	vgt.f32 v39, $0.0e+00;
	vm1 =	vlt.f32 v28, $9.600000000e+01  }
0x24e: {  	vm4 =	vle.f32 v38, $2.560000000e+02;
	v55 =	vsub.f32 v10, v35;
	v27 =	vsel vm12, v27, v31  }
0x24f: {  	vm5 =	vge.f32 v38, $1.280000000e+02;
	v33 =	vsub.f32 v33, v20;
	vm0 =	vmand vm0, vm1;
	v57 =	vld.idx.msk [tilespmem:v23+s6+$0x0], $0xffff  }
0x250: {  	v34 =	vsub.f32 v20, v34;
	vm6 =	vlt.f32 v29, v27;
	vm0 =	vmand vm4, vm0;
	v58 =	vld.idx.msk [tilespmem:v23+s10+$0x0], $0xffff  }
0x251: {  	v38 =	vand.u32 $0x7FFFFFFF, v32;
	v56 =	vadd.f32 v11, v37;
	vm0 =	vmand vm5, vm0;
	v59 =	vld.idx.msk [tilespmem:v23+s9+$0x0], $0xffff  }
0x252: {  	v36 =	vsub.f32 v12, v36;
	v61 =	vmin.f32 v55, v34;
	v25 =	vmax.f32 v55, v34;
	v62 =	vld.idx.msk [tilespmem:v23+s8+$0x0], $0xffff  }
0x253: {  	v60 =	vmin.f32 v56, v33;
	v28 =	vmax.f32 v56, v33;
	vm0 =	vmand vm6, vm0;
	v63 =	vld.idx.msk [tilespmem:v23+s7+$0x0], $0xffff  }
0x254: {  	v33 =	vmin.f32 v61, v60;
	v36 =	vand.u32 $0x7FFFFFFF, v36;
	v25 =	vmax.f32 v25, v28;
	v40 =	vld.idx.msk [tilespmem:v23+s5+$0x0], $0xffff  }
0x255: {  	v27 =	vsel vm0, v29, v27;
	v28 =	vmax.f32 v36, v38;
	vm7 =	vge.f32 v25, $1.280000000e+02  }
0x256: {  	vm2 =	vlt.f32 v26, v27;
	vm3 =	vgt.f32 v33, $0.0e+00;
	vm5 =	vle.f32 v25, $2.560000000e+02  }
0x257: {  	vm4 =	vlt.f32 v28, $9.600000000e+01;
	v21 =	vsub.f32 v21, v58;
	v41 =	vsub.f32 v20, v57  }
0x258: {  	vm3 =	vmand vm3, vm4;
	v42 =	vadd.f32 v11, v63;
	v43 =	vsub.f32 v12, v59  }
0x259: {  	vm3 =	vmand vm5, vm3;
	v44 =	vsub.f32 v62, v20;
	v32 =	vsub.f32 v10, v40  }
0x25a: {  	vm1 =	vmand vm7, vm3;
	v21 =	vand.u32 $0x7FFFFFFF, v21;
	v29 =	vand.u32 $0x7FFFFFFF, v43  }
0x25b: {  	v45 =	vld.idx.msk [tilespmem:v23+s11+$0x0], $0xffff;
	v46 =	vmin.f32 v42, v44;
	v47 =	vmin.f32 v32, v41;
	v25 =	vmax.f32 v42, v44  }
0x25c: {  	v28 =	vmax.f32 v32, v41;
	v21 =	vmax.f32 v29, v21;
	v29 =	vmin.f32 v47, v46  }
0x25d: {  	v48 =	vmax.f32 v28, v25;
	vm6 =	vlt.f32 v21, $9.600000000e+01;
	vm7 =	vgt.f32 v29, $0.0e+00  }
0x25e: {  	vm1 =	vmand vm2, vm1;
	vm13 =	vle.f32 v48, $2.560000000e+02;
	vm12 =	vmand vm7, vm6  }
0x25f: {  	v49 =	vsel vm1, v26, v27;
	vm14 =	vge.f32 v48, $1.280000000e+02;
	vm2 =	vmand vm13, vm12  }
0x260: {  	v50 =	vsel vm0, v24, v30;
	vm15 =	vlt.f32 v45, v49;
	vm2 =	vmand vm14, vm2  }
0x261: {  	v21 =	vsel vm1, v22, v50;
	vm0 =	vmand vm15, vm2  }
0x262: {  	v21 =	vsel vm0, v23, v21;
	_ =	sdelay $0x4  }
0x263: {  	v51 =	vld.idx.msk [tilespmem:v21+s5+$0x0], $0xffff  }
0x264: {  	v23 =	vld.idx.msk [tilespmem:v21+s6+$0x0], $0xffff  }
0x265: {  	v52 =	vld.idx.msk [tilespmem:v21+s7+$0x0], $0xffff  }
0x266: {  	v53 =	vld.idx.msk [tilespmem:v21+s8+$0x0], $0xffff;
	_ =	sdelay $0x3  }
0x267: {  	v22 =	vsub.f32 v10, v51;
	v23 =	vsub.f32 v20, v23  }
0x268: {  	v24 =	vadd.f32 v11, v52;
	v20 =	vsub.f32 v53, v20;
	_ =	sdelay $0x1  }
0x269: {  	v54 =	vmax.f32 v22, v24;
	v55 =	vmax.f32 v23, v20  }
0x26a: {  	v26 =	vmul.f32 v55, v54;
	_ =	sdelay $0x1  }
0x26b: {  	v26 =	vadd.f32 $1.000000010e-10, v26;
	_ =	sdelay $0x1  }
0x26c: {  	(erf) = vrcp.f32 v26;
	_ =	sdelay $0x6  }
0x26d: {  	v56 =	vmin.f32 v22, v24;
	v57 =	vmin.f32 v23, v20  }
0x26e: {  	v26 =	vmul.f32 v57, v56  }
0x26f: {  	v58 =	vpop (erf)  }
0x270: {  	v26 =	vmul.f32 v58, v26;
	_ =	sdelay $0x1  }
0x271: {  	v26 =	vmax.f32 v26, $0.0e+00  }
0x272: {  	v26 =	vadd.f32 $9.999999960e-13, v26;
	_ =	sdelay $0x1  }
0x273: {  	v59 =	vshra.s32 v26, $0x1;
	v60 =	vmul.f32 $5.000000000e-01, v26  }
0x274: {  	v27 =	vsub.s32 $0x5F3759DF, v59  }
0x275: {  	v61 =	vmul.f32 v27, v60;
	_ =	sdelay $0x1  }
0x276: {  	v29 =	vmul.f32 v27, v61;
	_ =	sdelay $0x1  }
0x277: {  	v29 =	vsub.f32 $1.500000000e+00, v29;
	_ =	sdelay $0x1  }
0x278: {  	v27 =	vmul.f32 v27, v29;
	_ =	sdelay $0x1  }
0x279: {  	v29 =	vmul.f32 v27, v60;
	_ =	sdelay $0x1  }
0x27a: {  	v29 =	vmul.f32 v29, v27;
	_ =	sdelay $0x1  }
0x27b: {  	v29 =	vsub.f32 $1.500000000e+00, v29;
	_ =	sdelay $0x1  }
0x27c: {  	v27 =	vmul.f32 v29, v27;
	_ =	sdelay $0x1  }
0x27d: {  	v29 =	vmul.f32 v27, v60;
	_ =	sdelay $0x1  }
0x27e: {  	v29 =	vmul.f32 v29, v27;
	_ =	sdelay $0x1  }
0x27f: {  	v29 =	vsub.f32 $1.500000000e+00, v29;
	_ =	sdelay $0x1  }
0x280: {  	v27 =	vmul.f32 v29, v27;
	_ =	sdelay $0x1  }
0x281: {  	v28 =	vmul.f32 v27, v60;
	_ =	sdelay $0x1  }
0x282: {  	v28 =	vmul.f32 v28, v27;
	_ =	sdelay $0x1  }
0x283: {  	v25 =	vsel vm0, v45, v49;
	v28 =	vsub.f32 $1.500000000e+00, v28  }
0x284: {  	vm0 =	vlt.f32 v25, $1.000000000e+08  }
0x285: {  	s17 =	sshll.u32 s16, $0x4;
	s16 =	sadd.s32 $0x1, s16;
	v21 =	vld.idx.msk [tilespmem:v21+s4+$0x0], $0xffff;
	v22 =	vnsel vm0, $0xBF800000, v22;
	v62 =	vmul.f32 v28, v27  }
0x286: {  	p1 =	sne.s32 s16, $0x4;
	v23 =	vnsel vm0, $0xBF800000, v23;
	[tilespmem:s17+$0x3580] =	vst v22  }
.Ltmp8:
0x287: {  	v24 =	vnsel vm0, $0xBF800000, v24;
	[tilespmem:s17+$0x3600] =	vst v23;
	v63 =	vmul.f32 v62, v26;
	(pc) =	sbr.rel @p1 .LBB3_12-.Ltmp8, $4  }
0x288: {  	v20 =	vnsel vm0, $0xBF800000, v20;
	[tilespmem:s17+$0x3680] =	vst v24  }
0x289: {  	[tilespmem:s17+$0x3700] =	vst v20;
	v20 =	vnsel vm0, $0xBF800000, v63  }
0x28a: {  	[tilespmem:s17+$0x2100] =	vst v20;
	v20 =	vnsel vm0, $0x0, v21  }
0x28b: {  	[tilespmem:s17+$0x1B80] =	vst v20  }
0x28c: {  	_ =	sdelay $0x3  }
0x28d: {  	v20 =	vld.idx.msk [tilespmem:v2+s6+$0x0], $0xffff  }
0x28e: {  	v21 =	vld.idx.msk [tilespmem:v2+s10+$0x0], $0xffff  }
0x28f: {  	v22 =	vld.idx.msk [tilespmem:v2+s5+$0x0], $0xffff  }
0x290: {  	v23 =	vld.idx.msk [tilespmem:v2+s9+$0x0], $0xffff  }
0x291: {  	v24 =	vld.idx.msk [tilespmem:v2+s8+$0x0], $0xffff  }
0x292: {  	v25 =	vld.idx.msk [tilespmem:v2+s7+$0x0], $0xffff;
	_ =	sdelay $0x2  }
0x293: {  	v26 =	vld.idx.msk [tilespmem:v2+s11+$0x0], $0xffff;
	v20 =	vsub.f32 v0, v20;
	v22 =	vsub.f32 v13, v22  }
0x294: {  	v29 =	vld.idx.msk [tilespmem:v19+s9+$0x0], $0xffff;
	v21 =	vsub.f32 v3, v21;
	v23 =	vsub.f32 v15, v23  }
0x295: {  	v30 =	vld.idx.msk [tilespmem:v19+s6+$0x0], $0xffff;
	v24 =	vsub.f32 v24, v0;
	v25 =	vadd.f32 v14, v25  }
0x296: {  	v27 =	vld.idx.msk [tilespmem:v19+s10+$0x0], $0xffff;
	v21 =	vand.u32 $0x7FFFFFFF, v21;
	v28 =	vmin.f32 v22, v20;
	v23 =	vand.u32 $0x7FFFFFFF, v23  }
0x297: {  	v20 =	vmax.f32 v22, v20;
	v22 =	vmin.f32 v25, v24;
	v21 =	vmax.f32 v23, v21;
	v23 =	vld.idx.msk [tilespmem:v19+s8+$0x0], $0xffff  }
0x298: {  	vm0 =	vlt.f32 v21, $1.920000000e+02;
	v21 =	vmin.f32 v28, v22;
	v22 =	vmax.f32 v25, v24;
	v25 =	vld.idx.msk [tilespmem:v19+s7+$0x0], $0xffff  }
0x299: {  	v29 =	vsub.f32 v15, v29;
	v28 =	vld.idx.msk [tilespmem:v19+s5+$0x0], $0xffff;
	v20 =	vmax.f32 v20, v22;
	v22 =	vadd.s32 $0x2, v2  }
0x29a: {  	v30 =	vsub.f32 v0, v30;
	vm1 =	vgt.f32 v21, $0.0e+00  }
0x29b: {  	v29 =	vand.u32 $0x7FFFFFFF, v29;
	vm0 =	vmand vm1, vm0;
	vm4 =	vle.f32 v20, $5.120000000e+02  }
0x29c: {  	vm2 =	vge.f32 v20, $2.560000000e+02;
	v20 =	vsub.f32 v3, v27;
	v27 =	vimm.f32 $1.000000000e+08  }
0x29d: {  	v24 =	vld.idx.msk [tilespmem:v19+s11+$0x0], $0xffff;
	vm0 =	vmand vm4, vm0;
	vm5 =	vlt.f32 v26, v27;
	v23 =	vsub.f32 v23, v0  }
0x29e: {  	v31 =	vand.u32 $0x7FFFFFFF, v20;
	v25 =	vadd.f32 v14, v25;
	v28 =	vsub.f32 v13, v28;
	v32 =	vld.idx.msk [tilespmem:v22+s10+$0x0], $0xffff  }
0x29f: {  	vm0 =	vmand vm2, vm0;
	v20 =	vadd.s32 $0x3, v2;
	v29 =	vmax.f32 v29, v31;
	v33 =	vld.idx.msk [tilespmem:v22+s7+$0x0], $0xffff  }
0x2a0: {  	v31 =	vld.idx.msk [tilespmem:v22+s9+$0x0], $0xffff;
	vm6 =	vlt.f32 v29, $1.920000000e+02;
	v34 =	vmin.f32 v25, v23;
	v36 =	vmin.f32 v28, v30  }
0x2a1: {  	v57 =	vld.idx.msk [tilespmem:v22+s5+$0x0], $0xffff;
	v28 =	vmax.f32 v28, v30;
	v23 =	vmax.f32 v25, v23;
	v29 =	vmin.f32 v36, v34  }
0x2a2: {  	vm0 =	vmand vm5, vm0;
	v25 =	vld.idx.msk [tilespmem:v22+s6+$0x0], $0xffff;
	v23 =	vmax.f32 v28, v23;
	vm7 =	vgt.f32 v29, $0.0e+00  }
0x2a3: {  	v35 =	vld.idx.msk [tilespmem:v22+s8+$0x0], $0xffff;
	v58 =	vsel vm0, v2, v2;
	vm3 =	vle.f32 v23, $5.120000000e+02;
	vm5 =	vmand vm7, vm6  }
0x2a4: {  	v28 =	vsel vm0, v26, v27;
	vm6 =	vge.f32 v23, $2.560000000e+02;
	vm0 =	vmand vm3, vm5  }
0x2a5: {  	v26 =	vld.idx.msk [tilespmem:v22+s11+$0x0], $0xffff;
	vm7 =	vlt.f32 v24, v28;
	vm0 =	vmand vm6, vm0  }
0x2a6: {  	v37 =	vld.idx.msk [tilespmem:v20+s10+$0x0], $0xffff;
	v29 =	vsub.f32 v3, v32;
	v23 =	vadd.f32 v14, v33;
	vm12 =	vmand vm7, vm0  }
0x2a7: {  	v30 =	vld.idx.msk [tilespmem:v20+s8+$0x0], $0xffff;
	v25 =	vsub.f32 v0, v25;
	v27 =	vsel vm12, v19, v58;
	v19 =	vsub.f32 v13, v57  }
0x2a8: {  	v21 =	vadd.s32 $0x5, v2;
	v34 =	vld.idx.msk [tilespmem:v20+s7+$0x0], $0xffff;
	v59 =	vsub.f32 v35, v0;
	v60 =	vsub.f32 v15, v31  }
0x2a9: {  	v32 =	vld.idx.msk [tilespmem:v20+s5+$0x0], $0xffff;
	v63 =	vmin.f32 v19, v25;
	v19 =	vmax.f32 v19, v25  }
0x2aa: {  	v31 =	vld.idx.msk [tilespmem:v20+s6+$0x0], $0xffff;
	v29 =	vand.u32 $0x7FFFFFFF, v29;
	v61 =	vmin.f32 v23, v59;
	v62 =	vand.u32 $0x7FFFFFFF, v60  }
0x2ab: {  	v33 =	vld.idx.msk [tilespmem:v20+s9+$0x0], $0xffff;
	v23 =	vmax.f32 v23, v59;
	v25 =	vmax.f32 v62, v29;
	v29 =	vsub.f32 v3, v37  }
0x2ac: {  	s16 =	simm.s32 $0x9;
	v36 =	vmin.f32 v63, v61;
	v35 =	vmax.f32 v19, v23;
	v23 =	vld.idx.msk [tilespmem:v20+s11+$0x0], $0xffff;
	v19 =	vmov v2  }
.LBB3_16:
0x2ad: {  	v37 =	vld.idx.msk [tilespmem:v21+s6+$0x0], $0xffff;
	p1 =	sne.s32 s16, $0x1;
	s16 =	sadd.s32 $0xFFFFFFFF, s16;
	vm0 =	vgt.f32 v36, $0.0e+00;
	vm1 =	vlt.f32 v25, $1.920000000e+02;
	v25 =	vadd.s32 $0x4, v19;
	v19 =	vmovc v21  }
0x2ae: {  	v32 =	vsub.f32 v13, v32;
	v36 =	vld.idx.msk [tilespmem:v21+s10+$0x0], $0xffff;
	vm0 =	vmand vm0, vm1;
	vm1 =	vle.f32 v35, $5.120000000e+02  }
0x2af: {  	v24 =	vsel vm12, v24, v28;
	v38 =	vld.idx.msk [tilespmem:v21+s5+$0x0], $0xffff;
	vm0 =	vmand vm1, vm0;
	vm1 =	vge.f32 v35, $2.560000000e+02  }
0x2b0: {  	v30 =	vsub.f32 v30, v0;
	v34 =	vadd.f32 v14, v34;
	v28 =	vld.idx.msk [tilespmem:v21+s9+$0x0], $0xffff;
	vm0 =	vmand vm1, vm0  }
0x2b1: {  	v31 =	vsub.f32 v0, v31;
	vm1 =	vlt.f32 v26, v24;
	v33 =	vsub.f32 v15, v33;
	v35 =	vld.idx.msk [tilespmem:v21+s8+$0x0], $0xffff  }
0x2b2: {  	vm0 =	vmand vm1, vm0;
	v40 =	vmin.f32 v34, v30;
	v30 =	vmax.f32 v34, v30;
	v39 =	vld.idx.msk [tilespmem:v21+s7+$0x0], $0xffff  }
0x2b3: {  	v34 =	vsub.f32 v0, v37;
	v22 =	vsel vm0, v22, v27;
	v27 =	vmin.f32 v32, v31;
	v37 =	vld.idx.msk [tilespmem:v25+s6+$0x0], $0xffff  }
0x2b4: {  	v31 =	vmax.f32 v32, v31;
	v32 =	vand.u32 $0x7FFFFFFF, v33;
	v27 =	vmin.f32 v27, v40;
	v33 =	vld.idx.msk [tilespmem:v25+s10+$0x0], $0xffff  }
0x2b5: {  	v36 =	vsub.f32 v3, v36;
	v30 =	vmax.f32 v31, v30;
	v38 =	vsub.f32 v13, v38;
	v31 =	vld.idx.msk [tilespmem:v25+s9+$0x0], $0xffff  }
0x2b6: {  	v24 =	vsel vm0, v26, v24;
	v26 =	vand.u32 $0x7FFFFFFF, v29;
	v28 =	vsub.f32 v15, v28;
	v29 =	vld.idx.msk [tilespmem:v25+s8+$0x0], $0xffff  }
0x2b7: {  	v26 =	vmax.f32 v32, v26;
	v36 =	vand.u32 $0x7FFFFFFF, v36;
	v35 =	vsub.f32 v35, v0;
	v32 =	vld.idx.msk [tilespmem:v25+s7+$0x0], $0xffff  }
0x2b8: {  	vm1 =	vge.f32 v30, $2.560000000e+02;
	v40 =	vmin.f32 v38, v34;
	v39 =	vadd.f32 v14, v39  }
0x2b9: {  	vm2 =	vlt.f32 v23, v24;
	v34 =	vmax.f32 v38, v34;
	v28 =	vand.u32 $0x7FFFFFFF, v28  }
0x2ba: {  	vm0 =	vgt.f32 v27, $0.0e+00;
	v28 =	vmax.f32 v28, v36;
	v38 =	vmin.f32 v39, v35  }
0x2bb: {  	vm12 =	vlt.f32 v26, $1.920000000e+02;
	vm3 =	vlt.f32 v28, $1.920000000e+02;
	v26 =	vsub.f32 v3, v33  }
0x2bc: {  	vm13 =	vle.f32 v30, $5.120000000e+02;
	v30 =	vsub.f32 v0, v37;
	v27 =	vmin.f32 v40, v38;
	v28 =	vld.idx.msk [tilespmem:v25+s5+$0x0], $0xffff  }
0x2bd: {  	vm14 =	vgt.f32 v27, $0.0e+00;
	v27 =	vadd.s32 $0x1, v21;
	v32 =	vadd.f32 v14, v32;
	v33 =	vld.idx.msk [tilespmem:v21+s11+$0x0], $0xffff  }
0x2be: {  	v35 =	vmax.f32 v39, v35;
	v31 =	vsub.f32 v15, v31;
	vm3 =	vmand vm14, vm3  }
0x2bf: {  	v34 =	vmax.f32 v34, v35;
	v29 =	vsub.f32 v29, v0;
	v26 =	vand.u32 $0x7FFFFFFF, v26;
	v35 =	vld.idx.msk [tilespmem:v25+s11+$0x0], $0xffff  }
0x2c0: {  	vm0 =	vmand vm0, vm12;
	vm15 =	vge.f32 v34, $2.560000000e+02;
	vm14 =	vle.f32 v34, $5.120000000e+02  }
0x2c1: {  	vm12 =	vmand vm13, vm0;
	v31 =	vand.u32 $0x7FFFFFFF, v31;
	vm3 =	vmand vm14, vm3  }
0x2c2: {  	vm1 =	vmand vm1, vm12;
	v26 =	vmax.f32 v31, v26;
	vm0 =	vmand vm15, vm3;
	v34 =	vld.idx.msk [tilespmem:v27+s10+$0x0], $0xffff  }
0x2c3: {  	vm1 =	vmand vm2, vm1;
	v36 =	vmin.f32 v32, v29;
	v28 =	vsub.f32 v13, v28;
	v31 =	vld.idx.msk [tilespmem:v27+s9+$0x0], $0xffff  }
0x2c4: {  	v23 =	vsel vm1, v23, v24;
	v38 =	vsel vm1, v20, v22;
	v20 =	vmax.f32 v32, v29;
	v37 =	vld.idx.msk [tilespmem:v27+s8+$0x0], $0xffff  }
0x2c5: {  	v22 =	vadd.s32 $0x2, v21;
	v24 =	vmin.f32 v28, v30;
	vm1 =	vlt.f32 v35, v23;
	v29 =	vld.idx.msk [tilespmem:v27+s7+$0x0], $0xffff  }
0x2c6: {  	vm2 =	vlt.f32 v26, $1.920000000e+02;
	v28 =	vmax.f32 v28, v30;
	v24 =	vmin.f32 v24, v36;
	v32 =	vld.idx.msk [tilespmem:v27+s5+$0x0], $0xffff  }
0x2c7: {  	v21 =	vadd.s32 $0x5, v21;
	v20 =	vmax.f32 v28, v20;
	vm3 =	vgt.f32 v24, $0.0e+00;
	v26 =	vld.idx.msk [tilespmem:v27+s6+$0x0], $0xffff  }
0x2c8: {  	vm2 =	vmand vm3, vm2;
	vm3 =	vle.f32 v20, $5.120000000e+02;
	v28 =	vsub.f32 v3, v34  }
0x2c9: {  	vm2 =	vmand vm3, vm2;
	vm3 =	vge.f32 v20, $2.560000000e+02;
	v30 =	vsub.f32 v15, v31;
	v24 =	vld.idx.msk [tilespmem:v27+s11+$0x0], $0xffff  }
0x2ca: {  	v20 =	vadd.s32 $0x3, v19;
	vm2 =	vmand vm3, vm2;
	v28 =	vand.u32 $0x7FFFFFFF, v28;
	v31 =	vld.idx.msk [tilespmem:v22+s10+$0x0], $0xffff  }
0x2cb: {  	v34 =	vsub.f32 v37, v0;
	vm1 =	vmand vm1, vm2;
	v29 =	vadd.f32 v14, v29;
	v36 =	vld.idx.msk [tilespmem:v22+s5+$0x0], $0xffff  }
0x2cc: {  	v30 =	vand.u32 $0x7FFFFFFF, v30;
	v23 =	vsel vm1, v35, v23;
	v32 =	vsub.f32 v13, v32;
	v37 =	vld.idx.msk [tilespmem:v22+s7+$0x0], $0xffff  }
0x2cd: {  	vm2 =	vlt.f32 v33, v23;
	v28 =	vmax.f32 v30, v28;
	v26 =	vsub.f32 v0, v26;
	v30 =	vld.idx.msk [tilespmem:v22+s9+$0x0], $0xffff  }
0x2ce: {  	vm0 =	vmand vm2, vm0;
	v35 =	vmin.f32 v29, v34;
	vm2 =	vlt.f32 v28, $1.920000000e+02;
	v39 =	vld.idx.msk [tilespmem:v22+s8+$0x0], $0xffff  }
0x2cf: {  	v29 =	vmax.f32 v29, v34;
	v28 =	vmin.f32 v32, v26;
	v26 =	vmax.f32 v32, v26;
	v34 =	vld.idx.msk [tilespmem:v22+s6+$0x0], $0xffff  }
0x2d0: {  	v25 =	vsel vm1, v25, v38;
	v28 =	vmin.f32 v28, v35;
	v29 =	vmax.f32 v26, v29  }
0x2d1: {  	v25 =	vsel vm0, v19, v25;
	vm1 =	vgt.f32 v28, $0.0e+00;
	vm3 =	vle.f32 v29, $5.120000000e+02  }
0x2d2: {  	v28 =	vsel vm0, v33, v23;
	v23 =	vsub.f32 v3, v31;
	vm0 =	vmand vm1, vm2;
	v26 =	vld.idx.msk [tilespmem:v22+s11+$0x0], $0xffff  }
0x2d3: {  	vm1 =	vge.f32 v29, $2.560000000e+02;
	v29 =	vadd.f32 v14, v37;
	vm0 =	vmand vm3, vm0;
	v37 =	vld.idx.msk [tilespmem:v20+s10+$0x0], $0xffff  }
0x2d4: {  	vm0 =	vmand vm1, vm0;
	vm1 =	vlt.f32 v24, v28;
	v33 =	vsub.f32 v39, v0;
	v32 =	vld.idx.msk [tilespmem:v20+s5+$0x0], $0xffff  }
.Ltmp9:
0x2d5: {  	vm12 =	vmand vm1, vm0;
	v35 =	vsub.f32 v0, v34;
	v34 =	vsub.f32 v15, v30;
	v30 =	vld.idx.msk [tilespmem:v20+s8+$0x0], $0xffff;
	(pc) =	sbr.rel @p1 .LBB3_16-.Ltmp9, $4  }
0x2d6: {  	v23 =	vand.u32 $0x7FFFFFFF, v23;
	v27 =	vsel vm12, v27, v25;
	v25 =	vsub.f32 v13, v36;
	v31 =	vld.idx.msk [tilespmem:v20+s6+$0x0], $0xffff  }
0x2d7: {  	v36 =	vmin.f32 v29, v33;
	v29 =	vmax.f32 v29, v33;
	v33 =	vand.u32 $0x7FFFFFFF, v34;
	v34 =	vld.idx.msk [tilespmem:v20+s7+$0x0], $0xffff  }
0x2d8: {  	v38 =	vmin.f32 v25, v35;
	v35 =	vmax.f32 v25, v35;
	v25 =	vmax.f32 v33, v23;
	v33 =	vld.idx.msk [tilespmem:v20+s9+$0x0], $0xffff  }
0x2d9: {  	v36 =	vmin.f32 v38, v36;
	v35 =	vmax.f32 v35, v29;
	v29 =	vsub.f32 v3, v37;
	v23 =	vld.idx.msk [tilespmem:v20+s11+$0x0], $0xffff  }
0x2da: {  	v19 =	vadd.s32 $0x4, v19;
	_ =	sdelay $0x2  }
0x2db: {  	vm0 =	vgt.f32 v36, $0.0e+00;
	vm1 =	vlt.f32 v25, $1.920000000e+02  }
0x2dc: {  	vm4 =	vle.f32 v35, $5.120000000e+02;
	v21 =	vsub.f32 v13, v32;
	v24 =	vsel vm12, v24, v28  }
0x2dd: {  	vm5 =	vge.f32 v35, $2.560000000e+02;
	v30 =	vsub.f32 v30, v0;
	vm0 =	vmand vm0, vm1;
	v58 =	vld.idx.msk [tilespmem:v19+s6+$0x0], $0xffff  }
0x2de: {  	v31 =	vsub.f32 v0, v31;
	vm6 =	vlt.f32 v26, v24;
	vm0 =	vmand vm4, vm0;
	v59 =	vld.idx.msk [tilespmem:v19+s10+$0x0], $0xffff  }
0x2df: {  	v39 =	vand.u32 $0x7FFFFFFF, v29;
	v57 =	vadd.f32 v14, v34;
	vm0 =	vmand vm5, vm0;
	v60 =	vld.idx.msk [tilespmem:v19+s9+$0x0], $0xffff  }
0x2e0: {  	v33 =	vsub.f32 v15, v33;
	v62 =	vmin.f32 v21, v31;
	v21 =	vmax.f32 v21, v31;
	v63 =	vld.idx.msk [tilespmem:v19+s8+$0x0], $0xffff  }
0x2e1: {  	v61 =	vmin.f32 v57, v30;
	v25 =	vmax.f32 v57, v30;
	vm0 =	vmand vm6, vm0;
	v38 =	vld.idx.msk [tilespmem:v19+s7+$0x0], $0xffff  }
0x2e2: {  	v30 =	vmin.f32 v62, v61;
	v33 =	vand.u32 $0x7FFFFFFF, v33;
	v21 =	vmax.f32 v21, v25;
	v40 =	vld.idx.msk [tilespmem:v19+s5+$0x0], $0xffff  }
0x2e3: {  	v24 =	vsel vm0, v26, v24;
	v25 =	vmax.f32 v33, v39;
	vm7 =	vge.f32 v21, $2.560000000e+02  }
0x2e4: {  	vm2 =	vlt.f32 v23, v24;
	vm3 =	vgt.f32 v30, $0.0e+00;
	vm5 =	vle.f32 v21, $5.120000000e+02  }
0x2e5: {  	vm4 =	vlt.f32 v25, $1.920000000e+02;
	v41 =	vsub.f32 v3, v59;
	v42 =	vsub.f32 v0, v58  }
0x2e6: {  	vm3 =	vmand vm3, vm4;
	v43 =	vadd.f32 v14, v38;
	v44 =	vsub.f32 v15, v60  }
0x2e7: {  	vm3 =	vmand vm5, vm3;
	v45 =	vsub.f32 v63, v0;
	v29 =	vsub.f32 v13, v40  }
0x2e8: {  	vm1 =	vmand vm7, vm3;
	v25 =	vand.u32 $0x7FFFFFFF, v41;
	v28 =	vand.u32 $0x7FFFFFFF, v44  }
0x2e9: {  	v46 =	vld.idx.msk [tilespmem:v19+s11+$0x0], $0xffff;
	v47 =	vmin.f32 v43, v45;
	v48 =	vmin.f32 v29, v42;
	v21 =	vmax.f32 v43, v45  }
0x2ea: {  	v26 =	vmax.f32 v29, v42;
	v25 =	vmax.f32 v28, v25;
	v28 =	vmin.f32 v48, v47  }
0x2eb: {  	v21 =	vmax.f32 v26, v21;
	vm6 =	vlt.f32 v25, $1.920000000e+02;
	vm7 =	vgt.f32 v28, $0.0e+00  }
0x2ec: {  	vm1 =	vmand vm2, vm1;
	vm13 =	vle.f32 v21, $5.120000000e+02;
	vm12 =	vmand vm7, vm6  }
0x2ed: {  	v49 =	vsel vm1, v23, v24;
	vm14 =	vge.f32 v21, $2.560000000e+02;
	vm2 =	vmand vm13, vm12  }
0x2ee: {  	v50 =	vsel vm0, v22, v27;
	vm15 =	vlt.f32 v46, v49;
	vm2 =	vmand vm14, vm2  }
0x2ef: {  	v20 =	vsel vm1, v20, v50;
	vm0 =	vmand vm15, vm2  }
0x2f0: {  	v19 =	vsel vm0, v19, v20;
	_ =	sdelay $0x4  }
0x2f1: {  	v20 =	vld.idx.msk [tilespmem:v19+s5+$0x0], $0xffff  }
0x2f2: {  	v51 =	vld.idx.msk [tilespmem:v19+s6+$0x0], $0xffff  }
0x2f3: {  	v52 =	vld.idx.msk [tilespmem:v19+s7+$0x0], $0xffff  }
0x2f4: {  	v53 =	vld.idx.msk [tilespmem:v19+s8+$0x0], $0xffff;
	_ =	sdelay $0x3  }
0x2f5: {  	v20 =	vsub.f32 v13, v20;
	v21 =	vsub.f32 v0, v51  }
0x2f6: {  	v22 =	vadd.f32 v14, v52;
	v24 =	vsub.f32 v53, v0;
	_ =	sdelay $0x1  }
0x2f7: {  	v54 =	vmax.f32 v20, v22;
	v55 =	vmax.f32 v21, v24  }
0x2f8: {  	v25 =	vmul.f32 v55, v54;
	_ =	sdelay $0x1  }
0x2f9: {  	v25 =	vadd.f32 $1.000000010e-10, v25;
	_ =	sdelay $0x1  }
0x2fa: {  	(erf) = vrcp.f32 v25;
	_ =	sdelay $0x6  }
0x2fb: {  	v56 =	vmin.f32 v20, v22;
	v57 =	vmin.f32 v21, v24  }
0x2fc: {  	v25 =	vmul.f32 v57, v56  }
0x2fd: {  	v58 =	vpop (erf)  }
0x2fe: {  	v25 =	vmul.f32 v58, v25;
	_ =	sdelay $0x1  }
0x2ff: {  	v25 =	vmax.f32 v25, $0.0e+00  }
0x300: {  	v25 =	vadd.f32 $9.999999960e-13, v25;
	_ =	sdelay $0x1  }
0x301: {  	v59 =	vshra.s32 v25, $0x1;
	v60 =	vmul.f32 $5.000000000e-01, v25  }
0x302: {  	v26 =	vsub.s32 $0x5F3759DF, v59  }
0x303: {  	v61 =	vmul.f32 v26, v60;
	_ =	sdelay $0x1  }
0x304: {  	v28 =	vmul.f32 v26, v61;
	_ =	sdelay $0x1  }
0x305: {  	v28 =	vsub.f32 $1.500000000e+00, v28;
	_ =	sdelay $0x1  }
0x306: {  	v26 =	vmul.f32 v26, v28;
	_ =	sdelay $0x1  }
0x307: {  	v28 =	vmul.f32 v26, v60;
	_ =	sdelay $0x1  }
0x308: {  	v28 =	vmul.f32 v28, v26;
	_ =	sdelay $0x1  }
0x309: {  	v28 =	vsub.f32 $1.500000000e+00, v28;
	_ =	sdelay $0x1  }
0x30a: {  	v26 =	vmul.f32 v28, v26;
	_ =	sdelay $0x1  }
0x30b: {  	v28 =	vmul.f32 v26, v60;
	_ =	sdelay $0x1  }
0x30c: {  	v28 =	vmul.f32 v28, v26;
	_ =	sdelay $0x1  }
0x30d: {  	v28 =	vsub.f32 $1.500000000e+00, v28;
	_ =	sdelay $0x1  }
0x30e: {  	v26 =	vmul.f32 v28, v26;
	_ =	sdelay $0x1  }
0x30f: {  	v19 =	vld.idx.msk [tilespmem:v19+s4+$0x0], $0xffff;
	v27 =	vmul.f32 v26, v60;
	_ =	sdelay $0x1  }
0x310: {  	v27 =	vmul.f32 v27, v26  }
0x311: {  	v23 =	vsel vm0, v46, v49  }
0x312: {  	vm0 =	vlt.f32 v23, $1.000000000e+08;
	v27 =	vsub.f32 $1.500000000e+00, v27  }
0x313: {  	v19 =	vnsel vm0, $0x0, v19  }
0x314: {  	[tilespmem:$0x1BC0] =	vst v19;
	v20 =	vnsel vm0, $0xBF800000, v20;
	v62 =	vmul.f32 v27, v26  }
.Ltmp10:
0x315: {  	v21 =	vnsel vm0, $0xBF800000, v21;
	[tilespmem:$0x3780] =	vst v20;
	(pc) =	sbr.rel @p0 .LBB3_21-.Ltmp10, $4  }
0x316: {  	v22 =	vnsel vm0, $0xBF800000, v22;
	[tilespmem:$0x3790] =	vst v21;
	v20 =	vmul.f32 v62, v25  }
0x317: {  	v63 =	vnsel vm0, $0xBF800000, v24;
	[tilespmem:$0x37A0] =	vst v22  }
0x318: {  	[tilespmem:$0x37B0] =	vst v63;
	v20 =	vnsel vm0, $0xBF800000, v20  }
0x319: {  	[tilespmem:$0x2140] =	vst v20  }
0x31a: {  	vm0 =	vcmask $0x300  }
0x31b: {  	vm1 =	vcmask $0x704;
	vm2 =	vcmask $0xB08;
	vm3 =	vcmask $0x1310  }
0x31c: {  	vm4 =	vcmask $0x1714;
	v28 =	vimm.f32 $1.000000000e+08;
	vm9 =	vcmask $0xF00  }
0x31d: {  	vm5 =	vcmask $0x1B18;
	vm6 =	vcmask $0x2320;
	vm12 =	vcmask $0x1F10  }
0x31e: {  	vm7 =	vcmask $0x2724;
	vm13 =	vcmask $0x2F20;
	v19 =	vsel vm0, $0x43000000, v18  }
0x31f: {  	vm8 =	vcmask $0x2B28;
	v16 =	vimm.f32 $4.480000000e+02;
	v19 =	vsel vm1, $0x43C00000, v19  }
0x320: {  	v17 =	vimm.f32 $-4.480000000e+02;
	v22 =	vsel vm9, $0x43000000, v18;
	v19 =	vsel vm2, $0x44200000, v19  }
0x321: {  	v24 =	vld.idx.msk [tilespmem:v4+s10+$0x0], $0xffff;
	v27 =	vsel vm12, $0x43C00000, v22;
	v22 =	vadd.s32 $0x3, v4;
	v20 =	vsel vm3, $0x43000000, v19  }
0x322: {  	v25 =	vld.idx.msk [tilespmem:v4+s9+$0x0], $0xffff;
	v32 =	vsel vm0, $0xC2800000, v17;
	v19 =	vadd.s32 $0x4, v4;
	v20 =	vsel vm4, $0x43C00000, v20  }
0x323: {  	v26 =	vld.idx.msk [tilespmem:v4+s8+$0x0], $0xffff;
	v60 =	vsel vm9, $0xC2800000, v17;
	v45 =	vsel vm9, $0x42800000, v16;
	v21 =	vsel vm5, $0x44200000, v20  }
0x324: {  	v31 =	vld.idx.msk [tilespmem:v4+s5+$0x0], $0xffff;
	v32 =	vsel vm1, $0xC3400000, v32;
	v51 =	vsel vm12, $0x43400000, v45;
	v23 =	vsel vm6, $0x43000000, v21  }
0x325: {  	v34 =	vld.idx.msk [tilespmem:v4+s7+$0x0], $0xffff;
	v29 =	vsel vm13, $0x44200000, v27;
	v20 =	vadd.s32 $0x2, v4;
	v30 =	vsel vm7, $0x43C00000, v23  }
0x326: {  	v21 =	vadd.s32 $0x1, v4;
	v39 =	vld.idx.msk [tilespmem:v22+s9+$0x0], $0xffff;
	v27 =	vsel vm8, $0x44200000, v30;
	v30 =	vsel vm0, $0x42800000, v16  }
0x327: {  	v24 =	vsub.f32 v29, v24;
	vm0 =	vcmask $0x3330;
	v43 =	vld.idx.msk [tilespmem:v19+s10+$0x0], $0xffff;
	v30 =	vsel vm1, $0x43400000, v30  }
0x328: {  	v32 =	vsel vm2, $0xC3A00000, v32;
	v33 =	vld.idx.msk [tilespmem:v19+s9+$0x0], $0xffff;
	v27 =	vsel vm0, $0x43000000, v27;
	v30 =	vsel vm2, $0x43A00000, v30  }
0x329: {  	v37 =	vld.idx.msk [tilespmem:v22+s5+$0x0], $0xffff;
	v24 =	vand.u32 $0x7FFFFFFF, v24;
	v27 =	vsel vm10, $0x43C00000, v27;
	v35 =	vsel vm3, $0x42800000, v30  }
0x32a: {  	v49 =	vld.idx.msk [tilespmem:v20+s10+$0x0], $0xffff;
	v30 =	vsel vm11, $0x44200000, v27;
	v27 =	vsel vm3, $0xC2800000, v32;
	v59 =	vsel vm4, $0x43400000, v35  }
0x32b: {  	v46 =	vld.idx.msk [tilespmem:v21+s10+$0x0], $0xffff;
	v25 =	vsub.f32 v30, v25;
	v27 =	vsel vm4, $0xC3400000, v27;
	v39 =	vsub.f32 v30, v39  }
0x32c: {  	v52 =	vld.idx.msk [tilespmem:v21+s9+$0x0], $0xffff;
	v32 =	vsel vm5, $0x43A00000, v59;
	v27 =	vsel vm5, $0xC3A00000, v27;
	v43 =	vsub.f32 v29, v43  }
0x32d: {  	v38 =	vld.idx.msk [tilespmem:v22+s7+$0x0], $0xffff;
	v33 =	vsub.f32 v30, v33;
	v32 =	vsel vm6, $0x42800000, v32;
	v25 =	vand.u32 $0x7FFFFFFF, v25  }
0x32e: {  	v41 =	vld.idx.msk [tilespmem:v22+s6+$0x0], $0xffff;
	v27 =	vsel vm6, $0xC2800000, v27;
	v32 =	vsel vm7, $0x43400000, v32;
	v42 =	vmax.f32 v25, v24  }
0x32f: {  	v48 =	vld.idx.msk [tilespmem:v21+s8+$0x0], $0xffff;
	v24 =	vsel vm7, $0xC3400000, v27;
	v43 =	vand.u32 $0x7FFFFFFF, v43;
	v33 =	vand.u32 $0x7FFFFFFF, v33  }
0x330: {  	v23 =	vld.idx.msk [tilespmem:v4+s11+$0x0], $0xffff;
	v56 =	vsub.f32 v29, v49;
	v25 =	vsel vm8, $0x43A00000, v32;
	v24 =	vsel vm8, $0xC3A00000, v24  }
0x331: {  	v27 =	vld.idx.msk [tilespmem:v22+s8+$0x0], $0xffff;
	v32 =	vsel vm12, $0xC3400000, v60;
	v46 =	vsub.f32 v29, v46;
	v54 =	vsub.f32 v30, v52  }
0x332: {  	v36 =	vld.idx.msk [tilespmem:v21+s5+$0x0], $0xffff;
	v25 =	vsel vm0, $0x42800000, v25;
	v61 =	vsel vm0, $0xC2800000, v24;
	v24 =	vsel vm13, $0xC3A00000, v32  }
0x333: {  	v63 =	vld.idx.msk [tilespmem:v19+s8+$0x0], $0xffff;
	v25 =	vsel vm10, $0x43400000, v25;
	v62 =	vsel vm10, $0xC3400000, v61;
	v40 =	vadd.f32 v24, v26  }
0x334: {  	v50 =	vld.idx.msk [tilespmem:v20+s7+$0x0], $0xffff;
	v32 =	vadd.f32 v24, v48;
	v25 =	vsel vm11, $0x43A00000, v25;
	v26 =	vsel vm11, $0xC3A00000, v62  }
0x335: {  	v44 =	vld.idx.msk [tilespmem:v21+s7+$0x0], $0xffff;
	vm12 =	vlt.f32 v42, $3.840000000e+02;
	v47 =	vsub.f32 v25, v37;
	v58 =	vadd.f32 v26, v34  }
0x336: {  	v33 =	vmax.f32 v33, v43;
	v48 =	vld.idx.msk [tilespmem:v22+s10+$0x0], $0xffff;
	v38 =	vadd.f32 v26, v38;
	v27 =	vadd.f32 v24, v27  }
0x337: {  	v34 =	vmin.f32 v58, v40;
	v37 =	vmax.f32 v58, v40;
	v40 =	vsub.f32 v25, v36;
	v36 =	vld.idx.msk [tilespmem:v20+s8+$0x0], $0xffff  }
0x338: {  	vm15 =	vlt.f32 v33, $3.840000000e+02;
	v52 =	vand.u32 $0x7FFFFFFF, v56;
	v61 =	vld.idx.msk [tilespmem:v19+s7+$0x0], $0xffff;
	v35 =	vsub.f32 v25, v31  }
0x339: {  	v45 =	vmin.f32 v38, v27;
	v55 =	vmax.f32 v38, v27;
	v27 =	vsel vm13, $0x43A00000, v51;
	v51 =	vld.idx.msk [tilespmem:v20+s5+$0x0], $0xffff  }
0x33a: {  	v57 =	vand.u32 $0x7FFFFFFF, v46;
	v44 =	vadd.f32 v26, v44;
	v53 =	vadd.f32 v26, v50;
	v58 =	vld.idx.msk [tilespmem:v4+s6+$0x0], $0xffff  }
0x33b: {  	v60 =	vld.idx.msk [tilespmem:v20+s6+$0x0], $0xffff;
	v31 =	vadd.s32 $0x5, v4;
	v38 =	vadd.f32 v24, v63;
	v48 =	vsub.f32 v29, v48  }
0x33c: {  	v42 =	vmin.f32 v44, v32;
	v49 =	vadd.f32 v24, v36;
	v36 =	vsub.f32 v27, v41;
	v41 =	vld.idx.msk [tilespmem:v19+s5+$0x0], $0xffff  }
0x33d: {  	v43 =	vmax.f32 v44, v32;
	vm13 =	vlt.f32 v23, v28;
	v63 =	vand.u32 $0x7FFFFFFF, v39;
	v39 =	vld.idx.msk [tilespmem:v20+s9+$0x0], $0xffff  }
0x33e: {  	v62 =	vand.u32 $0x7FFFFFFF, v48;
	v48 =	vadd.f32 v26, v61;
	v44 =	vsub.f32 v25, v51  }
0x33f: {  	v51 =	vsub.f32 v27, v58;
	v58 =	vmax.f32 v63, v62;
	v59 =	vmax.f32 v47, v36  }
0x340: {  	v33 =	vld.idx.msk [tilespmem:v21+s11+$0x0], $0xffff;
	v50 =	vmin.f32 v53, v49;
	v56 =	vmax.f32 v59, v55;
	v59 =	vmin.f32 v47, v36  }
0x341: {  	s16 =	simm.s32 $0x9;
	v32 =	vmovc v4;
	v47 =	vld.idx.msk [tilespmem:v21+s6+$0x0], $0xffff;
	v55 =	vsub.f32 v27, v60;
	v36 =	vmov v4;
	v46 =	vsub.f32 v25, v41  }
.LBB3_19:
0x342: {  	p1 =	sne.s32 s16, $0x1;
	s16 =	sadd.s32 $0xFFFFFFFF, s16;
	v60 =	vmin.f32 v35, v51;
	v61 =	vsub.f32 v30, v39;
	v62 =	vmov v31  }
0x343: {  	v41 =	vadd.s32 $0x2, v31  }
0x344: {  	v45 =	vmin.f32 v59, v45;
	v63 =	vld.idx.msk [tilespmem:v31+s10+$0x0], $0xffff  }
0x345: {  	v39 =	vadd.s32 $0x4, v31  }
0x346: {  	v54 =	vand.u32 $0x7FFFFFFF, v54;
	vm0 =	vgt.f32 v45, $0.0e+00;
	v45 =	vld.idx.msk [tilespmem:v19+s6+$0x0], $0xffff  }
0x347: {  	v49 =	vmax.f32 v53, v49;
	v59 =	vmin.f32 v44, v55  }
0x348: {  	v47 =	vsub.f32 v27, v47;
	vm1 =	vlt.f32 v58, $3.840000000e+02;
	v53 =	vld.idx.msk [tilespmem:v31+s9+$0x0], $0xffff  }
0x349: {  	vm14 =	vge.f32 v56, $5.120000000e+02;
	v54 =	vmax.f32 v54, v57  }
0x34a: {  	v57 =	vmax.f32 v40, v47;
	v56 =	vsub.f32 v29, v63  }
0x34b: {  	v40 =	vmin.f32 v40, v47;
	v47 =	vand.u32 $0x7FFFFFFF, v61  }
0x34c: {  	v47 =	vmax.f32 v47, v52;
	v45 =	vsub.f32 v27, v45  }
0x34d: {  	v50 =	vmin.f32 v59, v50;
	v52 =	vmax.f32 v48, v38  }
0x34e: {  	v44 =	vmax.f32 v44, v55;
	vm2 =	vlt.f32 v47, $3.840000000e+02;
	v53 =	vsub.f32 v30, v53  }
0x34f: {  	v49 =	vmax.f32 v44, v49;
	v47 =	vand.u32 $0x7FFFFFFF, v56;
	v55 =	vmax.f32 v46, v45  }
0x350: {  	v35 =	vmax.f32 v35, v51;
	v38 =	vmin.f32 v48, v38;
	v44 =	vand.u32 $0x7FFFFFFF, v53  }
0x351: {  	v35 =	vmax.f32 v35, v37;
	v37 =	vmin.f32 v46, v45;
	v44 =	vmax.f32 v44, v47;
	v48 =	vld.idx.msk [tilespmem:v31+s8+$0x0], $0xffff  }
0x352: {  	v40 =	vmin.f32 v40, v42;
	vm3 =	vgt.f32 v50, $0.0e+00;
	v37 =	vmin.f32 v37, v38  }
0x353: {  	vm4 =	vlt.f32 v54, $3.840000000e+02;
	v38 =	vmax.f32 v57, v43;
	v42 =	vmax.f32 v55, v52  }
0x354: {  	vm5 =	vge.f32 v35, $5.120000000e+02;
	vm2 =	vmand vm3, vm2  }
0x355: {  	vm3 =	vge.f32 v38, $5.120000000e+02;
	vm6 =	vgt.f32 v37, $0.0e+00  }
0x356: {  	vm7 =	vgt.f32 v40, $0.0e+00;
	v31 =	vadd.s32 $0x5, v31  }
0x357: {  	v34 =	vmin.f32 v60, v34;
	vm8 =	vge.f32 v49, $5.120000000e+02;
	v37 =	vadd.f32 v24, v48;
	v38 =	vld.idx.msk [tilespmem:v19+s11+$0x0], $0xffff  }
0x358: {  	vm9 =	vgt.f32 v34, $0.0e+00;
	vm1 =	vmand vm0, vm1;
	vm2 =	vmand vm8, vm2;
	v34 =	vld.idx.msk [tilespmem:v20+s11+$0x0], $0xffff  }
0x359: {  	vm8 =	vmand vm9, vm12;
	v43 =	vadd.s32 $0x3, v62;
	vm0 =	vge.f32 v42, $5.120000000e+02;
	v40 =	vld.idx.msk [tilespmem:v22+s11+$0x0], $0xffff  }
0x35a: {  	vm4 =	vmand vm7, vm4;
	vm5 =	vmand vm5, vm8;
	v42 =	vadd.s32 $0x1, v62;
	v35 =	vld.idx.msk [tilespmem:v62+s11+$0x0], $0xffff  }
0x35b: {  	vm5 =	vmand vm13, vm5;
	v45 =	vld.idx.msk [tilespmem:v62+s5+$0x0], $0xffff  }
0x35c: {  	vm12 =	vmand vm14, vm1;
	v46 =	vld.idx.msk [tilespmem:v39+s9+$0x0], $0xffff  }
0x35d: {  	vm1 =	vmand vm6, vm15;
	v47 =	vld.idx.msk [tilespmem:v62+s7+$0x0], $0xffff  }
0x35e: {  	vm3 =	vmand vm3, vm4;
	v48 =	vld.idx.msk [tilespmem:v62+s6+$0x0], $0xffff  }
0x35f: {  	v36 =	vsel vm5, v32, v36;
	v32 =	vmov v62;
	v49 =	vld.idx.msk [tilespmem:v42+s5+$0x0], $0xffff  }
0x360: {  	v28 =	vsel vm5, v23, v28;
	v23 =	vmov v35;
	v50 =	vld.idx.msk [tilespmem:v43+s9+$0x0], $0xffff  }
0x361: {  	vm4 =	vlt.f32 v33, v28;
	v51 =	vld.idx.msk [tilespmem:v43+s5+$0x0], $0xffff  }
0x362: {  	vm3 =	vmand vm4, vm3;
	v52 =	vld.idx.msk [tilespmem:v43+s7+$0x0], $0xffff  }
0x363: {  	v28 =	vsel vm3, v33, v28;
	v53 =	vld.idx.msk [tilespmem:v43+s6+$0x0], $0xffff  }
0x364: {  	vm4 =	vlt.f32 v34, v28;
	v54 =	vld.idx.msk [tilespmem:v43+s8+$0x0], $0xffff  }
0x365: {  	vm4 =	vmand vm4, vm2;
	v33 =	vld.idx.msk [tilespmem:v42+s11+$0x0], $0xffff  }
0x366: {  	v28 =	vsel vm4, v34, v28;
	v55 =	vld.idx.msk [tilespmem:v39+s10+$0x0], $0xffff  }
0x367: {  	v35 =	vsub.f32 v25, v45;
	vm2 =	vlt.f32 v40, v28;
	v51 =	vsub.f32 v25, v51;
	v56 =	vld.idx.msk [tilespmem:v42+s7+$0x0], $0xffff  }
0x368: {  	vm2 =	vmand vm2, vm12;
	v45 =	vadd.f32 v26, v47;
	v47 =	vadd.f32 v26, v52;
	v57 =	vld.idx.msk [tilespmem:v42+s10+$0x0], $0xffff  }
0x369: {  	vm0 =	vmand vm0, vm1;
	v36 =	vsel vm3, v21, v36;
	v21 =	vmovc v42;
	v28 =	vsel vm2, v40, v28;
	v52 =	vld.idx.msk [tilespmem:v39+s8+$0x0], $0xffff  }
0x36a: {  	vm1 =	vlt.f32 v38, v28;
	v34 =	vmin.f32 v45, v37;
	v37 =	vmax.f32 v45, v37;
	v42 =	vld.idx.msk [tilespmem:v42+s8+$0x0], $0xffff  }
0x36b: {  	v36 =	vsel vm4, v20, v36;
	v20 =	vmovc v41;
	vm0 =	vmand vm1, vm0;
	v54 =	vadd.f32 v24, v54;
	v58 =	vld.idx.msk [tilespmem:v41+s10+$0x0], $0xffff  }
0x36c: {  	v28 =	vsel vm0, v38, v28;
	v59 =	vld.idx.msk [tilespmem:v41+s7+$0x0], $0xffff  }
0x36d: {  	v40 =	vsub.f32 v25, v49;
	v45 =	vmin.f32 v47, v54;
	v41 =	vld.idx.msk [tilespmem:v41+s8+$0x0], $0xffff  }
0x36e: {  	v46 =	vsub.f32 v30, v46;
	v61 =	vmax.f32 v47, v54;
	v49 =	vsub.f32 v29, v55;
	v60 =	vld.idx.msk [tilespmem:v21+s9+$0x0], $0xffff  }
0x36f: {  	v16 =	vsel vm2, v22, v36;
	v55 =	vsub.f32 v29, v57;
	v38 =	vadd.f32 v24, v52;
	v47 =	vld.idx.msk [tilespmem:v21+s6+$0x0], $0xffff  }
0x370: {  	v36 =	vsel vm0, v19, v16;
	v19 =	vmovc v39;
	v52 =	vadd.f32 v24, v42;
	v42 =	vand.u32 $0x7FFFFFFF, v49;
	v57 =	vld.idx.msk [tilespmem:v43+s10+$0x0], $0xffff  }
0x371: {  	v22 =	vmov v43;
	v46 =	vand.u32 $0x7FFFFFFF, v46;
	v63 =	vsub.f32 v30, v50;
	v62 =	vld.idx.msk [tilespmem:v20+s5+$0x0], $0xffff  }
0x372: {  	vm12 =	vlt.f32 v44, $3.840000000e+02;
	v43 =	vadd.f32 v26, v56;
	v56 =	vsub.f32 v29, v58;
	v16 =	vld.idx.msk [tilespmem:v20+s6+$0x0], $0xffff  }
0x373: {  	v44 =	vmax.f32 v46, v42;
	v49 =	vadd.f32 v24, v41;
	v41 =	vsub.f32 v27, v53;
	v58 =	vld.idx.msk [tilespmem:v39+s5+$0x0], $0xffff  }
0x374: {  	v42 =	vmin.f32 v43, v52;
	v53 =	vadd.f32 v26, v59;
	v54 =	vsub.f32 v30, v60;
	v60 =	vld.idx.msk [tilespmem:v39+s7+$0x0], $0xffff  }
0x375: {  	vm15 =	vlt.f32 v44, $3.840000000e+02;
	v43 =	vmax.f32 v43, v52;
	v46 =	vmax.f32 v51, v41;
	v39 =	vld.idx.msk [tilespmem:v20+s9+$0x0], $0xffff  }
.Ltmp11:
0x376: {  	vm13 =	vlt.f32 v23, v28;
	v50 =	vmin.f32 v53, v49;
	v17 =	vsub.f32 v29, v57;
	(pc) =	sbr.rel @p1 .LBB3_19-.Ltmp11, $4  }
0x377: {  	v52 =	vand.u32 $0x7FFFFFFF, v56;
	v56 =	vmax.f32 v46, v61;
	v44 =	vsub.f32 v25, v62  }
0x378: {  	v59 =	vmin.f32 v51, v41;
	v57 =	vand.u32 $0x7FFFFFFF, v55;
	v17 =	vand.u32 $0x7FFFFFFF, v17  }
0x379: {  	v51 =	vsub.f32 v27, v48;
	v41 =	vand.u32 $0x7FFFFFFF, v63;
	v46 =	vsub.f32 v25, v58  }
0x37a: {  	v55 =	vsub.f32 v27, v16;
	v58 =	vmax.f32 v41, v17;
	v48 =	vadd.f32 v26, v60  }
0x37b: {  	v16 =	vmin.f32 v35, v51;
	v17 =	vmin.f32 v59, v45  }
0x37c: {  	v30 =	vsub.f32 v30, v39;
	v31 =	vand.u32 $0x7FFFFFFF, v54;
	v59 =	vmax.f32 v53, v49  }
0x37d: {  	v41 =	vsub.f32 v27, v47;
	vm2 =	vlt.f32 v58, $3.840000000e+02;
	vm1 =	vge.f32 v56, $5.120000000e+02  }
0x37e: {  	v63 =	vmax.f32 v35, v51;
	vm0 =	vgt.f32 v17, $0.0e+00;
	v17 =	vmin.f32 v44, v55  }
0x37f: {  	v31 =	vmax.f32 v31, v57;
	v62 =	vmax.f32 v48, v38;
	v16 =	vmin.f32 v16, v34  }
0x380: {  	v47 =	vmax.f32 v44, v55;
	v35 =	vmax.f32 v63, v37;
	v51 =	vmin.f32 v48, v38  }
0x381: {  	v60 =	vmax.f32 v40, v41;
	v61 =	vmin.f32 v40, v41;
	v30 =	vand.u32 $0x7FFFFFFF, v30  }
0x382: {  	v17 =	vmin.f32 v17, v50;
	vm3 =	vgt.f32 v16, $0.0e+00;
	vm5 =	vge.f32 v35, $5.120000000e+02  }
0x383: {  	v50 =	vmax.f32 v47, v59;
	vm0 =	vmand vm0, vm2;
	vm3 =	vmand vm3, vm12  }
0x384: {  	v29 =	vld.idx.msk [tilespmem:v19+s6+$0x0], $0xffff;
	v16 =	vmin.f32 v61, v42;
	v49 =	vmax.f32 v60, v43;
	vm3 =	vmand vm5, vm3  }
0x385: {  	vm12 =	vlt.f32 v31, $3.840000000e+02;
	vm6 =	vgt.f32 v16, $0.0e+00;
	v16 =	vld.idx.msk [tilespmem:v20+s11+$0x0], $0xffff;
	vm3 =	vmand vm13, vm3  }
0x386: {  	vm7 =	vge.f32 v49, $5.120000000e+02;
	vm5 =	vmand vm6, vm12;
	v23 =	vsel vm3, v23, v28  }
0x387: {  	v30 =	vmax.f32 v30, v52;
	vm5 =	vmand vm7, vm5;
	vm13 =	vlt.f32 v33, v23  }
0x388: {  	vm14 =	vgt.f32 v17, $0.0e+00;
	v17 =	vld.idx.msk [tilespmem:v22+s11+$0x0], $0xffff;
	vm4 =	vlt.f32 v30, $3.840000000e+02;
	vm5 =	vmand vm13, vm5  }
0x389: {  	vm4 =	vmand vm14, vm4;
	vm12 =	vge.f32 v50, $5.120000000e+02;
	v23 =	vsel vm5, v33, v23  }
0x38a: {  	v29 =	vsub.f32 v27, v29;
	vm4 =	vmand vm12, vm4;
	vm13 =	vlt.f32 v16, v23  }
0x38b: {  	v53 =	vld.idx.msk [tilespmem:v19+s11+$0x0], $0xffff;
	vm0 =	vmand vm1, vm0;
	v54 =	vsel vm3, v32, v36;
	vm4 =	vmand vm13, vm4  }
0x38c: {  	v52 =	vmin.f32 v46, v29;
	v29 =	vmax.f32 v46, v29;
	v16 =	vsel vm4, v16, v23  }
0x38d: {  	v28 =	vmin.f32 v52, v51;
	v29 =	vmax.f32 v29, v62;
	vm12 =	vlt.f32 v17, v16  }
0x38e: {  	vm14 =	vgt.f32 v28, $0.0e+00;
	v21 =	vsel vm5, v21, v54;
	vm1 =	vmand vm12, vm0  }
0x38f: {  	vm14 =	vmand vm14, vm15;
	vm13 =	vge.f32 v29, $5.120000000e+02;
	v16 =	vsel vm1, v17, v16  }
0x390: {  	vm0 =	vmand vm13, vm14;
	v17 =	vsel vm4, v20, v21;
	vm15 =	vlt.f32 v53, v16  }
0x391: {  	v17 =	vsel vm1, v22, v17;
	vm0 =	vmand vm15, vm0  }
0x392: {  	v17 =	vsel vm0, v19, v17;
	_ =	sdelay $0x4  }
0x393: {  	v19 =	vld.idx.msk [tilespmem:v17+s5+$0x0], $0xffff  }
0x394: {  	v20 =	vld.idx.msk [tilespmem:v17+s6+$0x0], $0xffff  }
0x395: {  	v55 =	vld.idx.msk [tilespmem:v17+s7+$0x0], $0xffff  }
0x396: {  	v56 =	vld.idx.msk [tilespmem:v17+s8+$0x0], $0xffff;
	_ =	sdelay $0x3  }
0x397: {  	v19 =	vsub.f32 v25, v19;
	v20 =	vsub.f32 v27, v20  }
0x398: {  	v21 =	vadd.f32 v26, v55;
	v22 =	vadd.f32 v24, v56;
	_ =	sdelay $0x1  }
0x399: {  	v57 =	vmax.f32 v19, v21;
	v24 =	vmax.f32 v20, v22  }
0x39a: {  	v23 =	vmul.f32 v24, v57;
	_ =	sdelay $0x1  }
0x39b: {  	v23 =	vadd.f32 $1.000000010e-10, v23;
	_ =	sdelay $0x1  }
0x39c: {  	(erf) = vrcp.f32 v23;
	_ =	sdelay $0x6  }
0x39d: {  	v58 =	vmin.f32 v19, v21;
	v59 =	vmin.f32 v20, v22  }
0x39e: {  	v23 =	vmul.f32 v59, v58  }
0x39f: {  	v60 =	vpop (erf)  }
0x3a0: {  	v23 =	vmul.f32 v60, v23;
	_ =	sdelay $0x1  }
0x3a1: {  	v23 =	vmax.f32 v23, $0.0e+00  }
0x3a2: {  	v23 =	vadd.f32 $9.999999960e-13, v23;
	_ =	sdelay $0x1  }
0x3a3: {  	v61 =	vshra.s32 v23, $0x1;
	v62 =	vmul.f32 $5.000000000e-01, v23  }
0x3a4: {  	v24 =	vsub.s32 $0x5F3759DF, v61  }
0x3a5: {  	v63 =	vmul.f32 v24, v62;
	_ =	sdelay $0x1  }
0x3a6: {  	v26 =	vmul.f32 v24, v63;
	_ =	sdelay $0x1  }
0x3a7: {  	v26 =	vsub.f32 $1.500000000e+00, v26;
	_ =	sdelay $0x1  }
0x3a8: {  	v24 =	vmul.f32 v24, v26;
	_ =	sdelay $0x1  }
0x3a9: {  	v26 =	vmul.f32 v24, v62;
	_ =	sdelay $0x1  }
0x3aa: {  	v26 =	vmul.f32 v26, v24;
	_ =	sdelay $0x1  }
0x3ab: {  	v26 =	vsub.f32 $1.500000000e+00, v26;
	_ =	sdelay $0x1  }
0x3ac: {  	v24 =	vmul.f32 v26, v24;
	_ =	sdelay $0x1  }
0x3ad: {  	v26 =	vmul.f32 v24, v62;
	_ =	sdelay $0x1  }
0x3ae: {  	v26 =	vmul.f32 v26, v24;
	_ =	sdelay $0x1  }
0x3af: {  	v26 =	vsub.f32 $1.500000000e+00, v26;
	_ =	sdelay $0x1  }
0x3b0: {  	v24 =	vmul.f32 v26, v24  }
0x3b1: {  	v16 =	vsel vm0, v53, v16  }
0x3b2: {  	vm0 =	vlt.f32 v16, $1.000000000e+08;
	v16 =	vld.idx.msk [tilespmem:v17+s4+$0x0], $0xffff;
	v25 =	vmul.f32 v24, v62;
	_ =	sdelay $0x1  }
0x3b3: {  	v25 =	vmul.f32 v25, v24;
	_ =	sdelay $0x1  }
0x3b4: {  	v25 =	vsub.f32 $1.500000000e+00, v25  }
0x3b5: {  	v16 =	vnsel vm0, $0x0, v16  }
0x3b6: {  	[tilespmem:$0x1BD0] =	vst v16;
	v19 =	vnsel vm0, $0xBF800000, v19;
	v17 =	vmul.f32 v25, v24  }
.Ltmp12:
0x3b7: {  	v20 =	vnsel vm0, $0xBF800000, v20;
	[tilespmem:$0x3800] =	vst v19;
	(pc) =	sbr.rel .LBB3_21-.Ltmp12, $4  }
0x3b8: {  	v19 =	vnsel vm0, $0xBF800000, v21;
	[tilespmem:$0x3810] =	vst v20;
	v17 =	vmul.f32 v17, v23  }
0x3b9: {  	v20 =	vnsel vm0, $0xBF800000, v22;
	[tilespmem:$0x3820] =	vst v19  }
0x3ba: {  	[tilespmem:$0x3830] =	vst v20;
	v17 =	vnsel vm0, $0xBF800000, v17  }
0x3bb: {  	[tilespmem:$0x2150] =	vst v17  }
.LBB3_22:
0x3bc: {  	_ =	sfence.sel $0x180000  }
0x3bd: {  	[bflag:$0x0] =	sbarrier.arrive $0xFFFF  }
0x3be: {  	_ =	strace $0x90000047  }
0x3bf: {  	s0 =	stileid.u32;
	[bflag:$0x2] =	sbarrier.arrive $0xFFFF  }
0x3c0: {  	p0 =	sne.s32 s0, $0x0;
	s0 =	rddreg [dreg:$0xe]  }
0x3c1: {  	s0 =	sadd.s32 @!p0 $0x100000, s0  }
0x3c2: {  	[sflag:s0] =	ssyncadd.tile.s32 @!p0 $0x1;
	_ =	shalt  }
.Lfunc_end3:
_tile_overlayer_lowered:
.L_overlay_start_3:
0x3c3: {  	(tag) =	ssettag $0x3  }
0x3c4: {  	s0 =	rddreg [dreg:$0x0];
	s2 =	stileid.u32  }
0x3c5: {  	s1 =	rddreg [dreg:$0x1];
	p0 =	sne.s32 s2, $0x0  }
0x3c6: {  	s3 =	rddreg [dreg:$0x2];
	[bflag:$0x3] =	sbarrier.arrive $0xFFFF;
	s2 =	simm.s32 @!p0 $0x1C01  }
0x3c7: {  	[timem:s3], [sflag:s2] =	dma.local @!p0 [hbm:s0], s1  }
0x3c8: {  	s0 =	simm.s32 @!p0 $0x1  }
0x3c9: {  	_ =	swait.ge @!p0 [sflag:s0], s1  }
0x3ca: {  	s1 =	ssub.s32 @!p0 $0x0, s1;
	[sflag:s0] =	ssyncset.done @!p0 $0x0  }
0x3cb: {  	[sflag:s0] =	ssyncadd.s32 @!p0 s1  }
0x3cc: {  	[bflag:$0x3] =	sbarrier.arrive $0xFFFF  }
0x3cd: {  	_ =	shalt  }

</sc_bundles>
